<compile_context>
chip_gen: v7x
topology: tpu7x:2x2x1
jax: 0.10.2.dev20260603
libtpu: 0.0.44.dev20260713+nightly
codegen_flags: <defaults>
</compile_context>

<pallas_src>
import functools

import jax
import jax.numpy as jnp
from jax import lax
from jax.experimental import pallas as pl
from jax.experimental.pallas import tpu as pltpu
from jax.experimental.pallas import tpu_sc as plsc

IN_DIM = 128
OUT_DIM = 128
NUM_RELATIONS = 10
N_NODES = 10000
N_EDGES = 320000

NC = 2
NS = 16
NW = NC * NS
CHUNK = 128
GROUP = 8
GROUPS_TOTAL = 320
E_PAD = GROUPS_TOTAL * GROUP * CHUNK
G0 = 16
G1 = GROUPS_TOTAL // NS - G0
ACC_ROWS = 10240
ROWS_PER_TILE = ACC_ROWS // NS
PAD_DST = N_NODES

_ROW_BLK = 1000


def _relation_transform(x, rw, rb):
    def body(x_ref, w_ref, b_ref, o_ref):
        o_ref[...] = (
            jnp.dot(x_ref[...], w_ref[0], preferred_element_type=jnp.float32)
            + b_ref[0]
        )

    nblk = N_NODES // _ROW_BLK
    rb = rb.reshape(NUM_RELATIONS, 1, OUT_DIM)
    return pl.pallas_call(
        body,
        grid=(NUM_RELATIONS, nblk),
        in_specs=[
            pl.BlockSpec((_ROW_BLK, IN_DIM), lambda r, i: (i, 0)),
            pl.BlockSpec((1, IN_DIM, OUT_DIM), lambda r, i: (r, 0, 0)),
            pl.BlockSpec((1, 1, OUT_DIM), lambda r, i: (r, 0, 0)),
        ],
        out_specs=pl.BlockSpec((_ROW_BLK, OUT_DIM), lambda r, i: (r * nblk + i, 0)),
        out_shape=jax.ShapeDtypeStruct((NUM_RELATIONS * N_NODES, OUT_DIM), jnp.float32),
    )(x, rw, rb)


def _make_sc_scatter():
    mesh = plsc.VectorSubcoreMesh(core_axis_name="c", subcore_axis_name="s")

    @functools.partial(
        pl.kernel,
        out_type=jax.ShapeDtypeStruct((NC, ACC_ROWS, OUT_DIM), jnp.float32),
        mesh=mesh,
        scratch_types=[
            pltpu.VMEM((GROUP, CHUNK), jnp.int32),
            pltpu.VMEM((GROUP, CHUNK), jnp.int32),
            pltpu.VMEM((GROUP, CHUNK), jnp.int32),
            pltpu.VMEM((GROUP, CHUNK), jnp.int32),
            pltpu.VMEM((CHUNK, OUT_DIM), jnp.float32),
            pltpu.VMEM((CHUNK, OUT_DIM), jnp.float32),
            pltpu.VMEM_SHARED((ACC_ROWS, OUT_DIM), jnp.float32),
            pltpu.SemaphoreType.DMA,
            pltpu.SemaphoreType.DMA,
            pltpu.SemaphoreType.DMA,
            pltpu.SemaphoreType.DMA,
        ],
    )
    def sc_scatter(src_hbm, typ_hbm, dst_hbm, table_hbm, out_hbm,
                   srcb, typb, idxb, dstb, rows0, rows1, acc,
                   sg0, sg1, ss0, ss1):
        c = lax.axis_index("c")
        s = lax.axis_index("s")
        ngroups = jnp.where(c == 0, G0, G1)
        base_group = jnp.where(c == 0, s * G0, NS * G0 + s * G1)
        rows = (rows0, rows1)
        sem_g = (sg0, sg1)
        sem_s = (ss0, ss1)

        def zero_row(i, carry):
            for j in range(OUT_DIM // 16):
                rows0[i, pl.ds(j * 16, 16)] = jnp.zeros((16,), jnp.float32)
            return carry

        lax.fori_loop(0, CHUNK, zero_row, 0)
        for k in range(ROWS_PER_TILE // CHUNK):
            pltpu.sync_copy(rows0, acc.at[pl.ds(s * ROWS_PER_TILE + k * CHUNK, CHUNK)])
        plsc.subcore_barrier()

        def group_body(g, carry):
            goff = (base_group + g) * GROUP
            pltpu.sync_copy(src_hbm.at[pl.ds(goff, GROUP)], srcb)
            pltpu.sync_copy(typ_hbm.at[pl.ds(goff, GROUP)], typb)
            pltpu.sync_copy(dst_hbm.at[pl.ds(goff, GROUP)], dstb)
            for j in range(GROUP):
                for k in range(CHUNK // 16):
                    sl = pl.ds(k * 16, 16)
                    idxb[j, sl] = typb[j, sl] * N_NODES + srcb[j, sl]
            gd = [None] * GROUP
            sd = [None] * GROUP
            gd[0] = pltpu.async_copy(table_hbm.at[idxb.at[0]], rows[0], sem_g[0])
            for j in range(GROUP):
                b = j & 1
                if j < GROUP - 1:
                    nb = (j + 1) & 1
                    if j >= 1:
                        sd[j - 1].wait()
                    gd[j + 1] = pltpu.async_copy(
                        table_hbm.at[idxb.at[j + 1]], rows[nb], sem_g[nb])
                gd[j].wait()
                sd[j] = pltpu.async_copy(
                    rows[b], acc.at[dstb.at[j]], sem_s[b], add=True)
            sd[GROUP - 2].wait()
            sd[GROUP - 1].wait()
            return carry

        lax.fori_loop(0, ngroups, group_body, 0)
        plsc.subcore_barrier()

        pltpu.sync_copy(
            acc.at[pl.ds(s * ROWS_PER_TILE, ROWS_PER_TILE)],
            out_hbm.at[c, pl.ds(s * ROWS_PER_TILE, ROWS_PER_TILE)],
        )

    return sc_scatter


_sc_scatter = _make_sc_scatter()


def _epilogue(x, wt, b, partial, gamma, beta):
    def body(x_ref, wt_ref, b_ref, p0_ref, p1_ref, g_ref, be_ref, o_ref):
        h = jnp.dot(x_ref[...], wt_ref[...], preferred_element_type=jnp.float32)
        h = h + b_ref[0][None, :] + p0_ref[0] + p1_ref[0]
        mu = jnp.mean(h, axis=1, keepdims=True)
        d = h - mu
        var = jnp.mean(d * d, axis=1, keepdims=True)
        o_ref[...] = d * lax.rsqrt(var + 1e-5) * g_ref[0][None, :] + be_ref[0][None, :]

    nblk = N_NODES // _ROW_BLK
    return pl.pallas_call(
        body,
        grid=(nblk,),
        in_specs=[
            pl.BlockSpec((_ROW_BLK, IN_DIM), lambda i: (i, 0)),
            pl.BlockSpec((IN_DIM, OUT_DIM), lambda i: (0, 0)),
            pl.BlockSpec((1, OUT_DIM), lambda i: (0, 0)),
            pl.BlockSpec((1, _ROW_BLK, OUT_DIM), lambda i: (0, i, 0)),
            pl.BlockSpec((1, _ROW_BLK, OUT_DIM), lambda i: (1, i, 0)),
            pl.BlockSpec((1, OUT_DIM), lambda i: (0, 0)),
            pl.BlockSpec((1, OUT_DIM), lambda i: (0, 0)),
        ],
        out_specs=pl.BlockSpec((_ROW_BLK, OUT_DIM), lambda i: (i, 0)),
        out_shape=jax.ShapeDtypeStruct((N_NODES, OUT_DIM), jnp.float32),
    )(x, wt, b, partial, partial, gamma, beta)


def kernel(x, edge_index, edge_type, relation_weights, relation_bias,
           self_loop_w, self_loop_b, ln_weight, ln_bias):
    src = edge_index[0].astype(jnp.int32)
    dst = edge_index[1].astype(jnp.int32)
    typ = edge_type.astype(jnp.int32)

    npad = E_PAD - N_EDGES
    shape3 = (GROUPS_TOTAL * GROUP, CHUNK)
    src_p = jnp.concatenate([src, jnp.zeros((npad,), jnp.int32)]).reshape(shape3)
    typ_p = jnp.concatenate([typ, jnp.zeros((npad,), jnp.int32)]).reshape(shape3)
    pad_dst = PAD_DST + (jnp.arange(npad, dtype=jnp.int32) % (ACC_ROWS - N_NODES))
    dst_p = jnp.concatenate([dst, pad_dst]).reshape(shape3)

    table = _relation_transform(x, relation_weights, relation_bias)
    partial = _sc_scatter(src_p, typ_p, dst_p, table)

    return _epilogue(
        x,
        self_loop_w.T,
        self_loop_b.reshape(1, OUT_DIM),
        partial,
        ln_weight.reshape(1, OUT_DIM),
        ln_bias.reshape(1, OUT_DIM),
    )

# --- scband reference (transcript-rebuilt; emitter-appended) ---
"""Pipeline reference for scband-graph-conv-layer-15659450761598 (READ-ONLY COPY).

The authoritative reference and input builder live on the scoring server;
editing this copy changes nothing except your own understanding.
"""

import jax, jax.numpy as jnp
import numpy as np

IN_DIM = 128
OUT_DIM = 128
NUM_RELATIONS = 10
N_NODES = 10000
N_EDGES = 320000


def setup_inputs(seed: int = 0) -> dict:
    key = jax.random.key(seed)
    ks = jax.random.split(key, 8)
    x = jax.random.normal(ks[0], (N_NODES, IN_DIM), dtype=jnp.float32)
    edge_index = jax.random.randint(ks[1], (2, N_EDGES), 0, N_NODES, dtype=jnp.int64 if jax.config.jax_enable_x64 else jnp.int32)
    edge_type = jax.random.randint(ks[2], (N_EDGES,), 0, NUM_RELATIONS, dtype=jnp.int64 if jax.config.jax_enable_x64 else jnp.int32)
    # xavier_uniform for relation_weights: gain=1, fan_in=IN_DIM, fan_out=OUT_DIM
    limit = float(np.sqrt(6.0 / (IN_DIM + OUT_DIM)))
    relation_weights = jax.random.uniform(ks[3], (NUM_RELATIONS, IN_DIM, OUT_DIM), minval=-limit, maxval=limit, dtype=jnp.float32)
    relation_bias = jnp.zeros((NUM_RELATIONS, OUT_DIM), dtype=jnp.float32)
    # nn.Linear default init: kaiming uniform on weight, uniform bias
    wlim = float(1.0 / np.sqrt(IN_DIM))
    self_loop_w = jax.random.uniform(ks[4], (OUT_DIM, IN_DIM), minval=-wlim, maxval=wlim, dtype=jnp.float32)
    self_loop_b = jax.random.uniform(ks[5], (OUT_DIM,), minval=-wlim, maxval=wlim, dtype=jnp.float32)
    ln_weight = jnp.ones((OUT_DIM,), dtype=jnp.float32)
    ln_bias = jnp.zeros((OUT_DIM,), dtype=jnp.float32)
    return {
        "x": x,
        "edge_index": edge_index,
        "edge_type": edge_type,
        "relation_weights": relation_weights,
        "relation_bias": relation_bias,
        "self_loop_w": self_loop_w,
        "self_loop_b": self_loop_b,
        "ln_weight": ln_weight,
        "ln_bias": ln_bias,
    }


def reference(x, edge_index, edge_type, relation_weights, relation_bias, self_loop_w, self_loop_b, ln_weight, ln_bias):
    num_nodes = x.shape[0]
    # self loop: nn.Linear -> x @ W.T + b
    out = x @ self_loop_w.T + self_loop_b
    src = edge_index[0]
    dst = edge_index[1]
    for rel in range(NUM_RELATIONS):
        mask = (edge_type == rel).astype(x.dtype)
        # transform all nodes then gather (mathematically identical to gather-then-matmul)
        transformed = x @ relation_weights[rel] + relation_bias[rel]
        messages = transformed[src] * mask[:, None]
        out = out.at[dst].add(messages)
    # LayerNorm over last dim, eps=1e-5
    mu = jnp.mean(out, axis=-1, keepdims=True)
    var = jnp.mean((out - mu) ** 2, axis=-1, keepdims=True)
    normed = (out - mu) / jnp.sqrt(var + 1e-5)
    return normed * ln_weight + ln_bias

if __name__ == "__main__":
    import jax
    _d = setup_inputs()
    print(jax.jit(kernel)(*tuple(_d.values())))

</pallas_src>

<mosaic_0001>
#map = affine_map<(d0, d1) -> (0, 0)>
#map1 = affine_map<(d0, d1) -> (0, 0, 0)>
module attributes {stable_mosaic.version = 14 : i64} {
  func.func @sc_scatter(%arg0: i32, %arg1: i32, %arg2: memref<2560x128xi32, #tpu.memory_space<hbm>>, %arg3: memref<2560x128xi32, #tpu.memory_space<hbm>>, %arg4: memref<2560x128xi32, #tpu.memory_space<hbm>>, %arg5: memref<100000x128xf32, #tpu.memory_space<hbm>>, %arg6: memref<2x10240x128xf32, #tpu.memory_space<hbm>>, %arg7: memref<8x128xi32, #tpu.memory_space<vmem>>, %arg8: memref<8x128xi32, #tpu.memory_space<vmem>>, %arg9: memref<8x128xi32, #tpu.memory_space<vmem>>, %arg10: memref<8x128xi32, #tpu.memory_space<vmem>>, %arg11: memref<128x128xf32, #tpu.memory_space<vmem>>, %arg12: memref<128x128xf32, #tpu.memory_space<vmem>>, %arg13: memref<10240x128xf32, #tpu.memory_space<vmem_shared>>, %arg14: memref<!tpu.dma_semaphore, #tpu.memory_space<semaphore_mem>>, %arg15: memref<!tpu.dma_semaphore, #tpu.memory_space<semaphore_mem>>, %arg16: memref<!tpu.dma_semaphore, #tpu.memory_space<semaphore_mem>>, %arg17: memref<!tpu.dma_semaphore, #tpu.memory_space<semaphore_mem>>) attributes {dimension_semantics = [#tpu.dimension_semantics<core_parallel>, #tpu.dimension_semantics<subcore_parallel>], iteration_bounds = array<i64: 2, 16>, scalar_prefetch = 0 : i64, scratch_operands = 11 : i64, tpu.core_type = #tpu.core_type<sc_vector_subcore>, window_params = [{transform_indices = #map}, {transform_indices = #map}, {transform_indices = #map}, {transform_indices = #map}, {transform_indices = #map1}]} {
    %eq3A = arith.constant 0 : i32
    %eq3A_0 = arith.cmpi eq, %arg0, %eq3A : i32
    %jit3A = arith.constant 16 : i32
    %jit3A_1 = arith.constant 4 : i32
    %select_n3A = arith.select %eq3A_0, %jit3A, %jit3A_1 : i32
    %eq3A_2 = arith.constant 0 : i32
    %eq3A_3 = arith.cmpi eq, %arg0, %eq3A_2 : i32
    %mul3A = arith.constant 16 : i32
    %mul3A_4 = arith.muli %arg1, %mul3A : i32
    %mul3A_5 = arith.constant 4 : i32
    %mul3A_6 = arith.muli %arg1, %mul3A_5 : i32
    %add3A = arith.constant 256 : i32
    %add3A_7 = arith.addi %add3A, %mul3A_6 : i32
    %select_n3A_8 = arith.select %eq3A_3, %mul3A_4, %add3A_7 : i32
    %scan3A = arith.constant 0 : i32
    %scan3A_9 = arith.constant 0 : i32
    %scan3A_10 = arith.constant 128 : i32
    %scan3A_11 = arith.addi %scan3A_9, %scan3A_10 : i32
    %scan3A_12 = arith.constant 1 : i32
    scf.for %scan3A_48 = %scan3A_9 to %scan3A_11 step %scan3A_12  : i32 {
      %broadcast_in_dim3A = arith.constant 0.000000e+00 : f32
      %broadcast_in_dim3A_49 = vector.broadcast %broadcast_in_dim3A : f32 to vector<16xf32>
      %swap3A = arith.index_cast %scan3A_48 : i32 to index
      %swap3A_50 = arith.constant 0 : index
      %swap3A_51 = tpu.vector_load %arg11[%swap3A, %swap3A_50] {strides = array<i32>} : memref<128x128xf32, #tpu.memory_space<vmem>>, vector<1x16xf32>,
      %swap3A_52 = vector.shape_cast %swap3A_51 : vector<1x16xf32> to vector<16xf32>
      %swap3A_53 = vector.shape_cast %broadcast_in_dim3A_49 : vector<16xf32> to vector<1x16xf32>
      tpu.vector_store %arg11[%swap3A, %swap3A_50], %swap3A_53 {strides = array<i32>} : memref<128x128xf32, #tpu.memory_space<vmem>>, vector<1x16xf32>,
      %broadcast_in_dim3A_54 = arith.constant 0.000000e+00 : f32
      %broadcast_in_dim3A_55 = vector.broadcast %broadcast_in_dim3A_54 : f32 to vector<16xf32>
      %swap3A_56 = arith.index_cast %scan3A_48 : i32 to index
      %swap3A_57 = arith.constant 16 : index
      %swap3A_58 = tpu.vector_load %arg11[%swap3A_56, %swap3A_57] {strides = array<i32>} : memref<128x128xf32, #tpu.memory_space<vmem>>, vector<1x16xf32>,
      %swap3A_59 = vector.shape_cast %swap3A_58 : vector<1x16xf32> to vector<16xf32>
      %swap3A_60 = vector.shape_cast %broadcast_in_dim3A_55 : vector<16xf32> to vector<1x16xf32>
      tpu.vector_store %arg11[%swap3A_56, %swap3A_57], %swap3A_60 {strides = array<i32>} : memref<128x128xf32, #tpu.memory_space<vmem>>, vector<1x16xf32>,
      %broadcast_in_dim3A_61 = arith.constant 0.000000e+00 : f32
      %broadcast_in_dim3A_62 = vector.broadcast %broadcast_in_dim3A_61 : f32 to vector<16xf32>
      %swap3A_63 = arith.index_cast %scan3A_48 : i32 to index
      %swap3A_64 = arith.constant 32 : index
      %swap3A_65 = tpu.vector_load %arg11[%swap3A_63, %swap3A_64] {strides = array<i32>} : memref<128x128xf32, #tpu.memory_space<vmem>>, vector<1x16xf32>,
      %swap3A_66 = vector.shape_cast %swap3A_65 : vector<1x16xf32> to vector<16xf32>
      %swap3A_67 = vector.shape_cast %broadcast_in_dim3A_62 : vector<16xf32> to vector<1x16xf32>
      tpu.vector_store %arg11[%swap3A_63, %swap3A_64], %swap3A_67 {strides = array<i32>} : memref<128x128xf32, #tpu.memory_space<vmem>>, vector<1x16xf32>,
      %broadcast_in_dim3A_68 = arith.constant 0.000000e+00 : f32
      %broadcast_in_dim3A_69 = vector.broadcast %broadcast_in_dim3A_68 : f32 to vector<16xf32>
      %swap3A_70 = arith.index_cast %scan3A_48 : i32 to index
      %swap3A_71 = arith.constant 48 : index
      %swap3A_72 = tpu.vector_load %arg11[%swap3A_70, %swap3A_71] {strides = array<i32>} : memref<128x128xf32, #tpu.memory_space<vmem>>, vector<1x16xf32>,
      %swap3A_73 = vector.shape_cast %swap3A_72 : vector<1x16xf32> to vector<16xf32>
      %swap3A_74 = vector.shape_cast %broadcast_in_dim3A_69 : vector<16xf32> to vector<1x16xf32>
      tpu.vector_store %arg11[%swap3A_70, %swap3A_71], %swap3A_74 {strides = array<i32>} : memref<128x128xf32, #tpu.memory_space<vmem>>, vector<1x16xf32>,
      %broadcast_in_dim3A_75 = arith.constant 0.000000e+00 : f32
      %broadcast_in_dim3A_76 = vector.broadcast %broadcast_in_dim3A_75 : f32 to vector<16xf32>
      %swap3A_77 = arith.index_cast %scan3A_48 : i32 to index
      %swap3A_78 = arith.constant 64 : index
      %swap3A_79 = tpu.vector_load %arg11[%swap3A_77, %swap3A_78] {strides = array<i32>} : memref<128x128xf32, #tpu.memory_space<vmem>>, vector<1x16xf32>,
      %swap3A_80 = vector.shape_cast %swap3A_79 : vector<1x16xf32> to vector<16xf32>
      %swap3A_81 = vector.shape_cast %broadcast_in_dim3A_76 : vector<16xf32> to vector<1x16xf32>
      tpu.vector_store %arg11[%swap3A_77, %swap3A_78], %swap3A_81 {strides = array<i32>} : memref<128x128xf32, #tpu.memory_space<vmem>>, vector<1x16xf32>,
      %broadcast_in_dim3A_82 = arith.constant 0.000000e+00 : f32
      %broadcast_in_dim3A_83 = vector.broadcast %broadcast_in_dim3A_82 : f32 to vector<16xf32>
      %swap3A_84 = arith.index_cast %scan3A_48 : i32 to index
      %swap3A_85 = arith.constant 80 : index
      %swap3A_86 = tpu.vector_load %arg11[%swap3A_84, %swap3A_85] {strides = array<i32>} : memref<128x128xf32, #tpu.memory_space<vmem>>, vector<1x16xf32>,
      %swap3A_87 = vector.shape_cast %swap3A_86 : vector<1x16xf32> to vector<16xf32>
      %swap3A_88 = vector.shape_cast %broadcast_in_dim3A_83 : vector<16xf32> to vector<1x16xf32>
      tpu.vector_store %arg11[%swap3A_84, %swap3A_85], %swap3A_88 {strides = array<i32>} : memref<128x128xf32, #tpu.memory_space<vmem>>, vector<1x16xf32>,
      %broadcast_in_dim3A_89 = arith.constant 0.000000e+00 : f32
      %broadcast_in_dim3A_90 = vector.broadcast %broadcast_in_dim3A_89 : f32 to vector<16xf32>
      %swap3A_91 = arith.index_cast %scan3A_48 : i32 to index
      %swap3A_92 = arith.constant 96 : index
      %swap3A_93 = tpu.vector_load %arg11[%swap3A_91, %swap3A_92] {strides = array<i32>} : memref<128x128xf32, #tpu.memory_space<vmem>>, vector<1x16xf32>,
      %swap3A_94 = vector.shape_cast %swap3A_93 : vector<1x16xf32> to vector<16xf32>
      %swap3A_95 = vector.shape_cast %broadcast_in_dim3A_90 : vector<16xf32> to vector<1x16xf32>
      tpu.vector_store %arg11[%swap3A_91, %swap3A_92], %swap3A_95 {strides = array<i32>} : memref<128x128xf32, #tpu.memory_space<vmem>>, vector<1x16xf32>,
      %broadcast_in_dim3A_96 = arith.constant 0.000000e+00 : f32
      %broadcast_in_dim3A_97 = vector.broadcast %broadcast_in_dim3A_96 : f32 to vector<16xf32>
      %swap3A_98 = arith.index_cast %scan3A_48 : i32 to index
      %swap3A_99 = arith.constant 112 : index
      %swap3A_100 = tpu.vector_load %arg11[%swap3A_98, %swap3A_99] {strides = array<i32>} : memref<128x128xf32, #tpu.memory_space<vmem>>, vector<1x16xf32>,
      %swap3A_101 = vector.shape_cast %swap3A_100 : vector<1x16xf32> to vector<16xf32>
      %swap3A_102 = vector.shape_cast %broadcast_in_dim3A_97 : vector<16xf32> to vector<1x16xf32>
      tpu.vector_store %arg11[%swap3A_98, %swap3A_99], %swap3A_102 {strides = array<i32>} : memref<128x128xf32, #tpu.memory_space<vmem>>, vector<1x16xf32>,
    }
    %scan3A_13 = arith.constant 128 : i32
    %mul3A_14 = arith.constant 640 : i32
    %mul3A_15 = arith.muli %arg1, %mul3A_14 : i32
    %add3A_16 = arith.constant 0 : i32
    %add3A_17 = arith.addi %mul3A_15, %add3A_16 : i32
    "tpu.region"() ({
      %run_scoped3A = tpu.sem_alloc : memref<!tpu.dma_semaphore, #tpu.memory_space<semaphore_mem>>
      %dma_start3A = arith.constant 0 : i32
      %dma_start3A_48 = tpu.memref_slice %arg13[%add3A_17, %dma_start3A] : memref<10240x128xf32, #tpu.memory_space<vmem_shared>> -> memref<128x128xf32, #tpu.memory_space<vmem_shared>>
      %dma_start3A_49 = arith.constant 0 : i32
      %dma_start3A_50 = tpu.memref_slice %arg13[%add3A_17, %dma_start3A_49] : memref<10240x128xf32, #tpu.memory_space<vmem_shared>> -> memref<128x128xf32, #tpu.memory_space<vmem_shared>>
      tpu.enqueue_dma source(%arg11 : memref<128x128xf32, #tpu.memory_space<vmem>>) target(%dma_start3A_50 : memref<128x128xf32, #tpu.memory_space<vmem_shared>>) target_semaphore(%run_scoped3A : memref<!tpu.dma_semaphore, #tpu.memory_space<semaphore_mem>>)
      %dma_wait3A = arith.constant 0 : i32
      %dma_wait3A_51 = tpu.memref_slice %arg13[%add3A_17, %dma_wait3A] : memref<10240x128xf32, #tpu.memory_space<vmem_shared>> -> memref<128x128xf32, #tpu.memory_space<vmem_shared>>
      %dma_wait3A_52 = arith.constant 0 : i32
      %dma_wait3A_53 = tpu.memref_slice %arg13[%add3A_17, %dma_wait3A_52] : memref<10240x128xf32, #tpu.memory_space<vmem_shared>> -> memref<128x128xf32, #tpu.memory_space<vmem_shared>>
      tpu.wait_dma2 semaphore(%run_scoped3A : memref<!tpu.dma_semaphore, #tpu.memory_space<semaphore_mem>>) src(%arg11 : memref<128x128xf32, #tpu.memory_space<vmem>>) dst(%dma_wait3A_53 : memref<128x128xf32, #tpu.memory_space<vmem_shared>>)
      tpu.yield
    }) : () -> ()
    %mul3A_18 = arith.constant 640 : i32
    %mul3A_19 = arith.muli %arg1, %mul3A_18 : i32
    %add3A_20 = arith.constant 128 : i32
    %add3A_21 = arith.addi %mul3A_19, %add3A_20 : i32
    "tpu.region"() ({
      %run_scoped3A = tpu.sem_alloc : memref<!tpu.dma_semaphore, #tpu.memory_space<semaphore_mem>>
      %dma_start3A = arith.constant 0 : i32
      %dma_start3A_48 = tpu.memref_slice %arg13[%add3A_21, %dma_start3A] : memref<10240x128xf32, #tpu.memory_space<vmem_shared>> -> memref<128x128xf32, #tpu.memory_space<vmem_shared>>
      %dma_start3A_49 = arith.constant 0 : i32
      %dma_start3A_50 = tpu.memref_slice %arg13[%add3A_21, %dma_start3A_49] : memref<10240x128xf32, #tpu.memory_space<vmem_shared>> -> memref<128x128xf32, #tpu.memory_space<vmem_shared>>
      tpu.enqueue_dma source(%arg11 : memref<128x128xf32, #tpu.memory_space<vmem>>) target(%dma_start3A_50 : memref<128x128xf32, #tpu.memory_space<vmem_shared>>) target_semaphore(%run_scoped3A : memref<!tpu.dma_semaphore, #tpu.memory_space<semaphore_mem>>)
      %dma_wait3A = arith.constant 0 : i32
      %dma_wait3A_51 = tpu.memref_slice %arg13[%add3A_21, %dma_wait3A] : memref<10240x128xf32, #tpu.memory_space<vmem_shared>> -> memref<128x128xf32, #tpu.memory_space<vmem_shared>>
      %dma_wait3A_52 = arith.constant 0 : i32
      %dma_wait3A_53 = tpu.memref_slice %arg13[%add3A_21, %dma_wait3A_52] : memref<10240x128xf32, #tpu.memory_space<vmem_shared>> -> memref<128x128xf32, #tpu.memory_space<vmem_shared>>
      tpu.wait_dma2 semaphore(%run_scoped3A : memref<!tpu.dma_semaphore, #tpu.memory_space<semaphore_mem>>) src(%arg11 : memref<128x128xf32, #tpu.memory_space<vmem>>) dst(%dma_wait3A_53 : memref<128x128xf32, #tpu.memory_space<vmem_shared>>)
      tpu.yield
    }) : () -> ()
    %mul3A_22 = arith.constant 640 : i32
    %mul3A_23 = arith.muli %arg1, %mul3A_22 : i32
    %add3A_24 = arith.constant 256 : i32
    %add3A_25 = arith.addi %mul3A_23, %add3A_24 : i32
    "tpu.region"() ({
      %run_scoped3A = tpu.sem_alloc : memref<!tpu.dma_semaphore, #tpu.memory_space<semaphore_mem>>
      %dma_start3A = arith.constant 0 : i32
      %dma_start3A_48 = tpu.memref_slice %arg13[%add3A_25, %dma_start3A] : memref<10240x128xf32, #tpu.memory_space<vmem_shared>> -> memref<128x128xf32, #tpu.memory_space<vmem_shared>>
      %dma_start3A_49 = arith.constant 0 : i32
      %dma_start3A_50 = tpu.memref_slice %arg13[%add3A_25, %dma_start3A_49] : memref<10240x128xf32, #tpu.memory_space<vmem_shared>> -> memref<128x128xf32, #tpu.memory_space<vmem_shared>>
      tpu.enqueue_dma source(%arg11 : memref<128x128xf32, #tpu.memory_space<vmem>>) target(%dma_start3A_50 : memref<128x128xf32, #tpu.memory_space<vmem_shared>>) target_semaphore(%run_scoped3A : memref<!tpu.dma_semaphore, #tpu.memory_space<semaphore_mem>>)
      %dma_wait3A = arith.constant 0 : i32
      %dma_wait3A_51 = tpu.memref_slice %arg13[%add3A_25, %dma_wait3A] : memref<10240x128xf32, #tpu.memory_space<vmem_shared>> -> memref<128x128xf32, #tpu.memory_space<vmem_shared>>
      %dma_wait3A_52 = arith.constant 0 : i32
      %dma_wait3A_53 = tpu.memref_slice %arg13[%add3A_25, %dma_wait3A_52] : memref<10240x128xf32, #tpu.memory_space<vmem_shared>> -> memref<128x128xf32, #tpu.memory_space<vmem_shared>>
      tpu.wait_dma2 semaphore(%run_scoped3A : memref<!tpu.dma_semaphore, #tpu.memory_space<semaphore_mem>>) src(%arg11 : memref<128x128xf32, #tpu.memory_space<vmem>>) dst(%dma_wait3A_53 : memref<128x128xf32, #tpu.memory_space<vmem_shared>>)
      tpu.yield
    }) : () -> ()
    %mul3A_26 = arith.constant 640 : i32
    %mul3A_27 = arith.muli %arg1, %mul3A_26 : i32
    %add3A_28 = arith.constant 384 : i32
    %add3A_29 = arith.addi %mul3A_27, %add3A_28 : i32
    "tpu.region"() ({
      %run_scoped3A = tpu.sem_alloc : memref<!tpu.dma_semaphore, #tpu.memory_space<semaphore_mem>>
      %dma_start3A = arith.constant 0 : i32
      %dma_start3A_48 = tpu.memref_slice %arg13[%add3A_29, %dma_start3A] : memref<10240x128xf32, #tpu.memory_space<vmem_shared>> -> memref<128x128xf32, #tpu.memory_space<vmem_shared>>
      %dma_start3A_49 = arith.constant 0 : i32
      %dma_start3A_50 = tpu.memref_slice %arg13[%add3A_29, %dma_start3A_49] : memref<10240x128xf32, #tpu.memory_space<vmem_shared>> -> memref<128x128xf32, #tpu.memory_space<vmem_shared>>
      tpu.enqueue_dma source(%arg11 : memref<128x128xf32, #tpu.memory_space<vmem>>) target(%dma_start3A_50 : memref<128x128xf32, #tpu.memory_space<vmem_shared>>) target_semaphore(%run_scoped3A : memref<!tpu.dma_semaphore, #tpu.memory_space<semaphore_mem>>)
      %dma_wait3A = arith.constant 0 : i32
      %dma_wait3A_51 = tpu.memref_slice %arg13[%add3A_29, %dma_wait3A] : memref<10240x128xf32, #tpu.memory_space<vmem_shared>> -> memref<128x128xf32, #tpu.memory_space<vmem_shared>>
      %dma_wait3A_52 = arith.constant 0 : i32
      %dma_wait3A_53 = tpu.memref_slice %arg13[%add3A_29, %dma_wait3A_52] : memref<10240x128xf32, #tpu.memory_space<vmem_shared>> -> memref<128x128xf32, #tpu.memory_space<vmem_shared>>
      tpu.wait_dma2 semaphore(%run_scoped3A : memref<!tpu.dma_semaphore, #tpu.memory_space<semaphore_mem>>) src(%arg11 : memref<128x128xf32, #tpu.memory_space<vmem>>) dst(%dma_wait3A_53 : memref<128x128xf32, #tpu.memory_space<vmem_shared>>)
      tpu.yield
    }) : () -> ()
    %mul3A_30 = arith.constant 640 : i32
    %mul3A_31 = arith.muli %arg1, %mul3A_30 : i32
    %add3A_32 = arith.constant 512 : i32
    %add3A_33 = arith.addi %mul3A_31, %add3A_32 : i32
    "tpu.region"() ({
      %run_scoped3A = tpu.sem_alloc : memref<!tpu.dma_semaphore, #tpu.memory_space<semaphore_mem>>
      %dma_start3A = arith.constant 0 : i32
      %dma_start3A_48 = tpu.memref_slice %arg13[%add3A_33, %dma_start3A] : memref<10240x128xf32, #tpu.memory_space<vmem_shared>> -> memref<128x128xf32, #tpu.memory_space<vmem_shared>>
      %dma_start3A_49 = arith.constant 0 : i32
      %dma_start3A_50 = tpu.memref_slice %arg13[%add3A_33, %dma_start3A_49] : memref<10240x128xf32, #tpu.memory_space<vmem_shared>> -> memref<128x128xf32, #tpu.memory_space<vmem_shared>>
      tpu.enqueue_dma source(%arg11 : memref<128x128xf32, #tpu.memory_space<vmem>>) target(%dma_start3A_50 : memref<128x128xf32, #tpu.memory_space<vmem_shared>>) target_semaphore(%run_scoped3A : memref<!tpu.dma_semaphore, #tpu.memory_space<semaphore_mem>>)
      %dma_wait3A = arith.constant 0 : i32
      %dma_wait3A_51 = tpu.memref_slice %arg13[%add3A_33, %dma_wait3A] : memref<10240x128xf32, #tpu.memory_space<vmem_shared>> -> memref<128x128xf32, #tpu.memory_space<vmem_shared>>
      %dma_wait3A_52 = arith.constant 0 : i32
      %dma_wait3A_53 = tpu.memref_slice %arg13[%add3A_33, %dma_wait3A_52] : memref<10240x128xf32, #tpu.memory_space<vmem_shared>> -> memref<128x128xf32, #tpu.memory_space<vmem_shared>>
      tpu.wait_dma2 semaphore(%run_scoped3A : memref<!tpu.dma_semaphore, #tpu.memory_space<semaphore_mem>>) src(%arg11 : memref<128x128xf32, #tpu.memory_space<vmem>>) dst(%dma_wait3A_53 : memref<128x128xf32, #tpu.memory_space<vmem_shared>>)
      tpu.yield
    }) : () -> ()
    %barrier3A = arith.constant 0 : index
    tpu.barrier barrier_id(%barrier3A)
    %while3A = arith.constant 0 : i32
    %while3A_34 = arith.constant 0 : i32
    %while3A_35 = arith.subi %select_n3A, %while3A_34 : i32
    %while3A_36 = arith.addi %while3A_34, %while3A_35 : i32
    %while3A_37 = arith.constant 1 : i32
    %while3A_38 = arith.divsi %while3A_35, %while3A_37 : i32
    %while3A_39 = arith.muli %while3A_38, %while3A_37 : i32
    %while3A_40 = arith.addi %while3A_34, %while3A_39 : i32
    %while3A_41 = arith.constant 1 : i32
    scf.for %while3A_48 = %while3A_34 to %while3A_40 step %while3A_41  : i32 {
      %add3A_49 = arith.addi %select_n3A_8, %while3A_48 : i32
      %mul3A_50 = arith.constant 8 : i32
      %mul3A_51 = arith.muli %add3A_49, %mul3A_50 : i32
      "tpu.region"() ({
        %run_scoped3A = tpu.sem_alloc : memref<!tpu.dma_semaphore, #tpu.memory_space<semaphore_mem>>
        %dma_start3A_1552 = arith.constant 0 : i32
        %dma_start3A_1553 = tpu.memref_slice %arg2[%mul3A_51, %dma_start3A_1552] : memref<2560x128xi32, #tpu.memory_space<hbm>> -> memref<8x128xi32, #tpu.memory_space<hbm>>
        %dma_start3A_1554 = arith.constant 0 : i32
        %dma_start3A_1555 = tpu.memref_slice %arg2[%mul3A_51, %dma_start3A_1554] : memref<2560x128xi32, #tpu.memory_space<hbm>> -> memref<8x128xi32, #tpu.memory_space<hbm>>
        tpu.enqueue_dma source(%dma_start3A_1555 : memref<8x128xi32, #tpu.memory_space<hbm>>) target(%arg7 : memref<8x128xi32, #tpu.memory_space<vmem>>) target_semaphore(%run_scoped3A : memref<!tpu.dma_semaphore, #tpu.memory_space<semaphore_mem>>)
        %dma_wait3A_1556 = arith.constant 0 : i32
        %dma_wait3A_1557 = tpu.memref_slice %arg2[%mul3A_51, %dma_wait3A_1556] : memref<2560x128xi32, #tpu.memory_space<hbm>> -> memref<8x128xi32, #tpu.memory_space<hbm>>
        %dma_wait3A_1558 = arith.constant 0 : i32
        %dma_wait3A_1559 = tpu.memref_slice %arg2[%mul3A_51, %dma_wait3A_1558] : memref<2560x128xi32, #tpu.memory_space<hbm>> -> memref<8x128xi32, #tpu.memory_space<hbm>>
        tpu.wait_dma2 semaphore(%run_scoped3A : memref<!tpu.dma_semaphore, #tpu.memory_space<semaphore_mem>>) src(%dma_wait3A_1559 : memref<8x128xi32, #tpu.memory_space<hbm>>) dst(%arg7 : memref<8x128xi32, #tpu.memory_space<vmem>>)
        tpu.yield
      }) : () -> ()
      "tpu.region"() ({
        %run_scoped3A = tpu.sem_alloc : memref<!tpu.dma_semaphore, #tpu.memory_space<semaphore_mem>>
        %dma_start3A_1552 = arith.constant 0 : i32
        %dma_start3A_1553 = tpu.memref_slice %arg3[%mul3A_51, %dma_start3A_1552] : memref<2560x128xi32, #tpu.memory_space<hbm>> -> memref<8x128xi32, #tpu.memory_space<hbm>>
        %dma_start3A_1554 = arith.constant 0 : i32
        %dma_start3A_1555 = tpu.memref_slice %arg3[%mul3A_51, %dma_start3A_1554] : memref<2560x128xi32, #tpu.memory_space<hbm>> -> memref<8x128xi32, #tpu.memory_space<hbm>>
        tpu.enqueue_dma source(%dma_start3A_1555 : memref<8x128xi32, #tpu.memory_space<hbm>>) target(%arg8 : memref<8x128xi32, #tpu.memory_space<vmem>>) target_semaphore(%run_scoped3A : memref<!tpu.dma_semaphore, #tpu.memory_space<semaphore_mem>>)
        %dma_wait3A_1556 = arith.constant 0 : i32
        %dma_wait3A_1557 = tpu.memref_slice %arg3[%mul3A_51, %dma_wait3A_1556] : memref<2560x128xi32, #tpu.memory_space<hbm>> -> memref<8x128xi32, #tpu.memory_space<hbm>>
        %dma_wait3A_1558 = arith.constant 0 : i32
        %dma_wait3A_1559 = tpu.memref_slice %arg3[%mul3A_51, %dma_wait3A_1558] : memref<2560x128xi32, #tpu.memory_space<hbm>> -> memref<8x128xi32, #tpu.memory_space<hbm>>
        tpu.wait_dma2 semaphore(%run_scoped3A : memref<!tpu.dma_semaphore, #tpu.memory_space<semaphore_mem>>) src(%dma_wait3A_1559 : memref<8x128xi32, #tpu.memory_space<hbm>>) dst(%arg8 : memref<8x128xi32, #tpu.memory_space<vmem>>)
        tpu.yield
      }) : () -> ()
      "tpu.region"() ({
        %run_scoped3A = tpu.sem_alloc : memref<!tpu.dma_semaphore, #tpu.memory_space<semaphore_mem>>
        %dma_start3A_1552 = arith.constant 0 : i32
        %dma_start3A_1553 = tpu.memref_slice %arg4[%mul3A_51, %dma_start3A_1552] : memref<2560x128xi32, #tpu.memory_space<hbm>> -> memref<8x128xi32, #tpu.memory_space<hbm>>
        %dma_start3A_1554 = arith.constant 0 : i32
        %dma_start3A_1555 = tpu.memref_slice %arg4[%mul3A_51, %dma_start3A_1554] : memref<2560x128xi32, #tpu.memory_space<hbm>> -> memref<8x128xi32, #tpu.memory_space<hbm>>
        tpu.enqueue_dma source(%dma_start3A_1555 : memref<8x128xi32, #tpu.memory_space<hbm>>) target(%arg10 : memref<8x128xi32, #tpu.memory_space<vmem>>) target_semaphore(%run_scoped3A : memref<!tpu.dma_semaphore, #tpu.memory_space<semaphore_mem>>)
        %dma_wait3A_1556 = arith.constant 0 : i32
        %dma_wait3A_1557 = tpu.memref_slice %arg4[%mul3A_51, %dma_wait3A_1556] : memref<2560x128xi32, #tpu.memory_space<hbm>> -> memref<8x128xi32, #tpu.memory_space<hbm>>
        %dma_wait3A_1558 = arith.constant 0 : i32
        %dma_wait3A_1559 = tpu.memref_slice %arg4[%mul3A_51, %dma_wait3A_1558] : memref<2560x128xi32, #tpu.memory_space<hbm>> -> memref<8x128xi32, #tpu.memory_space<hbm>>
        tpu.wait_dma2 semaphore(%run_scoped3A : memref<!tpu.dma_semaphore, #tpu.memory_space<semaphore_mem>>) src(%dma_wait3A_1559 : memref<8x128xi32, #tpu.memory_space<hbm>>) dst(%arg10 : memref<8x128xi32, #tpu.memory_space<vmem>>)
        tpu.yield
      }) : () -> ()
      %get3A = arith.constant 0 : i32
      %get3A_52 = arith.index_cast %get3A : i32 to index
      %get3A_53 = arith.constant 0 : index
      %get3A_54 = tpu.vector_load %arg8[%get3A_52, %get3A_53] {strides = array<i32>} : memref<8x128xi32, #tpu.memory_space<vmem>>, vector<1x16xi32>,
      %get3A_55 = vector.shape_cast %get3A_54 : vector<1x16xi32> to vector<16xi32>
      %mul3A_56 = arith.constant 10000 : i32
      %mul3A_57 = vector.broadcast %mul3A_56 : i32 to vector<16xi32>
      %mul3A_58 = arith.muli %get3A_55, %mul3A_57 : vector<16xi32>
      %get3A_59 = arith.constant 0 : i32
      %get3A_60 = arith.index_cast %get3A_59 : i32 to index
      %get3A_61 = arith.constant 0 : index
      %get3A_62 = tpu.vector_load %arg7[%get3A_60, %get3A_61] {strides = array<i32>} : memref<8x128xi32, #tpu.memory_space<vmem>>, vector<1x16xi32>,
      %get3A_63 = vector.shape_cast %get3A_62 : vector<1x16xi32> to vector<16xi32>
      %add3A_64 = arith.addi %mul3A_58, %get3A_63 : vector<16xi32>
      %swap3A = arith.constant 0 : i32
      %swap3A_65 = arith.index_cast %swap3A : i32 to index
      %swap3A_66 = arith.constant 0 : index
      %swap3A_67 = tpu.vector_load %arg9[%swap3A_65, %swap3A_66] {strides = array<i32>} : memref<8x128xi32, #tpu.memory_space<vmem>>, vector<1x16xi32>,
      %swap3A_68 = vector.shape_cast %swap3A_67 : vector<1x16xi32> to vector<16xi32>
      %swap3A_69 = vector.shape_cast %add3A_64 : vector<16xi32> to vector<1x16xi32>
      tpu.vector_store %arg9[%swap3A_65, %swap3A_66], %swap3A_69 {strides = array<i32>} : memref<8x128xi32, #tpu.memory_space<vmem>>, vector<1x16xi32>,
      %get3A_70 = arith.constant 0 : i32
      %get3A_71 = arith.index_cast %get3A_70 : i32 to index
      %get3A_72 = arith.constant 16 : index
      %get3A_73 = tpu.vector_load %arg8[%get3A_71, %get3A_72] {strides = array<i32>} : memref<8x128xi32, #tpu.memory_space<vmem>>, vector<1x16xi32>,
      %get3A_74 = vector.shape_cast %get3A_73 : vector<1x16xi32> to vector<16xi32>
      %mul3A_75 = arith.constant 10000 : i32
      %mul3A_76 = vector.broadcast %mul3A_75 : i32 to vector<16xi32>
      %mul3A_77 = arith.muli %get3A_74, %mul3A_76 : vector<16xi32>
      %get3A_78 = arith.constant 0 : i32
      %get3A_79 = arith.index_cast %get3A_78 : i32 to index
      %get3A_80 = arith.constant 16 : index
      %get3A_81 = tpu.vector_load %arg7[%get3A_79, %get3A_80] {strides = array<i32>} : memref<8x128xi32, #tpu.memory_space<vmem>>, vector<1x16xi32>,
      %get3A_82 = vector.shape_cast %get3A_81 : vector<1x16xi32> to vector<16xi32>
      %add3A_83 = arith.addi %mul3A_77, %get3A_82 : vector<16xi32>
      %swap3A_84 = arith.constant 0 : i32
      %swap3A_85 = arith.index_cast %swap3A_84 : i32 to index
      %swap3A_86 = arith.constant 16 : index
      %swap3A_87 = tpu.vector_load %arg9[%swap3A_85, %swap3A_86] {strides = array<i32>} : memref<8x128xi32, #tpu.memory_space<vmem>>, vector<1x16xi32>,
      %swap3A_88 = vector.shape_cast %swap3A_87 : vector<1x16xi32> to vector<16xi32>
      %swap3A_89 = vector.shape_cast %add3A_83 : vector<16xi32> to vector<1x16xi32>
      tpu.vector_store %arg9[%swap3A_85, %swap3A_86], %swap3A_89 {strides = array<i32>} : memref<8x128xi32, #tpu.memory_space<vmem>>, vector<1x16xi32>,
      %get3A_90 = arith.constant 0 : i32
      %get3A_91 = arith.index_cast %get3A_90 : i32 to index
      %get3A_92 = arith.constant 32 : index
      %get3A_93 = tpu.vector_load %arg8[%get3A_91, %get3A_92] {strides = array<i32>} : memref<8x128xi32, #tpu.memory_space<vmem>>, vector<1x16xi32>,
      %get3A_94 = vector.shape_cast %get3A_93 : vector<1x16xi32> to vector<16xi32>
      %mul3A_95 = arith.constant 10000 : i32
      %mul3A_96 = vector.broadcast %mul3A_95 : i32 to vector<16xi32>
      %mul3A_97 = arith.muli %get3A_94, %mul3A_96 : vector<16xi32>
      %get3A_98 = arith.constant 0 : i32
      %get3A_99 = arith.index_cast %get3A_98 : i32 to index
      %get3A_100 = arith.constant 32 : index
      %get3A_101 = tpu.vector_load %arg7[%get3A_99, %get3A_100] {strides = array<i32>} : memref<8x128xi32, #tpu.memory_space<vmem>>, vector<1x16xi32>,
      %get3A_102 = vector.shape_cast %get3A_101 : vector<1x16xi32> to vector<16xi32>
      %add3A_103 = arith.addi %mul3A_97, %get3A_102 : vector<16xi32>
      %swap3A_104 = arith.constant 0 : i32
      %swap3A_105 = arith.index_cast %swap3A_104 : i32 to index
      %swap3A_106 = arith.constant 32 : index
      %swap3A_107 = tpu.vector_load %arg9[%swap3A_105, %swap3A_106] {strides = array<i32>} : memref<8x128xi32, #tpu.memory_space<vmem>>, vector<1x16xi32>,
      %swap3A_108 = vector.shape_cast %swap3A_107 : vector<1x16xi32> to vector<16xi32>
      %swap3A_109 = vector.shape_cast %add3A_103 : vector<16xi32> to vector<1x16xi32>
      tpu.vector_store %arg9[%swap3A_105, %swap3A_106], %swap3A_109 {strides = array<i32>} : memref<8x128xi32, #tpu.memory_space<vmem>>, vector<1x16xi32>,
      %get3A_110 = arith.constant 0 : i32
      %get3A_111 = arith.index_cast %get3A_110 : i32 to index
      %get3A_112 = arith.constant 48 : index
      %get3A_113 = tpu.vector_load %arg8[%get3A_111, %get3A_112] {strides = array<i32>} : memref<8x128xi32, #tpu.memory_space<vmem>>, vector<1x16xi32>,
      %get3A_114 = vector.shape_cast %get3A_113 : vector<1x16xi32> to vector<16xi32>
      %mul3A_115 = arith.constant 10000 : i32
      %mul3A_116 = vector.broadcast %mul3A_115 : i32 to vector<16xi32>
      %mul3A_117 = arith.muli %get3A_114, %mul3A_116 : vector<16xi32>
      %get3A_118 = arith.constant 0 : i32
      %get3A_119 = arith.index_cast %get3A_118 : i32 to index
      %get3A_120 = arith.constant 48 : index
      %get3A_121 = tpu.vector_load %arg7[%get3A_119, %get3A_120] {strides = array<i32>} : memref<8x128xi32, #tpu.memory_space<vmem>>, vector<1x16xi32>,
      %get3A_122 = vector.shape_cast %get3A_121 : vector<1x16xi32> to vector<16xi32>
      %add3A_123 = arith.addi %mul3A_117, %get3A_122 : vector<16xi32>
      %swap3A_124 = arith.constant 0 : i32
      %swap3A_125 = arith.index_cast %swap3A_124 : i32 to index
      %swap3A_126 = arith.constant 48 : index
      %swap3A_127 = tpu.vector_load %arg9[%swap3A_125, %swap3A_126] {strides = array<i32>} : memref<8x128xi32, #tpu.memory_space<vmem>>, vector<1x16xi32>,
      %swap3A_128 = vector.shape_cast %swap3A_127 : vector<1x16xi32> to vector<16xi32>
      %swap3A_129 = vector.shape_cast %add3A_123 : vector<16xi32> to vector<1x16xi32>
      tpu.vector_store %arg9[%swap3A_125, %swap3A_126], %swap3A_129 {strides = array<i32>} : memref<8x128xi32, #tpu.memory_space<vmem>>, vector<1x16xi32>,
      %get3A_130 = arith.constant 0 : i32
      %get3A_131 = arith.index_cast %get3A_130 : i32 to index
      %get3A_132 = arith.constant 64 : index
      %get3A_133 = tpu.vector_load %arg8[%get3A_131, %get3A_132] {strides = array<i32>} : memref<8x128xi32, #tpu.memory_space<vmem>>, vector<1x16xi32>,
      %get3A_134 = vector.shape_cast %get3A_133 : vector<1x16xi32> to vector<16xi32>
      %mul3A_135 = arith.constant 10000 : i32
      %mul3A_136 = vector.broadcast %mul3A_135 : i32 to vector<16xi32>
      %mul3A_137 = arith.muli %get3A_134, %mul3A_136 : vector<16xi32>
      %get3A_138 = arith.constant 0 : i32
      %get3A_139 = arith.index_cast %get3A_138 : i32 to index
      %get3A_140 = arith.constant 64 : index
      %get3A_141 = tpu.vector_load %arg7[%get3A_139, %get3A_140] {strides = array<i32>} : memref<8x128xi32, #tpu.memory_space<vmem>>, vector<1x16xi32>,
      %get3A_142 = vector.shape_cast %get3A_141 : vector<1x16xi32> to vector<16xi32>
      %add3A_143 = arith.addi %mul3A_137, %get3A_142 : vector<16xi32>
      %swap3A_144 = arith.constant 0 : i32
      %swap3A_145 = arith.index_cast %swap3A_144 : i32 to index
      %swap3A_146 = arith.constant 64 : index
      %swap3A_147 = tpu.vector_load %arg9[%swap3A_145, %swap3A_146] {strides = array<i32>} : memref<8x128xi32, #tpu.memory_space<vmem>>, vector<1x16xi32>,
      %swap3A_148 = vector.shape_cast %swap3A_147 : vector<1x16xi32> to vector<16xi32>
      %swap3A_149 = vector.shape_cast %add3A_143 : vector<16xi32> to vector<1x16xi32>
      tpu.vector_store %arg9[%swap3A_145, %swap3A_146], %swap3A_149 {strides = array<i32>} : memref<8x128xi32, #tpu.memory_space<vmem>>, vector<1x16xi32>,
      %get3A_150 = arith.constant 0 : i32
      %get3A_151 = arith.index_cast %get3A_150 : i32 to index
      %get3A_152 = arith.constant 80 : index
      %get3A_153 = tpu.vector_load %arg8[%get3A_151, %get3A_152] {strides = array<i32>} : memref<8x128xi32, #tpu.memory_space<vmem>>, vector<1x16xi32>,
      %get3A_154 = vector.shape_cast %get3A_153 : vector<1x16xi32> to vector<16xi32>
      %mul3A_155 = arith.constant 10000 : i32
      %mul3A_156 = vector.broadcast %mul3A_155 : i32 to vector<16xi32>
      %mul3A_157 = arith.muli %get3A_154, %mul3A_156 : vector<16xi32>
      %get3A_158 = arith.constant 0 : i32
      %get3A_159 = arith.index_cast %get3A_158 : i32 to index
      %get3A_160 = arith.constant 80 : index
      %get3A_161 = tpu.vector_load %arg7[%get3A_159, %get3A_160] {strides = array<i32>} : memref<8x128xi32, #tpu.memory_space<vmem>>, vector<1x16xi32>,
      %get3A_162 = vector.shape_cast %get3A_161 : vector<1x16xi32> to vector<16xi32>
      %add3A_163 = arith.addi %mul3A_157, %get3A_162 : vector<16xi32>
      %swap3A_164 = arith.constant 0 : i32
      %swap3A_165 = arith.index_cast %swap3A_164 : i32 to index
      %swap3A_166 = arith.constant 80 : index
      %swap3A_167 = tpu.vector_load %arg9[%swap3A_165, %swap3A_166] {strides = array<i32>} : memref<8x128xi32, #tpu.memory_space<vmem>>, vector<1x16xi32>,
      %swap3A_168 = vector.shape_cast %swap3A_167 : vector<1x16xi32> to vector<16xi32>
      %swap3A_169 = vector.shape_cast %add3A_163 : vector<16xi32> to vector<1x16xi32>
      tpu.vector_store %arg9[%swap3A_165, %swap3A_166], %swap3A_169 {strides = array<i32>} : memref<8x128xi32, #tpu.memory_space<vmem>>, vector<1x16xi32>,
      %get3A_170 = arith.constant 0 : i32
      %get3A_171 = arith.index_cast %get3A_170 : i32 to index
      %get3A_172 = arith.constant 96 : index
      %get3A_173 = tpu.vector_load %arg8[%get3A_171, %get3A_172] {strides = array<i32>} : memref<8x128xi32, #tpu.memory_space<vmem>>, vector<1x16xi32>,
      %get3A_174 = vector.shape_cast %get3A_173 : vector<1x16xi32> to vector<16xi32>
      %mul3A_175 = arith.constant 10000 : i32
      %mul3A_176 = vector.broadcast %mul3A_175 : i32 to vector<16xi32>
      %mul3A_177 = arith.muli %get3A_174, %mul3A_176 : vector<16xi32>
      %get3A_178 = arith.constant 0 : i32
      %get3A_179 = arith.index_cast %get3A_178 : i32 to index
      %get3A_180 = arith.constant 96 : index
      %get3A_181 = tpu.vector_load %arg7[%get3A_179, %get3A_180] {strides = array<i32>} : memref<8x128xi32, #tpu.memory_space<vmem>>, vector<1x16xi32>,
      %get3A_182 = vector.shape_cast %get3A_181 : vector<1x16xi32> to vector<16xi32>
      %add3A_183 = arith.addi %mul3A_177, %get3A_182 : vector<16xi32>
      %swap3A_184 = arith.constant 0 : i32
      %swap3A_185 = arith.index_cast %swap3A_184 : i32 to index
      %swap3A_186 = arith.constant 96 : index
      %swap3A_187 = tpu.vector_load %arg9[%swap3A_185, %swap3A_186] {strides = array<i32>} : memref<8x128xi32, #tpu.memory_space<vmem>>, vector<1x16xi32>,
      %swap3A_188 = vector.shape_cast %swap3A_187 : vector<1x16xi32> to vector<16xi32>
      %swap3A_189 = vector.shape_cast %add3A_183 : vector<16xi32> to vector<1x16xi32>
      tpu.vector_store %arg9[%swap3A_185, %swap3A_186], %swap3A_189 {strides = array<i32>} : memref<8x128xi32, #tpu.memory_space<vmem>>, vector<1x16xi32>,
      %get3A_190 = arith.constant 0 : i32
      %get3A_191 = arith.index_cast %get3A_190 : i32 to index
      %get3A_192 = arith.constant 112 : index
      %get3A_193 = tpu.vector_load %arg8[%get3A_191, %get3A_192] {strides = array<i32>} : memref<8x128xi32, #tpu.memory_space<vmem>>, vector<1x16xi32>,
      %get3A_194 = vector.shape_cast %get3A_193 : vector<1x16xi32> to vector<16xi32>
      %mul3A_195 = arith.constant 10000 : i32
      %mul3A_196 = vector.broadcast %mul3A_195 : i32 to vector<16xi32>
      %mul3A_197 = arith.muli %get3A_194, %mul3A_196 : vector<16xi32>
      %get3A_198 = arith.constant 0 : i32
      %get3A_199 = arith.index_cast %get3A_198 : i32 to index
      %get3A_200 = arith.constant 112 : index
      %get3A_201 = tpu.vector_load %arg7[%get3A_199, %get3A_200] {strides = array<i32>} : memref<8x128xi32, #tpu.memory_space<vmem>>, vector<1x16xi32>,
      %get3A_202 = vector.shape_cast %get3A_201 : vector<1x16xi32> to vector<16xi32>
      %add3A_203 = arith.addi %mul3A_197, %get3A_202 : vector<16xi32>
      %swap3A_204 = arith.constant 0 : i32
      %swap3A_205 = arith.index_cast %swap3A_204 : i32 to index
      %swap3A_206 = arith.constant 112 : index
      %swap3A_207 = tpu.vector_load %arg9[%swap3A_205, %swap3A_206] {strides = array<i32>} : memref<8x128xi32, #tpu.memory_space<vmem>>, vector<1x16xi32>,
      %swap3A_208 = vector.shape_cast %swap3A_207 : vector<1x16xi32> to vector<16xi32>
      %swap3A_209 = vector.shape_cast %add3A_203 : vector<16xi32> to vector<1x16xi32>
      tpu.vector_store %arg9[%swap3A_205, %swap3A_206], %swap3A_209 {strides = array<i32>} : memref<8x128xi32, #tpu.memory_space<vmem>>, vector<1x16xi32>,
      %get3A_210 = arith.constant 1 : i32
      %get3A_211 = arith.index_cast %get3A_210 : i32 to index
      %get3A_212 = arith.constant 0 : index
      %get3A_213 = tpu.vector_load %arg8[%get3A_211, %get3A_212] {strides = array<i32>} : memref<8x128xi32, #tpu.memory_space<vmem>>, vector<1x16xi32>,
      %get3A_214 = vector.shape_cast %get3A_213 : vector<1x16xi32> to vector<16xi32>
      %mul3A_215 = arith.constant 10000 : i32
      %mul3A_216 = vector.broadcast %mul3A_215 : i32 to vector<16xi32>
      %mul3A_217 = arith.muli %get3A_214, %mul3A_216 : vector<16xi32>
      %get3A_218 = arith.constant 1 : i32
      %get3A_219 = arith.index_cast %get3A_218 : i32 to index
      %get3A_220 = arith.constant 0 : index
      %get3A_221 = tpu.vector_load %arg7[%get3A_219, %get3A_220] {strides = array<i32>} : memref<8x128xi32, #tpu.memory_space<vmem>>, vector<1x16xi32>,
      %get3A_222 = vector.shape_cast %get3A_221 : vector<1x16xi32> to vector<16xi32>
      %add3A_223 = arith.addi %mul3A_217, %get3A_222 : vector<16xi32>
      %swap3A_224 = arith.constant 1 : i32
      %swap3A_225 = arith.index_cast %swap3A_224 : i32 to index
      %swap3A_226 = arith.constant 0 : index
      %swap3A_227 = tpu.vector_load %arg9[%swap3A_225, %swap3A_226] {strides = array<i32>} : memref<8x128xi32, #tpu.memory_space<vmem>>, vector<1x16xi32>,
      %swap3A_228 = vector.shape_cast %swap3A_227 : vector<1x16xi32> to vector<16xi32>
      %swap3A_229 = vector.shape_cast %add3A_223 : vector<16xi32> to vector<1x16xi32>
      tpu.vector_store %arg9[%swap3A_225, %swap3A_226], %swap3A_229 {strides = array<i32>} : memref<8x128xi32, #tpu.memory_space<vmem>>, vector<1x16xi32>,
      %get3A_230 = arith.constant 1 : i32
      %get3A_231 = arith.index_cast %get3A_230 : i32 to index
      %get3A_232 = arith.constant 16 : index
      %get3A_233 = tpu.vector_load %arg8[%get3A_231, %get3A_232] {strides = array<i32>} : memref<8x128xi32, #tpu.memory_space<vmem>>, vector<1x16xi32>,
      %get3A_234 = vector.shape_cast %get3A_233 : vector<1x16xi32> to vector<16xi32>
      %mul3A_235 = arith.constant 10000 : i32
      %mul3A_236 = vector.broadcast %mul3A_235 : i32 to vector<16xi32>
      %mul3A_237 = arith.muli %get3A_234, %mul3A_236 : vector<16xi32>
      %get3A_238 = arith.constant 1 : i32
      %get3A_239 = arith.index_cast %get3A_238 : i32 to index
      %get3A_240 = arith.constant 16 : index
      %get3A_241 = tpu.vector_load %arg7[%get3A_239, %get3A_240] {strides = array<i32>} : memref<8x128xi32, #tpu.memory_space<vmem>>, vector<1x16xi32>,
      %get3A_242 = vector.shape_cast %get3A_241 : vector<1x16xi32> to vector<16xi32>
      %add3A_243 = arith.addi %mul3A_237, %get3A_242 : vector<16xi32>
      %swap3A_244 = arith.constant 1 : i32
      %swap3A_245 = arith.index_cast %swap3A_244 : i32 to index
      %swap3A_246 = arith.constant 16 : index
      %swap3A_247 = tpu.vector_load %arg9[%swap3A_245, %swap3A_246] {strides = array<i32>} : memref<8x128xi32, #tpu.memory_space<vmem>>, vector<1x16xi32>,
      %swap3A_248 = vector.shape_cast %swap3A_247 : vector<1x16xi32> to vector<16xi32>
      %swap3A_249 = vector.shape_cast %add3A_243 : vector<16xi32> to vector<1x16xi32>
      tpu.vector_store %arg9[%swap3A_245, %swap3A_246], %swap3A_249 {strides = array<i32>} : memref<8x128xi32, #tpu.memory_space<vmem>>, vector<1x16xi32>,
      %get3A_250 = arith.constant 1 : i32
      %get3A_251 = arith.index_cast %get3A_250 : i32 to index
      %get3A_252 = arith.constant 32 : index
      %get3A_253 = tpu.vector_load %arg8[%get3A_251, %get3A_252] {strides = array<i32>} : memref<8x128xi32, #tpu.memory_space<vmem>>, vector<1x16xi32>,
      %get3A_254 = vector.shape_cast %get3A_253 : vector<1x16xi32> to vector<16xi32>
      %mul3A_255 = arith.constant 10000 : i32
      %mul3A_256 = vector.broadcast %mul3A_255 : i32 to vector<16xi32>
      %mul3A_257 = arith.muli %get3A_254, %mul3A_256 : vector<16xi32>
      %get3A_258 = arith.constant 1 : i32
      %get3A_259 = arith.index_cast %get3A_258 : i32 to index
      %get3A_260 = arith.constant 32 : index
      %get3A_261 = tpu.vector_load %arg7[%get3A_259, %get3A_260] {strides = array<i32>} : memref<8x128xi32, #tpu.memory_space<vmem>>, vector<1x16xi32>,
      %get3A_262 = vector.shape_cast %get3A_261 : vector<1x16xi32> to vector<16xi32>
      %add3A_263 = arith.addi %mul3A_257, %get3A_262 : vector<16xi32>
      %swap3A_264 = arith.constant 1 : i32
      %swap3A_265 = arith.index_cast %swap3A_264 : i32 to index
      %swap3A_266 = arith.constant 32 : index
      %swap3A_267 = tpu.vector_load %arg9[%swap3A_265, %swap3A_266] {strides = array<i32>} : memref<8x128xi32, #tpu.memory_space<vmem>>, vector<1x16xi32>,
      %swap3A_268 = vector.shape_cast %swap3A_267 : vector<1x16xi32> to vector<16xi32>
      %swap3A_269 = vector.shape_cast %add3A_263 : vector<16xi32> to vector<1x16xi32>
      tpu.vector_store %arg9[%swap3A_265, %swap3A_266], %swap3A_269 {strides = array<i32>} : memref<8x128xi32, #tpu.memory_space<vmem>>, vector<1x16xi32>,
      %get3A_270 = arith.constant 1 : i32
      %get3A_271 = arith.index_cast %get3A_270 : i32 to index
      %get3A_272 = arith.constant 48 : index
      %get3A_273 = tpu.vector_load %arg8[%get3A_271, %get3A_272] {strides = array<i32>} : memref<8x128xi32, #tpu.memory_space<vmem>>, vector<1x16xi32>,
      %get3A_274 = vector.shape_cast %get3A_273 : vector<1x16xi32> to vector<16xi32>
      %mul3A_275 = arith.constant 10000 : i32
      %mul3A_276 = vector.broadcast %mul3A_275 : i32 to vector<16xi32>
      %mul3A_277 = arith.muli %get3A_274, %mul3A_276 : vector<16xi32>
      %get3A_278 = arith.constant 1 : i32
      %get3A_279 = arith.index_cast %get3A_278 : i32 to index
      %get3A_280 = arith.constant 48 : index
      %get3A_281 = tpu.vector_load %arg7[%get3A_279, %get3A_280] {strides = array<i32>} : memref<8x128xi32, #tpu.memory_space<vmem>>, vector<1x16xi32>,
      %get3A_282 = vector.shape_cast %get3A_281 : vector<1x16xi32> to vector<16xi32>
      %add3A_283 = arith.addi %mul3A_277, %get3A_282 : vector<16xi32>
      %swap3A_284 = arith.constant 1 : i32
      %swap3A_285 = arith.index_cast %swap3A_284 : i32 to index
      %swap3A_286 = arith.constant 48 : index
      %swap3A_287 = tpu.vector_load %arg9[%swap3A_285, %swap3A_286] {strides = array<i32>} : memref<8x128xi32, #tpu.memory_space<vmem>>, vector<1x16xi32>,
      %swap3A_288 = vector.shape_cast %swap3A_287 : vector<1x16xi32> to vector<16xi32>
      %swap3A_289 = vector.shape_cast %add3A_283 : vector<16xi32> to vector<1x16xi32>
      tpu.vector_store %arg9[%swap3A_285, %swap3A_286], %swap3A_289 {strides = array<i32>} : memref<8x128xi32, #tpu.memory_space<vmem>>, vector<1x16xi32>,
      %get3A_290 = arith.constant 1 : i32
      %get3A_291 = arith.index_cast %get3A_290 : i32 to index
      %get3A_292 = arith.constant 64 : index
      %get3A_293 = tpu.vector_load %arg8[%get3A_291, %get3A_292] {strides = array<i32>} : memref<8x128xi32, #tpu.memory_space<vmem>>, vector<1x16xi32>,
      %get3A_294 = vector.shape_cast %get3A_293 : vector<1x16xi32> to vector<16xi32>
      %mul3A_295 = arith.constant 10000 : i32
      %mul3A_296 = vector.broadcast %mul3A_295 : i32 to vector<16xi32>
      %mul3A_297 = arith.muli %get3A_294, %mul3A_296 : vector<16xi32>
      %get3A_298 = arith.constant 1 : i32
      %get3A_299 = arith.index_cast %get3A_298 : i32 to index
      %get3A_300 = arith.constant 64 : index
      %get3A_301 = tpu.vector_load %arg7[%get3A_299, %get3A_300] {strides = array<i32>} : memref<8x128xi32, #tpu.memory_space<vmem>>, vector<1x16xi32>,
      %get3A_302 = vector.shape_cast %get3A_301 : vector<1x16xi32> to vector<16xi32>
      %add3A_303 = arith.addi %mul3A_297, %get3A_302 : vector<16xi32>
      %swap3A_304 = arith.constant 1 : i32
      %swap3A_305 = arith.index_cast %swap3A_304 : i32 to index
      %swap3A_306 = arith.constant 64 : index
      %swap3A_307 = tpu.vector_load %arg9[%swap3A_305, %swap3A_306] {strides = array<i32>} : memref<8x128xi32, #tpu.memory_space<vmem>>, vector<1x16xi32>,
      %swap3A_308 = vector.shape_cast %swap3A_307 : vector<1x16xi32> to vector<16xi32>
      %swap3A_309 = vector.shape_cast %add3A_303 : vector<16xi32> to vector<1x16xi32>
      tpu.vector_store %arg9[%swap3A_305, %swap3A_306], %swap3A_309 {strides = array<i32>} : memref<8x128xi32, #tpu.memory_space<vmem>>, vector<1x16xi32>,
      %get3A_310 = arith.constant 1 : i32
      %get3A_311 = arith.index_cast %get3A_310 : i32 to index
      %get3A_312 = arith.constant 80 : index
      %get3A_313 = tpu.vector_load %arg8[%get3A_311, %get3A_312] {strides = array<i32>} : memref<8x128xi32, #tpu.memory_space<vmem>>, vector<1x16xi32>,
      %get3A_314 = vector.shape_cast %get3A_313 : vector<1x16xi32> to vector<16xi32>
      %mul3A_315 = arith.constant 10000 : i32
      %mul3A_316 = vector.broadcast %mul3A_315 : i32 to vector<16xi32>
      %mul3A_317 = arith.muli %get3A_314, %mul3A_316 : vector<16xi32>
      %get3A_318 = arith.constant 1 : i32
      %get3A_319 = arith.index_cast %get3A_318 : i32 to index
      %get3A_320 = arith.constant 80 : index
      %get3A_321 = tpu.vector_load %arg7[%get3A_319, %get3A_320] {strides = array<i32>} : memref<8x128xi32, #tpu.memory_space<vmem>>, vector<1x16xi32>,
      %get3A_322 = vector.shape_cast %get3A_321 : vector<1x16xi32> to vector<16xi32>
      %add3A_323 = arith.addi %mul3A_317, %get3A_322 : vector<16xi32>
      %swap3A_324 = arith.constant 1 : i32
      %swap3A_325 = arith.index_cast %swap3A_324 : i32 to index
      %swap3A_326 = arith.constant 80 : index
      %swap3A_327 = tpu.vector_load %arg9[%swap3A_325, %swap3A_326] {strides = array<i32>} : memref<8x128xi32, #tpu.memory_space<vmem>>, vector<1x16xi32>,
      %swap3A_328 = vector.shape_cast %swap3A_327 : vector<1x16xi32> to vector<16xi32>
      %swap3A_329 = vector.shape_cast %add3A_323 : vector<16xi32> to vector<1x16xi32>
      tpu.vector_store %arg9[%swap3A_325, %swap3A_326], %swap3A_329 {strides = array<i32>} : memref<8x128xi32, #tpu.memory_space<vmem>>, vector<1x16xi32>,
      %get3A_330 = arith.constant 1 : i32
      %get3A_331 = arith.index_cast %get3A_330 : i32 to index
      %get3A_332 = arith.constant 96 : index
      %get3A_333 = tpu.vector_load %arg8[%get3A_331, %get3A_332] {strides = array<i32>} : memref<8x128xi32, #tpu.memory_space<vmem>>, vector<1x16xi32>,
      %get3A_334 = vector.shape_cast %get3A_333 : vector<1x16xi32> to vector<16xi32>
      %mul3A_335 = arith.constant 10000 : i32
      %mul3A_336 = vector.broadcast %mul3A_335 : i32 to vector<16xi32>
      %mul3A_337 = arith.muli %get3A_334, %mul3A_336 : vector<16xi32>
      %get3A_338 = arith.constant 1 : i32
      %get3A_339 = arith.index_cast %get3A_338 : i32 to index
      %get3A_340 = arith.constant 96 : index
      %get3A_341 = tpu.vector_load %arg7[%get3A_339, %get3A_340] {strides = array<i32>} : memref<8x128xi32, #tpu.memory_space<vmem>>, vector<1x16xi32>,
      %get3A_342 = vector.shape_cast %get3A_341 : vector<1x16xi32> to vector<16xi32>
      %add3A_343 = arith.addi %mul3A_337, %get3A_342 : vector<16xi32>
      %swap3A_344 = arith.constant 1 : i32
      %swap3A_345 = arith.index_cast %swap3A_344 : i32 to index
      %swap3A_346 = arith.constant 96 : index
      %swap3A_347 = tpu.vector_load %arg9[%swap3A_345, %swap3A_346] {strides = array<i32>} : memref<8x128xi32, #tpu.memory_space<vmem>>, vector<1x16xi32>,
      %swap3A_348 = vector.shape_cast %swap3A_347 : vector<1x16xi32> to vector<16xi32>
      %swap3A_349 = vector.shape_cast %add3A_343 : vector<16xi32> to vector<1x16xi32>
      tpu.vector_store %arg9[%swap3A_345, %swap3A_346], %swap3A_349 {strides = array<i32>} : memref<8x128xi32, #tpu.memory_space<vmem>>, vector<1x16xi32>,
      %get3A_350 = arith.constant 1 : i32
      %get3A_351 = arith.index_cast %get3A_350 : i32 to index
      %get3A_352 = arith.constant 112 : index
      %get3A_353 = tpu.vector_load %arg8[%get3A_351, %get3A_352] {strides = array<i32>} : memref<8x128xi32, #tpu.memory_space<vmem>>, vector<1x16xi32>,
      %get3A_354 = vector.shape_cast %get3A_353 : vector<1x16xi32> to vector<16xi32>
      %mul3A_355 = arith.constant 10000 : i32
      %mul3A_356 = vector.broadcast %mul3A_355 : i32 to vector<16xi32>
      %mul3A_357 = arith.muli %get3A_354, %mul3A_356 : vector<16xi32>
      %get3A_358 = arith.constant 1 : i32
      %get3A_359 = arith.index_cast %get3A_358 : i32 to index
      %get3A_360 = arith.constant 112 : index
      %get3A_361 = tpu.vector_load %arg7[%get3A_359, %get3A_360] {strides = array<i32>} : memref<8x128xi32, #tpu.memory_space<vmem>>, vector<1x16xi32>,
      %get3A_362 = vector.shape_cast %get3A_361 : vector<1x16xi32> to vector<16xi32>
      %add3A_363 = arith.addi %mul3A_357, %get3A_362 : vector<16xi32>
      %swap3A_364 = arith.constant 1 : i32
      %swap3A_365 = arith.index_cast %swap3A_364 : i32 to index
      %swap3A_366 = arith.constant 112 : index
      %swap3A_367 = tpu.vector_load %arg9[%swap3A_365, %swap3A_366] {strides = array<i32>} : memref<8x128xi32, #tpu.memory_space<vmem>>, vector<1x16xi32>,
      %swap3A_368 = vector.shape_cast %swap3A_367 : vector<1x16xi32> to vector<16xi32>
      %swap3A_369 = vector.shape_cast %add3A_363 : vector<16xi32> to vector<1x16xi32>
      tpu.vector_store %arg9[%swap3A_365, %swap3A_366], %swap3A_369 {strides = array<i32>} : memref<8x128xi32, #tpu.memory_space<vmem>>, vector<1x16xi32>,
      %get3A_370 = arith.constant 2 : i32
      %get3A_371 = arith.index_cast %get3A_370 : i32 to index
      %get3A_372 = arith.constant 0 : index
      %get3A_373 = tpu.vector_load %arg8[%get3A_371, %get3A_372] {strides = array<i32>} : memref<8x128xi32, #tpu.memory_space<vmem>>, vector<1x16xi32>,
      %get3A_374 = vector.shape_cast %get3A_373 : vector<1x16xi32> to vector<16xi32>
      %mul3A_375 = arith.constant 10000 : i32
      %mul3A_376 = vector.broadcast %mul3A_375 : i32 to vector<16xi32>
      %mul3A_377 = arith.muli %get3A_374, %mul3A_376 : vector<16xi32>
      %get3A_378 = arith.constant 2 : i32
      %get3A_379 = arith.index_cast %get3A_378 : i32 to index
      %get3A_380 = arith.constant 0 : index
      %get3A_381 = tpu.vector_load %arg7[%get3A_379, %get3A_380] {strides = array<i32>} : memref<8x128xi32, #tpu.memory_space<vmem>>, vector<1x16xi32>,
      %get3A_382 = vector.shape_cast %get3A_381 : vector<1x16xi32> to vector<16xi32>
      %add3A_383 = arith.addi %mul3A_377, %get3A_382 : vector<16xi32>
      %swap3A_384 = arith.constant 2 : i32
      %swap3A_385 = arith.index_cast %swap3A_384 : i32 to index
      %swap3A_386 = arith.constant 0 : index
      %swap3A_387 = tpu.vector_load %arg9[%swap3A_385, %swap3A_386] {strides = array<i32>} : memref<8x128xi32, #tpu.memory_space<vmem>>, vector<1x16xi32>,
      %swap3A_388 = vector.shape_cast %swap3A_387 : vector<1x16xi32> to vector<16xi32>
      %swap3A_389 = vector.shape_cast %add3A_383 : vector<16xi32> to vector<1x16xi32>
      tpu.vector_store %arg9[%swap3A_385, %swap3A_386], %swap3A_389 {strides = array<i32>} : memref<8x128xi32, #tpu.memory_space<vmem>>, vector<1x16xi32>,
      %get3A_390 = arith.constant 2 : i32
      %get3A_391 = arith.index_cast %get3A_390 : i32 to index
      %get3A_392 = arith.constant 16 : index
      %get3A_393 = tpu.vector_load %arg8[%get3A_391, %get3A_392] {strides = array<i32>} : memref<8x128xi32, #tpu.memory_space<vmem>>, vector<1x16xi32>,
      %get3A_394 = vector.shape_cast %get3A_393 : vector<1x16xi32> to vector<16xi32>
      %mul3A_395 = arith.constant 10000 : i32
      %mul3A_396 = vector.broadcast %mul3A_395 : i32 to vector<16xi32>
      %mul3A_397 = arith.muli %get3A_394, %mul3A_396 : vector<16xi32>
      %get3A_398 = arith.constant 2 : i32
      %get3A_399 = arith.index_cast %get3A_398 : i32 to index
      %get3A_400 = arith.constant 16 : index
      %get3A_401 = tpu.vector_load %arg7[%get3A_399, %get3A_400] {strides = array<i32>} : memref<8x128xi32, #tpu.memory_space<vmem>>, vector<1x16xi32>,
      %get3A_402 = vector.shape_cast %get3A_401 : vector<1x16xi32> to vector<16xi32>
      %add3A_403 = arith.addi %mul3A_397, %get3A_402 : vector<16xi32>
      %swap3A_404 = arith.constant 2 : i32
      %swap3A_405 = arith.index_cast %swap3A_404 : i32 to index
      %swap3A_406 = arith.constant 16 : index
      %swap3A_407 = tpu.vector_load %arg9[%swap3A_405, %swap3A_406] {strides = array<i32>} : memref<8x128xi32, #tpu.memory_space<vmem>>, vector<1x16xi32>,
      %swap3A_408 = vector.shape_cast %swap3A_407 : vector<1x16xi32> to vector<16xi32>
      %swap3A_409 = vector.shape_cast %add3A_403 : vector<16xi32> to vector<1x16xi32>
      tpu.vector_store %arg9[%swap3A_405, %swap3A_406], %swap3A_409 {strides = array<i32>} : memref<8x128xi32, #tpu.memory_space<vmem>>, vector<1x16xi32>,
      %get3A_410 = arith.constant 2 : i32
      %get3A_411 = arith.index_cast %get3A_410 : i32 to index
      %get3A_412 = arith.constant 32 : index
      %get3A_413 = tpu.vector_load %arg8[%get3A_411, %get3A_412] {strides = array<i32>} : memref<8x128xi32, #tpu.memory_space<vmem>>, vector<1x16xi32>,
      %get3A_414 = vector.shape_cast %get3A_413 : vector<1x16xi32> to vector<16xi32>
      %mul3A_415 = arith.constant 10000 : i32
      %mul3A_416 = vector.broadcast %mul3A_415 : i32 to vector<16xi32>
      %mul3A_417 = arith.muli %get3A_414, %mul3A_416 : vector<16xi32>
      %get3A_418 = arith.constant 2 : i32
      %get3A_419 = arith.index_cast %get3A_418 : i32 to index
      %get3A_420 = arith.constant 32 : index
      %get3A_421 = tpu.vector_load %arg7[%get3A_419, %get3A_420] {strides = array<i32>} : memref<8x128xi32, #tpu.memory_space<vmem>>, vector<1x16xi32>,
      %get3A_422 = vector.shape_cast %get3A_421 : vector<1x16xi32> to vector<16xi32>
      %add3A_423 = arith.addi %mul3A_417, %get3A_422 : vector<16xi32>
      %swap3A_424 = arith.constant 2 : i32
      %swap3A_425 = arith.index_cast %swap3A_424 : i32 to index
      %swap3A_426 = arith.constant 32 : index
      %swap3A_427 = tpu.vector_load %arg9[%swap3A_425, %swap3A_426] {strides = array<i32>} : memref<8x128xi32, #tpu.memory_space<vmem>>, vector<1x16xi32>,
      %swap3A_428 = vector.shape_cast %swap3A_427 : vector<1x16xi32> to vector<16xi32>
      %swap3A_429 = vector.shape_cast %add3A_423 : vector<16xi32> to vector<1x16xi32>
      tpu.vector_store %arg9[%swap3A_425, %swap3A_426], %swap3A_429 {strides = array<i32>} : memref<8x128xi32, #tpu.memory_space<vmem>>, vector<1x16xi32>,
      %get3A_430 = arith.constant 2 : i32
      %get3A_431 = arith.index_cast %get3A_430 : i32 to index
      %get3A_432 = arith.constant 48 : index
      %get3A_433 = tpu.vector_load %arg8[%get3A_431, %get3A_432] {strides = array<i32>} : memref<8x128xi32, #tpu.memory_space<vmem>>, vector<1x16xi32>,
      %get3A_434 = vector.shape_cast %get3A_433 : vector<1x16xi32> to vector<16xi32>
      %mul3A_435 = arith.constant 10000 : i32
      %mul3A_436 = vector.broadcast %mul3A_435 : i32 to vector<16xi32>
      %mul3A_437 = arith.muli %get3A_434, %mul3A_436 : vector<16xi32>
      %get3A_438 = arith.constant 2 : i32
      %get3A_439 = arith.index_cast %get3A_438 : i32 to index
      %get3A_440 = arith.constant 48 : index
      %get3A_441 = tpu.vector_load %arg7[%get3A_439, %get3A_440] {strides = array<i32>} : memref<8x128xi32, #tpu.memory_space<vmem>>, vector<1x16xi32>,
      %get3A_442 = vector.shape_cast %get3A_441 : vector<1x16xi32> to vector<16xi32>
      %add3A_443 = arith.addi %mul3A_437, %get3A_442 : vector<16xi32>
      %swap3A_444 = arith.constant 2 : i32
      %swap3A_445 = arith.index_cast %swap3A_444 : i32 to index
      %swap3A_446 = arith.constant 48 : index
      %swap3A_447 = tpu.vector_load %arg9[%swap3A_445, %swap3A_446] {strides = array<i32>} : memref<8x128xi32, #tpu.memory_space<vmem>>, vector<1x16xi32>,
      %swap3A_448 = vector.shape_cast %swap3A_447 : vector<1x16xi32> to vector<16xi32>
      %swap3A_449 = vector.shape_cast %add3A_443 : vector<16xi32> to vector<1x16xi32>
      tpu.vector_store %arg9[%swap3A_445, %swap3A_446], %swap3A_449 {strides = array<i32>} : memref<8x128xi32, #tpu.memory_space<vmem>>, vector<1x16xi32>,
      %get3A_450 = arith.constant 2 : i32
      %get3A_451 = arith.index_cast %get3A_450 : i32 to index
      %get3A_452 = arith.constant 64 : index
      %get3A_453 = tpu.vector_load %arg8[%get3A_451, %get3A_452] {strides = array<i32>} : memref<8x128xi32, #tpu.memory_space<vmem>>, vector<1x16xi32>,
      %get3A_454 = vector.shape_cast %get3A_453 : vector<1x16xi32> to vector<16xi32>
      %mul3A_455 = arith.constant 10000 : i32
      %mul3A_456 = vector.broadcast %mul3A_455 : i32 to vector<16xi32>
      %mul3A_457 = arith.muli %get3A_454, %mul3A_456 : vector<16xi32>
      %get3A_458 = arith.constant 2 : i32
      %get3A_459 = arith.index_cast %get3A_458 : i32 to index
      %get3A_460 = arith.constant 64 : index
      %get3A_461 = tpu.vector_load %arg7[%get3A_459, %get3A_460] {strides = array<i32>} : memref<8x128xi32, #tpu.memory_space<vmem>>, vector<1x16xi32>,
      %get3A_462 = vector.shape_cast %get3A_461 : vector<1x16xi32> to vector<16xi32>
      %add3A_463 = arith.addi %mul3A_457, %get3A_462 : vector<16xi32>
      %swap3A_464 = arith.constant 2 : i32
      %swap3A_465 = arith.index_cast %swap3A_464 : i32 to index
      %swap3A_466 = arith.constant 64 : index
      %swap3A_467 = tpu.vector_load %arg9[%swap3A_465, %swap3A_466] {strides = array<i32>} : memref<8x128xi32, #tpu.memory_space<vmem>>, vector<1x16xi32>,
      %swap3A_468 = vector.shape_cast %swap3A_467 : vector<1x16xi32> to vector<16xi32>
      %swap3A_469 = vector.shape_cast %add3A_463 : vector<16xi32> to vector<1x16xi32>
      tpu.vector_store %arg9[%swap3A_465, %swap3A_466], %swap3A_469 {strides = array<i32>} : memref<8x128xi32, #tpu.memory_space<vmem>>, vector<1x16xi32>,
      %get3A_470 = arith.constant 2 : i32
      %get3A_471 = arith.index_cast %get3A_470 : i32 to index
      %get3A_472 = arith.constant 80 : index
      %get3A_473 = tpu.vector_load %arg8[%get3A_471, %get3A_472] {strides = array<i32>} : memref<8x128xi32, #tpu.memory_space<vmem>>, vector<1x16xi32>,
      %get3A_474 = vector.shape_cast %get3A_473 : vector<1x16xi32> to vector<16xi32>
      %mul3A_475 = arith.constant 10000 : i32
      %mul3A_476 = vector.broadcast %mul3A_475 : i32 to vector<16xi32>
      %mul3A_477 = arith.muli %get3A_474, %mul3A_476 : vector<16xi32>
      %get3A_478 = arith.constant 2 : i32
      %get3A_479 = arith.index_cast %get3A_478 : i32 to index
      %get3A_480 = arith.constant 80 : index
      %get3A_481 = tpu.vector_load %arg7[%get3A_479, %get3A_480] {strides = array<i32>} : memref<8x128xi32, #tpu.memory_space<vmem>>, vector<1x16xi32>,
      %get3A_482 = vector.shape_cast %get3A_481 : vector<1x16xi32> to vector<16xi32>
      %add3A_483 = arith.addi %mul3A_477, %get3A_482 : vector<16xi32>
      %swap3A_484 = arith.constant 2 : i32
      %swap3A_485 = arith.index_cast %swap3A_484 : i32 to index
      %swap3A_486 = arith.constant 80 : index
      %swap3A_487 = tpu.vector_load %arg9[%swap3A_485, %swap3A_486] {strides = array<i32>} : memref<8x128xi32, #tpu.memory_space<vmem>>, vector<1x16xi32>,
      %swap3A_488 = vector.shape_cast %swap3A_487 : vector<1x16xi32> to vector<16xi32>
      %swap3A_489 = vector.shape_cast %add3A_483 : vector<16xi32> to vector<1x16xi32>
      tpu.vector_store %arg9[%swap3A_485, %swap3A_486], %swap3A_489 {strides = array<i32>} : memref<8x128xi32, #tpu.memory_space<vmem>>, vector<1x16xi32>,
      %get3A_490 = arith.constant 2 : i32
      %get3A_491 = arith.index_cast %get3A_490 : i32 to index
      %get3A_492 = arith.constant 96 : index
      %get3A_493 = tpu.vector_load %arg8[%get3A_491, %get3A_492] {strides = array<i32>} : memref<8x128xi32, #tpu.memory_space<vmem>>, vector<1x16xi32>,
      %get3A_494 = vector.shape_cast %get3A_493 : vector<1x16xi32> to vector<16xi32>
      %mul3A_495 = arith.constant 10000 : i32
      %mul3A_496 = vector.broadcast %mul3A_495 : i32 to vector<16xi32>
      %mul3A_497 = arith.muli %get3A_494, %mul3A_496 : vector<16xi32>
      %get3A_498 = arith.constant 2 : i32
      %get3A_499 = arith.index_cast %get3A_498 : i32 to index
      %get3A_500 = arith.constant 96 : index
      %get3A_501 = tpu.vector_load %arg7[%get3A_499, %get3A_500] {strides = array<i32>} : memref<8x128xi32, #tpu.memory_space<vmem>>, vector<1x16xi32>,
      %get3A_502 = vector.shape_cast %get3A_501 : vector<1x16xi32> to vector<16xi32>
      %add3A_503 = arith.addi %mul3A_497, %get3A_502 : vector<16xi32>
      %swap3A_504 = arith.constant 2 : i32
      %swap3A_505 = arith.index_cast %swap3A_504 : i32 to index
      %swap3A_506 = arith.constant 96 : index
      %swap3A_507 = tpu.vector_load %arg9[%swap3A_505, %swap3A_506] {strides = array<i32>} : memref<8x128xi32, #tpu.memory_space<vmem>>, vector<1x16xi32>,
      %swap3A_508 = vector.shape_cast %swap3A_507 : vector<1x16xi32> to vector<16xi32>
      %swap3A_509 = vector.shape_cast %add3A_503 : vector<16xi32> to vector<1x16xi32>
      tpu.vector_store %arg9[%swap3A_505, %swap3A_506], %swap3A_509 {strides = array<i32>} : memref<8x128xi32, #tpu.memory_space<vmem>>, vector<1x16xi32>,
      %get3A_510 = arith.constant 2 : i32
      %get3A_511 = arith.index_cast %get3A_510 : i32 to index
      %get3A_512 = arith.constant 112 : index
      %get3A_513 = tpu.vector_load %arg8[%get3A_511, %get3A_512] {strides = array<i32>} : memref<8x128xi32, #tpu.memory_space<vmem>>, vector<1x16xi32>,
      %get3A_514 = vector.shape_cast %get3A_513 : vector<1x16xi32> to vector<16xi32>
      %mul3A_515 = arith.constant 10000 : i32
      %mul3A_516 = vector.broadcast %mul3A_515 : i32 to vector<16xi32>
      %mul3A_517 = arith.muli %get3A_514, %mul3A_516 : vector<16xi32>
      %get3A_518 = arith.constant 2 : i32
      %get3A_519 = arith.index_cast %get3A_518 : i32 to index
      %get3A_520 = arith.constant 112 : index
      %get3A_521 = tpu.vector_load %arg7[%get3A_519, %get3A_520] {strides = array<i32>} : memref<8x128xi32, #tpu.memory_space<vmem>>, vector<1x16xi32>,
      %get3A_522 = vector.shape_cast %get3A_521 : vector<1x16xi32> to vector<16xi32>
      %add3A_523 = arith.addi %mul3A_517, %get3A_522 : vector<16xi32>
      %swap3A_524 = arith.constant 2 : i32
      %swap3A_525 = arith.index_cast %swap3A_524 : i32 to index
      %swap3A_526 = arith.constant 112 : index
      %swap3A_527 = tpu.vector_load %arg9[%swap3A_525, %swap3A_526] {strides = array<i32>} : memref<8x128xi32, #tpu.memory_space<vmem>>, vector<1x16xi32>,
      %swap3A_528 = vector.shape_cast %swap3A_527 : vector<1x16xi32> to vector<16xi32>
      %swap3A_529 = vector.shape_cast %add3A_523 : vector<16xi32> to vector<1x16xi32>
      tpu.vector_store %arg9[%swap3A_525, %swap3A_526], %swap3A_529 {strides = array<i32>} : memref<8x128xi32, #tpu.memory_space<vmem>>, vector<1x16xi32>,
      %get3A_530 = arith.constant 3 : i32
      %get3A_531 = arith.index_cast %get3A_530 : i32 to index
      %get3A_532 = arith.constant 0 : index
      %get3A_533 = tpu.vector_load %arg8[%get3A_531, %get3A_532] {strides = array<i32>} : memref<8x128xi32, #tpu.memory_space<vmem>>, vector<1x16xi32>,
      %get3A_534 = vector.shape_cast %get3A_533 : vector<1x16xi32> to vector<16xi32>
      %mul3A_535 = arith.constant 10000 : i32
      %mul3A_536 = vector.broadcast %mul3A_535 : i32 to vector<16xi32>
      %mul3A_537 = arith.muli %get3A_534, %mul3A_536 : vector<16xi32>
      %get3A_538 = arith.constant 3 : i32
      %get3A_539 = arith.index_cast %get3A_538 : i32 to index
      %get3A_540 = arith.constant 0 : index
      %get3A_541 = tpu.vector_load %arg7[%get3A_539, %get3A_540] {strides = array<i32>} : memref<8x128xi32, #tpu.memory_space<vmem>>, vector<1x16xi32>,
      %get3A_542 = vector.shape_cast %get3A_541 : vector<1x16xi32> to vector<16xi32>
      %add3A_543 = arith.addi %mul3A_537, %get3A_542 : vector<16xi32>
      %swap3A_544 = arith.constant 3 : i32
      %swap3A_545 = arith.index_cast %swap3A_544 : i32 to index
      %swap3A_546 = arith.constant 0 : index
      %swap3A_547 = tpu.vector_load %arg9[%swap3A_545, %swap3A_546] {strides = array<i32>} : memref<8x128xi32, #tpu.memory_space<vmem>>, vector<1x16xi32>,
      %swap3A_548 = vector.shape_cast %swap3A_547 : vector<1x16xi32> to vector<16xi32>
      %swap3A_549 = vector.shape_cast %add3A_543 : vector<16xi32> to vector<1x16xi32>
      tpu.vector_store %arg9[%swap3A_545, %swap3A_546], %swap3A_549 {strides = array<i32>} : memref<8x128xi32, #tpu.memory_space<vmem>>, vector<1x16xi32>,
      %get3A_550 = arith.constant 3 : i32
      %get3A_551 = arith.index_cast %get3A_550 : i32 to index
      %get3A_552 = arith.constant 16 : index
      %get3A_553 = tpu.vector_load %arg8[%get3A_551, %get3A_552] {strides = array<i32>} : memref<8x128xi32, #tpu.memory_space<vmem>>, vector<1x16xi32>,
      %get3A_554 = vector.shape_cast %get3A_553 : vector<1x16xi32> to vector<16xi32>
      %mul3A_555 = arith.constant 10000 : i32
      %mul3A_556 = vector.broadcast %mul3A_555 : i32 to vector<16xi32>
      %mul3A_557 = arith.muli %get3A_554, %mul3A_556 : vector<16xi32>
      %get3A_558 = arith.constant 3 : i32
      %get3A_559 = arith.index_cast %get3A_558 : i32 to index
      %get3A_560 = arith.constant 16 : index
      %get3A_561 = tpu.vector_load %arg7[%get3A_559, %get3A_560] {strides = array<i32>} : memref<8x128xi32, #tpu.memory_space<vmem>>, vector<1x16xi32>,
      %get3A_562 = vector.shape_cast %get3A_561 : vector<1x16xi32> to vector<16xi32>
      %add3A_563 = arith.addi %mul3A_557, %get3A_562 : vector<16xi32>
      %swap3A_564 = arith.constant 3 : i32
      %swap3A_565 = arith.index_cast %swap3A_564 : i32 to index
      %swap3A_566 = arith.constant 16 : index
      %swap3A_567 = tpu.vector_load %arg9[%swap3A_565, %swap3A_566] {strides = array<i32>} : memref<8x128xi32, #tpu.memory_space<vmem>>, vector<1x16xi32>,
      %swap3A_568 = vector.shape_cast %swap3A_567 : vector<1x16xi32> to vector<16xi32>
      %swap3A_569 = vector.shape_cast %add3A_563 : vector<16xi32> to vector<1x16xi32>
      tpu.vector_store %arg9[%swap3A_565, %swap3A_566], %swap3A_569 {strides = array<i32>} : memref<8x128xi32, #tpu.memory_space<vmem>>, vector<1x16xi32>,
      %get3A_570 = arith.constant 3 : i32
      %get3A_571 = arith.index_cast %get3A_570 : i32 to index
      %get3A_572 = arith.constant 32 : index
      %get3A_573 = tpu.vector_load %arg8[%get3A_571, %get3A_572] {strides = array<i32>} : memref<8x128xi32, #tpu.memory_space<vmem>>, vector<1x16xi32>,
      %get3A_574 = vector.shape_cast %get3A_573 : vector<1x16xi32> to vector<16xi32>
      %mul3A_575 = arith.constant 10000 : i32
      %mul3A_576 = vector.broadcast %mul3A_575 : i32 to vector<16xi32>
      %mul3A_577 = arith.muli %get3A_574, %mul3A_576 : vector<16xi32>
      %get3A_578 = arith.constant 3 : i32
      %get3A_579 = arith.index_cast %get3A_578 : i32 to index
      %get3A_580 = arith.constant 32 : index
      %get3A_581 = tpu.vector_load %arg7[%get3A_579, %get3A_580] {strides = array<i32>} : memref<8x128xi32, #tpu.memory_space<vmem>>, vector<1x16xi32>,
      %get3A_582 = vector.shape_cast %get3A_581 : vector<1x16xi32> to vector<16xi32>
      %add3A_583 = arith.addi %mul3A_577, %get3A_582 : vector<16xi32>
      %swap3A_584 = arith.constant 3 : i32
      %swap3A_585 = arith.index_cast %swap3A_584 : i32 to index
      %swap3A_586 = arith.constant 32 : index
      %swap3A_587 = tpu.vector_load %arg9[%swap3A_585, %swap3A_586] {strides = array<i32>} : memref<8x128xi32, #tpu.memory_space<vmem>>, vector<1x16xi32>,
      %swap3A_588 = vector.shape_cast %swap3A_587 : vector<1x16xi32> to vector<16xi32>
      %swap3A_589 = vector.shape_cast %add3A_583 : vector<16xi32> to vector<1x16xi32>
      tpu.vector_store %arg9[%swap3A_585, %swap3A_586], %swap3A_589 {strides = array<i32>} : memref<8x128xi32, #tpu.memory_space<vmem>>, vector<1x16xi32>,
      %get3A_590 = arith.constant 3 : i32
      %get3A_591 = arith.index_cast %get3A_590 : i32 to index
      %get3A_592 = arith.constant 48 : index
      %get3A_593 = tpu.vector_load %arg8[%get3A_591, %get3A_592] {strides = array<i32>} : memref<8x128xi32, #tpu.memory_space<vmem>>, vector<1x16xi32>,
      %get3A_594 = vector.shape_cast %get3A_593 : vector<1x16xi32> to vector<16xi32>
      %mul3A_595 = arith.constant 10000 : i32
      %mul3A_596 = vector.broadcast %mul3A_595 : i32 to vector<16xi32>
      %mul3A_597 = arith.muli %get3A_594, %mul3A_596 : vector<16xi32>
      %get3A_598 = arith.constant 3 : i32
      %get3A_599 = arith.index_cast %get3A_598 : i32 to index
      %get3A_600 = arith.constant 48 : index
      %get3A_601 = tpu.vector_load %arg7[%get3A_599, %get3A_600] {strides = array<i32>} : memref<8x128xi32, #tpu.memory_space<vmem>>, vector<1x16xi32>,
      %get3A_602 = vector.shape_cast %get3A_601 : vector<1x16xi32> to vector<16xi32>
      %add3A_603 = arith.addi %mul3A_597, %get3A_602 : vector<16xi32>
      %swap3A_604 = arith.constant 3 : i32
      %swap3A_605 = arith.index_cast %swap3A_604 : i32 to index
      %swap3A_606 = arith.constant 48 : index
      %swap3A_607 = tpu.vector_load %arg9[%swap3A_605, %swap3A_606] {strides = array<i32>} : memref<8x128xi32, #tpu.memory_space<vmem>>, vector<1x16xi32>,
      %swap3A_608 = vector.shape_cast %swap3A_607 : vector<1x16xi32> to vector<16xi32>
      %swap3A_609 = vector.shape_cast %add3A_603 : vector<16xi32> to vector<1x16xi32>
      tpu.vector_store %arg9[%swap3A_605, %swap3A_606], %swap3A_609 {strides = array<i32>} : memref<8x128xi32, #tpu.memory_space<vmem>>, vector<1x16xi32>,
      %get3A_610 = arith.constant 3 : i32
      %get3A_611 = arith.index_cast %get3A_610 : i32 to index
      %get3A_612 = arith.constant 64 : index
      %get3A_613 = tpu.vector_load %arg8[%get3A_611, %get3A_612] {strides = array<i32>} : memref<8x128xi32, #tpu.memory_space<vmem>>, vector<1x16xi32>,
      %get3A_614 = vector.shape_cast %get3A_613 : vector<1x16xi32> to vector<16xi32>
      %mul3A_615 = arith.constant 10000 : i32
      %mul3A_616 = vector.broadcast %mul3A_615 : i32 to vector<16xi32>
      %mul3A_617 = arith.muli %get3A_614, %mul3A_616 : vector<16xi32>
      %get3A_618 = arith.constant 3 : i32
      %get3A_619 = arith.index_cast %get3A_618 : i32 to index
      %get3A_620 = arith.constant 64 : index
      %get3A_621 = tpu.vector_load %arg7[%get3A_619, %get3A_620] {strides = array<i32>} : memref<8x128xi32, #tpu.memory_space<vmem>>, vector<1x16xi32>,
      %get3A_622 = vector.shape_cast %get3A_621 : vector<1x16xi32> to vector<16xi32>
      %add3A_623 = arith.addi %mul3A_617, %get3A_622 : vector<16xi32>
      %swap3A_624 = arith.constant 3 : i32
      %swap3A_625 = arith.index_cast %swap3A_624 : i32 to index
      %swap3A_626 = arith.constant 64 : index
      %swap3A_627 = tpu.vector_load %arg9[%swap3A_625, %swap3A_626] {strides = array<i32>} : memref<8x128xi32, #tpu.memory_space<vmem>>, vector<1x16xi32>,
      %swap3A_628 = vector.shape_cast %swap3A_627 : vector<1x16xi32> to vector<16xi32>
      %swap3A_629 = vector.shape_cast %add3A_623 : vector<16xi32> to vector<1x16xi32>
      tpu.vector_store %arg9[%swap3A_625, %swap3A_626], %swap3A_629 {strides = array<i32>} : memref<8x128xi32, #tpu.memory_space<vmem>>, vector<1x16xi32>,
      %get3A_630 = arith.constant 3 : i32
      %get3A_631 = arith.index_cast %get3A_630 : i32 to index
      %get3A_632 = arith.constant 80 : index
      %get3A_633 = tpu.vector_load %arg8[%get3A_631, %get3A_632] {strides = array<i32>} : memref<8x128xi32, #tpu.memory_space<vmem>>, vector<1x16xi32>,
      %get3A_634 = vector.shape_cast %get3A_633 : vector<1x16xi32> to vector<16xi32>
      %mul3A_635 = arith.constant 10000 : i32
      %mul3A_636 = vector.broadcast %mul3A_635 : i32 to vector<16xi32>
      %mul3A_637 = arith.muli %get3A_634, %mul3A_636 : vector<16xi32>
      %get3A_638 = arith.constant 3 : i32
      %get3A_639 = arith.index_cast %get3A_638 : i32 to index
      %get3A_640 = arith.constant 80 : index
      %get3A_641 = tpu.vector_load %arg7[%get3A_639, %get3A_640] {strides = array<i32>} : memref<8x128xi32, #tpu.memory_space<vmem>>, vector<1x16xi32>,
      %get3A_642 = vector.shape_cast %get3A_641 : vector<1x16xi32> to vector<16xi32>
      %add3A_643 = arith.addi %mul3A_637, %get3A_642 : vector<16xi32>
      %swap3A_644 = arith.constant 3 : i32
      %swap3A_645 = arith.index_cast %swap3A_644 : i32 to index
      %swap3A_646 = arith.constant 80 : index
      %swap3A_647 = tpu.vector_load %arg9[%swap3A_645, %swap3A_646] {strides = array<i32>} : memref<8x128xi32, #tpu.memory_space<vmem>>, vector<1x16xi32>,
      %swap3A_648 = vector.shape_cast %swap3A_647 : vector<1x16xi32> to vector<16xi32>
      %swap3A_649 = vector.shape_cast %add3A_643 : vector<16xi32> to vector<1x16xi32>
      tpu.vector_store %arg9[%swap3A_645, %swap3A_646], %swap3A_649 {strides = array<i32>} : memref<8x128xi32, #tpu.memory_space<vmem>>, vector<1x16xi32>,
      %get3A_650 = arith.constant 3 : i32
      %get3A_651 = arith.index_cast %get3A_650 : i32 to index
      %get3A_652 = arith.constant 96 : index
      %get3A_653 = tpu.vector_load %arg8[%get3A_651, %get3A_652] {strides = array<i32>} : memref<8x128xi32, #tpu.memory_space<vmem>>, vector<1x16xi32>,
      %get3A_654 = vector.shape_cast %get3A_653 : vector<1x16xi32> to vector<16xi32>
      %mul3A_655 = arith.constant 10000 : i32
      %mul3A_656 = vector.broadcast %mul3A_655 : i32 to vector<16xi32>
      %mul3A_657 = arith.muli %get3A_654, %mul3A_656 : vector<16xi32>
      %get3A_658 = arith.constant 3 : i32
      %get3A_659 = arith.index_cast %get3A_658 : i32 to index
      %get3A_660 = arith.constant 96 : index
      %get3A_661 = tpu.vector_load %arg7[%get3A_659, %get3A_660] {strides = array<i32>} : memref<8x128xi32, #tpu.memory_space<vmem>>, vector<1x16xi32>,
      %get3A_662 = vector.shape_cast %get3A_661 : vector<1x16xi32> to vector<16xi32>
      %add3A_663 = arith.addi %mul3A_657, %get3A_662 : vector<16xi32>
      %swap3A_664 = arith.constant 3 : i32
      %swap3A_665 = arith.index_cast %swap3A_664 : i32 to index
      %swap3A_666 = arith.constant 96 : index
      %swap3A_667 = tpu.vector_load %arg9[%swap3A_665, %swap3A_666] {strides = array<i32>} : memref<8x128xi32, #tpu.memory_space<vmem>>, vector<1x16xi32>,
      %swap3A_668 = vector.shape_cast %swap3A_667 : vector<1x16xi32> to vector<16xi32>
      %swap3A_669 = vector.shape_cast %add3A_663 : vector<16xi32> to vector<1x16xi32>
      tpu.vector_store %arg9[%swap3A_665, %swap3A_666], %swap3A_669 {strides = array<i32>} : memref<8x128xi32, #tpu.memory_space<vmem>>, vector<1x16xi32>,
      %get3A_670 = arith.constant 3 : i32
      %get3A_671 = arith.index_cast %get3A_670 : i32 to index
      %get3A_672 = arith.constant 112 : index
      %get3A_673 = tpu.vector_load %arg8[%get3A_671, %get3A_672] {strides = array<i32>} : memref<8x128xi32, #tpu.memory_space<vmem>>, vector<1x16xi32>,
      %get3A_674 = vector.shape_cast %get3A_673 : vector<1x16xi32> to vector<16xi32>
      %mul3A_675 = arith.constant 10000 : i32
      %mul3A_676 = vector.broadcast %mul3A_675 : i32 to vector<16xi32>
      %mul3A_677 = arith.muli %get3A_674, %mul3A_676 : vector<16xi32>
      %get3A_678 = arith.constant 3 : i32
      %get3A_679 = arith.index_cast %get3A_678 : i32 to index
      %get3A_680 = arith.constant 112 : index
      %get3A_681 = tpu.vector_load %arg7[%get3A_679, %get3A_680] {strides = array<i32>} : memref<8x128xi32, #tpu.memory_space<vmem>>, vector<1x16xi32>,
      %get3A_682 = vector.shape_cast %get3A_681 : vector<1x16xi32> to vector<16xi32>
      %add3A_683 = arith.addi %mul3A_677, %get3A_682 : vector<16xi32>
      %swap3A_684 = arith.constant 3 : i32
      %swap3A_685 = arith.index_cast %swap3A_684 : i32 to index
      %swap3A_686 = arith.constant 112 : index
      %swap3A_687 = tpu.vector_load %arg9[%swap3A_685, %swap3A_686] {strides = array<i32>} : memref<8x128xi32, #tpu.memory_space<vmem>>, vector<1x16xi32>,
      %swap3A_688 = vector.shape_cast %swap3A_687 : vector<1x16xi32> to vector<16xi32>
      %swap3A_689 = vector.shape_cast %add3A_683 : vector<16xi32> to vector<1x16xi32>
      tpu.vector_store %arg9[%swap3A_685, %swap3A_686], %swap3A_689 {strides = array<i32>} : memref<8x128xi32, #tpu.memory_space<vmem>>, vector<1x16xi32>,
      %get3A_690 = arith.constant 4 : i32
      %get3A_691 = arith.index_cast %get3A_690 : i32 to index
      %get3A_692 = arith.constant 0 : index
      %get3A_693 = tpu.vector_load %arg8[%get3A_691, %get3A_692] {strides = array<i32>} : memref<8x128xi32, #tpu.memory_space<vmem>>, vector<1x16xi32>,
      %get3A_694 = vector.shape_cast %get3A_693 : vector<1x16xi32> to vector<16xi32>
      %mul3A_695 = arith.constant 10000 : i32
      %mul3A_696 = vector.broadcast %mul3A_695 : i32 to vector<16xi32>
      %mul3A_697 = arith.muli %get3A_694, %mul3A_696 : vector<16xi32>
      %get3A_698 = arith.constant 4 : i32
      %get3A_699 = arith.index_cast %get3A_698 : i32 to index
      %get3A_700 = arith.constant 0 : index
      %get3A_701 = tpu.vector_load %arg7[%get3A_699, %get3A_700] {strides = array<i32>} : memref<8x128xi32, #tpu.memory_space<vmem>>, vector<1x16xi32>,
      %get3A_702 = vector.shape_cast %get3A_701 : vector<1x16xi32> to vector<16xi32>
      %add3A_703 = arith.addi %mul3A_697, %get3A_702 : vector<16xi32>
      %swap3A_704 = arith.constant 4 : i32
      %swap3A_705 = arith.index_cast %swap3A_704 : i32 to index
      %swap3A_706 = arith.constant 0 : index
      %swap3A_707 = tpu.vector_load %arg9[%swap3A_705, %swap3A_706] {strides = array<i32>} : memref<8x128xi32, #tpu.memory_space<vmem>>, vector<1x16xi32>,
      %swap3A_708 = vector.shape_cast %swap3A_707 : vector<1x16xi32> to vector<16xi32>
      %swap3A_709 = vector.shape_cast %add3A_703 : vector<16xi32> to vector<1x16xi32>
      tpu.vector_store %arg9[%swap3A_705, %swap3A_706], %swap3A_709 {strides = array<i32>} : memref<8x128xi32, #tpu.memory_space<vmem>>, vector<1x16xi32>,
      %get3A_710 = arith.constant 4 : i32
      %get3A_711 = arith.index_cast %get3A_710 : i32 to index
      %get3A_712 = arith.constant 16 : index
      %get3A_713 = tpu.vector_load %arg8[%get3A_711, %get3A_712] {strides = array<i32>} : memref<8x128xi32, #tpu.memory_space<vmem>>, vector<1x16xi32>,
      %get3A_714 = vector.shape_cast %get3A_713 : vector<1x16xi32> to vector<16xi32>
      %mul3A_715 = arith.constant 10000 : i32
      %mul3A_716 = vector.broadcast %mul3A_715 : i32 to vector<16xi32>
      %mul3A_717 = arith.muli %get3A_714, %mul3A_716 : vector<16xi32>
      %get3A_718 = arith.constant 4 : i32
      %get3A_719 = arith.index_cast %get3A_718 : i32 to index
      %get3A_720 = arith.constant 16 : index
      %get3A_721 = tpu.vector_load %arg7[%get3A_719, %get3A_720] {strides = array<i32>} : memref<8x128xi32, #tpu.memory_space<vmem>>, vector<1x16xi32>,
      %get3A_722 = vector.shape_cast %get3A_721 : vector<1x16xi32> to vector<16xi32>
      %add3A_723 = arith.addi %mul3A_717, %get3A_722 : vector<16xi32>
      %swap3A_724 = arith.constant 4 : i32
      %swap3A_725 = arith.index_cast %swap3A_724 : i32 to index
      %swap3A_726 = arith.constant 16 : index
      %swap3A_727 = tpu.vector_load %arg9[%swap3A_725, %swap3A_726] {strides = array<i32>} : memref<8x128xi32, #tpu.memory_space<vmem>>, vector<1x16xi32>,
      %swap3A_728 = vector.shape_cast %swap3A_727 : vector<1x16xi32> to vector<16xi32>
      %swap3A_729 = vector.shape_cast %add3A_723 : vector<16xi32> to vector<1x16xi32>
      tpu.vector_store %arg9[%swap3A_725, %swap3A_726], %swap3A_729 {strides = array<i32>} : memref<8x128xi32, #tpu.memory_space<vmem>>, vector<1x16xi32>,
      %get3A_730 = arith.constant 4 : i32
      %get3A_731 = arith.index_cast %get3A_730 : i32 to index
      %get3A_732 = arith.constant 32 : index
      %get3A_733 = tpu.vector_load %arg8[%get3A_731, %get3A_732] {strides = array<i32>} : memref<8x128xi32, #tpu.memory_space<vmem>>, vector<1x16xi32>,
      %get3A_734 = vector.shape_cast %get3A_733 : vector<1x16xi32> to vector<16xi32>
      %mul3A_735 = arith.constant 10000 : i32
      %mul3A_736 = vector.broadcast %mul3A_735 : i32 to vector<16xi32>
      %mul3A_737 = arith.muli %get3A_734, %mul3A_736 : vector<16xi32>
      %get3A_738 = arith.constant 4 : i32
      %get3A_739 = arith.index_cast %get3A_738 : i32 to index
      %get3A_740 = arith.constant 32 : index
      %get3A_741 = tpu.vector_load %arg7[%get3A_739, %get3A_740] {strides = array<i32>} : memref<8x128xi32, #tpu.memory_space<vmem>>, vector<1x16xi32>,
      %get3A_742 = vector.shape_cast %get3A_741 : vector<1x16xi32> to vector<16xi32>
      %add3A_743 = arith.addi %mul3A_737, %get3A_742 : vector<16xi32>
      %swap3A_744 = arith.constant 4 : i32
      %swap3A_745 = arith.index_cast %swap3A_744 : i32 to index
      %swap3A_746 = arith.constant 32 : index
      %swap3A_747 = tpu.vector_load %arg9[%swap3A_745, %swap3A_746] {strides = array<i32>} : memref<8x128xi32, #tpu.memory_space<vmem>>, vector<1x16xi32>,
      %swap3A_748 = vector.shape_cast %swap3A_747 : vector<1x16xi32> to vector<16xi32>
      %swap3A_749 = vector.shape_cast %add3A_743 : vector<16xi32> to vector<1x16xi32>
      tpu.vector_store %arg9[%swap3A_745, %swap3A_746], %swap3A_749 {strides = array<i32>} : memref<8x128xi32, #tpu.memory_space<vmem>>, vector<1x16xi32>,
      %get3A_750 = arith.constant 4 : i32
      %get3A_751 = arith.index_cast %get3A_750 : i32 to index
      %get3A_752 = arith.constant 48 : index
      %get3A_753 = tpu.vector_load %arg8[%get3A_751, %get3A_752] {strides = array<i32>} : memref<8x128xi32, #tpu.memory_space<vmem>>, vector<1x16xi32>,
      %get3A_754 = vector.shape_cast %get3A_753 : vector<1x16xi32> to vector<16xi32>
      %mul3A_755 = arith.constant 10000 : i32
      %mul3A_756 = vector.broadcast %mul3A_755 : i32 to vector<16xi32>
      %mul3A_757 = arith.muli %get3A_754, %mul3A_756 : vector<16xi32>
      %get3A_758 = arith.constant 4 : i32
      %get3A_759 = arith.index_cast %get3A_758 : i32 to index
      %get3A_760 = arith.constant 48 : index
      %get3A_761 = tpu.vector_load %arg7[%get3A_759, %get3A_760] {strides = array<i32>} : memref<8x128xi32, #tpu.memory_space<vmem>>, vector<1x16xi32>,
      %get3A_762 = vector.shape_cast %get3A_761 : vector<1x16xi32> to vector<16xi32>
      %add3A_763 = arith.addi %mul3A_757, %get3A_762 : vector<16xi32>
      %swap3A_764 = arith.constant 4 : i32
      %swap3A_765 = arith.index_cast %swap3A_764 : i32 to index
      %swap3A_766 = arith.constant 48 : index
      %swap3A_767 = tpu.vector_load %arg9[%swap3A_765, %swap3A_766] {strides = array<i32>} : memref<8x128xi32, #tpu.memory_space<vmem>>, vector<1x16xi32>,
      %swap3A_768 = vector.shape_cast %swap3A_767 : vector<1x16xi32> to vector<16xi32>
      %swap3A_769 = vector.shape_cast %add3A_763 : vector<16xi32> to vector<1x16xi32>
      tpu.vector_store %arg9[%swap3A_765, %swap3A_766], %swap3A_769 {strides = array<i32>} : memref<8x128xi32, #tpu.memory_space<vmem>>, vector<1x16xi32>,
      %get3A_770 = arith.constant 4 : i32
      %get3A_771 = arith.index_cast %get3A_770 : i32 to index
      %get3A_772 = arith.constant 64 : index
      %get3A_773 = tpu.vector_load %arg8[%get3A_771, %get3A_772] {strides = array<i32>} : memref<8x128xi32, #tpu.memory_space<vmem>>, vector<1x16xi32>,
      %get3A_774 = vector.shape_cast %get3A_773 : vector<1x16xi32> to vector<16xi32>
      %mul3A_775 = arith.constant 10000 : i32
      %mul3A_776 = vector.broadcast %mul3A_775 : i32 to vector<16xi32>
      %mul3A_777 = arith.muli %get3A_774, %mul3A_776 : vector<16xi32>
      %get3A_778 = arith.constant 4 : i32
      %get3A_779 = arith.index_cast %get3A_778 : i32 to index
      %get3A_780 = arith.constant 64 : index
      %get3A_781 = tpu.vector_load %arg7[%get3A_779, %get3A_780] {strides = array<i32>} : memref<8x128xi32, #tpu.memory_space<vmem>>, vector<1x16xi32>,
      %get3A_782 = vector.shape_cast %get3A_781 : vector<1x16xi32> to vector<16xi32>
      %add3A_783 = arith.addi %mul3A_777, %get3A_782 : vector<16xi32>
      %swap3A_784 = arith.constant 4 : i32
      %swap3A_785 = arith.index_cast %swap3A_784 : i32 to index
      %swap3A_786 = arith.constant 64 : index
      %swap3A_787 = tpu.vector_load %arg9[%swap3A_785, %swap3A_786] {strides = array<i32>} : memref<8x128xi32, #tpu.memory_space<vmem>>, vector<1x16xi32>,
      %swap3A_788 = vector.shape_cast %swap3A_787 : vector<1x16xi32> to vector<16xi32>
      %swap3A_789 = vector.shape_cast %add3A_783 : vector<16xi32> to vector<1x16xi32>
      tpu.vector_store %arg9[%swap3A_785, %swap3A_786], %swap3A_789 {strides = array<i32>} : memref<8x128xi32, #tpu.memory_space<vmem>>, vector<1x16xi32>,
      %get3A_790 = arith.constant 4 : i32
      %get3A_791 = arith.index_cast %get3A_790 : i32 to index
      %get3A_792 = arith.constant 80 : index
      %get3A_793 = tpu.vector_load %arg8[%get3A_791, %get3A_792] {strides = array<i32>} : memref<8x128xi32, #tpu.memory_space<vmem>>, vector<1x16xi32>,
      %get3A_794 = vector.shape_cast %get3A_793 : vector<1x16xi32> to vector<16xi32>
      %mul3A_795 = arith.constant 10000 : i32
      %mul3A_796 = vector.broadcast %mul3A_795 : i32 to vector<16xi32>
      %mul3A_797 = arith.muli %get3A_794, %mul3A_796 : vector<16xi32>
      %get3A_798 = arith.constant 4 : i32
      %get3A_799 = arith.index_cast %get3A_798 : i32 to index
      %get3A_800 = arith.constant 80 : index
      %get3A_801 = tpu.vector_load %arg7[%get3A_799, %get3A_800] {strides = array<i32>} : memref<8x128xi32, #tpu.memory_space<vmem>>, vector<1x16xi32>,
      %get3A_802 = vector.shape_cast %get3A_801 : vector<1x16xi32> to vector<16xi32>
      %add3A_803 = arith.addi %mul3A_797, %get3A_802 : vector<16xi32>
      %swap3A_804 = arith.constant 4 : i32
      %swap3A_805 = arith.index_cast %swap3A_804 : i32 to index
      %swap3A_806 = arith.constant 80 : index
      %swap3A_807 = tpu.vector_load %arg9[%swap3A_805, %swap3A_806] {strides = array<i32>} : memref<8x128xi32, #tpu.memory_space<vmem>>, vector<1x16xi32>,
      %swap3A_808 = vector.shape_cast %swap3A_807 : vector<1x16xi32> to vector<16xi32>
      %swap3A_809 = vector.shape_cast %add3A_803 : vector<16xi32> to vector<1x16xi32>
      tpu.vector_store %arg9[%swap3A_805, %swap3A_806], %swap3A_809 {strides = array<i32>} : memref<8x128xi32, #tpu.memory_space<vmem>>, vector<1x16xi32>,
      %get3A_810 = arith.constant 4 : i32
      %get3A_811 = arith.index_cast %get3A_810 : i32 to index
      %get3A_812 = arith.constant 96 : index
      %get3A_813 = tpu.vector_load %arg8[%get3A_811, %get3A_812] {strides = array<i32>} : memref<8x128xi32, #tpu.memory_space<vmem>>, vector<1x16xi32>,
      %get3A_814 = vector.shape_cast %get3A_813 : vector<1x16xi32> to vector<16xi32>
      %mul3A_815 = arith.constant 10000 : i32
      %mul3A_816 = vector.broadcast %mul3A_815 : i32 to vector<16xi32>
      %mul3A_817 = arith.muli %get3A_814, %mul3A_816 : vector<16xi32>
      %get3A_818 = arith.constant 4 : i32
      %get3A_819 = arith.index_cast %get3A_818 : i32 to index
      %get3A_820 = arith.constant 96 : index
      %get3A_821 = tpu.vector_load %arg7[%get3A_819, %get3A_820] {strides = array<i32>} : memref<8x128xi32, #tpu.memory_space<vmem>>, vector<1x16xi32>,
      %get3A_822 = vector.shape_cast %get3A_821 : vector<1x16xi32> to vector<16xi32>
      %add3A_823 = arith.addi %mul3A_817, %get3A_822 : vector<16xi32>
      %swap3A_824 = arith.constant 4 : i32
      %swap3A_825 = arith.index_cast %swap3A_824 : i32 to index
      %swap3A_826 = arith.constant 96 : index
      %swap3A_827 = tpu.vector_load %arg9[%swap3A_825, %swap3A_826] {strides = array<i32>} : memref<8x128xi32, #tpu.memory_space<vmem>>, vector<1x16xi32>,
      %swap3A_828 = vector.shape_cast %swap3A_827 : vector<1x16xi32> to vector<16xi32>
      %swap3A_829 = vector.shape_cast %add3A_823 : vector<16xi32> to vector<1x16xi32>
      tpu.vector_store %arg9[%swap3A_825, %swap3A_826], %swap3A_829 {strides = array<i32>} : memref<8x128xi32, #tpu.memory_space<vmem>>, vector<1x16xi32>,
      %get3A_830 = arith.constant 4 : i32
      %get3A_831 = arith.index_cast %get3A_830 : i32 to index
      %get3A_832 = arith.constant 112 : index
      %get3A_833 = tpu.vector_load %arg8[%get3A_831, %get3A_832] {strides = array<i32>} : memref<8x128xi32, #tpu.memory_space<vmem>>, vector<1x16xi32>,
      %get3A_834 = vector.shape_cast %get3A_833 : vector<1x16xi32> to vector<16xi32>
      %mul3A_835 = arith.constant 10000 : i32
      %mul3A_836 = vector.broadcast %mul3A_835 : i32 to vector<16xi32>
      %mul3A_837 = arith.muli %get3A_834, %mul3A_836 : vector<16xi32>
      %get3A_838 = arith.constant 4 : i32
      %get3A_839 = arith.index_cast %get3A_838 : i32 to index
      %get3A_840 = arith.constant 112 : index
      %get3A_841 = tpu.vector_load %arg7[%get3A_839, %get3A_840] {strides = array<i32>} : memref<8x128xi32, #tpu.memory_space<vmem>>, vector<1x16xi32>,
      %get3A_842 = vector.shape_cast %get3A_841 : vector<1x16xi32> to vector<16xi32>
      %add3A_843 = arith.addi %mul3A_837, %get3A_842 : vector<16xi32>
      %swap3A_844 = arith.constant 4 : i32
      %swap3A_845 = arith.index_cast %swap3A_844 : i32 to index
      %swap3A_846 = arith.constant 112 : index
      %swap3A_847 = tpu.vector_load %arg9[%swap3A_845, %swap3A_846] {strides = array<i32>} : memref<8x128xi32, #tpu.memory_space<vmem>>, vector<1x16xi32>,
      %swap3A_848 = vector.shape_cast %swap3A_847 : vector<1x16xi32> to vector<16xi32>
      %swap3A_849 = vector.shape_cast %add3A_843 : vector<16xi32> to vector<1x16xi32>
      tpu.vector_store %arg9[%swap3A_845, %swap3A_846], %swap3A_849 {strides = array<i32>} : memref<8x128xi32, #tpu.memory_space<vmem>>, vector<1x16xi32>,
      %get3A_850 = arith.constant 5 : i32
      %get3A_851 = arith.index_cast %get3A_850 : i32 to index
      %get3A_852 = arith.constant 0 : index
      %get3A_853 = tpu.vector_load %arg8[%get3A_851, %get3A_852] {strides = array<i32>} : memref<8x128xi32, #tpu.memory_space<vmem>>, vector<1x16xi32>,
      %get3A_854 = vector.shape_cast %get3A_853 : vector<1x16xi32> to vector<16xi32>
      %mul3A_855 = arith.constant 10000 : i32
      %mul3A_856 = vector.broadcast %mul3A_855 : i32 to vector<16xi32>
      %mul3A_857 = arith.muli %get3A_854, %mul3A_856 : vector<16xi32>
      %get3A_858 = arith.constant 5 : i32
      %get3A_859 = arith.index_cast %get3A_858 : i32 to index
      %get3A_860 = arith.constant 0 : index
      %get3A_861 = tpu.vector_load %arg7[%get3A_859, %get3A_860] {strides = array<i32>} : memref<8x128xi32, #tpu.memory_space<vmem>>, vector<1x16xi32>,
      %get3A_862 = vector.shape_cast %get3A_861 : vector<1x16xi32> to vector<16xi32>
      %add3A_863 = arith.addi %mul3A_857, %get3A_862 : vector<16xi32>
      %swap3A_864 = arith.constant 5 : i32
      %swap3A_865 = arith.index_cast %swap3A_864 : i32 to index
      %swap3A_866 = arith.constant 0 : index
      %swap3A_867 = tpu.vector_load %arg9[%swap3A_865, %swap3A_866] {strides = array<i32>} : memref<8x128xi32, #tpu.memory_space<vmem>>, vector<1x16xi32>,
      %swap3A_868 = vector.shape_cast %swap3A_867 : vector<1x16xi32> to vector<16xi32>
      %swap3A_869 = vector.shape_cast %add3A_863 : vector<16xi32> to vector<1x16xi32>
      tpu.vector_store %arg9[%swap3A_865, %swap3A_866], %swap3A_869 {strides = array<i32>} : memref<8x128xi32, #tpu.memory_space<vmem>>, vector<1x16xi32>,
      %get3A_870 = arith.constant 5 : i32
      %get3A_871 = arith.index_cast %get3A_870 : i32 to index
      %get3A_872 = arith.constant 16 : index
      %get3A_873 = tpu.vector_load %arg8[%get3A_871, %get3A_872] {strides = array<i32>} : memref<8x128xi32, #tpu.memory_space<vmem>>, vector<1x16xi32>,
      %get3A_874 = vector.shape_cast %get3A_873 : vector<1x16xi32> to vector<16xi32>
      %mul3A_875 = arith.constant 10000 : i32
      %mul3A_876 = vector.broadcast %mul3A_875 : i32 to vector<16xi32>
      %mul3A_877 = arith.muli %get3A_874, %mul3A_876 : vector<16xi32>
      %get3A_878 = arith.constant 5 : i32
      %get3A_879 = arith.index_cast %get3A_878 : i32 to index
      %get3A_880 = arith.constant 16 : index
      %get3A_881 = tpu.vector_load %arg7[%get3A_879, %get3A_880] {strides = array<i32>} : memref<8x128xi32, #tpu.memory_space<vmem>>, vector<1x16xi32>,
      %get3A_882 = vector.shape_cast %get3A_881 : vector<1x16xi32> to vector<16xi32>
      %add3A_883 = arith.addi %mul3A_877, %get3A_882 : vector<16xi32>
      %swap3A_884 = arith.constant 5 : i32
      %swap3A_885 = arith.index_cast %swap3A_884 : i32 to index
      %swap3A_886 = arith.constant 16 : index
      %swap3A_887 = tpu.vector_load %arg9[%swap3A_885, %swap3A_886] {strides = array<i32>} : memref<8x128xi32, #tpu.memory_space<vmem>>, vector<1x16xi32>,
      %swap3A_888 = vector.shape_cast %swap3A_887 : vector<1x16xi32> to vector<16xi32>
      %swap3A_889 = vector.shape_cast %add3A_883 : vector<16xi32> to vector<1x16xi32>
      tpu.vector_store %arg9[%swap3A_885, %swap3A_886], %swap3A_889 {strides = array<i32>} : memref<8x128xi32, #tpu.memory_space<vmem>>, vector<1x16xi32>,
      %get3A_890 = arith.constant 5 : i32
      %get3A_891 = arith.index_cast %get3A_890 : i32 to index
      %get3A_892 = arith.constant 32 : index
      %get3A_893 = tpu.vector_load %arg8[%get3A_891, %get3A_892] {strides = array<i32>} : memref<8x128xi32, #tpu.memory_space<vmem>>, vector<1x16xi32>,
      %get3A_894 = vector.shape_cast %get3A_893 : vector<1x16xi32> to vector<16xi32>
      %mul3A_895 = arith.constant 10000 : i32
      %mul3A_896 = vector.broadcast %mul3A_895 : i32 to vector<16xi32>
      %mul3A_897 = arith.muli %get3A_894, %mul3A_896 : vector<16xi32>
      %get3A_898 = arith.constant 5 : i32
      %get3A_899 = arith.index_cast %get3A_898 : i32 to index
      %get3A_900 = arith.constant 32 : index
      %get3A_901 = tpu.vector_load %arg7[%get3A_899, %get3A_900] {strides = array<i32>} : memref<8x128xi32, #tpu.memory_space<vmem>>, vector<1x16xi32>,
      %get3A_902 = vector.shape_cast %get3A_901 : vector<1x16xi32> to vector<16xi32>
      %add3A_903 = arith.addi %mul3A_897, %get3A_902 : vector<16xi32>
      %swap3A_904 = arith.constant 5 : i32
      %swap3A_905 = arith.index_cast %swap3A_904 : i32 to index
      %swap3A_906 = arith.constant 32 : index
      %swap3A_907 = tpu.vector_load %arg9[%swap3A_905, %swap3A_906] {strides = array<i32>} : memref<8x128xi32, #tpu.memory_space<vmem>>, vector<1x16xi32>,
      %swap3A_908 = vector.shape_cast %swap3A_907 : vector<1x16xi32> to vector<16xi32>
      %swap3A_909 = vector.shape_cast %add3A_903 : vector<16xi32> to vector<1x16xi32>
      tpu.vector_store %arg9[%swap3A_905, %swap3A_906], %swap3A_909 {strides = array<i32>} : memref<8x128xi32, #tpu.memory_space<vmem>>, vector<1x16xi32>,
      %get3A_910 = arith.constant 5 : i32
      %get3A_911 = arith.index_cast %get3A_910 : i32 to index
      %get3A_912 = arith.constant 48 : index
      %get3A_913 = tpu.vector_load %arg8[%get3A_911, %get3A_912] {strides = array<i32>} : memref<8x128xi32, #tpu.memory_space<vmem>>, vector<1x16xi32>,
      %get3A_914 = vector.shape_cast %get3A_913 : vector<1x16xi32> to vector<16xi32>
      %mul3A_915 = arith.constant 10000 : i32
      %mul3A_916 = vector.broadcast %mul3A_915 : i32 to vector<16xi32>
      %mul3A_917 = arith.muli %get3A_914, %mul3A_916 : vector<16xi32>
      %get3A_918 = arith.constant 5 : i32
      %get3A_919 = arith.index_cast %get3A_918 : i32 to index
      %get3A_920 = arith.constant 48 : index
      %get3A_921 = tpu.vector_load %arg7[%get3A_919, %get3A_920] {strides = array<i32>} : memref<8x128xi32, #tpu.memory_space<vmem>>, vector<1x16xi32>,
      %get3A_922 = vector.shape_cast %get3A_921 : vector<1x16xi32> to vector<16xi32>
      %add3A_923 = arith.addi %mul3A_917, %get3A_922 : vector<16xi32>
      %swap3A_924 = arith.constant 5 : i32
      %swap3A_925 = arith.index_cast %swap3A_924 : i32 to index
      %swap3A_926 = arith.constant 48 : index
      %swap3A_927 = tpu.vector_load %arg9[%swap3A_925, %swap3A_926] {strides = array<i32>} : memref<8x128xi32, #tpu.memory_space<vmem>>, vector<1x16xi32>,
      %swap3A_928 = vector.shape_cast %swap3A_927 : vector<1x16xi32> to vector<16xi32>
      %swap3A_929 = vector.shape_cast %add3A_923 : vector<16xi32> to vector<1x16xi32>
      tpu.vector_store %arg9[%swap3A_925, %swap3A_926], %swap3A_929 {strides = array<i32>} : memref<8x128xi32, #tpu.memory_space<vmem>>, vector<1x16xi32>,
      %get3A_930 = arith.constant 5 : i32
      %get3A_931 = arith.index_cast %get3A_930 : i32 to index
      %get3A_932 = arith.constant 64 : index
      %get3A_933 = tpu.vector_load %arg8[%get3A_931, %get3A_932] {strides = array<i32>} : memref<8x128xi32, #tpu.memory_space<vmem>>, vector<1x16xi32>,
      %get3A_934 = vector.shape_cast %get3A_933 : vector<1x16xi32> to vector<16xi32>
      %mul3A_935 = arith.constant 10000 : i32
      %mul3A_936 = vector.broadcast %mul3A_935 : i32 to vector<16xi32>
      %mul3A_937 = arith.muli %get3A_934, %mul3A_936 : vector<16xi32>
      %get3A_938 = arith.constant 5 : i32
      %get3A_939 = arith.index_cast %get3A_938 : i32 to index
      %get3A_940 = arith.constant 64 : index
      %get3A_941 = tpu.vector_load %arg7[%get3A_939, %get3A_940] {strides = array<i32>} : memref<8x128xi32, #tpu.memory_space<vmem>>, vector<1x16xi32>,
      %get3A_942 = vector.shape_cast %get3A_941 : vector<1x16xi32> to vector<16xi32>
      %add3A_943 = arith.addi %mul3A_937, %get3A_942 : vector<16xi32>
      %swap3A_944 = arith.constant 5 : i32
      %swap3A_945 = arith.index_cast %swap3A_944 : i32 to index
      %swap3A_946 = arith.constant 64 : index
      %swap3A_947 = tpu.vector_load %arg9[%swap3A_945, %swap3A_946] {strides = array<i32>} : memref<8x128xi32, #tpu.memory_space<vmem>>, vector<1x16xi32>,
      %swap3A_948 = vector.shape_cast %swap3A_947 : vector<1x16xi32> to vector<16xi32>
      %swap3A_949 = vector.shape_cast %add3A_943 : vector<16xi32> to vector<1x16xi32>
      tpu.vector_store %arg9[%swap3A_945, %swap3A_946], %swap3A_949 {strides = array<i32>} : memref<8x128xi32, #tpu.memory_space<vmem>>, vector<1x16xi32>,
      %get3A_950 = arith.constant 5 : i32
      %get3A_951 = arith.index_cast %get3A_950 : i32 to index
      %get3A_952 = arith.constant 80 : index
      %get3A_953 = tpu.vector_load %arg8[%get3A_951, %get3A_952] {strides = array<i32>} : memref<8x128xi32, #tpu.memory_space<vmem>>, vector<1x16xi32>,
      %get3A_954 = vector.shape_cast %get3A_953 : vector<1x16xi32> to vector<16xi32>
      %mul3A_955 = arith.constant 10000 : i32
      %mul3A_956 = vector.broadcast %mul3A_955 : i32 to vector<16xi32>
      %mul3A_957 = arith.muli %get3A_954, %mul3A_956 : vector<16xi32>
      %get3A_958 = arith.constant 5 : i32
      %get3A_959 = arith.index_cast %get3A_958 : i32 to index
      %get3A_960 = arith.constant 80 : index
      %get3A_961 = tpu.vector_load %arg7[%get3A_959, %get3A_960] {strides = array<i32>} : memref<8x128xi32, #tpu.memory_space<vmem>>, vector<1x16xi32>,
      %get3A_962 = vector.shape_cast %get3A_961 : vector<1x16xi32> to vector<16xi32>
      %add3A_963 = arith.addi %mul3A_957, %get3A_962 : vector<16xi32>
      %swap3A_964 = arith.constant 5 : i32
      %swap3A_965 = arith.index_cast %swap3A_964 : i32 to index
      %swap3A_966 = arith.constant 80 : index
      %swap3A_967 = tpu.vector_load %arg9[%swap3A_965, %swap3A_966] {strides = array<i32>} : memref<8x128xi32, #tpu.memory_space<vmem>>, vector<1x16xi32>,
      %swap3A_968 = vector.shape_cast %swap3A_967 : vector<1x16xi32> to vector<16xi32>
      %swap3A_969 = vector.shape_cast %add3A_963 : vector<16xi32> to vector<1x16xi32>
      tpu.vector_store %arg9[%swap3A_965, %swap3A_966], %swap3A_969 {strides = array<i32>} : memref<8x128xi32, #tpu.memory_space<vmem>>, vector<1x16xi32>,
      %get3A_970 = arith.constant 5 : i32
      %get3A_971 = arith.index_cast %get3A_970 : i32 to index
      %get3A_972 = arith.constant 96 : index
      %get3A_973 = tpu.vector_load %arg8[%get3A_971, %get3A_972] {strides = array<i32>} : memref<8x128xi32, #tpu.memory_space<vmem>>, vector<1x16xi32>,
      %get3A_974 = vector.shape_cast %get3A_973 : vector<1x16xi32> to vector<16xi32>
      %mul3A_975 = arith.constant 10000 : i32
      %mul3A_976 = vector.broadcast %mul3A_975 : i32 to vector<16xi32>
      %mul3A_977 = arith.muli %get3A_974, %mul3A_976 : vector<16xi32>
      %get3A_978 = arith.constant 5 : i32
      %get3A_979 = arith.index_cast %get3A_978 : i32 to index
      %get3A_980 = arith.constant 96 : index
      %get3A_981 = tpu.vector_load %arg7[%get3A_979, %get3A_980] {strides = array<i32>} : memref<8x128xi32, #tpu.memory_space<vmem>>, vector<1x16xi32>,
      %get3A_982 = vector.shape_cast %get3A_981 : vector<1x16xi32> to vector<16xi32>
      %add3A_983 = arith.addi %mul3A_977, %get3A_982 : vector<16xi32>
      %swap3A_984 = arith.constant 5 : i32
      %swap3A_985 = arith.index_cast %swap3A_984 : i32 to index
      %swap3A_986 = arith.constant 96 : index
      %swap3A_987 = tpu.vector_load %arg9[%swap3A_985, %swap3A_986] {strides = array<i32>} : memref<8x128xi32, #tpu.memory_space<vmem>>, vector<1x16xi32>,
      %swap3A_988 = vector.shape_cast %swap3A_987 : vector<1x16xi32> to vector<16xi32>
      %swap3A_989 = vector.shape_cast %add3A_983 : vector<16xi32> to vector<1x16xi32>
      tpu.vector_store %arg9[%swap3A_985, %swap3A_986], %swap3A_989 {strides = array<i32>} : memref<8x128xi32, #tpu.memory_space<vmem>>, vector<1x16xi32>,
      %get3A_990 = arith.constant 5 : i32
      %get3A_991 = arith.index_cast %get3A_990 : i32 to index
      %get3A_992 = arith.constant 112 : index
      %get3A_993 = tpu.vector_load %arg8[%get3A_991, %get3A_992] {strides = array<i32>} : memref<8x128xi32, #tpu.memory_space<vmem>>, vector<1x16xi32>,
      %get3A_994 = vector.shape_cast %get3A_993 : vector<1x16xi32> to vector<16xi32>
      %mul3A_995 = arith.constant 10000 : i32
      %mul3A_996 = vector.broadcast %mul3A_995 : i32 to vector<16xi32>
      %mul3A_997 = arith.muli %get3A_994, %mul3A_996 : vector<16xi32>
      %get3A_998 = arith.constant 5 : i32
      %get3A_999 = arith.index_cast %get3A_998 : i32 to index
      %get3A_1000 = arith.constant 112 : index
      %get3A_1001 = tpu.vector_load %arg7[%get3A_999, %get3A_1000] {strides = array<i32>} : memref<8x128xi32, #tpu.memory_space<vmem>>, vector<1x16xi32>,
      %get3A_1002 = vector.shape_cast %get3A_1001 : vector<1x16xi32> to vector<16xi32>
      %add3A_1003 = arith.addi %mul3A_997, %get3A_1002 : vector<16xi32>
      %swap3A_1004 = arith.constant 5 : i32
      %swap3A_1005 = arith.index_cast %swap3A_1004 : i32 to index
      %swap3A_1006 = arith.constant 112 : index
      %swap3A_1007 = tpu.vector_load %arg9[%swap3A_1005, %swap3A_1006] {strides = array<i32>} : memref<8x128xi32, #tpu.memory_space<vmem>>, vector<1x16xi32>,
      %swap3A_1008 = vector.shape_cast %swap3A_1007 : vector<1x16xi32> to vector<16xi32>
      %swap3A_1009 = vector.shape_cast %add3A_1003 : vector<16xi32> to vector<1x16xi32>
      tpu.vector_store %arg9[%swap3A_1005, %swap3A_1006], %swap3A_1009 {strides = array<i32>} : memref<8x128xi32, #tpu.memory_space<vmem>>, vector<1x16xi32>,
      %get3A_1010 = arith.constant 6 : i32
      %get3A_1011 = arith.index_cast %get3A_1010 : i32 to index
      %get3A_1012 = arith.constant 0 : index
      %get3A_1013 = tpu.vector_load %arg8[%get3A_1011, %get3A_1012] {strides = array<i32>} : memref<8x128xi32, #tpu.memory_space<vmem>>, vector<1x16xi32>,
      %get3A_1014 = vector.shape_cast %get3A_1013 : vector<1x16xi32> to vector<16xi32>
      %mul3A_1015 = arith.constant 10000 : i32
      %mul3A_1016 = vector.broadcast %mul3A_1015 : i32 to vector<16xi32>
      %mul3A_1017 = arith.muli %get3A_1014, %mul3A_1016 : vector<16xi32>
      %get3A_1018 = arith.constant 6 : i32
      %get3A_1019 = arith.index_cast %get3A_1018 : i32 to index
      %get3A_1020 = arith.constant 0 : index
      %get3A_1021 = tpu.vector_load %arg7[%get3A_1019, %get3A_1020] {strides = array<i32>} : memref<8x128xi32, #tpu.memory_space<vmem>>, vector<1x16xi32>,
      %get3A_1022 = vector.shape_cast %get3A_1021 : vector<1x16xi32> to vector<16xi32>
      %add3A_1023 = arith.addi %mul3A_1017, %get3A_1022 : vector<16xi32>
      %swap3A_1024 = arith.constant 6 : i32
      %swap3A_1025 = arith.index_cast %swap3A_1024 : i32 to index
      %swap3A_1026 = arith.constant 0 : index
      %swap3A_1027 = tpu.vector_load %arg9[%swap3A_1025, %swap3A_1026] {strides = array<i32>} : memref<8x128xi32, #tpu.memory_space<vmem>>, vector<1x16xi32>,
      %swap3A_1028 = vector.shape_cast %swap3A_1027 : vector<1x16xi32> to vector<16xi32>
      %swap3A_1029 = vector.shape_cast %add3A_1023 : vector<16xi32> to vector<1x16xi32>
      tpu.vector_store %arg9[%swap3A_1025, %swap3A_1026], %swap3A_1029 {strides = array<i32>} : memref<8x128xi32, #tpu.memory_space<vmem>>, vector<1x16xi32>,
      %get3A_1030 = arith.constant 6 : i32
      %get3A_1031 = arith.index_cast %get3A_1030 : i32 to index
      %get3A_1032 = arith.constant 16 : index
      %get3A_1033 = tpu.vector_load %arg8[%get3A_1031, %get3A_1032] {strides = array<i32>} : memref<8x128xi32, #tpu.memory_space<vmem>>, vector<1x16xi32>,
      %get3A_1034 = vector.shape_cast %get3A_1033 : vector<1x16xi32> to vector<16xi32>
      %mul3A_1035 = arith.constant 10000 : i32
      %mul3A_1036 = vector.broadcast %mul3A_1035 : i32 to vector<16xi32>
      %mul3A_1037 = arith.muli %get3A_1034, %mul3A_1036 : vector<16xi32>
      %get3A_1038 = arith.constant 6 : i32
      %get3A_1039 = arith.index_cast %get3A_1038 : i32 to index
      %get3A_1040 = arith.constant 16 : index
      %get3A_1041 = tpu.vector_load %arg7[%get3A_1039, %get3A_1040] {strides = array<i32>} : memref<8x128xi32, #tpu.memory_space<vmem>>, vector<1x16xi32>,
      %get3A_1042 = vector.shape_cast %get3A_1041 : vector<1x16xi32> to vector<16xi32>
      %add3A_1043 = arith.addi %mul3A_1037, %get3A_1042 : vector<16xi32>
      %swap3A_1044 = arith.constant 6 : i32
      %swap3A_1045 = arith.index_cast %swap3A_1044 : i32 to index
      %swap3A_1046 = arith.constant 16 : index
      %swap3A_1047 = tpu.vector_load %arg9[%swap3A_1045, %swap3A_1046] {strides = array<i32>} : memref<8x128xi32, #tpu.memory_space<vmem>>, vector<1x16xi32>,
      %swap3A_1048 = vector.shape_cast %swap3A_1047 : vector<1x16xi32> to vector<16xi32>
      %swap3A_1049 = vector.shape_cast %add3A_1043 : vector<16xi32> to vector<1x16xi32>
      tpu.vector_store %arg9[%swap3A_1045, %swap3A_1046], %swap3A_1049 {strides = array<i32>} : memref<8x128xi32, #tpu.memory_space<vmem>>, vector<1x16xi32>,
      %get3A_1050 = arith.constant 6 : i32
      %get3A_1051 = arith.index_cast %get3A_1050 : i32 to index
      %get3A_1052 = arith.constant 32 : index
      %get3A_1053 = tpu.vector_load %arg8[%get3A_1051, %get3A_1052] {strides = array<i32>} : memref<8x128xi32, #tpu.memory_space<vmem>>, vector<1x16xi32>,
      %get3A_1054 = vector.shape_cast %get3A_1053 : vector<1x16xi32> to vector<16xi32>
      %mul3A_1055 = arith.constant 10000 : i32
      %mul3A_1056 = vector.broadcast %mul3A_1055 : i32 to vector<16xi32>
      %mul3A_1057 = arith.muli %get3A_1054, %mul3A_1056 : vector<16xi32>
      %get3A_1058 = arith.constant 6 : i32
      %get3A_1059 = arith.index_cast %get3A_1058 : i32 to index
      %get3A_1060 = arith.constant 32 : index
      %get3A_1061 = tpu.vector_load %arg7[%get3A_1059, %get3A_1060] {strides = array<i32>} : memref<8x128xi32, #tpu.memory_space<vmem>>, vector<1x16xi32>,
      %get3A_1062 = vector.shape_cast %get3A_1061 : vector<1x16xi32> to vector<16xi32>
      %add3A_1063 = arith.addi %mul3A_1057, %get3A_1062 : vector<16xi32>
      %swap3A_1064 = arith.constant 6 : i32
      %swap3A_1065 = arith.index_cast %swap3A_1064 : i32 to index
      %swap3A_1066 = arith.constant 32 : index
      %swap3A_1067 = tpu.vector_load %arg9[%swap3A_1065, %swap3A_1066] {strides = array<i32>} : memref<8x128xi32, #tpu.memory_space<vmem>>, vector<1x16xi32>,
      %swap3A_1068 = vector.shape_cast %swap3A_1067 : vector<1x16xi32> to vector<16xi32>
      %swap3A_1069 = vector.shape_cast %add3A_1063 : vector<16xi32> to vector<1x16xi32>
      tpu.vector_store %arg9[%swap3A_1065, %swap3A_1066], %swap3A_1069 {strides = array<i32>} : memref<8x128xi32, #tpu.memory_space<vmem>>, vector<1x16xi32>,
      %get3A_1070 = arith.constant 6 : i32
      %get3A_1071 = arith.index_cast %get3A_1070 : i32 to index
      %get3A_1072 = arith.constant 48 : index
      %get3A_1073 = tpu.vector_load %arg8[%get3A_1071, %get3A_1072] {strides = array<i32>} : memref<8x128xi32, #tpu.memory_space<vmem>>, vector<1x16xi32>,
      %get3A_1074 = vector.shape_cast %get3A_1073 : vector<1x16xi32> to vector<16xi32>
      %mul3A_1075 = arith.constant 10000 : i32
      %mul3A_1076 = vector.broadcast %mul3A_1075 : i32 to vector<16xi32>
      %mul3A_1077 = arith.muli %get3A_1074, %mul3A_1076 : vector<16xi32>
      %get3A_1078 = arith.constant 6 : i32
      %get3A_1079 = arith.index_cast %get3A_1078 : i32 to index
      %get3A_1080 = arith.constant 48 : index
      %get3A_1081 = tpu.vector_load %arg7[%get3A_1079, %get3A_1080] {strides = array<i32>} : memref<8x128xi32, #tpu.memory_space<vmem>>, vector<1x16xi32>,
      %get3A_1082 = vector.shape_cast %get3A_1081 : vector<1x16xi32> to vector<16xi32>
      %add3A_1083 = arith.addi %mul3A_1077, %get3A_1082 : vector<16xi32>
      %swap3A_1084 = arith.constant 6 : i32
      %swap3A_1085 = arith.index_cast %swap3A_1084 : i32 to index
      %swap3A_1086 = arith.constant 48 : index
      %swap3A_1087 = tpu.vector_load %arg9[%swap3A_1085, %swap3A_1086] {strides = array<i32>} : memref<8x128xi32, #tpu.memory_space<vmem>>, vector<1x16xi32>,
      %swap3A_1088 = vector.shape_cast %swap3A_1087 : vector<1x16xi32> to vector<16xi32>
      %swap3A_1089 = vector.shape_cast %add3A_1083 : vector<16xi32> to vector<1x16xi32>
      tpu.vector_store %arg9[%swap3A_1085, %swap3A_1086], %swap3A_1089 {strides = array<i32>} : memref<8x128xi32, #tpu.memory_space<vmem>>, vector<1x16xi32>,
      %get3A_1090 = arith.constant 6 : i32
      %get3A_1091 = arith.index_cast %get3A_1090 : i32 to index
      %get3A_1092 = arith.constant 64 : index
      %get3A_1093 = tpu.vector_load %arg8[%get3A_1091, %get3A_1092] {strides = array<i32>} : memref<8x128xi32, #tpu.memory_space<vmem>>, vector<1x16xi32>,
      %get3A_1094 = vector.shape_cast %get3A_1093 : vector<1x16xi32> to vector<16xi32>
      %mul3A_1095 = arith.constant 10000 : i32
      %mul3A_1096 = vector.broadcast %mul3A_1095 : i32 to vector<16xi32>
      %mul3A_1097 = arith.muli %get3A_1094, %mul3A_1096 : vector<16xi32>
      %get3A_1098 = arith.constant 6 : i32
      %get3A_1099 = arith.index_cast %get3A_1098 : i32 to index
      %get3A_1100 = arith.constant 64 : index
      %get3A_1101 = tpu.vector_load %arg7[%get3A_1099, %get3A_1100] {strides = array<i32>} : memref<8x128xi32, #tpu.memory_space<vmem>>, vector<1x16xi32>,
      %get3A_1102 = vector.shape_cast %get3A_1101 : vector<1x16xi32> to vector<16xi32>
      %add3A_1103 = arith.addi %mul3A_1097, %get3A_1102 : vector<16xi32>
      %swap3A_1104 = arith.constant 6 : i32
      %swap3A_1105 = arith.index_cast %swap3A_1104 : i32 to index
      %swap3A_1106 = arith.constant 64 : index
      %swap3A_1107 = tpu.vector_load %arg9[%swap3A_1105, %swap3A_1106] {strides = array<i32>} : memref<8x128xi32, #tpu.memory_space<vmem>>, vector<1x16xi32>,
      %swap3A_1108 = vector.shape_cast %swap3A_1107 : vector<1x16xi32> to vector<16xi32>
      %swap3A_1109 = vector.shape_cast %add3A_1103 : vector<16xi32> to vector<1x16xi32>
      tpu.vector_store %arg9[%swap3A_1105, %swap3A_1106], %swap3A_1109 {strides = array<i32>} : memref<8x128xi32, #tpu.memory_space<vmem>>, vector<1x16xi32>,
      %get3A_1110 = arith.constant 6 : i32
      %get3A_1111 = arith.index_cast %get3A_1110 : i32 to index
      %get3A_1112 = arith.constant 80 : index
      %get3A_1113 = tpu.vector_load %arg8[%get3A_1111, %get3A_1112] {strides = array<i32>} : memref<8x128xi32, #tpu.memory_space<vmem>>, vector<1x16xi32>,
      %get3A_1114 = vector.shape_cast %get3A_1113 : vector<1x16xi32> to vector<16xi32>
      %mul3A_1115 = arith.constant 10000 : i32
      %mul3A_1116 = vector.broadcast %mul3A_1115 : i32 to vector<16xi32>
      %mul3A_1117 = arith.muli %get3A_1114, %mul3A_1116 : vector<16xi32>
      %get3A_1118 = arith.constant 6 : i32
      %get3A_1119 = arith.index_cast %get3A_1118 : i32 to index
      %get3A_1120 = arith.constant 80 : index
      %get3A_1121 = tpu.vector_load %arg7[%get3A_1119, %get3A_1120] {strides = array<i32>} : memref<8x128xi32, #tpu.memory_space<vmem>>, vector<1x16xi32>,
      %get3A_1122 = vector.shape_cast %get3A_1121 : vector<1x16xi32> to vector<16xi32>
      %add3A_1123 = arith.addi %mul3A_1117, %get3A_1122 : vector<16xi32>
      %swap3A_1124 = arith.constant 6 : i32
      %swap3A_1125 = arith.index_cast %swap3A_1124 : i32 to index
      %swap3A_1126 = arith.constant 80 : index
      %swap3A_1127 = tpu.vector_load %arg9[%swap3A_1125, %swap3A_1126] {strides = array<i32>} : memref<8x128xi32, #tpu.memory_space<vmem>>, vector<1x16xi32>,
      %swap3A_1128 = vector.shape_cast %swap3A_1127 : vector<1x16xi32> to vector<16xi32>
      %swap3A_1129 = vector.shape_cast %add3A_1123 : vector<16xi32> to vector<1x16xi32>
      tpu.vector_store %arg9[%swap3A_1125, %swap3A_1126], %swap3A_1129 {strides = array<i32>} : memref<8x128xi32, #tpu.memory_space<vmem>>, vector<1x16xi32>,
      %get3A_1130 = arith.constant 6 : i32
      %get3A_1131 = arith.index_cast %get3A_1130 : i32 to index
      %get3A_1132 = arith.constant 96 : index
      %get3A_1133 = tpu.vector_load %arg8[%get3A_1131, %get3A_1132] {strides = array<i32>} : memref<8x128xi32, #tpu.memory_space<vmem>>, vector<1x16xi32>,
      %get3A_1134 = vector.shape_cast %get3A_1133 : vector<1x16xi32> to vector<16xi32>
      %mul3A_1135 = arith.constant 10000 : i32
      %mul3A_1136 = vector.broadcast %mul3A_1135 : i32 to vector<16xi32>
      %mul3A_1137 = arith.muli %get3A_1134, %mul3A_1136 : vector<16xi32>
      %get3A_1138 = arith.constant 6 : i32
      %get3A_1139 = arith.index_cast %get3A_1138 : i32 to index
      %get3A_1140 = arith.constant 96 : index
      %get3A_1141 = tpu.vector_load %arg7[%get3A_1139, %get3A_1140] {strides = array<i32>} : memref<8x128xi32, #tpu.memory_space<vmem>>, vector<1x16xi32>,
      %get3A_1142 = vector.shape_cast %get3A_1141 : vector<1x16xi32> to vector<16xi32>
      %add3A_1143 = arith.addi %mul3A_1137, %get3A_1142 : vector<16xi32>
      %swap3A_1144 = arith.constant 6 : i32
      %swap3A_1145 = arith.index_cast %swap3A_1144 : i32 to index
      %swap3A_1146 = arith.constant 96 : index
      %swap3A_1147 = tpu.vector_load %arg9[%swap3A_1145, %swap3A_1146] {strides = array<i32>} : memref<8x128xi32, #tpu.memory_space<vmem>>, vector<1x16xi32>,
      %swap3A_1148 = vector.shape_cast %swap3A_1147 : vector<1x16xi32> to vector<16xi32>
      %swap3A_1149 = vector.shape_cast %add3A_1143 : vector<16xi32> to vector<1x16xi32>
      tpu.vector_store %arg9[%swap3A_1145, %swap3A_1146], %swap3A_1149 {strides = array<i32>} : memref<8x128xi32, #tpu.memory_space<vmem>>, vector<1x16xi32>,
      %get3A_1150 = arith.constant 6 : i32
      %get3A_1151 = arith.index_cast %get3A_1150 : i32 to index
      %get3A_1152 = arith.constant 112 : index
      %get3A_1153 = tpu.vector_load %arg8[%get3A_1151, %get3A_1152] {strides = array<i32>} : memref<8x128xi32, #tpu.memory_space<vmem>>, vector<1x16xi32>,
      %get3A_1154 = vector.shape_cast %get3A_1153 : vector<1x16xi32> to vector<16xi32>
      %mul3A_1155 = arith.constant 10000 : i32
      %mul3A_1156 = vector.broadcast %mul3A_1155 : i32 to vector<16xi32>
      %mul3A_1157 = arith.muli %get3A_1154, %mul3A_1156 : vector<16xi32>
      %get3A_1158 = arith.constant 6 : i32
      %get3A_1159 = arith.index_cast %get3A_1158 : i32 to index
      %get3A_1160 = arith.constant 112 : index
      %get3A_1161 = tpu.vector_load %arg7[%get3A_1159, %get3A_1160] {strides = array<i32>} : memref<8x128xi32, #tpu.memory_space<vmem>>, vector<1x16xi32>,
      %get3A_1162 = vector.shape_cast %get3A_1161 : vector<1x16xi32> to vector<16xi32>
      %add3A_1163 = arith.addi %mul3A_1157, %get3A_1162 : vector<16xi32>
      %swap3A_1164 = arith.constant 6 : i32
      %swap3A_1165 = arith.index_cast %swap3A_1164 : i32 to index
      %swap3A_1166 = arith.constant 112 : index
      %swap3A_1167 = tpu.vector_load %arg9[%swap3A_1165, %swap3A_1166] {strides = array<i32>} : memref<8x128xi32, #tpu.memory_space<vmem>>, vector<1x16xi32>,
      %swap3A_1168 = vector.shape_cast %swap3A_1167 : vector<1x16xi32> to vector<16xi32>
      %swap3A_1169 = vector.shape_cast %add3A_1163 : vector<16xi32> to vector<1x16xi32>
      tpu.vector_store %arg9[%swap3A_1165, %swap3A_1166], %swap3A_1169 {strides = array<i32>} : memref<8x128xi32, #tpu.memory_space<vmem>>, vector<1x16xi32>,
      %get3A_1170 = arith.constant 7 : i32
      %get3A_1171 = arith.index_cast %get3A_1170 : i32 to index
      %get3A_1172 = arith.constant 0 : index
      %get3A_1173 = tpu.vector_load %arg8[%get3A_1171, %get3A_1172] {strides = array<i32>} : memref<8x128xi32, #tpu.memory_space<vmem>>, vector<1x16xi32>,
      %get3A_1174 = vector.shape_cast %get3A_1173 : vector<1x16xi32> to vector<16xi32>
      %mul3A_1175 = arith.constant 10000 : i32
      %mul3A_1176 = vector.broadcast %mul3A_1175 : i32 to vector<16xi32>
      %mul3A_1177 = arith.muli %get3A_1174, %mul3A_1176 : vector<16xi32>
      %get3A_1178 = arith.constant 7 : i32
      %get3A_1179 = arith.index_cast %get3A_1178 : i32 to index
      %get3A_1180 = arith.constant 0 : index
      %get3A_1181 = tpu.vector_load %arg7[%get3A_1179, %get3A_1180] {strides = array<i32>} : memref<8x128xi32, #tpu.memory_space<vmem>>, vector<1x16xi32>,
      %get3A_1182 = vector.shape_cast %get3A_1181 : vector<1x16xi32> to vector<16xi32>
      %add3A_1183 = arith.addi %mul3A_1177, %get3A_1182 : vector<16xi32>
      %swap3A_1184 = arith.constant 7 : i32
      %swap3A_1185 = arith.index_cast %swap3A_1184 : i32 to index
      %swap3A_1186 = arith.constant 0 : index
      %swap3A_1187 = tpu.vector_load %arg9[%swap3A_1185, %swap3A_1186] {strides = array<i32>} : memref<8x128xi32, #tpu.memory_space<vmem>>, vector<1x16xi32>,
      %swap3A_1188 = vector.shape_cast %swap3A_1187 : vector<1x16xi32> to vector<16xi32>
      %swap3A_1189 = vector.shape_cast %add3A_1183 : vector<16xi32> to vector<1x16xi32>
      tpu.vector_store %arg9[%swap3A_1185, %swap3A_1186], %swap3A_1189 {strides = array<i32>} : memref<8x128xi32, #tpu.memory_space<vmem>>, vector<1x16xi32>,
      %get3A_1190 = arith.constant 7 : i32
      %get3A_1191 = arith.index_cast %get3A_1190 : i32 to index
      %get3A_1192 = arith.constant 16 : index
      %get3A_1193 = tpu.vector_load %arg8[%get3A_1191, %get3A_1192] {strides = array<i32>} : memref<8x128xi32, #tpu.memory_space<vmem>>, vector<1x16xi32>,
      %get3A_1194 = vector.shape_cast %get3A_1193 : vector<1x16xi32> to vector<16xi32>
      %mul3A_1195 = arith.constant 10000 : i32
      %mul3A_1196 = vector.broadcast %mul3A_1195 : i32 to vector<16xi32>
      %mul3A_1197 = arith.muli %get3A_1194, %mul3A_1196 : vector<16xi32>
      %get3A_1198 = arith.constant 7 : i32
      %get3A_1199 = arith.index_cast %get3A_1198 : i32 to index
      %get3A_1200 = arith.constant 16 : index
      %get3A_1201 = tpu.vector_load %arg7[%get3A_1199, %get3A_1200] {strides = array<i32>} : memref<8x128xi32, #tpu.memory_space<vmem>>, vector<1x16xi32>,
      %get3A_1202 = vector.shape_cast %get3A_1201 : vector<1x16xi32> to vector<16xi32>
      %add3A_1203 = arith.addi %mul3A_1197, %get3A_1202 : vector<16xi32>
      %swap3A_1204 = arith.constant 7 : i32
      %swap3A_1205 = arith.index_cast %swap3A_1204 : i32 to index
      %swap3A_1206 = arith.constant 16 : index
      %swap3A_1207 = tpu.vector_load %arg9[%swap3A_1205, %swap3A_1206] {strides = array<i32>} : memref<8x128xi32, #tpu.memory_space<vmem>>, vector<1x16xi32>,
      %swap3A_1208 = vector.shape_cast %swap3A_1207 : vector<1x16xi32> to vector<16xi32>
      %swap3A_1209 = vector.shape_cast %add3A_1203 : vector<16xi32> to vector<1x16xi32>
      tpu.vector_store %arg9[%swap3A_1205, %swap3A_1206], %swap3A_1209 {strides = array<i32>} : memref<8x128xi32, #tpu.memory_space<vmem>>, vector<1x16xi32>,
      %get3A_1210 = arith.constant 7 : i32
      %get3A_1211 = arith.index_cast %get3A_1210 : i32 to index
      %get3A_1212 = arith.constant 32 : index
      %get3A_1213 = tpu.vector_load %arg8[%get3A_1211, %get3A_1212] {strides = array<i32>} : memref<8x128xi32, #tpu.memory_space<vmem>>, vector<1x16xi32>,
      %get3A_1214 = vector.shape_cast %get3A_1213 : vector<1x16xi32> to vector<16xi32>
      %mul3A_1215 = arith.constant 10000 : i32
      %mul3A_1216 = vector.broadcast %mul3A_1215 : i32 to vector<16xi32>
      %mul3A_1217 = arith.muli %get3A_1214, %mul3A_1216 : vector<16xi32>
      %get3A_1218 = arith.constant 7 : i32
      %get3A_1219 = arith.index_cast %get3A_1218 : i32 to index
      %get3A_1220 = arith.constant 32 : index
      %get3A_1221 = tpu.vector_load %arg7[%get3A_1219, %get3A_1220] {strides = array<i32>} : memref<8x128xi32, #tpu.memory_space<vmem>>, vector<1x16xi32>,
      %get3A_1222 = vector.shape_cast %get3A_1221 : vector<1x16xi32> to vector<16xi32>
      %add3A_1223 = arith.addi %mul3A_1217, %get3A_1222 : vector<16xi32>
      %swap3A_1224 = arith.constant 7 : i32
      %swap3A_1225 = arith.index_cast %swap3A_1224 : i32 to index
      %swap3A_1226 = arith.constant 32 : index
      %swap3A_1227 = tpu.vector_load %arg9[%swap3A_1225, %swap3A_1226] {strides = array<i32>} : memref<8x128xi32, #tpu.memory_space<vmem>>, vector<1x16xi32>,
      %swap3A_1228 = vector.shape_cast %swap3A_1227 : vector<1x16xi32> to vector<16xi32>
      %swap3A_1229 = vector.shape_cast %add3A_1223 : vector<16xi32> to vector<1x16xi32>
      tpu.vector_store %arg9[%swap3A_1225, %swap3A_1226], %swap3A_1229 {strides = array<i32>} : memref<8x128xi32, #tpu.memory_space<vmem>>, vector<1x16xi32>,
      %get3A_1230 = arith.constant 7 : i32
      %get3A_1231 = arith.index_cast %get3A_1230 : i32 to index
      %get3A_1232 = arith.constant 48 : index
      %get3A_1233 = tpu.vector_load %arg8[%get3A_1231, %get3A_1232] {strides = array<i32>} : memref<8x128xi32, #tpu.memory_space<vmem>>, vector<1x16xi32>,
      %get3A_1234 = vector.shape_cast %get3A_1233 : vector<1x16xi32> to vector<16xi32>
      %mul3A_1235 = arith.constant 10000 : i32
      %mul3A_1236 = vector.broadcast %mul3A_1235 : i32 to vector<16xi32>
      %mul3A_1237 = arith.muli %get3A_1234, %mul3A_1236 : vector<16xi32>
      %get3A_1238 = arith.constant 7 : i32
      %get3A_1239 = arith.index_cast %get3A_1238 : i32 to index
      %get3A_1240 = arith.constant 48 : index
      %get3A_1241 = tpu.vector_load %arg7[%get3A_1239, %get3A_1240] {strides = array<i32>} : memref<8x128xi32, #tpu.memory_space<vmem>>, vector<1x16xi32>,
      %get3A_1242 = vector.shape_cast %get3A_1241 : vector<1x16xi32> to vector<16xi32>
      %add3A_1243 = arith.addi %mul3A_1237, %get3A_1242 : vector<16xi32>
      %swap3A_1244 = arith.constant 7 : i32
      %swap3A_1245 = arith.index_cast %swap3A_1244 : i32 to index
      %swap3A_1246 = arith.constant 48 : index
      %swap3A_1247 = tpu.vector_load %arg9[%swap3A_1245, %swap3A_1246] {strides = array<i32>} : memref<8x128xi32, #tpu.memory_space<vmem>>, vector<1x16xi32>,
      %swap3A_1248 = vector.shape_cast %swap3A_1247 : vector<1x16xi32> to vector<16xi32>
      %swap3A_1249 = vector.shape_cast %add3A_1243 : vector<16xi32> to vector<1x16xi32>
      tpu.vector_store %arg9[%swap3A_1245, %swap3A_1246], %swap3A_1249 {strides = array<i32>} : memref<8x128xi32, #tpu.memory_space<vmem>>, vector<1x16xi32>,
      %get3A_1250 = arith.constant 7 : i32
      %get3A_1251 = arith.index_cast %get3A_1250 : i32 to index
      %get3A_1252 = arith.constant 64 : index
      %get3A_1253 = tpu.vector_load %arg8[%get3A_1251, %get3A_1252] {strides = array<i32>} : memref<8x128xi32, #tpu.memory_space<vmem>>, vector<1x16xi32>,
      %get3A_1254 = vector.shape_cast %get3A_1253 : vector<1x16xi32> to vector<16xi32>
      %mul3A_1255 = arith.constant 10000 : i32
      %mul3A_1256 = vector.broadcast %mul3A_1255 : i32 to vector<16xi32>
      %mul3A_1257 = arith.muli %get3A_1254, %mul3A_1256 : vector<16xi32>
      %get3A_1258 = arith.constant 7 : i32
      %get3A_1259 = arith.index_cast %get3A_1258 : i32 to index
      %get3A_1260 = arith.constant 64 : index
      %get3A_1261 = tpu.vector_load %arg7[%get3A_1259, %get3A_1260] {strides = array<i32>} : memref<8x128xi32, #tpu.memory_space<vmem>>, vector<1x16xi32>,
      %get3A_1262 = vector.shape_cast %get3A_1261 : vector<1x16xi32> to vector<16xi32>
      %add3A_1263 = arith.addi %mul3A_1257, %get3A_1262 : vector<16xi32>
      %swap3A_1264 = arith.constant 7 : i32
      %swap3A_1265 = arith.index_cast %swap3A_1264 : i32 to index
      %swap3A_1266 = arith.constant 64 : index
      %swap3A_1267 = tpu.vector_load %arg9[%swap3A_1265, %swap3A_1266] {strides = array<i32>} : memref<8x128xi32, #tpu.memory_space<vmem>>, vector<1x16xi32>,
      %swap3A_1268 = vector.shape_cast %swap3A_1267 : vector<1x16xi32> to vector<16xi32>
      %swap3A_1269 = vector.shape_cast %add3A_1263 : vector<16xi32> to vector<1x16xi32>
      tpu.vector_store %arg9[%swap3A_1265, %swap3A_1266], %swap3A_1269 {strides = array<i32>} : memref<8x128xi32, #tpu.memory_space<vmem>>, vector<1x16xi32>,
      %get3A_1270 = arith.constant 7 : i32
      %get3A_1271 = arith.index_cast %get3A_1270 : i32 to index
      %get3A_1272 = arith.constant 80 : index
      %get3A_1273 = tpu.vector_load %arg8[%get3A_1271, %get3A_1272] {strides = array<i32>} : memref<8x128xi32, #tpu.memory_space<vmem>>, vector<1x16xi32>,
      %get3A_1274 = vector.shape_cast %get3A_1273 : vector<1x16xi32> to vector<16xi32>
      %mul3A_1275 = arith.constant 10000 : i32
      %mul3A_1276 = vector.broadcast %mul3A_1275 : i32 to vector<16xi32>
      %mul3A_1277 = arith.muli %get3A_1274, %mul3A_1276 : vector<16xi32>
      %get3A_1278 = arith.constant 7 : i32
      %get3A_1279 = arith.index_cast %get3A_1278 : i32 to index
      %get3A_1280 = arith.constant 80 : index
      %get3A_1281 = tpu.vector_load %arg7[%get3A_1279, %get3A_1280] {strides = array<i32>} : memref<8x128xi32, #tpu.memory_space<vmem>>, vector<1x16xi32>,
      %get3A_1282 = vector.shape_cast %get3A_1281 : vector<1x16xi32> to vector<16xi32>
      %add3A_1283 = arith.addi %mul3A_1277, %get3A_1282 : vector<16xi32>
      %swap3A_1284 = arith.constant 7 : i32
      %swap3A_1285 = arith.index_cast %swap3A_1284 : i32 to index
      %swap3A_1286 = arith.constant 80 : index
      %swap3A_1287 = tpu.vector_load %arg9[%swap3A_1285, %swap3A_1286] {strides = array<i32>} : memref<8x128xi32, #tpu.memory_space<vmem>>, vector<1x16xi32>,
      %swap3A_1288 = vector.shape_cast %swap3A_1287 : vector<1x16xi32> to vector<16xi32>
      %swap3A_1289 = vector.shape_cast %add3A_1283 : vector<16xi32> to vector<1x16xi32>
      tpu.vector_store %arg9[%swap3A_1285, %swap3A_1286], %swap3A_1289 {strides = array<i32>} : memref<8x128xi32, #tpu.memory_space<vmem>>, vector<1x16xi32>,
      %get3A_1290 = arith.constant 7 : i32
      %get3A_1291 = arith.index_cast %get3A_1290 : i32 to index
      %get3A_1292 = arith.constant 96 : index
      %get3A_1293 = tpu.vector_load %arg8[%get3A_1291, %get3A_1292] {strides = array<i32>} : memref<8x128xi32, #tpu.memory_space<vmem>>, vector<1x16xi32>,
      %get3A_1294 = vector.shape_cast %get3A_1293 : vector<1x16xi32> to vector<16xi32>
      %mul3A_1295 = arith.constant 10000 : i32
      %mul3A_1296 = vector.broadcast %mul3A_1295 : i32 to vector<16xi32>
      %mul3A_1297 = arith.muli %get3A_1294, %mul3A_1296 : vector<16xi32>
      %get3A_1298 = arith.constant 7 : i32
      %get3A_1299 = arith.index_cast %get3A_1298 : i32 to index
      %get3A_1300 = arith.constant 96 : index
      %get3A_1301 = tpu.vector_load %arg7[%get3A_1299, %get3A_1300] {strides = array<i32>} : memref<8x128xi32, #tpu.memory_space<vmem>>, vector<1x16xi32>,
      %get3A_1302 = vector.shape_cast %get3A_1301 : vector<1x16xi32> to vector<16xi32>
      %add3A_1303 = arith.addi %mul3A_1297, %get3A_1302 : vector<16xi32>
      %swap3A_1304 = arith.constant 7 : i32
      %swap3A_1305 = arith.index_cast %swap3A_1304 : i32 to index
      %swap3A_1306 = arith.constant 96 : index
      %swap3A_1307 = tpu.vector_load %arg9[%swap3A_1305, %swap3A_1306] {strides = array<i32>} : memref<8x128xi32, #tpu.memory_space<vmem>>, vector<1x16xi32>,
      %swap3A_1308 = vector.shape_cast %swap3A_1307 : vector<1x16xi32> to vector<16xi32>
      %swap3A_1309 = vector.shape_cast %add3A_1303 : vector<16xi32> to vector<1x16xi32>
      tpu.vector_store %arg9[%swap3A_1305, %swap3A_1306], %swap3A_1309 {strides = array<i32>} : memref<8x128xi32, #tpu.memory_space<vmem>>, vector<1x16xi32>,
      %get3A_1310 = arith.constant 7 : i32
      %get3A_1311 = arith.index_cast %get3A_1310 : i32 to index
      %get3A_1312 = arith.constant 112 : index
      %get3A_1313 = tpu.vector_load %arg8[%get3A_1311, %get3A_1312] {strides = array<i32>} : memref<8x128xi32, #tpu.memory_space<vmem>>, vector<1x16xi32>,
      %get3A_1314 = vector.shape_cast %get3A_1313 : vector<1x16xi32> to vector<16xi32>
      %mul3A_1315 = arith.constant 10000 : i32
      %mul3A_1316 = vector.broadcast %mul3A_1315 : i32 to vector<16xi32>
      %mul3A_1317 = arith.muli %get3A_1314, %mul3A_1316 : vector<16xi32>
      %get3A_1318 = arith.constant 7 : i32
      %get3A_1319 = arith.index_cast %get3A_1318 : i32 to index
      %get3A_1320 = arith.constant 112 : index
      %get3A_1321 = tpu.vector_load %arg7[%get3A_1319, %get3A_1320] {strides = array<i32>} : memref<8x128xi32, #tpu.memory_space<vmem>>, vector<1x16xi32>,
      %get3A_1322 = vector.shape_cast %get3A_1321 : vector<1x16xi32> to vector<16xi32>
      %add3A_1323 = arith.addi %mul3A_1317, %get3A_1322 : vector<16xi32>
      %swap3A_1324 = arith.constant 7 : i32
      %swap3A_1325 = arith.index_cast %swap3A_1324 : i32 to index
      %swap3A_1326 = arith.constant 112 : index
      %swap3A_1327 = tpu.vector_load %arg9[%swap3A_1325, %swap3A_1326] {strides = array<i32>} : memref<8x128xi32, #tpu.memory_space<vmem>>, vector<1x16xi32>,
      %swap3A_1328 = vector.shape_cast %swap3A_1327 : vector<1x16xi32> to vector<16xi32>
      %swap3A_1329 = vector.shape_cast %add3A_1323 : vector<16xi32> to vector<1x16xi32>
      tpu.vector_store %arg9[%swap3A_1325, %swap3A_1326], %swap3A_1329 {strides = array<i32>} : memref<8x128xi32, #tpu.memory_space<vmem>>, vector<1x16xi32>,
      %dma_start3A = arith.constant 0 : i32
      %dma_start3A_1330 = arith.constant 0 : i32
      %dma_start3A_1331 = tpu.memref_slice %arg9[%dma_start3A, %dma_start3A_1330] : memref<8x128xi32, #tpu.memory_space<vmem>> -> memref<1x128xi32, #tpu.memory_space<vmem>>
      %dma_start3A_1332 = tpu.memref_squeeze %dma_start3A_1331 : memref<1x128xi32, #tpu.memory_space<vmem>> -> memref<128xi32, #tpu.memory_space<vmem>>
      %dma_start3A_1333 = arith.constant 0 : i32
      %dma_start3A_1334 = arith.constant 0 : i32
      %dma_start3A_1335 = tpu.memref_slice %arg5[%dma_start3A_1333, %dma_start3A_1334] : memref<100000x128xf32, #tpu.memory_space<hbm>> -> memref<100000x128xf32, #tpu.memory_space<hbm>>
      tpu.enqueue_indirect_dma source(%dma_start3A_1335 : memref<100000x128xf32, #tpu.memory_space<hbm>>) target(%arg11 : memref<128x128xf32, #tpu.memory_space<vmem>>) offsets(%dma_start3A_1332 : memref<128xi32, #tpu.memory_space<vmem>>) semaphore(%arg14 : memref<!tpu.dma_semaphore, #tpu.memory_space<semaphore_mem>>)
      %dma_start3A_1336 = arith.constant 1 : i32
      %dma_start3A_1337 = arith.constant 0 : i32
      %dma_start3A_1338 = tpu.memref_slice %arg9[%dma_start3A_1336, %dma_start3A_1337] : memref<8x128xi32, #tpu.memory_space<vmem>> -> memref<1x128xi32, #tpu.memory_space<vmem>>
      %dma_start3A_1339 = tpu.memref_squeeze %dma_start3A_1338 : memref<1x128xi32, #tpu.memory_space<vmem>> -> memref<128xi32, #tpu.memory_space<vmem>>
      %dma_start3A_1340 = arith.constant 0 : i32
      %dma_start3A_1341 = arith.constant 0 : i32
      %dma_start3A_1342 = tpu.memref_slice %arg5[%dma_start3A_1340, %dma_start3A_1341] : memref<100000x128xf32, #tpu.memory_space<hbm>> -> memref<100000x128xf32, #tpu.memory_space<hbm>>
      tpu.enqueue_indirect_dma source(%dma_start3A_1342 : memref<100000x128xf32, #tpu.memory_space<hbm>>) target(%arg12 : memref<128x128xf32, #tpu.memory_space<vmem>>) offsets(%dma_start3A_1339 : memref<128xi32, #tpu.memory_space<vmem>>) semaphore(%arg15 : memref<!tpu.dma_semaphore, #tpu.memory_space<semaphore_mem>>)
      %dma_wait3A = arith.constant 0 : i32
      %dma_wait3A_1343 = arith.constant 0 : i32
      %dma_wait3A_1344 = tpu.memref_slice %arg9[%dma_wait3A, %dma_wait3A_1343] : memref<8x128xi32, #tpu.memory_space<vmem>> -> memref<1x128xi32, #tpu.memory_space<vmem>>
      %dma_wait3A_1345 = tpu.memref_squeeze %dma_wait3A_1344 : memref<1x128xi32, #tpu.memory_space<vmem>> -> memref<128xi32, #tpu.memory_space<vmem>>
      %dma_wait3A_1346 = arith.constant 0 : i32
      %dma_wait3A_1347 = arith.constant 0 : i32
      %dma_wait3A_1348 = tpu.memref_slice %arg5[%dma_wait3A_1346, %dma_wait3A_1347] : memref<100000x128xf32, #tpu.memory_space<hbm>> -> memref<100000x128xf32, #tpu.memory_space<hbm>>
      tpu.wait_indirect_dma semaphore(%arg14 : memref<!tpu.dma_semaphore, #tpu.memory_space<semaphore_mem>>) src(%dma_wait3A_1348 : memref<100000x128xf32, #tpu.memory_space<hbm>>) dst(%arg11 : memref<128x128xf32, #tpu.memory_space<vmem>>)
      %dma_start3A_1349 = arith.constant 0 : i32
      %dma_start3A_1350 = arith.constant 0 : i32
      %dma_start3A_1351 = tpu.memref_slice %arg10[%dma_start3A_1349, %dma_start3A_1350] : memref<8x128xi32, #tpu.memory_space<vmem>> -> memref<1x128xi32, #tpu.memory_space<vmem>>
      %dma_start3A_1352 = tpu.memref_squeeze %dma_start3A_1351 : memref<1x128xi32, #tpu.memory_space<vmem>> -> memref<128xi32, #tpu.memory_space<vmem>>
      %dma_start3A_1353 = arith.constant 0 : i32
      %dma_start3A_1354 = arith.constant 0 : i32
      %dma_start3A_1355 = tpu.memref_slice %arg13[%dma_start3A_1353, %dma_start3A_1354] : memref<10240x128xf32, #tpu.memory_space<vmem_shared>> -> memref<10240x128xf32, #tpu.memory_space<vmem_shared>>
      tpu.enqueue_indirect_dma source(%arg11 : memref<128x128xf32, #tpu.memory_space<vmem>>) target(%dma_start3A_1355 : memref<10240x128xf32, #tpu.memory_space<vmem_shared>>) offsets(%dma_start3A_1352 : memref<128xi32, #tpu.memory_space<vmem>>) semaphore(%arg16 : memref<!tpu.dma_semaphore, #tpu.memory_space<semaphore_mem>>) {add = true}
      %dma_wait3A_1356 = arith.constant 0 : i32
      %dma_wait3A_1357 = arith.constant 0 : i32
      %dma_wait3A_1358 = tpu.memref_slice %arg10[%dma_wait3A_1356, %dma_wait3A_1357] : memref<8x128xi32, #tpu.memory_space<vmem>> -> memref<1x128xi32, #tpu.memory_space<vmem>>
      %dma_wait3A_1359 = tpu.memref_squeeze %dma_wait3A_1358 : memref<1x128xi32, #tpu.memory_space<vmem>> -> memref<128xi32, #tpu.memory_space<vmem>>
      %dma_wait3A_1360 = arith.constant 0 : i32
      %dma_wait3A_1361 = arith.constant 0 : i32
      %dma_wait3A_1362 = tpu.memref_slice %arg13[%dma_wait3A_1360, %dma_wait3A_1361] : memref<10240x128xf32, #tpu.memory_space<vmem_shared>> -> memref<10240x128xf32, #tpu.memory_space<vmem_shared>>
      tpu.wait_indirect_dma semaphore(%arg16 : memref<!tpu.dma_semaphore, #tpu.memory_space<semaphore_mem>>) src(%arg11 : memref<128x128xf32, #tpu.memory_space<vmem>>) dst(%dma_wait3A_1362 : memref<10240x128xf32, #tpu.memory_space<vmem_shared>>)
      %dma_start3A_1363 = arith.constant 2 : i32
      %dma_start3A_1364 = arith.constant 0 : i32
      %dma_start3A_1365 = tpu.memref_slice %arg9[%dma_start3A_1363, %dma_start3A_1364] : memref<8x128xi32, #tpu.memory_space<vmem>> -> memref<1x128xi32, #tpu.memory_space<vmem>>
      %dma_start3A_1366 = tpu.memref_squeeze %dma_start3A_1365 : memref<1x128xi32, #tpu.memory_space<vmem>> -> memref<128xi32, #tpu.memory_space<vmem>>
      %dma_start3A_1367 = arith.constant 0 : i32
      %dma_start3A_1368 = arith.constant 0 : i32
      %dma_start3A_1369 = tpu.memref_slice %arg5[%dma_start3A_1367, %dma_start3A_1368] : memref<100000x128xf32, #tpu.memory_space<hbm>> -> memref<100000x128xf32, #tpu.memory_space<hbm>>
      tpu.enqueue_indirect_dma source(%dma_start3A_1369 : memref<100000x128xf32, #tpu.memory_space<hbm>>) target(%arg11 : memref<128x128xf32, #tpu.memory_space<vmem>>) offsets(%dma_start3A_1366 : memref<128xi32, #tpu.memory_space<vmem>>) semaphore(%arg14 : memref<!tpu.dma_semaphore, #tpu.memory_space<semaphore_mem>>)
      %dma_wait3A_1370 = arith.constant 1 : i32
      %dma_wait3A_1371 = arith.constant 0 : i32
      %dma_wait3A_1372 = tpu.memref_slice %arg9[%dma_wait3A_1370, %dma_wait3A_1371] : memref<8x128xi32, #tpu.memory_space<vmem>> -> memref<1x128xi32, #tpu.memory_space<vmem>>
      %dma_wait3A_1373 = tpu.memref_squeeze %dma_wait3A_1372 : memref<1x128xi32, #tpu.memory_space<vmem>> -> memref<128xi32, #tpu.memory_space<vmem>>
      %dma_wait3A_1374 = arith.constant 0 : i32
      %dma_wait3A_1375 = arith.constant 0 : i32
      %dma_wait3A_1376 = tpu.memref_slice %arg5[%dma_wait3A_1374, %dma_wait3A_1375] : memref<100000x128xf32, #tpu.memory_space<hbm>> -> memref<100000x128xf32, #tpu.memory_space<hbm>>
      tpu.wait_indirect_dma semaphore(%arg15 : memref<!tpu.dma_semaphore, #tpu.memory_space<semaphore_mem>>) src(%dma_wait3A_1376 : memref<100000x128xf32, #tpu.memory_space<hbm>>) dst(%arg12 : memref<128x128xf32, #tpu.memory_space<vmem>>)
      %dma_start3A_1377 = arith.constant 1 : i32
      %dma_start3A_1378 = arith.constant 0 : i32
      %dma_start3A_1379 = tpu.memref_slice %arg10[%dma_start3A_1377, %dma_start3A_1378] : memref<8x128xi32, #tpu.memory_space<vmem>> -> memref<1x128xi32, #tpu.memory_space<vmem>>
      %dma_start3A_1380 = tpu.memref_squeeze %dma_start3A_1379 : memref<1x128xi32, #tpu.memory_space<vmem>> -> memref<128xi32, #tpu.memory_space<vmem>>
      %dma_start3A_1381 = arith.constant 0 : i32
      %dma_start3A_1382 = arith.constant 0 : i32
      %dma_start3A_1383 = tpu.memref_slice %arg13[%dma_start3A_1381, %dma_start3A_1382] : memref<10240x128xf32, #tpu.memory_space<vmem_shared>> -> memref<10240x128xf32, #tpu.memory_space<vmem_shared>>
      tpu.enqueue_indirect_dma source(%arg12 : memref<128x128xf32, #tpu.memory_space<vmem>>) target(%dma_start3A_1383 : memref<10240x128xf32, #tpu.memory_space<vmem_shared>>) offsets(%dma_start3A_1380 : memref<128xi32, #tpu.memory_space<vmem>>) semaphore(%arg17 : memref<!tpu.dma_semaphore, #tpu.memory_space<semaphore_mem>>) {add = true}
      %dma_wait3A_1384 = arith.constant 1 : i32
      %dma_wait3A_1385 = arith.constant 0 : i32
      %dma_wait3A_1386 = tpu.memref_slice %arg10[%dma_wait3A_1384, %dma_wait3A_1385] : memref<8x128xi32, #tpu.memory_space<vmem>> -> memref<1x128xi32, #tpu.memory_space<vmem>>
      %dma_wait3A_1387 = tpu.memref_squeeze %dma_wait3A_1386 : memref<1x128xi32, #tpu.memory_space<vmem>> -> memref<128xi32, #tpu.memory_space<vmem>>
      %dma_wait3A_1388 = arith.constant 0 : i32
      %dma_wait3A_1389 = arith.constant 0 : i32
      %dma_wait3A_1390 = tpu.memref_slice %arg13[%dma_wait3A_1388, %dma_wait3A_1389] : memref<10240x128xf32, #tpu.memory_space<vmem_shared>> -> memref<10240x128xf32, #tpu.memory_space<vmem_shared>>
      tpu.wait_indirect_dma semaphore(%arg17 : memref<!tpu.dma_semaphore, #tpu.memory_space<semaphore_mem>>) src(%arg12 : memref<128x128xf32, #tpu.memory_space<vmem>>) dst(%dma_wait3A_1390 : memref<10240x128xf32, #tpu.memory_space<vmem_shared>>)
      %dma_start3A_1391 = arith.constant 3 : i32
      %dma_start3A_1392 = arith.constant 0 : i32
      %dma_start3A_1393 = tpu.memref_slice %arg9[%dma_start3A_1391, %dma_start3A_1392] : memref<8x128xi32, #tpu.memory_space<vmem>> -> memref<1x128xi32, #tpu.memory_space<vmem>>
      %dma_start3A_1394 = tpu.memref_squeeze %dma_start3A_1393 : memref<1x128xi32, #tpu.memory_space<vmem>> -> memref<128xi32, #tpu.memory_space<vmem>>
      %dma_start3A_1395 = arith.constant 0 : i32
      %dma_start3A_1396 = arith.constant 0 : i32
      %dma_start3A_1397 = tpu.memref_slice %arg5[%dma_start3A_1395, %dma_start3A_1396] : memref<100000x128xf32, #tpu.memory_space<hbm>> -> memref<100000x128xf32, #tpu.memory_space<hbm>>
      tpu.enqueue_indirect_dma source(%dma_start3A_1397 : memref<100000x128xf32, #tpu.memory_space<hbm>>) target(%arg12 : memref<128x128xf32, #tpu.memory_space<vmem>>) offsets(%dma_start3A_1394 : memref<128xi32, #tpu.memory_space<vmem>>) semaphore(%arg15 : memref<!tpu.dma_semaphore, #tpu.memory_space<semaphore_mem>>)
      %dma_wait3A_1398 = arith.constant 2 : i32
      %dma_wait3A_1399 = arith.constant 0 : i32
      %dma_wait3A_1400 = tpu.memref_slice %arg9[%dma_wait3A_1398, %dma_wait3A_1399] : memref<8x128xi32, #tpu.memory_space<vmem>> -> memref<1x128xi32, #tpu.memory_space<vmem>>
      %dma_wait3A_1401 = tpu.memref_squeeze %dma_wait3A_1400 : memref<1x128xi32, #tpu.memory_space<vmem>> -> memref<128xi32, #tpu.memory_space<vmem>>
      %dma_wait3A_1402 = arith.constant 0 : i32
      %dma_wait3A_1403 = arith.constant 0 : i32
      %dma_wait3A_1404 = tpu.memref_slice %arg5[%dma_wait3A_1402, %dma_wait3A_1403] : memref<100000x128xf32, #tpu.memory_space<hbm>> -> memref<100000x128xf32, #tpu.memory_space<hbm>>
      tpu.wait_indirect_dma semaphore(%arg14 : memref<!tpu.dma_semaphore, #tpu.memory_space<semaphore_mem>>) src(%dma_wait3A_1404 : memref<100000x128xf32, #tpu.memory_space<hbm>>) dst(%arg11 : memref<128x128xf32, #tpu.memory_space<vmem>>)
      %dma_start3A_1405 = arith.constant 2 : i32
      %dma_start3A_1406 = arith.constant 0 : i32
      %dma_start3A_1407 = tpu.memref_slice %arg10[%dma_start3A_1405, %dma_start3A_1406] : memref<8x128xi32, #tpu.memory_space<vmem>> -> memref<1x128xi32, #tpu.memory_space<vmem>>
      %dma_start3A_1408 = tpu.memref_squeeze %dma_start3A_1407 : memref<1x128xi32, #tpu.memory_space<vmem>> -> memref<128xi32, #tpu.memory_space<vmem>>
      %dma_start3A_1409 = arith.constant 0 : i32
      %dma_start3A_1410 = arith.constant 0 : i32
      %dma_start3A_1411 = tpu.memref_slice %arg13[%dma_start3A_1409, %dma_start3A_1410] : memref<10240x128xf32, #tpu.memory_space<vmem_shared>> -> memref<10240x128xf32, #tpu.memory_space<vmem_shared>>
      tpu.enqueue_indirect_dma source(%arg11 : memref<128x128xf32, #tpu.memory_space<vmem>>) target(%dma_start3A_1411 : memref<10240x128xf32, #tpu.memory_space<vmem_shared>>) offsets(%dma_start3A_1408 : memref<128xi32, #tpu.memory_space<vmem>>) semaphore(%arg16 : memref<!tpu.dma_semaphore, #tpu.memory_space<semaphore_mem>>) {add = true}
      %dma_wait3A_1412 = arith.constant 2 : i32
      %dma_wait3A_1413 = arith.constant 0 : i32
      %dma_wait3A_1414 = tpu.memref_slice %arg10[%dma_wait3A_1412, %dma_wait3A_1413] : memref<8x128xi32, #tpu.memory_space<vmem>> -> memref<1x128xi32, #tpu.memory_space<vmem>>
      %dma_wait3A_1415 = tpu.memref_squeeze %dma_wait3A_1414 : memref<1x128xi32, #tpu.memory_space<vmem>> -> memref<128xi32, #tpu.memory_space<vmem>>
      %dma_wait3A_1416 = arith.constant 0 : i32
      %dma_wait3A_1417 = arith.constant 0 : i32
      %dma_wait3A_1418 = tpu.memref_slice %arg13[%dma_wait3A_1416, %dma_wait3A_1417] : memref<10240x128xf32, #tpu.memory_space<vmem_shared>> -> memref<10240x128xf32, #tpu.memory_space<vmem_shared>>
      tpu.wait_indirect_dma semaphore(%arg16 : memref<!tpu.dma_semaphore, #tpu.memory_space<semaphore_mem>>) src(%arg11 : memref<128x128xf32, #tpu.memory_space<vmem>>) dst(%dma_wait3A_1418 : memref<10240x128xf32, #tpu.memory_space<vmem_shared>>)
      %dma_start3A_1419 = arith.constant 4 : i32
      %dma_start3A_1420 = arith.constant 0 : i32
      %dma_start3A_1421 = tpu.memref_slice %arg9[%dma_start3A_1419, %dma_start3A_1420] : memref<8x128xi32, #tpu.memory_space<vmem>> -> memref<1x128xi32, #tpu.memory_space<vmem>>
      %dma_start3A_1422 = tpu.memref_squeeze %dma_start3A_1421 : memref<1x128xi32, #tpu.memory_space<vmem>> -> memref<128xi32, #tpu.memory_space<vmem>>
      %dma_start3A_1423 = arith.constant 0 : i32
      %dma_start3A_1424 = arith.constant 0 : i32
      %dma_start3A_1425 = tpu.memref_slice %arg5[%dma_start3A_1423, %dma_start3A_1424] : memref<100000x128xf32, #tpu.memory_space<hbm>> -> memref<100000x128xf32, #tpu.memory_space<hbm>>
      tpu.enqueue_indirect_dma source(%dma_start3A_1425 : memref<100000x128xf32, #tpu.memory_space<hbm>>) target(%arg11 : memref<128x128xf32, #tpu.memory_space<vmem>>) offsets(%dma_start3A_1422 : memref<128xi32, #tpu.memory_space<vmem>>) semaphore(%arg14 : memref<!tpu.dma_semaphore, #tpu.memory_space<semaphore_mem>>)
      %dma_wait3A_1426 = arith.constant 3 : i32
      %dma_wait3A_1427 = arith.constant 0 : i32
      %dma_wait3A_1428 = tpu.memref_slice %arg9[%dma_wait3A_1426, %dma_wait3A_1427] : memref<8x128xi32, #tpu.memory_space<vmem>> -> memref<1x128xi32, #tpu.memory_space<vmem>>
      %dma_wait3A_1429 = tpu.memref_squeeze %dma_wait3A_1428 : memref<1x128xi32, #tpu.memory_space<vmem>> -> memref<128xi32, #tpu.memory_space<vmem>>
      %dma_wait3A_1430 = arith.constant 0 : i32
      %dma_wait3A_1431 = arith.constant 0 : i32
      %dma_wait3A_1432 = tpu.memref_slice %arg5[%dma_wait3A_1430, %dma_wait3A_1431] : memref<100000x128xf32, #tpu.memory_space<hbm>> -> memref<100000x128xf32, #tpu.memory_space<hbm>>
      tpu.wait_indirect_dma semaphore(%arg15 : memref<!tpu.dma_semaphore, #tpu.memory_space<semaphore_mem>>) src(%dma_wait3A_1432 : memref<100000x128xf32, #tpu.memory_space<hbm>>) dst(%arg12 : memref<128x128xf32, #tpu.memory_space<vmem>>)
      %dma_start3A_1433 = arith.constant 3 : i32
      %dma_start3A_1434 = arith.constant 0 : i32
      %dma_start3A_1435 = tpu.memref_slice %arg10[%dma_start3A_1433, %dma_start3A_1434] : memref<8x128xi32, #tpu.memory_space<vmem>> -> memref<1x128xi32, #tpu.memory_space<vmem>>
      %dma_start3A_1436 = tpu.memref_squeeze %dma_start3A_1435 : memref<1x128xi32, #tpu.memory_space<vmem>> -> memref<128xi32, #tpu.memory_space<vmem>>
      %dma_start3A_1437 = arith.constant 0 : i32
      %dma_start3A_1438 = arith.constant 0 : i32
      %dma_start3A_1439 = tpu.memref_slice %arg13[%dma_start3A_1437, %dma_start3A_1438] : memref<10240x128xf32, #tpu.memory_space<vmem_shared>> -> memref<10240x128xf32, #tpu.memory_space<vmem_shared>>
      tpu.enqueue_indirect_dma source(%arg12 : memref<128x128xf32, #tpu.memory_space<vmem>>) target(%dma_start3A_1439 : memref<10240x128xf32, #tpu.memory_space<vmem_shared>>) offsets(%dma_start3A_1436 : memref<128xi32, #tpu.memory_space<vmem>>) semaphore(%arg17 : memref<!tpu.dma_semaphore, #tpu.memory_space<semaphore_mem>>) {add = true}
      %dma_wait3A_1440 = arith.constant 3 : i32
      %dma_wait3A_1441 = arith.constant 0 : i32
      %dma_wait3A_1442 = tpu.memref_slice %arg10[%dma_wait3A_1440, %dma_wait3A_1441] : memref<8x128xi32, #tpu.memory_space<vmem>> -> memref<1x128xi32, #tpu.memory_space<vmem>>
      %dma_wait3A_1443 = tpu.memref_squeeze %dma_wait3A_1442 : memref<1x128xi32, #tpu.memory_space<vmem>> -> memref<128xi32, #tpu.memory_space<vmem>>
      %dma_wait3A_1444 = arith.constant 0 : i32
      %dma_wait3A_1445 = arith.constant 0 : i32
      %dma_wait3A_1446 = tpu.memref_slice %arg13[%dma_wait3A_1444, %dma_wait3A_1445] : memref<10240x128xf32, #tpu.memory_space<vmem_shared>> -> memref<10240x128xf32, #tpu.memory_space<vmem_shared>>
      tpu.wait_indirect_dma semaphore(%arg17 : memref<!tpu.dma_semaphore, #tpu.memory_space<semaphore_mem>>) src(%arg12 : memref<128x128xf32, #tpu.memory_space<vmem>>) dst(%dma_wait3A_1446 : memref<10240x128xf32, #tpu.memory_space<vmem_shared>>)
      %dma_start3A_1447 = arith.constant 5 : i32
      %dma_start3A_1448 = arith.constant 0 : i32
      %dma_start3A_1449 = tpu.memref_slice %arg9[%dma_start3A_1447, %dma_start3A_1448] : memref<8x128xi32, #tpu.memory_space<vmem>> -> memref<1x128xi32, #tpu.memory_space<vmem>>
      %dma_start3A_1450 = tpu.memref_squeeze %dma_start3A_1449 : memref<1x128xi32, #tpu.memory_space<vmem>> -> memref<128xi32, #tpu.memory_space<vmem>>
      %dma_start3A_1451 = arith.constant 0 : i32
      %dma_start3A_1452 = arith.constant 0 : i32
      %dma_start3A_1453 = tpu.memref_slice %arg5[%dma_start3A_1451, %dma_start3A_1452] : memref<100000x128xf32, #tpu.memory_space<hbm>> -> memref<100000x128xf32, #tpu.memory_space<hbm>>
      tpu.enqueue_indirect_dma source(%dma_start3A_1453 : memref<100000x128xf32, #tpu.memory_space<hbm>>) target(%arg12 : memref<128x128xf32, #tpu.memory_space<vmem>>) offsets(%dma_start3A_1450 : memref<128xi32, #tpu.memory_space<vmem>>) semaphore(%arg15 : memref<!tpu.dma_semaphore, #tpu.memory_space<semaphore_mem>>)
      %dma_wait3A_1454 = arith.constant 4 : i32
      %dma_wait3A_1455 = arith.constant 0 : i32
      %dma_wait3A_1456 = tpu.memref_slice %arg9[%dma_wait3A_1454, %dma_wait3A_1455] : memref<8x128xi32, #tpu.memory_space<vmem>> -> memref<1x128xi32, #tpu.memory_space<vmem>>
      %dma_wait3A_1457 = tpu.memref_squeeze %dma_wait3A_1456 : memref<1x128xi32, #tpu.memory_space<vmem>> -> memref<128xi32, #tpu.memory_space<vmem>>
      %dma_wait3A_1458 = arith.constant 0 : i32
      %dma_wait3A_1459 = arith.constant 0 : i32
      %dma_wait3A_1460 = tpu.memref_slice %arg5[%dma_wait3A_1458, %dma_wait3A_1459] : memref<100000x128xf32, #tpu.memory_space<hbm>> -> memref<100000x128xf32, #tpu.memory_space<hbm>>
      tpu.wait_indirect_dma semaphore(%arg14 : memref<!tpu.dma_semaphore, #tpu.memory_space<semaphore_mem>>) src(%dma_wait3A_1460 : memref<100000x128xf32, #tpu.memory_space<hbm>>) dst(%arg11 : memref<128x128xf32, #tpu.memory_space<vmem>>)
      %dma_start3A_1461 = arith.constant 4 : i32
      %dma_start3A_1462 = arith.constant 0 : i32
      %dma_start3A_1463 = tpu.memref_slice %arg10[%dma_start3A_1461, %dma_start3A_1462] : memref<8x128xi32, #tpu.memory_space<vmem>> -> memref<1x128xi32, #tpu.memory_space<vmem>>
      %dma_start3A_1464 = tpu.memref_squeeze %dma_start3A_1463 : memref<1x128xi32, #tpu.memory_space<vmem>> -> memref<128xi32, #tpu.memory_space<vmem>>
      %dma_start3A_1465 = arith.constant 0 : i32
      %dma_start3A_1466 = arith.constant 0 : i32
      %dma_start3A_1467 = tpu.memref_slice %arg13[%dma_start3A_1465, %dma_start3A_1466] : memref<10240x128xf32, #tpu.memory_space<vmem_shared>> -> memref<10240x128xf32, #tpu.memory_space<vmem_shared>>
      tpu.enqueue_indirect_dma source(%arg11 : memref<128x128xf32, #tpu.memory_space<vmem>>) target(%dma_start3A_1467 : memref<10240x128xf32, #tpu.memory_space<vmem_shared>>) offsets(%dma_start3A_1464 : memref<128xi32, #tpu.memory_space<vmem>>) semaphore(%arg16 : memref<!tpu.dma_semaphore, #tpu.memory_space<semaphore_mem>>) {add = true}
      %dma_wait3A_1468 = arith.constant 4 : i32
      %dma_wait3A_1469 = arith.constant 0 : i32
      %dma_wait3A_1470 = tpu.memref_slice %arg10[%dma_wait3A_1468, %dma_wait3A_1469] : memref<8x128xi32, #tpu.memory_space<vmem>> -> memref<1x128xi32, #tpu.memory_space<vmem>>
      %dma_wait3A_1471 = tpu.memref_squeeze %dma_wait3A_1470 : memref<1x128xi32, #tpu.memory_space<vmem>> -> memref<128xi32, #tpu.memory_space<vmem>>
      %dma_wait3A_1472 = arith.constant 0 : i32
      %dma_wait3A_1473 = arith.constant 0 : i32
      %dma_wait3A_1474 = tpu.memref_slice %arg13[%dma_wait3A_1472, %dma_wait3A_1473] : memref<10240x128xf32, #tpu.memory_space<vmem_shared>> -> memref<10240x128xf32, #tpu.memory_space<vmem_shared>>
      tpu.wait_indirect_dma semaphore(%arg16 : memref<!tpu.dma_semaphore, #tpu.memory_space<semaphore_mem>>) src(%arg11 : memref<128x128xf32, #tpu.memory_space<vmem>>) dst(%dma_wait3A_1474 : memref<10240x128xf32, #tpu.memory_space<vmem_shared>>)
      %dma_start3A_1475 = arith.constant 6 : i32
      %dma_start3A_1476 = arith.constant 0 : i32
      %dma_start3A_1477 = tpu.memref_slice %arg9[%dma_start3A_1475, %dma_start3A_1476] : memref<8x128xi32, #tpu.memory_space<vmem>> -> memref<1x128xi32, #tpu.memory_space<vmem>>
      %dma_start3A_1478 = tpu.memref_squeeze %dma_start3A_1477 : memref<1x128xi32, #tpu.memory_space<vmem>> -> memref<128xi32, #tpu.memory_space<vmem>>
      %dma_start3A_1479 = arith.constant 0 : i32
      %dma_start3A_1480 = arith.constant 0 : i32
      %dma_start3A_1481 = tpu.memref_slice %arg5[%dma_start3A_1479, %dma_start3A_1480] : memref<100000x128xf32, #tpu.memory_space<hbm>> -> memref<100000x128xf32, #tpu.memory_space<hbm>>
      tpu.enqueue_indirect_dma source(%dma_start3A_1481 : memref<100000x128xf32, #tpu.memory_space<hbm>>) target(%arg11 : memref<128x128xf32, #tpu.memory_space<vmem>>) offsets(%dma_start3A_1478 : memref<128xi32, #tpu.memory_space<vmem>>) semaphore(%arg14 : memref<!tpu.dma_semaphore, #tpu.memory_space<semaphore_mem>>)
      %dma_wait3A_1482 = arith.constant 5 : i32
      %dma_wait3A_1483 = arith.constant 0 : i32
      %dma_wait3A_1484 = tpu.memref_slice %arg9[%dma_wait3A_1482, %dma_wait3A_1483] : memref<8x128xi32, #tpu.memory_space<vmem>> -> memref<1x128xi32, #tpu.memory_space<vmem>>
      %dma_wait3A_1485 = tpu.memref_squeeze %dma_wait3A_1484 : memref<1x128xi32, #tpu.memory_space<vmem>> -> memref<128xi32, #tpu.memory_space<vmem>>
      %dma_wait3A_1486 = arith.constant 0 : i32
      %dma_wait3A_1487 = arith.constant 0 : i32
      %dma_wait3A_1488 = tpu.memref_slice %arg5[%dma_wait3A_1486, %dma_wait3A_1487] : memref<100000x128xf32, #tpu.memory_space<hbm>> -> memref<100000x128xf32, #tpu.memory_space<hbm>>
      tpu.wait_indirect_dma semaphore(%arg15 : memref<!tpu.dma_semaphore, #tpu.memory_space<semaphore_mem>>) src(%dma_wait3A_1488 : memref<100000x128xf32, #tpu.memory_space<hbm>>) dst(%arg12 : memref<128x128xf32, #tpu.memory_space<vmem>>)
      %dma_start3A_1489 = arith.constant 5 : i32
      %dma_start3A_1490 = arith.constant 0 : i32
      %dma_start3A_1491 = tpu.memref_slice %arg10[%dma_start3A_1489, %dma_start3A_1490] : memref<8x128xi32, #tpu.memory_space<vmem>> -> memref<1x128xi32, #tpu.memory_space<vmem>>
      %dma_start3A_1492 = tpu.memref_squeeze %dma_start3A_1491 : memref<1x128xi32, #tpu.memory_space<vmem>> -> memref<128xi32, #tpu.memory_space<vmem>>
      %dma_start3A_1493 = arith.constant 0 : i32
      %dma_start3A_1494 = arith.constant 0 : i32
      %dma_start3A_1495 = tpu.memref_slice %arg13[%dma_start3A_1493, %dma_start3A_1494] : memref<10240x128xf32, #tpu.memory_space<vmem_shared>> -> memref<10240x128xf32, #tpu.memory_space<vmem_shared>>
      tpu.enqueue_indirect_dma source(%arg12 : memref<128x128xf32, #tpu.memory_space<vmem>>) target(%dma_start3A_1495 : memref<10240x128xf32, #tpu.memory_space<vmem_shared>>) offsets(%dma_start3A_1492 : memref<128xi32, #tpu.memory_space<vmem>>) semaphore(%arg17 : memref<!tpu.dma_semaphore, #tpu.memory_space<semaphore_mem>>) {add = true}
      %dma_wait3A_1496 = arith.constant 5 : i32
      %dma_wait3A_1497 = arith.constant 0 : i32
      %dma_wait3A_1498 = tpu.memref_slice %arg10[%dma_wait3A_1496, %dma_wait3A_1497] : memref<8x128xi32, #tpu.memory_space<vmem>> -> memref<1x128xi32, #tpu.memory_space<vmem>>
      %dma_wait3A_1499 = tpu.memref_squeeze %dma_wait3A_1498 : memref<1x128xi32, #tpu.memory_space<vmem>> -> memref<128xi32, #tpu.memory_space<vmem>>
      %dma_wait3A_1500 = arith.constant 0 : i32
      %dma_wait3A_1501 = arith.constant 0 : i32
      %dma_wait3A_1502 = tpu.memref_slice %arg13[%dma_wait3A_1500, %dma_wait3A_1501] : memref<10240x128xf32, #tpu.memory_space<vmem_shared>> -> memref<10240x128xf32, #tpu.memory_space<vmem_shared>>
      tpu.wait_indirect_dma semaphore(%arg17 : memref<!tpu.dma_semaphore, #tpu.memory_space<semaphore_mem>>) src(%arg12 : memref<128x128xf32, #tpu.memory_space<vmem>>) dst(%dma_wait3A_1502 : memref<10240x128xf32, #tpu.memory_space<vmem_shared>>)
      %dma_start3A_1503 = arith.constant 7 : i32
      %dma_start3A_1504 = arith.constant 0 : i32
      %dma_start3A_1505 = tpu.memref_slice %arg9[%dma_start3A_1503, %dma_start3A_1504] : memref<8x128xi32, #tpu.memory_space<vmem>> -> memref<1x128xi32, #tpu.memory_space<vmem>>
      %dma_start3A_1506 = tpu.memref_squeeze %dma_start3A_1505 : memref<1x128xi32, #tpu.memory_space<vmem>> -> memref<128xi32, #tpu.memory_space<vmem>>
      %dma_start3A_1507 = arith.constant 0 : i32
      %dma_start3A_1508 = arith.constant 0 : i32
      %dma_start3A_1509 = tpu.memref_slice %arg5[%dma_start3A_1507, %dma_start3A_1508] : memref<100000x128xf32, #tpu.memory_space<hbm>> -> memref<100000x128xf32, #tpu.memory_space<hbm>>
      tpu.enqueue_indirect_dma source(%dma_start3A_1509 : memref<100000x128xf32, #tpu.memory_space<hbm>>) target(%arg12 : memref<128x128xf32, #tpu.memory_space<vmem>>) offsets(%dma_start3A_1506 : memref<128xi32, #tpu.memory_space<vmem>>) semaphore(%arg15 : memref<!tpu.dma_semaphore, #tpu.memory_space<semaphore_mem>>)
      %dma_wait3A_1510 = arith.constant 6 : i32
      %dma_wait3A_1511 = arith.constant 0 : i32
      %dma_wait3A_1512 = tpu.memref_slice %arg9[%dma_wait3A_1510, %dma_wait3A_1511] : memref<8x128xi32, #tpu.memory_space<vmem>> -> memref<1x128xi32, #tpu.memory_space<vmem>>
      %dma_wait3A_1513 = tpu.memref_squeeze %dma_wait3A_1512 : memref<1x128xi32, #tpu.memory_space<vmem>> -> memref<128xi32, #tpu.memory_space<vmem>>
      %dma_wait3A_1514 = arith.constant 0 : i32
      %dma_wait3A_1515 = arith.constant 0 : i32
      %dma_wait3A_1516 = tpu.memref_slice %arg5[%dma_wait3A_1514, %dma_wait3A_1515] : memref<100000x128xf32, #tpu.memory_space<hbm>> -> memref<100000x128xf32, #tpu.memory_space<hbm>>
      tpu.wait_indirect_dma semaphore(%arg14 : memref<!tpu.dma_semaphore, #tpu.memory_space<semaphore_mem>>) src(%dma_wait3A_1516 : memref<100000x128xf32, #tpu.memory_space<hbm>>) dst(%arg11 : memref<128x128xf32, #tpu.memory_space<vmem>>)
      %dma_start3A_1517 = arith.constant 6 : i32
      %dma_start3A_1518 = arith.constant 0 : i32
      %dma_start3A_1519 = tpu.memref_slice %arg10[%dma_start3A_1517, %dma_start3A_1518] : memref<8x128xi32, #tpu.memory_space<vmem>> -> memref<1x128xi32, #tpu.memory_space<vmem>>
      %dma_start3A_1520 = tpu.memref_squeeze %dma_start3A_1519 : memref<1x128xi32, #tpu.memory_space<vmem>> -> memref<128xi32, #tpu.memory_space<vmem>>
      %dma_start3A_1521 = arith.constant 0 : i32
      %dma_start3A_1522 = arith.constant 0 : i32
      %dma_start3A_1523 = tpu.memref_slice %arg13[%dma_start3A_1521, %dma_start3A_1522] : memref<10240x128xf32, #tpu.memory_space<vmem_shared>> -> memref<10240x128xf32, #tpu.memory_space<vmem_shared>>
      tpu.enqueue_indirect_dma source(%arg11 : memref<128x128xf32, #tpu.memory_space<vmem>>) target(%dma_start3A_1523 : memref<10240x128xf32, #tpu.memory_space<vmem_shared>>) offsets(%dma_start3A_1520 : memref<128xi32, #tpu.memory_space<vmem>>) semaphore(%arg16 : memref<!tpu.dma_semaphore, #tpu.memory_space<semaphore_mem>>) {add = true}
      %dma_wait3A_1524 = arith.constant 7 : i32
      %dma_wait3A_1525 = arith.constant 0 : i32
      %dma_wait3A_1526 = tpu.memref_slice %arg9[%dma_wait3A_1524, %dma_wait3A_1525] : memref<8x128xi32, #tpu.memory_space<vmem>> -> memref<1x128xi32, #tpu.memory_space<vmem>>
      %dma_wait3A_1527 = tpu.memref_squeeze %dma_wait3A_1526 : memref<1x128xi32, #tpu.memory_space<vmem>> -> memref<128xi32, #tpu.memory_space<vmem>>
      %dma_wait3A_1528 = arith.constant 0 : i32
      %dma_wait3A_1529 = arith.constant 0 : i32
      %dma_wait3A_1530 = tpu.memref_slice %arg5[%dma_wait3A_1528, %dma_wait3A_1529] : memref<100000x128xf32, #tpu.memory_space<hbm>> -> memref<100000x128xf32, #tpu.memory_space<hbm>>
      tpu.wait_indirect_dma semaphore(%arg15 : memref<!tpu.dma_semaphore, #tpu.memory_space<semaphore_mem>>) src(%dma_wait3A_1530 : memref<100000x128xf32, #tpu.memory_space<hbm>>) dst(%arg12 : memref<128x128xf32, #tpu.memory_space<vmem>>)
      %dma_start3A_1531 = arith.constant 7 : i32
      %dma_start3A_1532 = arith.constant 0 : i32
      %dma_start3A_1533 = tpu.memref_slice %arg10[%dma_start3A_1531, %dma_start3A_1532] : memref<8x128xi32, #tpu.memory_space<vmem>> -> memref<1x128xi32, #tpu.memory_space<vmem>>
      %dma_start3A_1534 = tpu.memref_squeeze %dma_start3A_1533 : memref<1x128xi32, #tpu.memory_space<vmem>> -> memref<128xi32, #tpu.memory_space<vmem>>
      %dma_start3A_1535 = arith.constant 0 : i32
      %dma_start3A_1536 = arith.constant 0 : i32
      %dma_start3A_1537 = tpu.memref_slice %arg13[%dma_start3A_1535, %dma_start3A_1536] : memref<10240x128xf32, #tpu.memory_space<vmem_shared>> -> memref<10240x128xf32, #tpu.memory_space<vmem_shared>>
      tpu.enqueue_indirect_dma source(%arg12 : memref<128x128xf32, #tpu.memory_space<vmem>>) target(%dma_start3A_1537 : memref<10240x128xf32, #tpu.memory_space<vmem_shared>>) offsets(%dma_start3A_1534 : memref<128xi32, #tpu.memory_space<vmem>>) semaphore(%arg17 : memref<!tpu.dma_semaphore, #tpu.memory_space<semaphore_mem>>) {add = true}
      %dma_wait3A_1538 = arith.constant 6 : i32
      %dma_wait3A_1539 = arith.constant 0 : i32
      %dma_wait3A_1540 = tpu.memref_slice %arg10[%dma_wait3A_1538, %dma_wait3A_1539] : memref<8x128xi32, #tpu.memory_space<vmem>> -> memref<1x128xi32, #tpu.memory_space<vmem>>
      %dma_wait3A_1541 = tpu.memref_squeeze %dma_wait3A_1540 : memref<1x128xi32, #tpu.memory_space<vmem>> -> memref<128xi32, #tpu.memory_space<vmem>>
      %dma_wait3A_1542 = arith.constant 0 : i32
      %dma_wait3A_1543 = arith.constant 0 : i32
      %dma_wait3A_1544 = tpu.memref_slice %arg13[%dma_wait3A_1542, %dma_wait3A_1543] : memref<10240x128xf32, #tpu.memory_space<vmem_shared>> -> memref<10240x128xf32, #tpu.memory_space<vmem_shared>>
      tpu.wait_indirect_dma semaphore(%arg16 : memref<!tpu.dma_semaphore, #tpu.memory_space<semaphore_mem>>) src(%arg11 : memref<128x128xf32, #tpu.memory_space<vmem>>) dst(%dma_wait3A_1544 : memref<10240x128xf32, #tpu.memory_space<vmem_shared>>)
      %dma_wait3A_1545 = arith.constant 7 : i32
      %dma_wait3A_1546 = arith.constant 0 : i32
      %dma_wait3A_1547 = tpu.memref_slice %arg10[%dma_wait3A_1545, %dma_wait3A_1546] : memref<8x128xi32, #tpu.memory_space<vmem>> -> memref<1x128xi32, #tpu.memory_space<vmem>>
      %dma_wait3A_1548 = tpu.memref_squeeze %dma_wait3A_1547 : memref<1x128xi32, #tpu.memory_space<vmem>> -> memref<128xi32, #tpu.memory_space<vmem>>
      %dma_wait3A_1549 = arith.constant 0 : i32
      %dma_wait3A_1550 = arith.constant 0 : i32
      %dma_wait3A_1551 = tpu.memref_slice %arg13[%dma_wait3A_1549, %dma_wait3A_1550] : memref<10240x128xf32, #tpu.memory_space<vmem_shared>> -> memref<10240x128xf32, #tpu.memory_space<vmem_shared>>
      tpu.wait_indirect_dma semaphore(%arg17 : memref<!tpu.dma_semaphore, #tpu.memory_space<semaphore_mem>>) src(%arg12 : memref<128x128xf32, #tpu.memory_space<vmem>>) dst(%dma_wait3A_1551 : memref<10240x128xf32, #tpu.memory_space<vmem_shared>>)
    }
    %while3A_42 = arith.constant 1 : i32
    scf.for %while3A_48 = %while3A_40 to %while3A_36 step %while3A_42  : i32 {
      %add3A_49 = arith.addi %select_n3A_8, %while3A_48 : i32
      %mul3A_50 = arith.constant 8 : i32
      %mul3A_51 = arith.muli %add3A_49, %mul3A_50 : i32
      "tpu.region"() ({
        %run_scoped3A = tpu.sem_alloc : memref<!tpu.dma_semaphore, #tpu.memory_space<semaphore_mem>>
        %dma_start3A_1552 = arith.constant 0 : i32
        %dma_start3A_1553 = tpu.memref_slice %arg2[%mul3A_51, %dma_start3A_1552] : memref<2560x128xi32, #tpu.memory_space<hbm>> -> memref<8x128xi32, #tpu.memory_space<hbm>>
        %dma_start3A_1554 = arith.constant 0 : i32
        %dma_start3A_1555 = tpu.memref_slice %arg2[%mul3A_51, %dma_start3A_1554] : memref<2560x128xi32, #tpu.memory_space<hbm>> -> memref<8x128xi32, #tpu.memory_space<hbm>>
        tpu.enqueue_dma source(%dma_start3A_1555 : memref<8x128xi32, #tpu.memory_space<hbm>>) target(%arg7 : memref<8x128xi32, #tpu.memory_space<vmem>>) target_semaphore(%run_scoped3A : memref<!tpu.dma_semaphore, #tpu.memory_space<semaphore_mem>>)
        %dma_wait3A_1556 = arith.constant 0 : i32
        %dma_wait3A_1557 = tpu.memref_slice %arg2[%mul3A_51, %dma_wait3A_1556] : memref<2560x128xi32, #tpu.memory_space<hbm>> -> memref<8x128xi32, #tpu.memory_space<hbm>>
        %dma_wait3A_1558 = arith.constant 0 : i32
        %dma_wait3A_1559 = tpu.memref_slice %arg2[%mul3A_51, %dma_wait3A_1558] : memref<2560x128xi32, #tpu.memory_space<hbm>> -> memref<8x128xi32, #tpu.memory_space<hbm>>
        tpu.wait_dma2 semaphore(%run_scoped3A : memref<!tpu.dma_semaphore, #tpu.memory_space<semaphore_mem>>) src(%dma_wait3A_1559 : memref<8x128xi32, #tpu.memory_space<hbm>>) dst(%arg7 : memref<8x128xi32, #tpu.memory_space<vmem>>)
        tpu.yield
      }) : () -> ()
      "tpu.region"() ({
        %run_scoped3A = tpu.sem_alloc : memref<!tpu.dma_semaphore, #tpu.memory_space<semaphore_mem>>
        %dma_start3A_1552 = arith.constant 0 : i32
        %dma_start3A_1553 = tpu.memref_slice %arg3[%mul3A_51, %dma_start3A_1552] : memref<2560x128xi32, #tpu.memory_space<hbm>> -> memref<8x128xi32, #tpu.memory_space<hbm>>
        %dma_start3A_1554 = arith.constant 0 : i32
        %dma_start3A_1555 = tpu.memref_slice %arg3[%mul3A_51, %dma_start3A_1554] : memref<2560x128xi32, #tpu.memory_space<hbm>> -> memref<8x128xi32, #tpu.memory_space<hbm>>
        tpu.enqueue_dma source(%dma_start3A_1555 : memref<8x128xi32, #tpu.memory_space<hbm>>) target(%arg8 : memref<8x128xi32, #tpu.memory_space<vmem>>) target_semaphore(%run_scoped3A : memref<!tpu.dma_semaphore, #tpu.memory_space<semaphore_mem>>)
        %dma_wait3A_1556 = arith.constant 0 : i32
        %dma_wait3A_1557 = tpu.memref_slice %arg3[%mul3A_51, %dma_wait3A_1556] : memref<2560x128xi32, #tpu.memory_space<hbm>> -> memref<8x128xi32, #tpu.memory_space<hbm>>
        %dma_wait3A_1558 = arith.constant 0 : i32
        %dma_wait3A_1559 = tpu.memref_slice %arg3[%mul3A_51, %dma_wait3A_1558] : memref<2560x128xi32, #tpu.memory_space<hbm>> -> memref<8x128xi32, #tpu.memory_space<hbm>>
        tpu.wait_dma2 semaphore(%run_scoped3A : memref<!tpu.dma_semaphore, #tpu.memory_space<semaphore_mem>>) src(%dma_wait3A_1559 : memref<8x128xi32, #tpu.memory_space<hbm>>) dst(%arg8 : memref<8x128xi32, #tpu.memory_space<vmem>>)
        tpu.yield
      }) : () -> ()
      "tpu.region"() ({
        %run_scoped3A = tpu.sem_alloc : memref<!tpu.dma_semaphore, #tpu.memory_space<semaphore_mem>>
        %dma_start3A_1552 = arith.constant 0 : i32
        %dma_start3A_1553 = tpu.memref_slice %arg4[%mul3A_51, %dma_start3A_1552] : memref<2560x128xi32, #tpu.memory_space<hbm>> -> memref<8x128xi32, #tpu.memory_space<hbm>>
        %dma_start3A_1554 = arith.constant 0 : i32
        %dma_start3A_1555 = tpu.memref_slice %arg4[%mul3A_51, %dma_start3A_1554] : memref<2560x128xi32, #tpu.memory_space<hbm>> -> memref<8x128xi32, #tpu.memory_space<hbm>>
        tpu.enqueue_dma source(%dma_start3A_1555 : memref<8x128xi32, #tpu.memory_space<hbm>>) target(%arg10 : memref<8x128xi32, #tpu.memory_space<vmem>>) target_semaphore(%run_scoped3A : memref<!tpu.dma_semaphore, #tpu.memory_space<semaphore_mem>>)
        %dma_wait3A_1556 = arith.constant 0 : i32
        %dma_wait3A_1557 = tpu.memref_slice %arg4[%mul3A_51, %dma_wait3A_1556] : memref<2560x128xi32, #tpu.memory_space<hbm>> -> memref<8x128xi32, #tpu.memory_space<hbm>>
        %dma_wait3A_1558 = arith.constant 0 : i32
        %dma_wait3A_1559 = tpu.memref_slice %arg4[%mul3A_51, %dma_wait3A_1558] : memref<2560x128xi32, #tpu.memory_space<hbm>> -> memref<8x128xi32, #tpu.memory_space<hbm>>
        tpu.wait_dma2 semaphore(%run_scoped3A : memref<!tpu.dma_semaphore, #tpu.memory_space<semaphore_mem>>) src(%dma_wait3A_1559 : memref<8x128xi32, #tpu.memory_space<hbm>>) dst(%arg10 : memref<8x128xi32, #tpu.memory_space<vmem>>)
        tpu.yield
      }) : () -> ()
      %get3A = arith.constant 0 : i32
      %get3A_52 = arith.index_cast %get3A : i32 to index
      %get3A_53 = arith.constant 0 : index
      %get3A_54 = tpu.vector_load %arg8[%get3A_52, %get3A_53] {strides = array<i32>} : memref<8x128xi32, #tpu.memory_space<vmem>>, vector<1x16xi32>,
      %get3A_55 = vector.shape_cast %get3A_54 : vector<1x16xi32> to vector<16xi32>
      %mul3A_56 = arith.constant 10000 : i32
      %mul3A_57 = vector.broadcast %mul3A_56 : i32 to vector<16xi32>
      %mul3A_58 = arith.muli %get3A_55, %mul3A_57 : vector<16xi32>
      %get3A_59 = arith.constant 0 : i32
      %get3A_60 = arith.index_cast %get3A_59 : i32 to index
      %get3A_61 = arith.constant 0 : index
      %get3A_62 = tpu.vector_load %arg7[%get3A_60, %get3A_61] {strides = array<i32>} : memref<8x128xi32, #tpu.memory_space<vmem>>, vector<1x16xi32>,
      %get3A_63 = vector.shape_cast %get3A_62 : vector<1x16xi32> to vector<16xi32>
      %add3A_64 = arith.addi %mul3A_58, %get3A_63 : vector<16xi32>
      %swap3A = arith.constant 0 : i32
      %swap3A_65 = arith.index_cast %swap3A : i32 to index
      %swap3A_66 = arith.constant 0 : index
      %swap3A_67 = tpu.vector_load %arg9[%swap3A_65, %swap3A_66] {strides = array<i32>} : memref<8x128xi32, #tpu.memory_space<vmem>>, vector<1x16xi32>,
      %swap3A_68 = vector.shape_cast %swap3A_67 : vector<1x16xi32> to vector<16xi32>
      %swap3A_69 = vector.shape_cast %add3A_64 : vector<16xi32> to vector<1x16xi32>
      tpu.vector_store %arg9[%swap3A_65, %swap3A_66], %swap3A_69 {strides = array<i32>} : memref<8x128xi32, #tpu.memory_space<vmem>>, vector<1x16xi32>,
      %get3A_70 = arith.constant 0 : i32
      %get3A_71 = arith.index_cast %get3A_70 : i32 to index
      %get3A_72 = arith.constant 16 : index
      %get3A_73 = tpu.vector_load %arg8[%get3A_71, %get3A_72] {strides = array<i32>} : memref<8x128xi32, #tpu.memory_space<vmem>>, vector<1x16xi32>,
      %get3A_74 = vector.shape_cast %get3A_73 : vector<1x16xi32> to vector<16xi32>
      %mul3A_75 = arith.constant 10000 : i32
      %mul3A_76 = vector.broadcast %mul3A_75 : i32 to vector<16xi32>
      %mul3A_77 = arith.muli %get3A_74, %mul3A_76 : vector<16xi32>
      %get3A_78 = arith.constant 0 : i32
      %get3A_79 = arith.index_cast %get3A_78 : i32 to index
      %get3A_80 = arith.constant 16 : index
      %get3A_81 = tpu.vector_load %arg7[%get3A_79, %get3A_80] {strides = array<i32>} : memref<8x128xi32, #tpu.memory_space<vmem>>, vector<1x16xi32>,
      %get3A_82 = vector.shape_cast %get3A_81 : vector<1x16xi32> to vector<16xi32>
      %add3A_83 = arith.addi %mul3A_77, %get3A_82 : vector<16xi32>
      %swap3A_84 = arith.constant 0 : i32
      %swap3A_85 = arith.index_cast %swap3A_84 : i32 to index
      %swap3A_86 = arith.constant 16 : index
      %swap3A_87 = tpu.vector_load %arg9[%swap3A_85, %swap3A_86] {strides = array<i32>} : memref<8x128xi32, #tpu.memory_space<vmem>>, vector<1x16xi32>,
      %swap3A_88 = vector.shape_cast %swap3A_87 : vector<1x16xi32> to vector<16xi32>
      %swap3A_89 = vector.shape_cast %add3A_83 : vector<16xi32> to vector<1x16xi32>
      tpu.vector_store %arg9[%swap3A_85, %swap3A_86], %swap3A_89 {strides = array<i32>} : memref<8x128xi32, #tpu.memory_space<vmem>>, vector<1x16xi32>,
      %get3A_90 = arith.constant 0 : i32
      %get3A_91 = arith.index_cast %get3A_90 : i32 to index
      %get3A_92 = arith.constant 32 : index
      %get3A_93 = tpu.vector_load %arg8[%get3A_91, %get3A_92] {strides = array<i32>} : memref<8x128xi32, #tpu.memory_space<vmem>>, vector<1x16xi32>,
      %get3A_94 = vector.shape_cast %get3A_93 : vector<1x16xi32> to vector<16xi32>
      %mul3A_95 = arith.constant 10000 : i32
      %mul3A_96 = vector.broadcast %mul3A_95 : i32 to vector<16xi32>
      %mul3A_97 = arith.muli %get3A_94, %mul3A_96 : vector<16xi32>
      %get3A_98 = arith.constant 0 : i32
      %get3A_99 = arith.index_cast %get3A_98 : i32 to index
      %get3A_100 = arith.constant 32 : index
      %get3A_101 = tpu.vector_load %arg7[%get3A_99, %get3A_100] {strides = array<i32>} : memref<8x128xi32, #tpu.memory_space<vmem>>, vector<1x16xi32>,
      %get3A_102 = vector.shape_cast %get3A_101 : vector<1x16xi32> to vector<16xi32>
      %add3A_103 = arith.addi %mul3A_97, %get3A_102 : vector<16xi32>
      %swap3A_104 = arith.constant 0 : i32
      %swap3A_105 = arith.index_cast %swap3A_104 : i32 to index
      %swap3A_106 = arith.constant 32 : index
      %swap3A_107 = tpu.vector_load %arg9[%swap3A_105, %swap3A_106] {strides = array<i32>} : memref<8x128xi32, #tpu.memory_space<vmem>>, vector<1x16xi32>,
      %swap3A_108 = vector.shape_cast %swap3A_107 : vector<1x16xi32> to vector<16xi32>
      %swap3A_109 = vector.shape_cast %add3A_103 : vector<16xi32> to vector<1x16xi32>
      tpu.vector_store %arg9[%swap3A_105, %swap3A_106], %swap3A_109 {strides = array<i32>} : memref<8x128xi32, #tpu.memory_space<vmem>>, vector<1x16xi32>,
      %get3A_110 = arith.constant 0 : i32
      %get3A_111 = arith.index_cast %get3A_110 : i32 to index
      %get3A_112 = arith.constant 48 : index
      %get3A_113 = tpu.vector_load %arg8[%get3A_111, %get3A_112] {strides = array<i32>} : memref<8x128xi32, #tpu.memory_space<vmem>>, vector<1x16xi32>,
      %get3A_114 = vector.shape_cast %get3A_113 : vector<1x16xi32> to vector<16xi32>
      %mul3A_115 = arith.constant 10000 : i32
      %mul3A_116 = vector.broadcast %mul3A_115 : i32 to vector<16xi32>
      %mul3A_117 = arith.muli %get3A_114, %mul3A_116 : vector<16xi32>
      %get3A_118 = arith.constant 0 : i32
      %get3A_119 = arith.index_cast %get3A_118 : i32 to index
      %get3A_120 = arith.constant 48 : index
      %get3A_121 = tpu.vector_load %arg7[%get3A_119, %get3A_120] {strides = array<i32>} : memref<8x128xi32, #tpu.memory_space<vmem>>, vector<1x16xi32>,
      %get3A_122 = vector.shape_cast %get3A_121 : vector<1x16xi32> to vector<16xi32>
      %add3A_123 = arith.addi %mul3A_117, %get3A_122 : vector<16xi32>
      %swap3A_124 = arith.constant 0 : i32
      %swap3A_125 = arith.index_cast %swap3A_124 : i32 to index
      %swap3A_126 = arith.constant 48 : index
      %swap3A_127 = tpu.vector_load %arg9[%swap3A_125, %swap3A_126] {strides = array<i32>} : memref<8x128xi32, #tpu.memory_space<vmem>>, vector<1x16xi32>,
      %swap3A_128 = vector.shape_cast %swap3A_127 : vector<1x16xi32> to vector<16xi32>
      %swap3A_129 = vector.shape_cast %add3A_123 : vector<16xi32> to vector<1x16xi32>
      tpu.vector_store %arg9[%swap3A_125, %swap3A_126], %swap3A_129 {strides = array<i32>} : memref<8x128xi32, #tpu.memory_space<vmem>>, vector<1x16xi32>,
      %get3A_130 = arith.constant 0 : i32
      %get3A_131 = arith.index_cast %get3A_130 : i32 to index
      %get3A_132 = arith.constant 64 : index
      %get3A_133 = tpu.vector_load %arg8[%get3A_131, %get3A_132] {strides = array<i32>} : memref<8x128xi32, #tpu.memory_space<vmem>>, vector<1x16xi32>,
      %get3A_134 = vector.shape_cast %get3A_133 : vector<1x16xi32> to vector<16xi32>
      %mul3A_135 = arith.constant 10000 : i32
      %mul3A_136 = vector.broadcast %mul3A_135 : i32 to vector<16xi32>
      %mul3A_137 = arith.muli %get3A_134, %mul3A_136 : vector<16xi32>
      %get3A_138 = arith.constant 0 : i32
      %get3A_139 = arith.index_cast %get3A_138 : i32 to index
      %get3A_140 = arith.constant 64 : index
      %get3A_141 = tpu.vector_load %arg7[%get3A_139, %get3A_140] {strides = array<i32>} : memref<8x128xi32, #tpu.memory_space<vmem>>, vector<1x16xi32>,
      %get3A_142 = vector.shape_cast %get3A_141 : vector<1x16xi32> to vector<16xi32>
      %add3A_143 = arith.addi %mul3A_137, %get3A_142 : vector<16xi32>
      %swap3A_144 = arith.constant 0 : i32
      %swap3A_145 = arith.index_cast %swap3A_144 : i32 to index
      %swap3A_146 = arith.constant 64 : index
      %swap3A_147 = tpu.vector_load %arg9[%swap3A_145, %swap3A_146] {strides = array<i32>} : memref<8x128xi32, #tpu.memory_space<vmem>>, vector<1x16xi32>,
      %swap3A_148 = vector.shape_cast %swap3A_147 : vector<1x16xi32> to vector<16xi32>
      %swap3A_149 = vector.shape_cast %add3A_143 : vector<16xi32> to vector<1x16xi32>
      tpu.vector_store %arg9[%swap3A_145, %swap3A_146], %swap3A_149 {strides = array<i32>} : memref<8x128xi32, #tpu.memory_space<vmem>>, vector<1x16xi32>,
      %get3A_150 = arith.constant 0 : i32
      %get3A_151 = arith.index_cast %get3A_150 : i32 to index
      %get3A_152 = arith.constant 80 : index
      %get3A_153 = tpu.vector_load %arg8[%get3A_151, %get3A_152] {strides = array<i32>} : memref<8x128xi32, #tpu.memory_space<vmem>>, vector<1x16xi32>,
      %get3A_154 = vector.shape_cast %get3A_153 : vector<1x16xi32> to vector<16xi32>
      %mul3A_155 = arith.constant 10000 : i32
      %mul3A_156 = vector.broadcast %mul3A_155 : i32 to vector<16xi32>
      %mul3A_157 = arith.muli %get3A_154, %mul3A_156 : vector<16xi32>
      %get3A_158 = arith.constant 0 : i32
      %get3A_159 = arith.index_cast %get3A_158 : i32 to index
      %get3A_160 = arith.constant 80 : index
      %get3A_161 = tpu.vector_load %arg7[%get3A_159, %get3A_160] {strides = array<i32>} : memref<8x128xi32, #tpu.memory_space<vmem>>, vector<1x16xi32>,
      %get3A_162 = vector.shape_cast %get3A_161 : vector<1x16xi32> to vector<16xi32>
      %add3A_163 = arith.addi %mul3A_157, %get3A_162 : vector<16xi32>
      %swap3A_164 = arith.constant 0 : i32
      %swap3A_165 = arith.index_cast %swap3A_164 : i32 to index
      %swap3A_166 = arith.constant 80 : index
      %swap3A_167 = tpu.vector_load %arg9[%swap3A_165, %swap3A_166] {strides = array<i32>} : memref<8x128xi32, #tpu.memory_space<vmem>>, vector<1x16xi32>,
      %swap3A_168 = vector.shape_cast %swap3A_167 : vector<1x16xi32> to vector<16xi32>
      %swap3A_169 = vector.shape_cast %add3A_163 : vector<16xi32> to vector<1x16xi32>
      tpu.vector_store %arg9[%swap3A_165, %swap3A_166], %swap3A_169 {strides = array<i32>} : memref<8x128xi32, #tpu.memory_space<vmem>>, vector<1x16xi32>,
      %get3A_170 = arith.constant 0 : i32
      %get3A_171 = arith.index_cast %get3A_170 : i32 to index
      %get3A_172 = arith.constant 96 : index
      %get3A_173 = tpu.vector_load %arg8[%get3A_171, %get3A_172] {strides = array<i32>} : memref<8x128xi32, #tpu.memory_space<vmem>>, vector<1x16xi32>,
      %get3A_174 = vector.shape_cast %get3A_173 : vector<1x16xi32> to vector<16xi32>
      %mul3A_175 = arith.constant 10000 : i32
      %mul3A_176 = vector.broadcast %mul3A_175 : i32 to vector<16xi32>
      %mul3A_177 = arith.muli %get3A_174, %mul3A_176 : vector<16xi32>
      %get3A_178 = arith.constant 0 : i32
      %get3A_179 = arith.index_cast %get3A_178 : i32 to index
      %get3A_180 = arith.constant 96 : index
      %get3A_181 = tpu.vector_load %arg7[%get3A_179, %get3A_180] {strides = array<i32>} : memref<8x128xi32, #tpu.memory_space<vmem>>, vector<1x16xi32>,
      %get3A_182 = vector.shape_cast %get3A_181 : vector<1x16xi32> to vector<16xi32>
      %add3A_183 = arith.addi %mul3A_177, %get3A_182 : vector<16xi32>
      %swap3A_184 = arith.constant 0 : i32
      %swap3A_185 = arith.index_cast %swap3A_184 : i32 to index
      %swap3A_186 = arith.constant 96 : index
      %swap3A_187 = tpu.vector_load %arg9[%swap3A_185, %swap3A_186] {strides = array<i32>} : memref<8x128xi32, #tpu.memory_space<vmem>>, vector<1x16xi32>,
      %swap3A_188 = vector.shape_cast %swap3A_187 : vector<1x16xi32> to vector<16xi32>
      %swap3A_189 = vector.shape_cast %add3A_183 : vector<16xi32> to vector<1x16xi32>
      tpu.vector_store %arg9[%swap3A_185, %swap3A_186], %swap3A_189 {strides = array<i32>} : memref<8x128xi32, #tpu.memory_space<vmem>>, vector<1x16xi32>,
      %get3A_190 = arith.constant 0 : i32
      %get3A_191 = arith.index_cast %get3A_190 : i32 to index
      %get3A_192 = arith.constant 112 : index
      %get3A_193 = tpu.vector_load %arg8[%get3A_191, %get3A_192] {strides = array<i32>} : memref<8x128xi32, #tpu.memory_space<vmem>>, vector<1x16xi32>,
      %get3A_194 = vector.shape_cast %get3A_193 : vector<1x16xi32> to vector<16xi32>
      %mul3A_195 = arith.constant 10000 : i32
      %mul3A_196 = vector.broadcast %mul3A_195 : i32 to vector<16xi32>
      %mul3A_197 = arith.muli %get3A_194, %mul3A_196 : vector<16xi32>
      %get3A_198 = arith.constant 0 : i32
      %get3A_199 = arith.index_cast %get3A_198 : i32 to index
      %get3A_200 = arith.constant 112 : index
      %get3A_201 = tpu.vector_load %arg7[%get3A_199, %get3A_200] {strides = array<i32>} : memref<8x128xi32, #tpu.memory_space<vmem>>, vector<1x16xi32>,
      %get3A_202 = vector.shape_cast %get3A_201 : vector<1x16xi32> to vector<16xi32>
      %add3A_203 = arith.addi %mul3A_197, %get3A_202 : vector<16xi32>
      %swap3A_204 = arith.constant 0 : i32
      %swap3A_205 = arith.index_cast %swap3A_204 : i32 to index
      %swap3A_206 = arith.constant 112 : index
      %swap3A_207 = tpu.vector_load %arg9[%swap3A_205, %swap3A_206] {strides = array<i32>} : memref<8x128xi32, #tpu.memory_space<vmem>>, vector<1x16xi32>,
      %swap3A_208 = vector.shape_cast %swap3A_207 : vector<1x16xi32> to vector<16xi32>
      %swap3A_209 = vector.shape_cast %add3A_203 : vector<16xi32> to vector<1x16xi32>
      tpu.vector_store %arg9[%swap3A_205, %swap3A_206], %swap3A_209 {strides = array<i32>} : memref<8x128xi32, #tpu.memory_space<vmem>>, vector<1x16xi32>,
      %get3A_210 = arith.constant 1 : i32
      %get3A_211 = arith.index_cast %get3A_210 : i32 to index
      %get3A_212 = arith.constant 0 : index
      %get3A_213 = tpu.vector_load %arg8[%get3A_211, %get3A_212] {strides = array<i32>} : memref<8x128xi32, #tpu.memory_space<vmem>>, vector<1x16xi32>,
      %get3A_214 = vector.shape_cast %get3A_213 : vector<1x16xi32> to vector<16xi32>
      %mul3A_215 = arith.constant 10000 : i32
      %mul3A_216 = vector.broadcast %mul3A_215 : i32 to vector<16xi32>
      %mul3A_217 = arith.muli %get3A_214, %mul3A_216 : vector<16xi32>
      %get3A_218 = arith.constant 1 : i32
      %get3A_219 = arith.index_cast %get3A_218 : i32 to index
      %get3A_220 = arith.constant 0 : index
      %get3A_221 = tpu.vector_load %arg7[%get3A_219, %get3A_220] {strides = array<i32>} : memref<8x128xi32, #tpu.memory_space<vmem>>, vector<1x16xi32>,
      %get3A_222 = vector.shape_cast %get3A_221 : vector<1x16xi32> to vector<16xi32>
      %add3A_223 = arith.addi %mul3A_217, %get3A_222 : vector<16xi32>
      %swap3A_224 = arith.constant 1 : i32
      %swap3A_225 = arith.index_cast %swap3A_224 : i32 to index
      %swap3A_226 = arith.constant 0 : index
      %swap3A_227 = tpu.vector_load %arg9[%swap3A_225, %swap3A_226] {strides = array<i32>} : memref<8x128xi32, #tpu.memory_space<vmem>>, vector<1x16xi32>,
      %swap3A_228 = vector.shape_cast %swap3A_227 : vector<1x16xi32> to vector<16xi32>
      %swap3A_229 = vector.shape_cast %add3A_223 : vector<16xi32> to vector<1x16xi32>
      tpu.vector_store %arg9[%swap3A_225, %swap3A_226], %swap3A_229 {strides = array<i32>} : memref<8x128xi32, #tpu.memory_space<vmem>>, vector<1x16xi32>,
      %get3A_230 = arith.constant 1 : i32
      %get3A_231 = arith.index_cast %get3A_230 : i32 to index
      %get3A_232 = arith.constant 16 : index
      %get3A_233 = tpu.vector_load %arg8[%get3A_231, %get3A_232] {strides = array<i32>} : memref<8x128xi32, #tpu.memory_space<vmem>>, vector<1x16xi32>,
      %get3A_234 = vector.shape_cast %get3A_233 : vector<1x16xi32> to vector<16xi32>
      %mul3A_235 = arith.constant 10000 : i32
      %mul3A_236 = vector.broadcast %mul3A_235 : i32 to vector<16xi32>
      %mul3A_237 = arith.muli %get3A_234, %mul3A_236 : vector<16xi32>
      %get3A_238 = arith.constant 1 : i32
      %get3A_239 = arith.index_cast %get3A_238 : i32 to index
      %get3A_240 = arith.constant 16 : index
      %get3A_241 = tpu.vector_load %arg7[%get3A_239, %get3A_240] {strides = array<i32>} : memref<8x128xi32, #tpu.memory_space<vmem>>, vector<1x16xi32>,
      %get3A_242 = vector.shape_cast %get3A_241 : vector<1x16xi32> to vector<16xi32>
      %add3A_243 = arith.addi %mul3A_237, %get3A_242 : vector<16xi32>
      %swap3A_244 = arith.constant 1 : i32
      %swap3A_245 = arith.index_cast %swap3A_244 : i32 to index
      %swap3A_246 = arith.constant 16 : index
      %swap3A_247 = tpu.vector_load %arg9[%swap3A_245, %swap3A_246] {strides = array<i32>} : memref<8x128xi32, #tpu.memory_space<vmem>>, vector<1x16xi32>,
      %swap3A_248 = vector.shape_cast %swap3A_247 : vector<1x16xi32> to vector<16xi32>
      %swap3A_249 = vector.shape_cast %add3A_243 : vector<16xi32> to vector<1x16xi32>
      tpu.vector_store %arg9[%swap3A_245, %swap3A_246], %swap3A_249 {strides = array<i32>} : memref<8x128xi32, #tpu.memory_space<vmem>>, vector<1x16xi32>,
      %get3A_250 = arith.constant 1 : i32
      %get3A_251 = arith.index_cast %get3A_250 : i32 to index
      %get3A_252 = arith.constant 32 : index
      %get3A_253 = tpu.vector_load %arg8[%get3A_251, %get3A_252] {strides = array<i32>} : memref<8x128xi32, #tpu.memory_space<vmem>>, vector<1x16xi32>,
      %get3A_254 = vector.shape_cast %get3A_253 : vector<1x16xi32> to vector<16xi32>
      %mul3A_255 = arith.constant 10000 : i32
      %mul3A_256 = vector.broadcast %mul3A_255 : i32 to vector<16xi32>
      %mul3A_257 = arith.muli %get3A_254, %mul3A_256 : vector<16xi32>
      %get3A_258 = arith.constant 1 : i32
      %get3A_259 = arith.index_cast %get3A_258 : i32 to index
      %get3A_260 = arith.constant 32 : index
      %get3A_261 = tpu.vector_load %arg7[%get3A_259, %get3A_260] {strides = array<i32>} : memref<8x128xi32, #tpu.memory_space<vmem>>, vector<1x16xi32>,
      %get3A_262 = vector.shape_cast %get3A_261 : vector<1x16xi32> to vector<16xi32>
      %add3A_263 = arith.addi %mul3A_257, %get3A_262 : vector<16xi32>
      %swap3A_264 = arith.constant 1 : i32
      %swap3A_265 = arith.index_cast %swap3A_264 : i32 to index
      %swap3A_266 = arith.constant 32 : index
      %swap3A_267 = tpu.vector_load %arg9[%swap3A_265, %swap3A_266] {strides = array<i32>} : memref<8x128xi32, #tpu.memory_space<vmem>>, vector<1x16xi32>,
      %swap3A_268 = vector.shape_cast %swap3A_267 : vector<1x16xi32> to vector<16xi32>
      %swap3A_269 = vector.shape_cast %add3A_263 : vector<16xi32> to vector<1x16xi32>
      tpu.vector_store %arg9[%swap3A_265, %swap3A_266], %swap3A_269 {strides = array<i32>} : memref<8x128xi32, #tpu.memory_space<vmem>>, vector<1x16xi32>,
      %get3A_270 = arith.constant 1 : i32
      %get3A_271 = arith.index_cast %get3A_270 : i32 to index
      %get3A_272 = arith.constant 48 : index
      %get3A_273 = tpu.vector_load %arg8[%get3A_271, %get3A_272] {strides = array<i32>} : memref<8x128xi32, #tpu.memory_space<vmem>>, vector<1x16xi32>,
      %get3A_274 = vector.shape_cast %get3A_273 : vector<1x16xi32> to vector<16xi32>
      %mul3A_275 = arith.constant 10000 : i32
      %mul3A_276 = vector.broadcast %mul3A_275 : i32 to vector<16xi32>
      %mul3A_277 = arith.muli %get3A_274, %mul3A_276 : vector<16xi32>
      %get3A_278 = arith.constant 1 : i32
      %get3A_279 = arith.index_cast %get3A_278 : i32 to index
      %get3A_280 = arith.constant 48 : index
      %get3A_281 = tpu.vector_load %arg7[%get3A_279, %get3A_280] {strides = array<i32>} : memref<8x128xi32, #tpu.memory_space<vmem>>, vector<1x16xi32>,
      %get3A_282 = vector.shape_cast %get3A_281 : vector<1x16xi32> to vector<16xi32>
      %add3A_283 = arith.addi %mul3A_277, %get3A_282 : vector<16xi32>
      %swap3A_284 = arith.constant 1 : i32
      %swap3A_285 = arith.index_cast %swap3A_284 : i32 to index
      %swap3A_286 = arith.constant 48 : index
      %swap3A_287 = tpu.vector_load %arg9[%swap3A_285, %swap3A_286] {strides = array<i32>} : memref<8x128xi32, #tpu.memory_space<vmem>>, vector<1x16xi32>,
      %swap3A_288 = vector.shape_cast %swap3A_287 : vector<1x16xi32> to vector<16xi32>
      %swap3A_289 = vector.shape_cast %add3A_283 : vector<16xi32> to vector<1x16xi32>
      tpu.vector_store %arg9[%swap3A_285, %swap3A_286], %swap3A_289 {strides = array<i32>} : memref<8x128xi32, #tpu.memory_space<vmem>>, vector<1x16xi32>,
      %get3A_290 = arith.constant 1 : i32
      %get3A_291 = arith.index_cast %get3A_290 : i32 to index
      %get3A_292 = arith.constant 64 : index
      %get3A_293 = tpu.vector_load %arg8[%get3A_291, %get3A_292] {strides = array<i32>} : memref<8x128xi32, #tpu.memory_space<vmem>>, vector<1x16xi32>,
      %get3A_294 = vector.shape_cast %get3A_293 : vector<1x16xi32> to vector<16xi32>
      %mul3A_295 = arith.constant 10000 : i32
      %mul3A_296 = vector.broadcast %mul3A_295 : i32 to vector<16xi32>
      %mul3A_297 = arith.muli %get3A_294, %mul3A_296 : vector<16xi32>
      %get3A_298 = arith.constant 1 : i32
      %get3A_299 = arith.index_cast %get3A_298 : i32 to index
      %get3A_300 = arith.constant 64 : index
      %get3A_301 = tpu.vector_load %arg7[%get3A_299, %get3A_300] {strides = array<i32>} : memref<8x128xi32, #tpu.memory_space<vmem>>, vector<1x16xi32>,
      %get3A_302 = vector.shape_cast %get3A_301 : vector<1x16xi32> to vector<16xi32>
      %add3A_303 = arith.addi %mul3A_297, %get3A_302 : vector<16xi32>
      %swap3A_304 = arith.constant 1 : i32
      %swap3A_305 = arith.index_cast %swap3A_304 : i32 to index
      %swap3A_306 = arith.constant 64 : index
      %swap3A_307 = tpu.vector_load %arg9[%swap3A_305, %swap3A_306] {strides = array<i32>} : memref<8x128xi32, #tpu.memory_space<vmem>>, vector<1x16xi32>,
      %swap3A_308 = vector.shape_cast %swap3A_307 : vector<1x16xi32> to vector<16xi32>
      %swap3A_309 = vector.shape_cast %add3A_303 : vector<16xi32> to vector<1x16xi32>
      tpu.vector_store %arg9[%swap3A_305, %swap3A_306], %swap3A_309 {strides = array<i32>} : memref<8x128xi32, #tpu.memory_space<vmem>>, vector<1x16xi32>,
      %get3A_310 = arith.constant 1 : i32
      %get3A_311 = arith.index_cast %get3A_310 : i32 to index
      %get3A_312 = arith.constant 80 : index
      %get3A_313 = tpu.vector_load %arg8[%get3A_311, %get3A_312] {strides = array<i32>} : memref<8x128xi32, #tpu.memory_space<vmem>>, vector<1x16xi32>,
      %get3A_314 = vector.shape_cast %get3A_313 : vector<1x16xi32> to vector<16xi32>
      %mul3A_315 = arith.constant 10000 : i32
      %mul3A_316 = vector.broadcast %mul3A_315 : i32 to vector<16xi32>
      %mul3A_317 = arith.muli %get3A_314, %mul3A_316 : vector<16xi32>
      %get3A_318 = arith.constant 1 : i32
      %get3A_319 = arith.index_cast %get3A_318 : i32 to index
      %get3A_320 = arith.constant 80 : index
      %get3A_321 = tpu.vector_load %arg7[%get3A_319, %get3A_320] {strides = array<i32>} : memref<8x128xi32, #tpu.memory_space<vmem>>, vector<1x16xi32>,
      %get3A_322 = vector.shape_cast %get3A_321 : vector<1x16xi32> to vector<16xi32>
      %add3A_323 = arith.addi %mul3A_317, %get3A_322 : vector<16xi32>
      %swap3A_324 = arith.constant 1 : i32
      %swap3A_325 = arith.index_cast %swap3A_324 : i32 to index
      %swap3A_326 = arith.constant 80 : index
      %swap3A_327 = tpu.vector_load %arg9[%swap3A_325, %swap3A_326] {strides = array<i32>} : memref<8x128xi32, #tpu.memory_space<vmem>>, vector<1x16xi32>,
      %swap3A_328 = vector.shape_cast %swap3A_327 : vector<1x16xi32> to vector<16xi32>
      %swap3A_329 = vector.shape_cast %add3A_323 : vector<16xi32> to vector<1x16xi32>
      tpu.vector_store %arg9[%swap3A_325, %swap3A_326], %swap3A_329 {strides = array<i32>} : memref<8x128xi32, #tpu.memory_space<vmem>>, vector<1x16xi32>,
      %get3A_330 = arith.constant 1 : i32
      %get3A_331 = arith.index_cast %get3A_330 : i32 to index
      %get3A_332 = arith.constant 96 : index
      %get3A_333 = tpu.vector_load %arg8[%get3A_331, %get3A_332] {strides = array<i32>} : memref<8x128xi32, #tpu.memory_space<vmem>>, vector<1x16xi32>,
      %get3A_334 = vector.shape_cast %get3A_333 : vector<1x16xi32> to vector<16xi32>
      %mul3A_335 = arith.constant 10000 : i32
      %mul3A_336 = vector.broadcast %mul3A_335 : i32 to vector<16xi32>
      %mul3A_337 = arith.muli %get3A_334, %mul3A_336 : vector<16xi32>
      %get3A_338 = arith.constant 1 : i32
      %get3A_339 = arith.index_cast %get3A_338 : i32 to index
      %get3A_340 = arith.constant 96 : index
      %get3A_341 = tpu.vector_load %arg7[%get3A_339, %get3A_340] {strides = array<i32>} : memref<8x128xi32, #tpu.memory_space<vmem>>, vector<1x16xi32>,
      %get3A_342 = vector.shape_cast %get3A_341 : vector<1x16xi32> to vector<16xi32>
      %add3A_343 = arith.addi %mul3A_337, %get3A_342 : vector<16xi32>
      %swap3A_344 = arith.constant 1 : i32
      %swap3A_345 = arith.index_cast %swap3A_344 : i32 to index
      %swap3A_346 = arith.constant 96 : index
      %swap3A_347 = tpu.vector_load %arg9[%swap3A_345, %swap3A_346] {strides = array<i32>} : memref<8x128xi32, #tpu.memory_space<vmem>>, vector<1x16xi32>,
      %swap3A_348 = vector.shape_cast %swap3A_347 : vector<1x16xi32> to vector<16xi32>
      %swap3A_349 = vector.shape_cast %add3A_343 : vector<16xi32> to vector<1x16xi32>
      tpu.vector_store %arg9[%swap3A_345, %swap3A_346], %swap3A_349 {strides = array<i32>} : memref<8x128xi32, #tpu.memory_space<vmem>>, vector<1x16xi32>,
      %get3A_350 = arith.constant 1 : i32
      %get3A_351 = arith.index_cast %get3A_350 : i32 to index
      %get3A_352 = arith.constant 112 : index
      %get3A_353 = tpu.vector_load %arg8[%get3A_351, %get3A_352] {strides = array<i32>} : memref<8x128xi32, #tpu.memory_space<vmem>>, vector<1x16xi32>,
      %get3A_354 = vector.shape_cast %get3A_353 : vector<1x16xi32> to vector<16xi32>
      %mul3A_355 = arith.constant 10000 : i32
      %mul3A_356 = vector.broadcast %mul3A_355 : i32 to vector<16xi32>
      %mul3A_357 = arith.muli %get3A_354, %mul3A_356 : vector<16xi32>
      %get3A_358 = arith.constant 1 : i32
      %get3A_359 = arith.index_cast %get3A_358 : i32 to index
      %get3A_360 = arith.constant 112 : index
      %get3A_361 = tpu.vector_load %arg7[%get3A_359, %get3A_360] {strides = array<i32>} : memref<8x128xi32, #tpu.memory_space<vmem>>, vector<1x16xi32>,
      %get3A_362 = vector.shape_cast %get3A_361 : vector<1x16xi32> to vector<16xi32>
      %add3A_363 = arith.addi %mul3A_357, %get3A_362 : vector<16xi32>
      %swap3A_364 = arith.constant 1 : i32
      %swap3A_365 = arith.index_cast %swap3A_364 : i32 to index
      %swap3A_366 = arith.constant 112 : index
      %swap3A_367 = tpu.vector_load %arg9[%swap3A_365, %swap3A_366] {strides = array<i32>} : memref<8x128xi32, #tpu.memory_space<vmem>>, vector<1x16xi32>,
      %swap3A_368 = vector.shape_cast %swap3A_367 : vector<1x16xi32> to vector<16xi32>
      %swap3A_369 = vector.shape_cast %add3A_363 : vector<16xi32> to vector<1x16xi32>
      tpu.vector_store %arg9[%swap3A_365, %swap3A_366], %swap3A_369 {strides = array<i32>} : memref<8x128xi32, #tpu.memory_space<vmem>>, vector<1x16xi32>,
      %get3A_370 = arith.constant 2 : i32
      %get3A_371 = arith.index_cast %get3A_370 : i32 to index
      %get3A_372 = arith.constant 0 : index
      %get3A_373 = tpu.vector_load %arg8[%get3A_371, %get3A_372] {strides = array<i32>} : memref<8x128xi32, #tpu.memory_space<vmem>>, vector<1x16xi32>,
      %get3A_374 = vector.shape_cast %get3A_373 : vector<1x16xi32> to vector<16xi32>
      %mul3A_375 = arith.constant 10000 : i32
      %mul3A_376 = vector.broadcast %mul3A_375 : i32 to vector<16xi32>
      %mul3A_377 = arith.muli %get3A_374, %mul3A_376 : vector<16xi32>
      %get3A_378 = arith.constant 2 : i32
      %get3A_379 = arith.index_cast %get3A_378 : i32 to index
      %get3A_380 = arith.constant 0 : index
      %get3A_381 = tpu.vector_load %arg7[%get3A_379, %get3A_380] {strides = array<i32>} : memref<8x128xi32, #tpu.memory_space<vmem>>, vector<1x16xi32>,
      %get3A_382 = vector.shape_cast %get3A_381 : vector<1x16xi32> to vector<16xi32>
      %add3A_383 = arith.addi %mul3A_377, %get3A_382 : vector<16xi32>
      %swap3A_384 = arith.constant 2 : i32
      %swap3A_385 = arith.index_cast %swap3A_384 : i32 to index
      %swap3A_386 = arith.constant 0 : index
      %swap3A_387 = tpu.vector_load %arg9[%swap3A_385, %swap3A_386] {strides = array<i32>} : memref<8x128xi32, #tpu.memory_space<vmem>>, vector<1x16xi32>,
      %swap3A_388 = vector.shape_cast %swap3A_387 : vector<1x16xi32> to vector<16xi32>
      %swap3A_389 = vector.shape_cast %add3A_383 : vector<16xi32> to vector<1x16xi32>
      tpu.vector_store %arg9[%swap3A_385, %swap3A_386], %swap3A_389 {strides = array<i32>} : memref<8x128xi32, #tpu.memory_space<vmem>>, vector<1x16xi32>,
      %get3A_390 = arith.constant 2 : i32
      %get3A_391 = arith.index_cast %get3A_390 : i32 to index
      %get3A_392 = arith.constant 16 : index
      %get3A_393 = tpu.vector_load %arg8[%get3A_391, %get3A_392] {strides = array<i32>} : memref<8x128xi32, #tpu.memory_space<vmem>>, vector<1x16xi32>,
      %get3A_394 = vector.shape_cast %get3A_393 : vector<1x16xi32> to vector<16xi32>
      %mul3A_395 = arith.constant 10000 : i32
      %mul3A_396 = vector.broadcast %mul3A_395 : i32 to vector<16xi32>
      %mul3A_397 = arith.muli %get3A_394, %mul3A_396 : vector<16xi32>
      %get3A_398 = arith.constant 2 : i32
      %get3A_399 = arith.index_cast %get3A_398 : i32 to index
      %get3A_400 = arith.constant 16 : index
      %get3A_401 = tpu.vector_load %arg7[%get3A_399, %get3A_400] {strides = array<i32>} : memref<8x128xi32, #tpu.memory_space<vmem>>, vector<1x16xi32>,
      %get3A_402 = vector.shape_cast %get3A_401 : vector<1x16xi32> to vector<16xi32>
      %add3A_403 = arith.addi %mul3A_397, %get3A_402 : vector<16xi32>
      %swap3A_404 = arith.constant 2 : i32
      %swap3A_405 = arith.index_cast %swap3A_404 : i32 to index
      %swap3A_406 = arith.constant 16 : index
      %swap3A_407 = tpu.vector_load %arg9[%swap3A_405, %swap3A_406] {strides = array<i32>} : memref<8x128xi32, #tpu.memory_space<vmem>>, vector<1x16xi32>,
      %swap3A_408 = vector.shape_cast %swap3A_407 : vector<1x16xi32> to vector<16xi32>
      %swap3A_409 = vector.shape_cast %add3A_403 : vector<16xi32> to vector<1x16xi32>
      tpu.vector_store %arg9[%swap3A_405, %swap3A_406], %swap3A_409 {strides = array<i32>} : memref<8x128xi32, #tpu.memory_space<vmem>>, vector<1x16xi32>,
      %get3A_410 = arith.constant 2 : i32
      %get3A_411 = arith.index_cast %get3A_410 : i32 to index
      %get3A_412 = arith.constant 32 : index
      %get3A_413 = tpu.vector_load %arg8[%get3A_411, %get3A_412] {strides = array<i32>} : memref<8x128xi32, #tpu.memory_space<vmem>>, vector<1x16xi32>,
      %get3A_414 = vector.shape_cast %get3A_413 : vector<1x16xi32> to vector<16xi32>
      %mul3A_415 = arith.constant 10000 : i32
      %mul3A_416 = vector.broadcast %mul3A_415 : i32 to vector<16xi32>
      %mul3A_417 = arith.muli %get3A_414, %mul3A_416 : vector<16xi32>
      %get3A_418 = arith.constant 2 : i32
      %get3A_419 = arith.index_cast %get3A_418 : i32 to index
      %get3A_420 = arith.constant 32 : index
      %get3A_421 = tpu.vector_load %arg7[%get3A_419, %get3A_420] {strides = array<i32>} : memref<8x128xi32, #tpu.memory_space<vmem>>, vector<1x16xi32>,
      %get3A_422 = vector.shape_cast %get3A_421 : vector<1x16xi32> to vector<16xi32>
      %add3A_423 = arith.addi %mul3A_417, %get3A_422 : vector<16xi32>
      %swap3A_424 = arith.constant 2 : i32
      %swap3A_425 = arith.index_cast %swap3A_424 : i32 to index
      %swap3A_426 = arith.constant 32 : index
      %swap3A_427 = tpu.vector_load %arg9[%swap3A_425, %swap3A_426] {strides = array<i32>} : memref<8x128xi32, #tpu.memory_space<vmem>>, vector<1x16xi32>,
      %swap3A_428 = vector.shape_cast %swap3A_427 : vector<1x16xi32> to vector<16xi32>
      %swap3A_429 = vector.shape_cast %add3A_423 : vector<16xi32> to vector<1x16xi32>
      tpu.vector_store %arg9[%swap3A_425, %swap3A_426], %swap3A_429 {strides = array<i32>} : memref<8x128xi32, #tpu.memory_space<vmem>>, vector<1x16xi32>,
      %get3A_430 = arith.constant 2 : i32
      %get3A_431 = arith.index_cast %get3A_430 : i32 to index
      %get3A_432 = arith.constant 48 : index
      %get3A_433 = tpu.vector_load %arg8[%get3A_431, %get3A_432] {strides = array<i32>} : memref<8x128xi32, #tpu.memory_space<vmem>>, vector<1x16xi32>,
      %get3A_434 = vector.shape_cast %get3A_433 : vector<1x16xi32> to vector<16xi32>
      %mul3A_435 = arith.constant 10000 : i32
      %mul3A_436 = vector.broadcast %mul3A_435 : i32 to vector<16xi32>
      %mul3A_437 = arith.muli %get3A_434, %mul3A_436 : vector<16xi32>
      %get3A_438 = arith.constant 2 : i32
      %get3A_439 = arith.index_cast %get3A_438 : i32 to index
      %get3A_440 = arith.constant 48 : index
      %get3A_441 = tpu.vector_load %arg7[%get3A_439, %get3A_440] {strides = array<i32>} : memref<8x128xi32, #tpu.memory_space<vmem>>, vector<1x16xi32>,
      %get3A_442 = vector.shape_cast %get3A_441 : vector<1x16xi32> to vector<16xi32>
      %add3A_443 = arith.addi %mul3A_437, %get3A_442 : vector<16xi32>
      %swap3A_444 = arith.constant 2 : i32
      %swap3A_445 = arith.index_cast %swap3A_444 : i32 to index
      %swap3A_446 = arith.constant 48 : index
      %swap3A_447 = tpu.vector_load %arg9[%swap3A_445, %swap3A_446] {strides = array<i32>} : memref<8x128xi32, #tpu.memory_space<vmem>>, vector<1x16xi32>,
      %swap3A_448 = vector.shape_cast %swap3A_447 : vector<1x16xi32> to vector<16xi32>
      %swap3A_449 = vector.shape_cast %add3A_443 : vector<16xi32> to vector<1x16xi32>
      tpu.vector_store %arg9[%swap3A_445, %swap3A_446], %swap3A_449 {strides = array<i32>} : memref<8x128xi32, #tpu.memory_space<vmem>>, vector<1x16xi32>,
      %get3A_450 = arith.constant 2 : i32
      %get3A_451 = arith.index_cast %get3A_450 : i32 to index
      %get3A_452 = arith.constant 64 : index
      %get3A_453 = tpu.vector_load %arg8[%get3A_451, %get3A_452] {strides = array<i32>} : memref<8x128xi32, #tpu.memory_space<vmem>>, vector<1x16xi32>,
      %get3A_454 = vector.shape_cast %get3A_453 : vector<1x16xi32> to vector<16xi32>
      %mul3A_455 = arith.constant 10000 : i32
      %mul3A_456 = vector.broadcast %mul3A_455 : i32 to vector<16xi32>
      %mul3A_457 = arith.muli %get3A_454, %mul3A_456 : vector<16xi32>
      %get3A_458 = arith.constant 2 : i32
      %get3A_459 = arith.index_cast %get3A_458 : i32 to index
      %get3A_460 = arith.constant 64 : index
      %get3A_461 = tpu.vector_load %arg7[%get3A_459, %get3A_460] {strides = array<i32>} : memref<8x128xi32, #tpu.memory_space<vmem>>, vector<1x16xi32>,
      %get3A_462 = vector.shape_cast %get3A_461 : vector<1x16xi32> to vector<16xi32>
      %add3A_463 = arith.addi %mul3A_457, %get3A_462 : vector<16xi32>
      %swap3A_464 = arith.constant 2 : i32
      %swap3A_465 = arith.index_cast %swap3A_464 : i32 to index
      %swap3A_466 = arith.constant 64 : index
      %swap3A_467 = tpu.vector_load %arg9[%swap3A_465, %swap3A_466] {strides = array<i32>} : memref<8x128xi32, #tpu.memory_space<vmem>>, vector<1x16xi32>,
      %swap3A_468 = vector.shape_cast %swap3A_467 : vector<1x16xi32> to vector<16xi32>
      %swap3A_469 = vector.shape_cast %add3A_463 : vector<16xi32> to vector<1x16xi32>
      tpu.vector_store %arg9[%swap3A_465, %swap3A_466], %swap3A_469 {strides = array<i32>} : memref<8x128xi32, #tpu.memory_space<vmem>>, vector<1x16xi32>,
      %get3A_470 = arith.constant 2 : i32
      %get3A_471 = arith.index_cast %get3A_470 : i32 to index
      %get3A_472 = arith.constant 80 : index
      %get3A_473 = tpu.vector_load %arg8[%get3A_471, %get3A_472] {strides = array<i32>} : memref<8x128xi32, #tpu.memory_space<vmem>>, vector<1x16xi32>,
      %get3A_474 = vector.shape_cast %get3A_473 : vector<1x16xi32> to vector<16xi32>
      %mul3A_475 = arith.constant 10000 : i32
      %mul3A_476 = vector.broadcast %mul3A_475 : i32 to vector<16xi32>
      %mul3A_477 = arith.muli %get3A_474, %mul3A_476 : vector<16xi32>
      %get3A_478 = arith.constant 2 : i32
      %get3A_479 = arith.index_cast %get3A_478 : i32 to index
      %get3A_480 = arith.constant 80 : index
      %get3A_481 = tpu.vector_load %arg7[%get3A_479, %get3A_480] {strides = array<i32>} : memref<8x128xi32, #tpu.memory_space<vmem>>, vector<1x16xi32>,
      %get3A_482 = vector.shape_cast %get3A_481 : vector<1x16xi32> to vector<16xi32>
      %add3A_483 = arith.addi %mul3A_477, %get3A_482 : vector<16xi32>
      %swap3A_484 = arith.constant 2 : i32
      %swap3A_485 = arith.index_cast %swap3A_484 : i32 to index
      %swap3A_486 = arith.constant 80 : index
      %swap3A_487 = tpu.vector_load %arg9[%swap3A_485, %swap3A_486] {strides = array<i32>} : memref<8x128xi32, #tpu.memory_space<vmem>>, vector<1x16xi32>,
      %swap3A_488 = vector.shape_cast %swap3A_487 : vector<1x16xi32> to vector<16xi32>
      %swap3A_489 = vector.shape_cast %add3A_483 : vector<16xi32> to vector<1x16xi32>
      tpu.vector_store %arg9[%swap3A_485, %swap3A_486], %swap3A_489 {strides = array<i32>} : memref<8x128xi32, #tpu.memory_space<vmem>>, vector<1x16xi32>,
      %get3A_490 = arith.constant 2 : i32
      %get3A_491 = arith.index_cast %get3A_490 : i32 to index
      %get3A_492 = arith.constant 96 : index
      %get3A_493 = tpu.vector_load %arg8[%get3A_491, %get3A_492] {strides = array<i32>} : memref<8x128xi32, #tpu.memory_space<vmem>>, vector<1x16xi32>,
      %get3A_494 = vector.shape_cast %get3A_493 : vector<1x16xi32> to vector<16xi32>
      %mul3A_495 = arith.constant 10000 : i32
      %mul3A_496 = vector.broadcast %mul3A_495 : i32 to vector<16xi32>
      %mul3A_497 = arith.muli %get3A_494, %mul3A_496 : vector<16xi32>
      %get3A_498 = arith.constant 2 : i32
      %get3A_499 = arith.index_cast %get3A_498 : i32 to index
      %get3A_500 = arith.constant 96 : index
      %get3A_501 = tpu.vector_load %arg7[%get3A_499, %get3A_500] {strides = array<i32>} : memref<8x128xi32, #tpu.memory_space<vmem>>, vector<1x16xi32>,
      %get3A_502 = vector.shape_cast %get3A_501 : vector<1x16xi32> to vector<16xi32>
      %add3A_503 = arith.addi %mul3A_497, %get3A_502 : vector<16xi32>
      %swap3A_504 = arith.constant 2 : i32
      %swap3A_505 = arith.index_cast %swap3A_504 : i32 to index
      %swap3A_506 = arith.constant 96 : index
      %swap3A_507 = tpu.vector_load %arg9[%swap3A_505, %swap3A_506] {strides = array<i32>} : memref<8x128xi32, #tpu.memory_space<vmem>>, vector<1x16xi32>,
      %swap3A_508 = vector.shape_cast %swap3A_507 : vector<1x16xi32> to vector<16xi32>
      %swap3A_509 = vector.shape_cast %add3A_503 : vector<16xi32> to vector<1x16xi32>
      tpu.vector_store %arg9[%swap3A_505, %swap3A_506], %swap3A_509 {strides = array<i32>} : memref<8x128xi32, #tpu.memory_space<vmem>>, vector<1x16xi32>,
      %get3A_510 = arith.constant 2 : i32
      %get3A_511 = arith.index_cast %get3A_510 : i32 to index
      %get3A_512 = arith.constant 112 : index
      %get3A_513 = tpu.vector_load %arg8[%get3A_511, %get3A_512] {strides = array<i32>} : memref<8x128xi32, #tpu.memory_space<vmem>>, vector<1x16xi32>,
      %get3A_514 = vector.shape_cast %get3A_513 : vector<1x16xi32> to vector<16xi32>
      %mul3A_515 = arith.constant 10000 : i32
      %mul3A_516 = vector.broadcast %mul3A_515 : i32 to vector<16xi32>
      %mul3A_517 = arith.muli %get3A_514, %mul3A_516 : vector<16xi32>
      %get3A_518 = arith.constant 2 : i32
      %get3A_519 = arith.index_cast %get3A_518 : i32 to index
      %get3A_520 = arith.constant 112 : index
      %get3A_521 = tpu.vector_load %arg7[%get3A_519, %get3A_520] {strides = array<i32>} : memref<8x128xi32, #tpu.memory_space<vmem>>, vector<1x16xi32>,
      %get3A_522 = vector.shape_cast %get3A_521 : vector<1x16xi32> to vector<16xi32>
      %add3A_523 = arith.addi %mul3A_517, %get3A_522 : vector<16xi32>
      %swap3A_524 = arith.constant 2 : i32
      %swap3A_525 = arith.index_cast %swap3A_524 : i32 to index
      %swap3A_526 = arith.constant 112 : index
      %swap3A_527 = tpu.vector_load %arg9[%swap3A_525, %swap3A_526] {strides = array<i32>} : memref<8x128xi32, #tpu.memory_space<vmem>>, vector<1x16xi32>,
      %swap3A_528 = vector.shape_cast %swap3A_527 : vector<1x16xi32> to vector<16xi32>
      %swap3A_529 = vector.shape_cast %add3A_523 : vector<16xi32> to vector<1x16xi32>
      tpu.vector_store %arg9[%swap3A_525, %swap3A_526], %swap3A_529 {strides = array<i32>} : memref<8x128xi32, #tpu.memory_space<vmem>>, vector<1x16xi32>,
      %get3A_530 = arith.constant 3 : i32
      %get3A_531 = arith.index_cast %get3A_530 : i32 to index
      %get3A_532 = arith.constant 0 : index
      %get3A_533 = tpu.vector_load %arg8[%get3A_531, %get3A_532] {strides = array<i32>} : memref<8x128xi32, #tpu.memory_space<vmem>>, vector<1x16xi32>,
      %get3A_534 = vector.shape_cast %get3A_533 : vector<1x16xi32> to vector<16xi32>
      %mul3A_535 = arith.constant 10000 : i32
      %mul3A_536 = vector.broadcast %mul3A_535 : i32 to vector<16xi32>
      %mul3A_537 = arith.muli %get3A_534, %mul3A_536 : vector<16xi32>
      %get3A_538 = arith.constant 3 : i32
      %get3A_539 = arith.index_cast %get3A_538 : i32 to index
      %get3A_540 = arith.constant 0 : index
      %get3A_541 = tpu.vector_load %arg7[%get3A_539, %get3A_540] {strides = array<i32>} : memref<8x128xi32, #tpu.memory_space<vmem>>, vector<1x16xi32>,
      %get3A_542 = vector.shape_cast %get3A_541 : vector<1x16xi32> to vector<16xi32>
      %add3A_543 = arith.addi %mul3A_537, %get3A_542 : vector<16xi32>
      %swap3A_544 = arith.constant 3 : i32
      %swap3A_545 = arith.index_cast %swap3A_544 : i32 to index
      %swap3A_546 = arith.constant 0 : index
      %swap3A_547 = tpu.vector_load %arg9[%swap3A_545, %swap3A_546] {strides = array<i32>} : memref<8x128xi32, #tpu.memory_space<vmem>>, vector<1x16xi32>,
      %swap3A_548 = vector.shape_cast %swap3A_547 : vector<1x16xi32> to vector<16xi32>
      %swap3A_549 = vector.shape_cast %add3A_543 : vector<16xi32> to vector<1x16xi32>
      tpu.vector_store %arg9[%swap3A_545, %swap3A_546], %swap3A_549 {strides = array<i32>} : memref<8x128xi32, #tpu.memory_space<vmem>>, vector<1x16xi32>,
      %get3A_550 = arith.constant 3 : i32
      %get3A_551 = arith.index_cast %get3A_550 : i32 to index
      %get3A_552 = arith.constant 16 : index
      %get3A_553 = tpu.vector_load %arg8[%get3A_551, %get3A_552] {strides = array<i32>} : memref<8x128xi32, #tpu.memory_space<vmem>>, vector<1x16xi32>,
      %get3A_554 = vector.shape_cast %get3A_553 : vector<1x16xi32> to vector<16xi32>
      %mul3A_555 = arith.constant 10000 : i32
      %mul3A_556 = vector.broadcast %mul3A_555 : i32 to vector<16xi32>
      %mul3A_557 = arith.muli %get3A_554, %mul3A_556 : vector<16xi32>
      %get3A_558 = arith.constant 3 : i32
      %get3A_559 = arith.index_cast %get3A_558 : i32 to index
      %get3A_560 = arith.constant 16 : index
      %get3A_561 = tpu.vector_load %arg7[%get3A_559, %get3A_560] {strides = array<i32>} : memref<8x128xi32, #tpu.memory_space<vmem>>, vector<1x16xi32>,
      %get3A_562 = vector.shape_cast %get3A_561 : vector<1x16xi32> to vector<16xi32>
      %add3A_563 = arith.addi %mul3A_557, %get3A_562 : vector<16xi32>
      %swap3A_564 = arith.constant 3 : i32
      %swap3A_565 = arith.index_cast %swap3A_564 : i32 to index
      %swap3A_566 = arith.constant 16 : index
      %swap3A_567 = tpu.vector_load %arg9[%swap3A_565, %swap3A_566] {strides = array<i32>} : memref<8x128xi32, #tpu.memory_space<vmem>>, vector<1x16xi32>,
      %swap3A_568 = vector.shape_cast %swap3A_567 : vector<1x16xi32> to vector<16xi32>
      %swap3A_569 = vector.shape_cast %add3A_563 : vector<16xi32> to vector<1x16xi32>
      tpu.vector_store %arg9[%swap3A_565, %swap3A_566], %swap3A_569 {strides = array<i32>} : memref<8x128xi32, #tpu.memory_space<vmem>>, vector<1x16xi32>,
      %get3A_570 = arith.constant 3 : i32
      %get3A_571 = arith.index_cast %get3A_570 : i32 to index
      %get3A_572 = arith.constant 32 : index
      %get3A_573 = tpu.vector_load %arg8[%get3A_571, %get3A_572] {strides = array<i32>} : memref<8x128xi32, #tpu.memory_space<vmem>>, vector<1x16xi32>,
      %get3A_574 = vector.shape_cast %get3A_573 : vector<1x16xi32> to vector<16xi32>
      %mul3A_575 = arith.constant 10000 : i32
      %mul3A_576 = vector.broadcast %mul3A_575 : i32 to vector<16xi32>
      %mul3A_577 = arith.muli %get3A_574, %mul3A_576 : vector<16xi32>
      %get3A_578 = arith.constant 3 : i32
      %get3A_579 = arith.index_cast %get3A_578 : i32 to index
      %get3A_580 = arith.constant 32 : index
      %get3A_581 = tpu.vector_load %arg7[%get3A_579, %get3A_580] {strides = array<i32>} : memref<8x128xi32, #tpu.memory_space<vmem>>, vector<1x16xi32>,
      %get3A_582 = vector.shape_cast %get3A_581 : vector<1x16xi32> to vector<16xi32>
      %add3A_583 = arith.addi %mul3A_577, %get3A_582 : vector<16xi32>
      %swap3A_584 = arith.constant 3 : i32
      %swap3A_585 = arith.index_cast %swap3A_584 : i32 to index
      %swap3A_586 = arith.constant 32 : index
      %swap3A_587 = tpu.vector_load %arg9[%swap3A_585, %swap3A_586] {strides = array<i32>} : memref<8x128xi32, #tpu.memory_space<vmem>>, vector<1x16xi32>,
      %swap3A_588 = vector.shape_cast %swap3A_587 : vector<1x16xi32> to vector<16xi32>
      %swap3A_589 = vector.shape_cast %add3A_583 : vector<16xi32> to vector<1x16xi32>
      tpu.vector_store %arg9[%swap3A_585, %swap3A_586], %swap3A_589 {strides = array<i32>} : memref<8x128xi32, #tpu.memory_space<vmem>>, vector<1x16xi32>,
      %get3A_590 = arith.constant 3 : i32
      %get3A_591 = arith.index_cast %get3A_590 : i32 to index
      %get3A_592 = arith.constant 48 : index
      %get3A_593 = tpu.vector_load %arg8[%get3A_591, %get3A_592] {strides = array<i32>} : memref<8x128xi32, #tpu.memory_space<vmem>>, vector<1x16xi32>,
      %get3A_594 = vector.shape_cast %get3A_593 : vector<1x16xi32> to vector<16xi32>
      %mul3A_595 = arith.constant 10000 : i32
      %mul3A_596 = vector.broadcast %mul3A_595 : i32 to vector<16xi32>
      %mul3A_597 = arith.muli %get3A_594, %mul3A_596 : vector<16xi32>
      %get3A_598 = arith.constant 3 : i32
      %get3A_599 = arith.index_cast %get3A_598 : i32 to index
      %get3A_600 = arith.constant 48 : index
      %get3A_601 = tpu.vector_load %arg7[%get3A_599, %get3A_600] {strides = array<i32>} : memref<8x128xi32, #tpu.memory_space<vmem>>, vector<1x16xi32>,
      %get3A_602 = vector.shape_cast %get3A_601 : vector<1x16xi32> to vector<16xi32>
      %add3A_603 = arith.addi %mul3A_597, %get3A_602 : vector<16xi32>
      %swap3A_604 = arith.constant 3 : i32
      %swap3A_605 = arith.index_cast %swap3A_604 : i32 to index
      %swap3A_606 = arith.constant 48 : index
      %swap3A_607 = tpu.vector_load %arg9[%swap3A_605, %swap3A_606] {strides = array<i32>} : memref<8x128xi32, #tpu.memory_space<vmem>>, vector<1x16xi32>,
      %swap3A_608 = vector.shape_cast %swap3A_607 : vector<1x16xi32> to vector<16xi32>
      %swap3A_609 = vector.shape_cast %add3A_603 : vector<16xi32> to vector<1x16xi32>
      tpu.vector_store %arg9[%swap3A_605, %swap3A_606], %swap3A_609 {strides = array<i32>} : memref<8x128xi32, #tpu.memory_space<vmem>>, vector<1x16xi32>,
      %get3A_610 = arith.constant 3 : i32
      %get3A_611 = arith.index_cast %get3A_610 : i32 to index
      %get3A_612 = arith.constant 64 : index
      %get3A_613 = tpu.vector_load %arg8[%get3A_611, %get3A_612] {strides = array<i32>} : memref<8x128xi32, #tpu.memory_space<vmem>>, vector<1x16xi32>,
      %get3A_614 = vector.shape_cast %get3A_613 : vector<1x16xi32> to vector<16xi32>
      %mul3A_615 = arith.constant 10000 : i32
      %mul3A_616 = vector.broadcast %mul3A_615 : i32 to vector<16xi32>
      %mul3A_617 = arith.muli %get3A_614, %mul3A_616 : vector<16xi32>
      %get3A_618 = arith.constant 3 : i32
      %get3A_619 = arith.index_cast %get3A_618 : i32 to index
      %get3A_620 = arith.constant 64 : index
      %get3A_621 = tpu.vector_load %arg7[%get3A_619, %get3A_620] {strides = array<i32>} : memref<8x128xi32, #tpu.memory_space<vmem>>, vector<1x16xi32>,
      %get3A_622 = vector.shape_cast %get3A_621 : vector<1x16xi32> to vector<16xi32>
      %add3A_623 = arith.addi %mul3A_617, %get3A_622 : vector<16xi32>
      %swap3A_624 = arith.constant 3 : i32
      %swap3A_625 = arith.index_cast %swap3A_624 : i32 to index
      %swap3A_626 = arith.constant 64 : index
      %swap3A_627 = tpu.vector_load %arg9[%swap3A_625, %swap3A_626] {strides = array<i32>} : memref<8x128xi32, #tpu.memory_space<vmem>>, vector<1x16xi32>,
      %swap3A_628 = vector.shape_cast %swap3A_627 : vector<1x16xi32> to vector<16xi32>
      %swap3A_629 = vector.shape_cast %add3A_623 : vector<16xi32> to vector<1x16xi32>
      tpu.vector_store %arg9[%swap3A_625, %swap3A_626], %swap3A_629 {strides = array<i32>} : memref<8x128xi32, #tpu.memory_space<vmem>>, vector<1x16xi32>,
      %get3A_630 = arith.constant 3 : i32
      %get3A_631 = arith.index_cast %get3A_630 : i32 to index
      %get3A_632 = arith.constant 80 : index
      %get3A_633 = tpu.vector_load %arg8[%get3A_631, %get3A_632] {strides = array<i32>} : memref<8x128xi32, #tpu.memory_space<vmem>>, vector<1x16xi32>,
      %get3A_634 = vector.shape_cast %get3A_633 : vector<1x16xi32> to vector<16xi32>
      %mul3A_635 = arith.constant 10000 : i32
      %mul3A_636 = vector.broadcast %mul3A_635 : i32 to vector<16xi32>
      %mul3A_637 = arith.muli %get3A_634, %mul3A_636 : vector<16xi32>
      %get3A_638 = arith.constant 3 : i32
      %get3A_639 = arith.index_cast %get3A_638 : i32 to index
      %get3A_640 = arith.constant 80 : index
      %get3A_641 = tpu.vector_load %arg7[%get3A_639, %get3A_640] {strides = array<i32>} : memref<8x128xi32, #tpu.memory_space<vmem>>, vector<1x16xi32>,
      %get3A_642 = vector.shape_cast %get3A_641 : vector<1x16xi32> to vector<16xi32>
      %add3A_643 = arith.addi %mul3A_637, %get3A_642 : vector<16xi32>
      %swap3A_644 = arith.constant 3 : i32
      %swap3A_645 = arith.index_cast %swap3A_644 : i32 to index
      %swap3A_646 = arith.constant 80 : index
      %swap3A_647 = tpu.vector_load %arg9[%swap3A_645, %swap3A_646] {strides = array<i32>} : memref<8x128xi32, #tpu.memory_space<vmem>>, vector<1x16xi32>,
      %swap3A_648 = vector.shape_cast %swap3A_647 : vector<1x16xi32> to vector<16xi32>
      %swap3A_649 = vector.shape_cast %add3A_643 : vector<16xi32> to vector<1x16xi32>
      tpu.vector_store %arg9[%swap3A_645, %swap3A_646], %swap3A_649 {strides = array<i32>} : memref<8x128xi32, #tpu.memory_space<vmem>>, vector<1x16xi32>,
      %get3A_650 = arith.constant 3 : i32
      %get3A_651 = arith.index_cast %get3A_650 : i32 to index
      %get3A_652 = arith.constant 96 : index
      %get3A_653 = tpu.vector_load %arg8[%get3A_651, %get3A_652] {strides = array<i32>} : memref<8x128xi32, #tpu.memory_space<vmem>>, vector<1x16xi32>,
      %get3A_654 = vector.shape_cast %get3A_653 : vector<1x16xi32> to vector<16xi32>
      %mul3A_655 = arith.constant 10000 : i32
      %mul3A_656 = vector.broadcast %mul3A_655 : i32 to vector<16xi32>
      %mul3A_657 = arith.muli %get3A_654, %mul3A_656 : vector<16xi32>
      %get3A_658 = arith.constant 3 : i32
      %get3A_659 = arith.index_cast %get3A_658 : i32 to index
      %get3A_660 = arith.constant 96 : index
      %get3A_661 = tpu.vector_load %arg7[%get3A_659, %get3A_660] {strides = array<i32>} : memref<8x128xi32, #tpu.memory_space<vmem>>, vector<1x16xi32>,
      %get3A_662 = vector.shape_cast %get3A_661 : vector<1x16xi32> to vector<16xi32>
      %add3A_663 = arith.addi %mul3A_657, %get3A_662 : vector<16xi32>
      %swap3A_664 = arith.constant 3 : i32
      %swap3A_665 = arith.index_cast %swap3A_664 : i32 to index
      %swap3A_666 = arith.constant 96 : index
      %swap3A_667 = tpu.vector_load %arg9[%swap3A_665, %swap3A_666] {strides = array<i32>} : memref<8x128xi32, #tpu.memory_space<vmem>>, vector<1x16xi32>,
      %swap3A_668 = vector.shape_cast %swap3A_667 : vector<1x16xi32> to vector<16xi32>
      %swap3A_669 = vector.shape_cast %add3A_663 : vector<16xi32> to vector<1x16xi32>
      tpu.vector_store %arg9[%swap3A_665, %swap3A_666], %swap3A_669 {strides = array<i32>} : memref<8x128xi32, #tpu.memory_space<vmem>>, vector<1x16xi32>,
      %get3A_670 = arith.constant 3 : i32
      %get3A_671 = arith.index_cast %get3A_670 : i32 to index
      %get3A_672 = arith.constant 112 : index
      %get3A_673 = tpu.vector_load %arg8[%get3A_671, %get3A_672] {strides = array<i32>} : memref<8x128xi32, #tpu.memory_space<vmem>>, vector<1x16xi32>,
      %get3A_674 = vector.shape_cast %get3A_673 : vector<1x16xi32> to vector<16xi32>
      %mul3A_675 = arith.constant 10000 : i32
      %mul3A_676 = vector.broadcast %mul3A_675 : i32 to vector<16xi32>
      %mul3A_677 = arith.muli %get3A_674, %mul3A_676 : vector<16xi32>
      %get3A_678 = arith.constant 3 : i32
      %get3A_679 = arith.index_cast %get3A_678 : i32 to index
      %get3A_680 = arith.constant 112 : index
      %get3A_681 = tpu.vector_load %arg7[%get3A_679, %get3A_680] {strides = array<i32>} : memref<8x128xi32, #tpu.memory_space<vmem>>, vector<1x16xi32>,
      %get3A_682 = vector.shape_cast %get3A_681 : vector<1x16xi32> to vector<16xi32>
      %add3A_683 = arith.addi %mul3A_677, %get3A_682 : vector<16xi32>
      %swap3A_684 = arith.constant 3 : i32
      %swap3A_685 = arith.index_cast %swap3A_684 : i32 to index
      %swap3A_686 = arith.constant 112 : index
      %swap3A_687 = tpu.vector_load %arg9[%swap3A_685, %swap3A_686] {strides = array<i32>} : memref<8x128xi32, #tpu.memory_space<vmem>>, vector<1x16xi32>,
      %swap3A_688 = vector.shape_cast %swap3A_687 : vector<1x16xi32> to vector<16xi32>
      %swap3A_689 = vector.shape_cast %add3A_683 : vector<16xi32> to vector<1x16xi32>
      tpu.vector_store %arg9[%swap3A_685, %swap3A_686], %swap3A_689 {strides = array<i32>} : memref<8x128xi32, #tpu.memory_space<vmem>>, vector<1x16xi32>,
      %get3A_690 = arith.constant 4 : i32
      %get3A_691 = arith.index_cast %get3A_690 : i32 to index
      %get3A_692 = arith.constant 0 : index
      %get3A_693 = tpu.vector_load %arg8[%get3A_691, %get3A_692] {strides = array<i32>} : memref<8x128xi32, #tpu.memory_space<vmem>>, vector<1x16xi32>,
      %get3A_694 = vector.shape_cast %get3A_693 : vector<1x16xi32> to vector<16xi32>
      %mul3A_695 = arith.constant 10000 : i32
      %mul3A_696 = vector.broadcast %mul3A_695 : i32 to vector<16xi32>
      %mul3A_697 = arith.muli %get3A_694, %mul3A_696 : vector<16xi32>
      %get3A_698 = arith.constant 4 : i32
      %get3A_699 = arith.index_cast %get3A_698 : i32 to index
      %get3A_700 = arith.constant 0 : index
      %get3A_701 = tpu.vector_load %arg7[%get3A_699, %get3A_700] {strides = array<i32>} : memref<8x128xi32, #tpu.memory_space<vmem>>, vector<1x16xi32>,
      %get3A_702 = vector.shape_cast %get3A_701 : vector<1x16xi32> to vector<16xi32>
      %add3A_703 = arith.addi %mul3A_697, %get3A_702 : vector<16xi32>
      %swap3A_704 = arith.constant 4 : i32
      %swap3A_705 = arith.index_cast %swap3A_704 : i32 to index
      %swap3A_706 = arith.constant 0 : index
      %swap3A_707 = tpu.vector_load %arg9[%swap3A_705, %swap3A_706] {strides = array<i32>} : memref<8x128xi32, #tpu.memory_space<vmem>>, vector<1x16xi32>,
      %swap3A_708 = vector.shape_cast %swap3A_707 : vector<1x16xi32> to vector<16xi32>
      %swap3A_709 = vector.shape_cast %add3A_703 : vector<16xi32> to vector<1x16xi32>
      tpu.vector_store %arg9[%swap3A_705, %swap3A_706], %swap3A_709 {strides = array<i32>} : memref<8x128xi32, #tpu.memory_space<vmem>>, vector<1x16xi32>,
      %get3A_710 = arith.constant 4 : i32
      %get3A_711 = arith.index_cast %get3A_710 : i32 to index
      %get3A_712 = arith.constant 16 : index
      %get3A_713 = tpu.vector_load %arg8[%get3A_711, %get3A_712] {strides = array<i32>} : memref<8x128xi32, #tpu.memory_space<vmem>>, vector<1x16xi32>,
      %get3A_714 = vector.shape_cast %get3A_713 : vector<1x16xi32> to vector<16xi32>
      %mul3A_715 = arith.constant 10000 : i32
      %mul3A_716 = vector.broadcast %mul3A_715 : i32 to vector<16xi32>
      %mul3A_717 = arith.muli %get3A_714, %mul3A_716 : vector<16xi32>
      %get3A_718 = arith.constant 4 : i32
      %get3A_719 = arith.index_cast %get3A_718 : i32 to index
      %get3A_720 = arith.constant 16 : index
      %get3A_721 = tpu.vector_load %arg7[%get3A_719, %get3A_720] {strides = array<i32>} : memref<8x128xi32, #tpu.memory_space<vmem>>, vector<1x16xi32>,
      %get3A_722 = vector.shape_cast %get3A_721 : vector<1x16xi32> to vector<16xi32>
      %add3A_723 = arith.addi %mul3A_717, %get3A_722 : vector<16xi32>
      %swap3A_724 = arith.constant 4 : i32
      %swap3A_725 = arith.index_cast %swap3A_724 : i32 to index
      %swap3A_726 = arith.constant 16 : index
      %swap3A_727 = tpu.vector_load %arg9[%swap3A_725, %swap3A_726] {strides = array<i32>} : memref<8x128xi32, #tpu.memory_space<vmem>>, vector<1x16xi32>,
      %swap3A_728 = vector.shape_cast %swap3A_727 : vector<1x16xi32> to vector<16xi32>
      %swap3A_729 = vector.shape_cast %add3A_723 : vector<16xi32> to vector<1x16xi32>
      tpu.vector_store %arg9[%swap3A_725, %swap3A_726], %swap3A_729 {strides = array<i32>} : memref<8x128xi32, #tpu.memory_space<vmem>>, vector<1x16xi32>,
      %get3A_730 = arith.constant 4 : i32
      %get3A_731 = arith.index_cast %get3A_730 : i32 to index
      %get3A_732 = arith.constant 32 : index
      %get3A_733 = tpu.vector_load %arg8[%get3A_731, %get3A_732] {strides = array<i32>} : memref<8x128xi32, #tpu.memory_space<vmem>>, vector<1x16xi32>,
      %get3A_734 = vector.shape_cast %get3A_733 : vector<1x16xi32> to vector<16xi32>
      %mul3A_735 = arith.constant 10000 : i32
      %mul3A_736 = vector.broadcast %mul3A_735 : i32 to vector<16xi32>
      %mul3A_737 = arith.muli %get3A_734, %mul3A_736 : vector<16xi32>
      %get3A_738 = arith.constant 4 : i32
      %get3A_739 = arith.index_cast %get3A_738 : i32 to index
      %get3A_740 = arith.constant 32 : index
      %get3A_741 = tpu.vector_load %arg7[%get3A_739, %get3A_740] {strides = array<i32>} : memref<8x128xi32, #tpu.memory_space<vmem>>, vector<1x16xi32>,
      %get3A_742 = vector.shape_cast %get3A_741 : vector<1x16xi32> to vector<16xi32>
      %add3A_743 = arith.addi %mul3A_737, %get3A_742 : vector<16xi32>
      %swap3A_744 = arith.constant 4 : i32
      %swap3A_745 = arith.index_cast %swap3A_744 : i32 to index
      %swap3A_746 = arith.constant 32 : index
      %swap3A_747 = tpu.vector_load %arg9[%swap3A_745, %swap3A_746] {strides = array<i32>} : memref<8x128xi32, #tpu.memory_space<vmem>>, vector<1x16xi32>,
      %swap3A_748 = vector.shape_cast %swap3A_747 : vector<1x16xi32> to vector<16xi32>
      %swap3A_749 = vector.shape_cast %add3A_743 : vector<16xi32> to vector<1x16xi32>
      tpu.vector_store %arg9[%swap3A_745, %swap3A_746], %swap3A_749 {strides = array<i32>} : memref<8x128xi32, #tpu.memory_space<vmem>>, vector<1x16xi32>,
      %get3A_750 = arith.constant 4 : i32
      %get3A_751 = arith.index_cast %get3A_750 : i32 to index
      %get3A_752 = arith.constant 48 : index
      %get3A_753 = tpu.vector_load %arg8[%get3A_751, %get3A_752] {strides = array<i32>} : memref<8x128xi32, #tpu.memory_space<vmem>>, vector<1x16xi32>,
      %get3A_754 = vector.shape_cast %get3A_753 : vector<1x16xi32> to vector<16xi32>
      %mul3A_755 = arith.constant 10000 : i32
      %mul3A_756 = vector.broadcast %mul3A_755 : i32 to vector<16xi32>
      %mul3A_757 = arith.muli %get3A_754, %mul3A_756 : vector<16xi32>
      %get3A_758 = arith.constant 4 : i32
      %get3A_759 = arith.index_cast %get3A_758 : i32 to index
      %get3A_760 = arith.constant 48 : index
      %get3A_761 = tpu.vector_load %arg7[%get3A_759, %get3A_760] {strides = array<i32>} : memref<8x128xi32, #tpu.memory_space<vmem>>, vector<1x16xi32>,
      %get3A_762 = vector.shape_cast %get3A_761 : vector<1x16xi32> to vector<16xi32>
      %add3A_763 = arith.addi %mul3A_757, %get3A_762 : vector<16xi32>
      %swap3A_764 = arith.constant 4 : i32
      %swap3A_765 = arith.index_cast %swap3A_764 : i32 to index
      %swap3A_766 = arith.constant 48 : index
      %swap3A_767 = tpu.vector_load %arg9[%swap3A_765, %swap3A_766] {strides = array<i32>} : memref<8x128xi32, #tpu.memory_space<vmem>>, vector<1x16xi32>,
      %swap3A_768 = vector.shape_cast %swap3A_767 : vector<1x16xi32> to vector<16xi32>
      %swap3A_769 = vector.shape_cast %add3A_763 : vector<16xi32> to vector<1x16xi32>
      tpu.vector_store %arg9[%swap3A_765, %swap3A_766], %swap3A_769 {strides = array<i32>} : memref<8x128xi32, #tpu.memory_space<vmem>>, vector<1x16xi32>,
      %get3A_770 = arith.constant 4 : i32
      %get3A_771 = arith.index_cast %get3A_770 : i32 to index
      %get3A_772 = arith.constant 64 : index
      %get3A_773 = tpu.vector_load %arg8[%get3A_771, %get3A_772] {strides = array<i32>} : memref<8x128xi32, #tpu.memory_space<vmem>>, vector<1x16xi32>,
      %get3A_774 = vector.shape_cast %get3A_773 : vector<1x16xi32> to vector<16xi32>
      %mul3A_775 = arith.constant 10000 : i32
      %mul3A_776 = vector.broadcast %mul3A_775 : i32 to vector<16xi32>
      %mul3A_777 = arith.muli %get3A_774, %mul3A_776 : vector<16xi32>
      %get3A_778 = arith.constant 4 : i32
      %get3A_779 = arith.index_cast %get3A_778 : i32 to index
      %get3A_780 = arith.constant 64 : index
      %get3A_781 = tpu.vector_load %arg7[%get3A_779, %get3A_780] {strides = array<i32>} : memref<8x128xi32, #tpu.memory_space<vmem>>, vector<1x16xi32>,
      %get3A_782 = vector.shape_cast %get3A_781 : vector<1x16xi32> to vector<16xi32>
      %add3A_783 = arith.addi %mul3A_777, %get3A_782 : vector<16xi32>
      %swap3A_784 = arith.constant 4 : i32
      %swap3A_785 = arith.index_cast %swap3A_784 : i32 to index
      %swap3A_786 = arith.constant 64 : index
      %swap3A_787 = tpu.vector_load %arg9[%swap3A_785, %swap3A_786] {strides = array<i32>} : memref<8x128xi32, #tpu.memory_space<vmem>>, vector<1x16xi32>,
      %swap3A_788 = vector.shape_cast %swap3A_787 : vector<1x16xi32> to vector<16xi32>
      %swap3A_789 = vector.shape_cast %add3A_783 : vector<16xi32> to vector<1x16xi32>
      tpu.vector_store %arg9[%swap3A_785, %swap3A_786], %swap3A_789 {strides = array<i32>} : memref<8x128xi32, #tpu.memory_space<vmem>>, vector<1x16xi32>,
      %get3A_790 = arith.constant 4 : i32
      %get3A_791 = arith.index_cast %get3A_790 : i32 to index
      %get3A_792 = arith.constant 80 : index
      %get3A_793 = tpu.vector_load %arg8[%get3A_791, %get3A_792] {strides = array<i32>} : memref<8x128xi32, #tpu.memory_space<vmem>>, vector<1x16xi32>,
      %get3A_794 = vector.shape_cast %get3A_793 : vector<1x16xi32> to vector<16xi32>
      %mul3A_795 = arith.constant 10000 : i32
      %mul3A_796 = vector.broadcast %mul3A_795 : i32 to vector<16xi32>
      %mul3A_797 = arith.muli %get3A_794, %mul3A_796 : vector<16xi32>
      %get3A_798 = arith.constant 4 : i32
      %get3A_799 = arith.index_cast %get3A_798 : i32 to index
      %get3A_800 = arith.constant 80 : index
      %get3A_801 = tpu.vector_load %arg7[%get3A_799, %get3A_800] {strides = array<i32>} : memref<8x128xi32, #tpu.memory_space<vmem>>, vector<1x16xi32>,
      %get3A_802 = vector.shape_cast %get3A_801 : vector<1x16xi32> to vector<16xi32>
      %add3A_803 = arith.addi %mul3A_797, %get3A_802 : vector<16xi32>
      %swap3A_804 = arith.constant 4 : i32
      %swap3A_805 = arith.index_cast %swap3A_804 : i32 to index
      %swap3A_806 = arith.constant 80 : index
      %swap3A_807 = tpu.vector_load %arg9[%swap3A_805, %swap3A_806] {strides = array<i32>} : memref<8x128xi32, #tpu.memory_space<vmem>>, vector<1x16xi32>,
      %swap3A_808 = vector.shape_cast %swap3A_807 : vector<1x16xi32> to vector<16xi32>
      %swap3A_809 = vector.shape_cast %add3A_803 : vector<16xi32> to vector<1x16xi32>
      tpu.vector_store %arg9[%swap3A_805, %swap3A_806], %swap3A_809 {strides = array<i32>} : memref<8x128xi32, #tpu.memory_space<vmem>>, vector<1x16xi32>,
      %get3A_810 = arith.constant 4 : i32
      %get3A_811 = arith.index_cast %get3A_810 : i32 to index
      %get3A_812 = arith.constant 96 : index
      %get3A_813 = tpu.vector_load %arg8[%get3A_811, %get3A_812] {strides = array<i32>} : memref<8x128xi32, #tpu.memory_space<vmem>>, vector<1x16xi32>,
      %get3A_814 = vector.shape_cast %get3A_813 : vector<1x16xi32> to vector<16xi32>
      %mul3A_815 = arith.constant 10000 : i32
      %mul3A_816 = vector.broadcast %mul3A_815 : i32 to vector<16xi32>
      %mul3A_817 = arith.muli %get3A_814, %mul3A_816 : vector<16xi32>
      %get3A_818 = arith.constant 4 : i32
      %get3A_819 = arith.index_cast %get3A_818 : i32 to index
      %get3A_820 = arith.constant 96 : index
      %get3A_821 = tpu.vector_load %arg7[%get3A_819, %get3A_820] {strides = array<i32>} : memref<8x128xi32, #tpu.memory_space<vmem>>, vector<1x16xi32>,
      %get3A_822 = vector.shape_cast %get3A_821 : vector<1x16xi32> to vector<16xi32>
      %add3A_823 = arith.addi %mul3A_817, %get3A_822 : vector<16xi32>
      %swap3A_824 = arith.constant 4 : i32
      %swap3A_825 = arith.index_cast %swap3A_824 : i32 to index
      %swap3A_826 = arith.constant 96 : index
      %swap3A_827 = tpu.vector_load %arg9[%swap3A_825, %swap3A_826] {strides = array<i32>} : memref<8x128xi32, #tpu.memory_space<vmem>>, vector<1x16xi32>,
      %swap3A_828 = vector.shape_cast %swap3A_827 : vector<1x16xi32> to vector<16xi32>
      %swap3A_829 = vector.shape_cast %add3A_823 : vector<16xi32> to vector<1x16xi32>
      tpu.vector_store %arg9[%swap3A_825, %swap3A_826], %swap3A_829 {strides = array<i32>} : memref<8x128xi32, #tpu.memory_space<vmem>>, vector<1x16xi32>,
      %get3A_830 = arith.constant 4 : i32
      %get3A_831 = arith.index_cast %get3A_830 : i32 to index
      %get3A_832 = arith.constant 112 : index
      %get3A_833 = tpu.vector_load %arg8[%get3A_831, %get3A_832] {strides = array<i32>} : memref<8x128xi32, #tpu.memory_space<vmem>>, vector<1x16xi32>,
      %get3A_834 = vector.shape_cast %get3A_833 : vector<1x16xi32> to vector<16xi32>
      %mul3A_835 = arith.constant 10000 : i32
      %mul3A_836 = vector.broadcast %mul3A_835 : i32 to vector<16xi32>
      %mul3A_837 = arith.muli %get3A_834, %mul3A_836 : vector<16xi32>
      %get3A_838 = arith.constant 4 : i32
      %get3A_839 = arith.index_cast %get3A_838 : i32 to index
      %get3A_840 = arith.constant 112 : index
      %get3A_841 = tpu.vector_load %arg7[%get3A_839, %get3A_840] {strides = array<i32>} : memref<8x128xi32, #tpu.memory_space<vmem>>, vector<1x16xi32>,
      %get3A_842 = vector.shape_cast %get3A_841 : vector<1x16xi32> to vector<16xi32>
      %add3A_843 = arith.addi %mul3A_837, %get3A_842 : vector<16xi32>
      %swap3A_844 = arith.constant 4 : i32
      %swap3A_845 = arith.index_cast %swap3A_844 : i32 to index
      %swap3A_846 = arith.constant 112 : index
      %swap3A_847 = tpu.vector_load %arg9[%swap3A_845, %swap3A_846] {strides = array<i32>} : memref<8x128xi32, #tpu.memory_space<vmem>>, vector<1x16xi32>,
      %swap3A_848 = vector.shape_cast %swap3A_847 : vector<1x16xi32> to vector<16xi32>
      %swap3A_849 = vector.shape_cast %add3A_843 : vector<16xi32> to vector<1x16xi32>
      tpu.vector_store %arg9[%swap3A_845, %swap3A_846], %swap3A_849 {strides = array<i32>} : memref<8x128xi32, #tpu.memory_space<vmem>>, vector<1x16xi32>,
      %get3A_850 = arith.constant 5 : i32
      %get3A_851 = arith.index_cast %get3A_850 : i32 to index
      %get3A_852 = arith.constant 0 : index
      %get3A_853 = tpu.vector_load %arg8[%get3A_851, %get3A_852] {strides = array<i32>} : memref<8x128xi32, #tpu.memory_space<vmem>>, vector<1x16xi32>,
      %get3A_854 = vector.shape_cast %get3A_853 : vector<1x16xi32> to vector<16xi32>
      %mul3A_855 = arith.constant 10000 : i32
      %mul3A_856 = vector.broadcast %mul3A_855 : i32 to vector<16xi32>
      %mul3A_857 = arith.muli %get3A_854, %mul3A_856 : vector<16xi32>
      %get3A_858 = arith.constant 5 : i32
      %get3A_859 = arith.index_cast %get3A_858 : i32 to index
      %get3A_860 = arith.constant 0 : index
      %get3A_861 = tpu.vector_load %arg7[%get3A_859, %get3A_860] {strides = array<i32>} : memref<8x128xi32, #tpu.memory_space<vmem>>, vector<1x16xi32>,
      %get3A_862 = vector.shape_cast %get3A_861 : vector<1x16xi32> to vector<16xi32>
      %add3A_863 = arith.addi %mul3A_857, %get3A_862 : vector<16xi32>
      %swap3A_864 = arith.constant 5 : i32
      %swap3A_865 = arith.index_cast %swap3A_864 : i32 to index
      %swap3A_866 = arith.constant 0 : index
      %swap3A_867 = tpu.vector_load %arg9[%swap3A_865, %swap3A_866] {strides = array<i32>} : memref<8x128xi32, #tpu.memory_space<vmem>>, vector<1x16xi32>,
      %swap3A_868 = vector.shape_cast %swap3A_867 : vector<1x16xi32> to vector<16xi32>
      %swap3A_869 = vector.shape_cast %add3A_863 : vector<16xi32> to vector<1x16xi32>
      tpu.vector_store %arg9[%swap3A_865, %swap3A_866], %swap3A_869 {strides = array<i32>} : memref<8x128xi32, #tpu.memory_space<vmem>>, vector<1x16xi32>,
      %get3A_870 = arith.constant 5 : i32
      %get3A_871 = arith.index_cast %get3A_870 : i32 to index
      %get3A_872 = arith.constant 16 : index
      %get3A_873 = tpu.vector_load %arg8[%get3A_871, %get3A_872] {strides = array<i32>} : memref<8x128xi32, #tpu.memory_space<vmem>>, vector<1x16xi32>,
      %get3A_874 = vector.shape_cast %get3A_873 : vector<1x16xi32> to vector<16xi32>
      %mul3A_875 = arith.constant 10000 : i32
      %mul3A_876 = vector.broadcast %mul3A_875 : i32 to vector<16xi32>
      %mul3A_877 = arith.muli %get3A_874, %mul3A_876 : vector<16xi32>
      %get3A_878 = arith.constant 5 : i32
      %get3A_879 = arith.index_cast %get3A_878 : i32 to index
      %get3A_880 = arith.constant 16 : index
      %get3A_881 = tpu.vector_load %arg7[%get3A_879, %get3A_880] {strides = array<i32>} : memref<8x128xi32, #tpu.memory_space<vmem>>, vector<1x16xi32>,
      %get3A_882 = vector.shape_cast %get3A_881 : vector<1x16xi32> to vector<16xi32>
      %add3A_883 = arith.addi %mul3A_877, %get3A_882 : vector<16xi32>
      %swap3A_884 = arith.constant 5 : i32
      %swap3A_885 = arith.index_cast %swap3A_884 : i32 to index
      %swap3A_886 = arith.constant 16 : index
      %swap3A_887 = tpu.vector_load %arg9[%swap3A_885, %swap3A_886] {strides = array<i32>} : memref<8x128xi32, #tpu.memory_space<vmem>>, vector<1x16xi32>,
      %swap3A_888 = vector.shape_cast %swap3A_887 : vector<1x16xi32> to vector<16xi32>
      %swap3A_889 = vector.shape_cast %add3A_883 : vector<16xi32> to vector<1x16xi32>
      tpu.vector_store %arg9[%swap3A_885, %swap3A_886], %swap3A_889 {strides = array<i32>} : memref<8x128xi32, #tpu.memory_space<vmem>>, vector<1x16xi32>,
      %get3A_890 = arith.constant 5 : i32
      %get3A_891 = arith.index_cast %get3A_890 : i32 to index
      %get3A_892 = arith.constant 32 : index
      %get3A_893 = tpu.vector_load %arg8[%get3A_891, %get3A_892] {strides = array<i32>} : memref<8x128xi32, #tpu.memory_space<vmem>>, vector<1x16xi32>,
      %get3A_894 = vector.shape_cast %get3A_893 : vector<1x16xi32> to vector<16xi32>
      %mul3A_895 = arith.constant 10000 : i32
      %mul3A_896 = vector.broadcast %mul3A_895 : i32 to vector<16xi32>
      %mul3A_897 = arith.muli %get3A_894, %mul3A_896 : vector<16xi32>
      %get3A_898 = arith.constant 5 : i32
      %get3A_899 = arith.index_cast %get3A_898 : i32 to index
      %get3A_900 = arith.constant 32 : index
      %get3A_901 = tpu.vector_load %arg7[%get3A_899, %get3A_900] {strides = array<i32>} : memref<8x128xi32, #tpu.memory_space<vmem>>, vector<1x16xi32>,
      %get3A_902 = vector.shape_cast %get3A_901 : vector<1x16xi32> to vector<16xi32>
      %add3A_903 = arith.addi %mul3A_897, %get3A_902 : vector<16xi32>
      %swap3A_904 = arith.constant 5 : i32
      %swap3A_905 = arith.index_cast %swap3A_904 : i32 to index
      %swap3A_906 = arith.constant 32 : index
      %swap3A_907 = tpu.vector_load %arg9[%swap3A_905, %swap3A_906] {strides = array<i32>} : memref<8x128xi32, #tpu.memory_space<vmem>>, vector<1x16xi32>,
      %swap3A_908 = vector.shape_cast %swap3A_907 : vector<1x16xi32> to vector<16xi32>
      %swap3A_909 = vector.shape_cast %add3A_903 : vector<16xi32> to vector<1x16xi32>
      tpu.vector_store %arg9[%swap3A_905, %swap3A_906], %swap3A_909 {strides = array<i32>} : memref<8x128xi32, #tpu.memory_space<vmem>>, vector<1x16xi32>,
      %get3A_910 = arith.constant 5 : i32
      %get3A_911 = arith.index_cast %get3A_910 : i32 to index
      %get3A_912 = arith.constant 48 : index
      %get3A_913 = tpu.vector_load %arg8[%get3A_911, %get3A_912] {strides = array<i32>} : memref<8x128xi32, #tpu.memory_space<vmem>>, vector<1x16xi32>,
      %get3A_914 = vector.shape_cast %get3A_913 : vector<1x16xi32> to vector<16xi32>
      %mul3A_915 = arith.constant 10000 : i32
      %mul3A_916 = vector.broadcast %mul3A_915 : i32 to vector<16xi32>
      %mul3A_917 = arith.muli %get3A_914, %mul3A_916 : vector<16xi32>
      %get3A_918 = arith.constant 5 : i32
      %get3A_919 = arith.index_cast %get3A_918 : i32 to index
      %get3A_920 = arith.constant 48 : index
      %get3A_921 = tpu.vector_load %arg7[%get3A_919, %get3A_920] {strides = array<i32>} : memref<8x128xi32, #tpu.memory_space<vmem>>, vector<1x16xi32>,
      %get3A_922 = vector.shape_cast %get3A_921 : vector<1x16xi32> to vector<16xi32>
      %add3A_923 = arith.addi %mul3A_917, %get3A_922 : vector<16xi32>
      %swap3A_924 = arith.constant 5 : i32
      %swap3A_925 = arith.index_cast %swap3A_924 : i32 to index
      %swap3A_926 = arith.constant 48 : index
      %swap3A_927 = tpu.vector_load %arg9[%swap3A_925, %swap3A_926] {strides = array<i32>} : memref<8x128xi32, #tpu.memory_space<vmem>>, vector<1x16xi32>,
      %swap3A_928 = vector.shape_cast %swap3A_927 : vector<1x16xi32> to vector<16xi32>
      %swap3A_929 = vector.shape_cast %add3A_923 : vector<16xi32> to vector<1x16xi32>
      tpu.vector_store %arg9[%swap3A_925, %swap3A_926], %swap3A_929 {strides = array<i32>} : memref<8x128xi32, #tpu.memory_space<vmem>>, vector<1x16xi32>,
      %get3A_930 = arith.constant 5 : i32
      %get3A_931 = arith.index_cast %get3A_930 : i32 to index
      %get3A_932 = arith.constant 64 : index
      %get3A_933 = tpu.vector_load %arg8[%get3A_931, %get3A_932] {strides = array<i32>} : memref<8x128xi32, #tpu.memory_space<vmem>>, vector<1x16xi32>,
      %get3A_934 = vector.shape_cast %get3A_933 : vector<1x16xi32> to vector<16xi32>
      %mul3A_935 = arith.constant 10000 : i32
      %mul3A_936 = vector.broadcast %mul3A_935 : i32 to vector<16xi32>
      %mul3A_937 = arith.muli %get3A_934, %mul3A_936 : vector<16xi32>
      %get3A_938 = arith.constant 5 : i32
      %get3A_939 = arith.index_cast %get3A_938 : i32 to index
      %get3A_940 = arith.constant 64 : index
      %get3A_941 = tpu.vector_load %arg7[%get3A_939, %get3A_940] {strides = array<i32>} : memref<8x128xi32, #tpu.memory_space<vmem>>, vector<1x16xi32>,
      %get3A_942 = vector.shape_cast %get3A_941 : vector<1x16xi32> to vector<16xi32>
      %add3A_943 = arith.addi %mul3A_937, %get3A_942 : vector<16xi32>
      %swap3A_944 = arith.constant 5 : i32
      %swap3A_945 = arith.index_cast %swap3A_944 : i32 to index
      %swap3A_946 = arith.constant 64 : index
      %swap3A_947 = tpu.vector_load %arg9[%swap3A_945, %swap3A_946] {strides = array<i32>} : memref<8x128xi32, #tpu.memory_space<vmem>>, vector<1x16xi32>,
      %swap3A_948 = vector.shape_cast %swap3A_947 : vector<1x16xi32> to vector<16xi32>
      %swap3A_949 = vector.shape_cast %add3A_943 : vector<16xi32> to vector<1x16xi32>
      tpu.vector_store %arg9[%swap3A_945, %swap3A_946], %swap3A_949 {strides = array<i32>} : memref<8x128xi32, #tpu.memory_space<vmem>>, vector<1x16xi32>,
      %get3A_950 = arith.constant 5 : i32
      %get3A_951 = arith.index_cast %get3A_950 : i32 to index
      %get3A_952 = arith.constant 80 : index
      %get3A_953 = tpu.vector_load %arg8[%get3A_951, %get3A_952] {strides = array<i32>} : memref<8x128xi32, #tpu.memory_space<vmem>>, vector<1x16xi32>,
      %get3A_954 = vector.shape_cast %get3A_953 : vector<1x16xi32> to vector<16xi32>
      %mul3A_955 = arith.constant 10000 : i32
      %mul3A_956 = vector.broadcast %mul3A_955 : i32 to vector<16xi32>
      %mul3A_957 = arith.muli %get3A_954, %mul3A_956 : vector<16xi32>
      %get3A_958 = arith.constant 5 : i32
      %get3A_959 = arith.index_cast %get3A_958 : i32 to index
      %get3A_960 = arith.constant 80 : index
      %get3A_961 = tpu.vector_load %arg7[%get3A_959, %get3A_960] {strides = array<i32>} : memref<8x128xi32, #tpu.memory_space<vmem>>, vector<1x16xi32>,
      %get3A_962 = vector.shape_cast %get3A_961 : vector<1x16xi32> to vector<16xi32>
      %add3A_963 = arith.addi %mul3A_957, %get3A_962 : vector<16xi32>
      %swap3A_964 = arith.constant 5 : i32
      %swap3A_965 = arith.index_cast %swap3A_964 : i32 to index
      %swap3A_966 = arith.constant 80 : index
      %swap3A_967 = tpu.vector_load %arg9[%swap3A_965, %swap3A_966] {strides = array<i32>} : memref<8x128xi32, #tpu.memory_space<vmem>>, vector<1x16xi32>,
      %swap3A_968 = vector.shape_cast %swap3A_967 : vector<1x16xi32> to vector<16xi32>
      %swap3A_969 = vector.shape_cast %add3A_963 : vector<16xi32> to vector<1x16xi32>
      tpu.vector_store %arg9[%swap3A_965, %swap3A_966], %swap3A_969 {strides = array<i32>} : memref<8x128xi32, #tpu.memory_space<vmem>>, vector<1x16xi32>,
      %get3A_970 = arith.constant 5 : i32
      %get3A_971 = arith.index_cast %get3A_970 : i32 to index
      %get3A_972 = arith.constant 96 : index
      %get3A_973 = tpu.vector_load %arg8[%get3A_971, %get3A_972] {strides = array<i32>} : memref<8x128xi32, #tpu.memory_space<vmem>>, vector<1x16xi32>,
      %get3A_974 = vector.shape_cast %get3A_973 : vector<1x16xi32> to vector<16xi32>
      %mul3A_975 = arith.constant 10000 : i32
      %mul3A_976 = vector.broadcast %mul3A_975 : i32 to vector<16xi32>
      %mul3A_977 = arith.muli %get3A_974, %mul3A_976 : vector<16xi32>
      %get3A_978 = arith.constant 5 : i32
      %get3A_979 = arith.index_cast %get3A_978 : i32 to index
      %get3A_980 = arith.constant 96 : index
      %get3A_981 = tpu.vector_load %arg7[%get3A_979, %get3A_980] {strides = array<i32>} : memref<8x128xi32, #tpu.memory_space<vmem>>, vector<1x16xi32>,
      %get3A_982 = vector.shape_cast %get3A_981 : vector<1x16xi32> to vector<16xi32>
      %add3A_983 = arith.addi %mul3A_977, %get3A_982 : vector<16xi32>
      %swap3A_984 = arith.constant 5 : i32
      %swap3A_985 = arith.index_cast %swap3A_984 : i32 to index
      %swap3A_986 = arith.constant 96 : index
      %swap3A_987 = tpu.vector_load %arg9[%swap3A_985, %swap3A_986] {strides = array<i32>} : memref<8x128xi32, #tpu.memory_space<vmem>>, vector<1x16xi32>,
      %swap3A_988 = vector.shape_cast %swap3A_987 : vector<1x16xi32> to vector<16xi32>
      %swap3A_989 = vector.shape_cast %add3A_983 : vector<16xi32> to vector<1x16xi32>
      tpu.vector_store %arg9[%swap3A_985, %swap3A_986], %swap3A_989 {strides = array<i32>} : memref<8x128xi32, #tpu.memory_space<vmem>>, vector<1x16xi32>,
      %get3A_990 = arith.constant 5 : i32
      %get3A_991 = arith.index_cast %get3A_990 : i32 to index
      %get3A_992 = arith.constant 112 : index
      %get3A_993 = tpu.vector_load %arg8[%get3A_991, %get3A_992] {strides = array<i32>} : memref<8x128xi32, #tpu.memory_space<vmem>>, vector<1x16xi32>,
      %get3A_994 = vector.shape_cast %get3A_993 : vector<1x16xi32> to vector<16xi32>
      %mul3A_995 = arith.constant 10000 : i32
      %mul3A_996 = vector.broadcast %mul3A_995 : i32 to vector<16xi32>
      %mul3A_997 = arith.muli %get3A_994, %mul3A_996 : vector<16xi32>
      %get3A_998 = arith.constant 5 : i32
      %get3A_999 = arith.index_cast %get3A_998 : i32 to index
      %get3A_1000 = arith.constant 112 : index
      %get3A_1001 = tpu.vector_load %arg7[%get3A_999, %get3A_1000] {strides = array<i32>} : memref<8x128xi32, #tpu.memory_space<vmem>>, vector<1x16xi32>,
      %get3A_1002 = vector.shape_cast %get3A_1001 : vector<1x16xi32> to vector<16xi32>
      %add3A_1003 = arith.addi %mul3A_997, %get3A_1002 : vector<16xi32>
      %swap3A_1004 = arith.constant 5 : i32
      %swap3A_1005 = arith.index_cast %swap3A_1004 : i32 to index
      %swap3A_1006 = arith.constant 112 : index
      %swap3A_1007 = tpu.vector_load %arg9[%swap3A_1005, %swap3A_1006] {strides = array<i32>} : memref<8x128xi32, #tpu.memory_space<vmem>>, vector<1x16xi32>,
      %swap3A_1008 = vector.shape_cast %swap3A_1007 : vector<1x16xi32> to vector<16xi32>
      %swap3A_1009 = vector.shape_cast %add3A_1003 : vector<16xi32> to vector<1x16xi32>
      tpu.vector_store %arg9[%swap3A_1005, %swap3A_1006], %swap3A_1009 {strides = array<i32>} : memref<8x128xi32, #tpu.memory_space<vmem>>, vector<1x16xi32>,
      %get3A_1010 = arith.constant 6 : i32
      %get3A_1011 = arith.index_cast %get3A_1010 : i32 to index
      %get3A_1012 = arith.constant 0 : index
      %get3A_1013 = tpu.vector_load %arg8[%get3A_1011, %get3A_1012] {strides = array<i32>} : memref<8x128xi32, #tpu.memory_space<vmem>>, vector<1x16xi32>,
      %get3A_1014 = vector.shape_cast %get3A_1013 : vector<1x16xi32> to vector<16xi32>
      %mul3A_1015 = arith.constant 10000 : i32
      %mul3A_1016 = vector.broadcast %mul3A_1015 : i32 to vector<16xi32>
      %mul3A_1017 = arith.muli %get3A_1014, %mul3A_1016 : vector<16xi32>
      %get3A_1018 = arith.constant 6 : i32
      %get3A_1019 = arith.index_cast %get3A_1018 : i32 to index
      %get3A_1020 = arith.constant 0 : index
      %get3A_1021 = tpu.vector_load %arg7[%get3A_1019, %get3A_1020] {strides = array<i32>} : memref<8x128xi32, #tpu.memory_space<vmem>>, vector<1x16xi32>,
      %get3A_1022 = vector.shape_cast %get3A_1021 : vector<1x16xi32> to vector<16xi32>
      %add3A_1023 = arith.addi %mul3A_1017, %get3A_1022 : vector<16xi32>
      %swap3A_1024 = arith.constant 6 : i32
      %swap3A_1025 = arith.index_cast %swap3A_1024 : i32 to index
      %swap3A_1026 = arith.constant 0 : index
      %swap3A_1027 = tpu.vector_load %arg9[%swap3A_1025, %swap3A_1026] {strides = array<i32>} : memref<8x128xi32, #tpu.memory_space<vmem>>, vector<1x16xi32>,
      %swap3A_1028 = vector.shape_cast %swap3A_1027 : vector<1x16xi32> to vector<16xi32>
      %swap3A_1029 = vector.shape_cast %add3A_1023 : vector<16xi32> to vector<1x16xi32>
      tpu.vector_store %arg9[%swap3A_1025, %swap3A_1026], %swap3A_1029 {strides = array<i32>} : memref<8x128xi32, #tpu.memory_space<vmem>>, vector<1x16xi32>,
      %get3A_1030 = arith.constant 6 : i32
      %get3A_1031 = arith.index_cast %get3A_1030 : i32 to index
      %get3A_1032 = arith.constant 16 : index
      %get3A_1033 = tpu.vector_load %arg8[%get3A_1031, %get3A_1032] {strides = array<i32>} : memref<8x128xi32, #tpu.memory_space<vmem>>, vector<1x16xi32>,
      %get3A_1034 = vector.shape_cast %get3A_1033 : vector<1x16xi32> to vector<16xi32>
      %mul3A_1035 = arith.constant 10000 : i32
      %mul3A_1036 = vector.broadcast %mul3A_1035 : i32 to vector<16xi32>
      %mul3A_1037 = arith.muli %get3A_1034, %mul3A_1036 : vector<16xi32>
      %get3A_1038 = arith.constant 6 : i32
      %get3A_1039 = arith.index_cast %get3A_1038 : i32 to index
      %get3A_1040 = arith.constant 16 : index
      %get3A_1041 = tpu.vector_load %arg7[%get3A_1039, %get3A_1040] {strides = array<i32>} : memref<8x128xi32, #tpu.memory_space<vmem>>, vector<1x16xi32>,
      %get3A_1042 = vector.shape_cast %get3A_1041 : vector<1x16xi32> to vector<16xi32>
      %add3A_1043 = arith.addi %mul3A_1037, %get3A_1042 : vector<16xi32>
      %swap3A_1044 = arith.constant 6 : i32
      %swap3A_1045 = arith.index_cast %swap3A_1044 : i32 to index
      %swap3A_1046 = arith.constant 16 : index
      %swap3A_1047 = tpu.vector_load %arg9[%swap3A_1045, %swap3A_1046] {strides = array<i32>} : memref<8x128xi32, #tpu.memory_space<vmem>>, vector<1x16xi32>,
      %swap3A_1048 = vector.shape_cast %swap3A_1047 : vector<1x16xi32> to vector<16xi32>
      %swap3A_1049 = vector.shape_cast %add3A_1043 : vector<16xi32> to vector<1x16xi32>
      tpu.vector_store %arg9[%swap3A_1045, %swap3A_1046], %swap3A_1049 {strides = array<i32>} : memref<8x128xi32, #tpu.memory_space<vmem>>, vector<1x16xi32>,
      %get3A_1050 = arith.constant 6 : i32
      %get3A_1051 = arith.index_cast %get3A_1050 : i32 to index
      %get3A_1052 = arith.constant 32 : index
      %get3A_1053 = tpu.vector_load %arg8[%get3A_1051, %get3A_1052] {strides = array<i32>} : memref<8x128xi32, #tpu.memory_space<vmem>>, vector<1x16xi32>,
      %get3A_1054 = vector.shape_cast %get3A_1053 : vector<1x16xi32> to vector<16xi32>
      %mul3A_1055 = arith.constant 10000 : i32
      %mul3A_1056 = vector.broadcast %mul3A_1055 : i32 to vector<16xi32>
      %mul3A_1057 = arith.muli %get3A_1054, %mul3A_1056 : vector<16xi32>
      %get3A_1058 = arith.constant 6 : i32
      %get3A_1059 = arith.index_cast %get3A_1058 : i32 to index
      %get3A_1060 = arith.constant 32 : index
      %get3A_1061 = tpu.vector_load %arg7[%get3A_1059, %get3A_1060] {strides = array<i32>} : memref<8x128xi32, #tpu.memory_space<vmem>>, vector<1x16xi32>,
      %get3A_1062 = vector.shape_cast %get3A_1061 : vector<1x16xi32> to vector<16xi32>
      %add3A_1063 = arith.addi %mul3A_1057, %get3A_1062 : vector<16xi32>
      %swap3A_1064 = arith.constant 6 : i32
      %swap3A_1065 = arith.index_cast %swap3A_1064 : i32 to index
      %swap3A_1066 = arith.constant 32 : index
      %swap3A_1067 = tpu.vector_load %arg9[%swap3A_1065, %swap3A_1066] {strides = array<i32>} : memref<8x128xi32, #tpu.memory_space<vmem>>, vector<1x16xi32>,
      %swap3A_1068 = vector.shape_cast %swap3A_1067 : vector<1x16xi32> to vector<16xi32>
      %swap3A_1069 = vector.shape_cast %add3A_1063 : vector<16xi32> to vector<1x16xi32>
      tpu.vector_store %arg9[%swap3A_1065, %swap3A_1066], %swap3A_1069 {strides = array<i32>} : memref<8x128xi32, #tpu.memory_space<vmem>>, vector<1x16xi32>,
      %get3A_1070 = arith.constant 6 : i32
      %get3A_1071 = arith.index_cast %get3A_1070 : i32 to index
      %get3A_1072 = arith.constant 48 : index
      %get3A_1073 = tpu.vector_load %arg8[%get3A_1071, %get3A_1072] {strides = array<i32>} : memref<8x128xi32, #tpu.memory_space<vmem>>, vector<1x16xi32>,
      %get3A_1074 = vector.shape_cast %get3A_1073 : vector<1x16xi32> to vector<16xi32>
      %mul3A_1075 = arith.constant 10000 : i32
      %mul3A_1076 = vector.broadcast %mul3A_1075 : i32 to vector<16xi32>
      %mul3A_1077 = arith.muli %get3A_1074, %mul3A_1076 : vector<16xi32>
      %get3A_1078 = arith.constant 6 : i32
      %get3A_1079 = arith.index_cast %get3A_1078 : i32 to index
      %get3A_1080 = arith.constant 48 : index
      %get3A_1081 = tpu.vector_load %arg7[%get3A_1079, %get3A_1080] {strides = array<i32>} : memref<8x128xi32, #tpu.memory_space<vmem>>, vector<1x16xi32>,
      %get3A_1082 = vector.shape_cast %get3A_1081 : vector<1x16xi32> to vector<16xi32>
      %add3A_1083 = arith.addi %mul3A_1077, %get3A_1082 : vector<16xi32>
      %swap3A_1084 = arith.constant 6 : i32
      %swap3A_1085 = arith.index_cast %swap3A_1084 : i32 to index
      %swap3A_1086 = arith.constant 48 : index
      %swap3A_1087 = tpu.vector_load %arg9[%swap3A_1085, %swap3A_1086] {strides = array<i32>} : memref<8x128xi32, #tpu.memory_space<vmem>>, vector<1x16xi32>,
      %swap3A_1088 = vector.shape_cast %swap3A_1087 : vector<1x16xi32> to vector<16xi32>
      %swap3A_1089 = vector.shape_cast %add3A_1083 : vector<16xi32> to vector<1x16xi32>
      tpu.vector_store %arg9[%swap3A_1085, %swap3A_1086], %swap3A_1089 {strides = array<i32>} : memref<8x128xi32, #tpu.memory_space<vmem>>, vector<1x16xi32>,
      %get3A_1090 = arith.constant 6 : i32
      %get3A_1091 = arith.index_cast %get3A_1090 : i32 to index
      %get3A_1092 = arith.constant 64 : index
      %get3A_1093 = tpu.vector_load %arg8[%get3A_1091, %get3A_1092] {strides = array<i32>} : memref<8x128xi32, #tpu.memory_space<vmem>>, vector<1x16xi32>,
      %get3A_1094 = vector.shape_cast %get3A_1093 : vector<1x16xi32> to vector<16xi32>
      %mul3A_1095 = arith.constant 10000 : i32
      %mul3A_1096 = vector.broadcast %mul3A_1095 : i32 to vector<16xi32>
      %mul3A_1097 = arith.muli %get3A_1094, %mul3A_1096 : vector<16xi32>
      %get3A_1098 = arith.constant 6 : i32
      %get3A_1099 = arith.index_cast %get3A_1098 : i32 to index
      %get3A_1100 = arith.constant 64 : index
      %get3A_1101 = tpu.vector_load %arg7[%get3A_1099, %get3A_1100] {strides = array<i32>} : memref<8x128xi32, #tpu.memory_space<vmem>>, vector<1x16xi32>,
      %get3A_1102 = vector.shape_cast %get3A_1101 : vector<1x16xi32> to vector<16xi32>
      %add3A_1103 = arith.addi %mul3A_1097, %get3A_1102 : vector<16xi32>
      %swap3A_1104 = arith.constant 6 : i32
      %swap3A_1105 = arith.index_cast %swap3A_1104 : i32 to index
      %swap3A_1106 = arith.constant 64 : index
      %swap3A_1107 = tpu.vector_load %arg9[%swap3A_1105, %swap3A_1106] {strides = array<i32>} : memref<8x128xi32, #tpu.memory_space<vmem>>, vector<1x16xi32>,
      %swap3A_1108 = vector.shape_cast %swap3A_1107 : vector<1x16xi32> to vector<16xi32>
      %swap3A_1109 = vector.shape_cast %add3A_1103 : vector<16xi32> to vector<1x16xi32>
      tpu.vector_store %arg9[%swap3A_1105, %swap3A_1106], %swap3A_1109 {strides = array<i32>} : memref<8x128xi32, #tpu.memory_space<vmem>>, vector<1x16xi32>,
      %get3A_1110 = arith.constant 6 : i32
      %get3A_1111 = arith.index_cast %get3A_1110 : i32 to index
      %get3A_1112 = arith.constant 80 : index
      %get3A_1113 = tpu.vector_load %arg8[%get3A_1111, %get3A_1112] {strides = array<i32>} : memref<8x128xi32, #tpu.memory_space<vmem>>, vector<1x16xi32>,
      %get3A_1114 = vector.shape_cast %get3A_1113 : vector<1x16xi32> to vector<16xi32>
      %mul3A_1115 = arith.constant 10000 : i32
      %mul3A_1116 = vector.broadcast %mul3A_1115 : i32 to vector<16xi32>
      %mul3A_1117 = arith.muli %get3A_1114, %mul3A_1116 : vector<16xi32>
      %get3A_1118 = arith.constant 6 : i32
      %get3A_1119 = arith.index_cast %get3A_1118 : i32 to index
      %get3A_1120 = arith.constant 80 : index
      %get3A_1121 = tpu.vector_load %arg7[%get3A_1119, %get3A_1120] {strides = array<i32>} : memref<8x128xi32, #tpu.memory_space<vmem>>, vector<1x16xi32>,
      %get3A_1122 = vector.shape_cast %get3A_1121 : vector<1x16xi32> to vector<16xi32>
      %add3A_1123 = arith.addi %mul3A_1117, %get3A_1122 : vector<16xi32>
      %swap3A_1124 = arith.constant 6 : i32
      %swap3A_1125 = arith.index_cast %swap3A_1124 : i32 to index
      %swap3A_1126 = arith.constant 80 : index
      %swap3A_1127 = tpu.vector_load %arg9[%swap3A_1125, %swap3A_1126] {strides = array<i32>} : memref<8x128xi32, #tpu.memory_space<vmem>>, vector<1x16xi32>,
      %swap3A_1128 = vector.shape_cast %swap3A_1127 : vector<1x16xi32> to vector<16xi32>
      %swap3A_1129 = vector.shape_cast %add3A_1123 : vector<16xi32> to vector<1x16xi32>
      tpu.vector_store %arg9[%swap3A_1125, %swap3A_1126], %swap3A_1129 {strides = array<i32>} : memref<8x128xi32, #tpu.memory_space<vmem>>, vector<1x16xi32>,
      %get3A_1130 = arith.constant 6 : i32
      %get3A_1131 = arith.index_cast %get3A_1130 : i32 to index
      %get3A_1132 = arith.constant 96 : index
      %get3A_1133 = tpu.vector_load %arg8[%get3A_1131, %get3A_1132] {strides = array<i32>} : memref<8x128xi32, #tpu.memory_space<vmem>>, vector<1x16xi32>,
      %get3A_1134 = vector.shape_cast %get3A_1133 : vector<1x16xi32> to vector<16xi32>
      %mul3A_1135 = arith.constant 10000 : i32
      %mul3A_1136 = vector.broadcast %mul3A_1135 : i32 to vector<16xi32>
      %mul3A_1137 = arith.muli %get3A_1134, %mul3A_1136 : vector<16xi32>
      %get3A_1138 = arith.constant 6 : i32
      %get3A_1139 = arith.index_cast %get3A_1138 : i32 to index
      %get3A_1140 = arith.constant 96 : index
      %get3A_1141 = tpu.vector_load %arg7[%get3A_1139, %get3A_1140] {strides = array<i32>} : memref<8x128xi32, #tpu.memory_space<vmem>>, vector<1x16xi32>,
      %get3A_1142 = vector.shape_cast %get3A_1141 : vector<1x16xi32> to vector<16xi32>
      %add3A_1143 = arith.addi %mul3A_1137, %get3A_1142 : vector<16xi32>
      %swap3A_1144 = arith.constant 6 : i32
      %swap3A_1145 = arith.index_cast %swap3A_1144 : i32 to index
      %swap3A_1146 = arith.constant 96 : index
      %swap3A_1147 = tpu.vector_load %arg9[%swap3A_1145, %swap3A_1146] {strides = array<i32>} : memref<8x128xi32, #tpu.memory_space<vmem>>, vector<1x16xi32>,
      %swap3A_1148 = vector.shape_cast %swap3A_1147 : vector<1x16xi32> to vector<16xi32>
      %swap3A_1149 = vector.shape_cast %add3A_1143 : vector<16xi32> to vector<1x16xi32>
      tpu.vector_store %arg9[%swap3A_1145, %swap3A_1146], %swap3A_1149 {strides = array<i32>} : memref<8x128xi32, #tpu.memory_space<vmem>>, vector<1x16xi32>,
      %get3A_1150 = arith.constant 6 : i32
      %get3A_1151 = arith.index_cast %get3A_1150 : i32 to index
      %get3A_1152 = arith.constant 112 : index
      %get3A_1153 = tpu.vector_load %arg8[%get3A_1151, %get3A_1152] {strides = array<i32>} : memref<8x128xi32, #tpu.memory_space<vmem>>, vector<1x16xi32>,
      %get3A_1154 = vector.shape_cast %get3A_1153 : vector<1x16xi32> to vector<16xi32>
      %mul3A_1155 = arith.constant 10000 : i32
      %mul3A_1156 = vector.broadcast %mul3A_1155 : i32 to vector<16xi32>
      %mul3A_1157 = arith.muli %get3A_1154, %mul3A_1156 : vector<16xi32>
      %get3A_1158 = arith.constant 6 : i32
      %get3A_1159 = arith.index_cast %get3A_1158 : i32 to index
      %get3A_1160 = arith.constant 112 : index
      %get3A_1161 = tpu.vector_load %arg7[%get3A_1159, %get3A_1160] {strides = array<i32>} : memref<8x128xi32, #tpu.memory_space<vmem>>, vector<1x16xi32>,
      %get3A_1162 = vector.shape_cast %get3A_1161 : vector<1x16xi32> to vector<16xi32>
      %add3A_1163 = arith.addi %mul3A_1157, %get3A_1162 : vector<16xi32>
      %swap3A_1164 = arith.constant 6 : i32
      %swap3A_1165 = arith.index_cast %swap3A_1164 : i32 to index
      %swap3A_1166 = arith.constant 112 : index
      %swap3A_1167 = tpu.vector_load %arg9[%swap3A_1165, %swap3A_1166] {strides = array<i32>} : memref<8x128xi32, #tpu.memory_space<vmem>>, vector<1x16xi32>,
      %swap3A_1168 = vector.shape_cast %swap3A_1167 : vector<1x16xi32> to vector<16xi32>
      %swap3A_1169 = vector.shape_cast %add3A_1163 : vector<16xi32> to vector<1x16xi32>
      tpu.vector_store %arg9[%swap3A_1165, %swap3A_1166], %swap3A_1169 {strides = array<i32>} : memref<8x128xi32, #tpu.memory_space<vmem>>, vector<1x16xi32>,
      %get3A_1170 = arith.constant 7 : i32
      %get3A_1171 = arith.index_cast %get3A_1170 : i32 to index
      %get3A_1172 = arith.constant 0 : index
      %get3A_1173 = tpu.vector_load %arg8[%get3A_1171, %get3A_1172] {strides = array<i32>} : memref<8x128xi32, #tpu.memory_space<vmem>>, vector<1x16xi32>,
      %get3A_1174 = vector.shape_cast %get3A_1173 : vector<1x16xi32> to vector<16xi32>
      %mul3A_1175 = arith.constant 10000 : i32
      %mul3A_1176 = vector.broadcast %mul3A_1175 : i32 to vector<16xi32>
      %mul3A_1177 = arith.muli %get3A_1174, %mul3A_1176 : vector<16xi32>
      %get3A_1178 = arith.constant 7 : i32
      %get3A_1179 = arith.index_cast %get3A_1178 : i32 to index
      %get3A_1180 = arith.constant 0 : index
      %get3A_1181 = tpu.vector_load %arg7[%get3A_1179, %get3A_1180] {strides = array<i32>} : memref<8x128xi32, #tpu.memory_space<vmem>>, vector<1x16xi32>,
      %get3A_1182 = vector.shape_cast %get3A_1181 : vector<1x16xi32> to vector<16xi32>
      %add3A_1183 = arith.addi %mul3A_1177, %get3A_1182 : vector<16xi32>
      %swap3A_1184 = arith.constant 7 : i32
      %swap3A_1185 = arith.index_cast %swap3A_1184 : i32 to index
      %swap3A_1186 = arith.constant 0 : index
      %swap3A_1187 = tpu.vector_load %arg9[%swap3A_1185, %swap3A_1186] {strides = array<i32>} : memref<8x128xi32, #tpu.memory_space<vmem>>, vector<1x16xi32>,
      %swap3A_1188 = vector.shape_cast %swap3A_1187 : vector<1x16xi32> to vector<16xi32>
      %swap3A_1189 = vector.shape_cast %add3A_1183 : vector<16xi32> to vector<1x16xi32>
      tpu.vector_store %arg9[%swap3A_1185, %swap3A_1186], %swap3A_1189 {strides = array<i32>} : memref<8x128xi32, #tpu.memory_space<vmem>>, vector<1x16xi32>,
      %get3A_1190 = arith.constant 7 : i32
      %get3A_1191 = arith.index_cast %get3A_1190 : i32 to index
      %get3A_1192 = arith.constant 16 : index
      %get3A_1193 = tpu.vector_load %arg8[%get3A_1191, %get3A_1192] {strides = array<i32>} : memref<8x128xi32, #tpu.memory_space<vmem>>, vector<1x16xi32>,
      %get3A_1194 = vector.shape_cast %get3A_1193 : vector<1x16xi32> to vector<16xi32>
      %mul3A_1195 = arith.constant 10000 : i32
      %mul3A_1196 = vector.broadcast %mul3A_1195 : i32 to vector<16xi32>
      %mul3A_1197 = arith.muli %get3A_1194, %mul3A_1196 : vector<16xi32>
      %get3A_1198 = arith.constant 7 : i32
      %get3A_1199 = arith.index_cast %get3A_1198 : i32 to index
      %get3A_1200 = arith.constant 16 : index
      %get3A_1201 = tpu.vector_load %arg7[%get3A_1199, %get3A_1200] {strides = array<i32>} : memref<8x128xi32, #tpu.memory_space<vmem>>, vector<1x16xi32>,
      %get3A_1202 = vector.shape_cast %get3A_1201 : vector<1x16xi32> to vector<16xi32>
      %add3A_1203 = arith.addi %mul3A_1197, %get3A_1202 : vector<16xi32>
      %swap3A_1204 = arith.constant 7 : i32
      %swap3A_1205 = arith.index_cast %swap3A_1204 : i32 to index
      %swap3A_1206 = arith.constant 16 : index
      %swap3A_1207 = tpu.vector_load %arg9[%swap3A_1205, %swap3A_1206] {strides = array<i32>} : memref<8x128xi32, #tpu.memory_space<vmem>>, vector<1x16xi32>,
      %swap3A_1208 = vector.shape_cast %swap3A_1207 : vector<1x16xi32> to vector<16xi32>
      %swap3A_1209 = vector.shape_cast %add3A_1203 : vector<16xi32> to vector<1x16xi32>
      tpu.vector_store %arg9[%swap3A_1205, %swap3A_1206], %swap3A_1209 {strides = array<i32>} : memref<8x128xi32, #tpu.memory_space<vmem>>, vector<1x16xi32>,
      %get3A_1210 = arith.constant 7 : i32
      %get3A_1211 = arith.index_cast %get3A_1210 : i32 to index
      %get3A_1212 = arith.constant 32 : index
      %get3A_1213 = tpu.vector_load %arg8[%get3A_1211, %get3A_1212] {strides = array<i32>} : memref<8x128xi32, #tpu.memory_space<vmem>>, vector<1x16xi32>,
      %get3A_1214 = vector.shape_cast %get3A_1213 : vector<1x16xi32> to vector<16xi32>
      %mul3A_1215 = arith.constant 10000 : i32
      %mul3A_1216 = vector.broadcast %mul3A_1215 : i32 to vector<16xi32>
      %mul3A_1217 = arith.muli %get3A_1214, %mul3A_1216 : vector<16xi32>
      %get3A_1218 = arith.constant 7 : i32
      %get3A_1219 = arith.index_cast %get3A_1218 : i32 to index
      %get3A_1220 = arith.constant 32 : index
      %get3A_1221 = tpu.vector_load %arg7[%get3A_1219, %get3A_1220] {strides = array<i32>} : memref<8x128xi32, #tpu.memory_space<vmem>>, vector<1x16xi32>,
      %get3A_1222 = vector.shape_cast %get3A_1221 : vector<1x16xi32> to vector<16xi32>
      %add3A_1223 = arith.addi %mul3A_1217, %get3A_1222 : vector<16xi32>
      %swap3A_1224 = arith.constant 7 : i32
      %swap3A_1225 = arith.index_cast %swap3A_1224 : i32 to index
      %swap3A_1226 = arith.constant 32 : index
      %swap3A_1227 = tpu.vector_load %arg9[%swap3A_1225, %swap3A_1226] {strides = array<i32>} : memref<8x128xi32, #tpu.memory_space<vmem>>, vector<1x16xi32>,
      %swap3A_1228 = vector.shape_cast %swap3A_1227 : vector<1x16xi32> to vector<16xi32>
      %swap3A_1229 = vector.shape_cast %add3A_1223 : vector<16xi32> to vector<1x16xi32>
      tpu.vector_store %arg9[%swap3A_1225, %swap3A_1226], %swap3A_1229 {strides = array<i32>} : memref<8x128xi32, #tpu.memory_space<vmem>>, vector<1x16xi32>,
      %get3A_1230 = arith.constant 7 : i32
      %get3A_1231 = arith.index_cast %get3A_1230 : i32 to index
      %get3A_1232 = arith.constant 48 : index
      %get3A_1233 = tpu.vector_load %arg8[%get3A_1231, %get3A_1232] {strides = array<i32>} : memref<8x128xi32, #tpu.memory_space<vmem>>, vector<1x16xi32>,
      %get3A_1234 = vector.shape_cast %get3A_1233 : vector<1x16xi32> to vector<16xi32>
      %mul3A_1235 = arith.constant 10000 : i32
      %mul3A_1236 = vector.broadcast %mul3A_1235 : i32 to vector<16xi32>
      %mul3A_1237 = arith.muli %get3A_1234, %mul3A_1236 : vector<16xi32>
      %get3A_1238 = arith.constant 7 : i32
      %get3A_1239 = arith.index_cast %get3A_1238 : i32 to index
      %get3A_1240 = arith.constant 48 : index
      %get3A_1241 = tpu.vector_load %arg7[%get3A_1239, %get3A_1240] {strides = array<i32>} : memref<8x128xi32, #tpu.memory_space<vmem>>, vector<1x16xi32>,
      %get3A_1242 = vector.shape_cast %get3A_1241 : vector<1x16xi32> to vector<16xi32>
      %add3A_1243 = arith.addi %mul3A_1237, %get3A_1242 : vector<16xi32>
      %swap3A_1244 = arith.constant 7 : i32
      %swap3A_1245 = arith.index_cast %swap3A_1244 : i32 to index
      %swap3A_1246 = arith.constant 48 : index
      %swap3A_1247 = tpu.vector_load %arg9[%swap3A_1245, %swap3A_1246] {strides = array<i32>} : memref<8x128xi32, #tpu.memory_space<vmem>>, vector<1x16xi32>,
      %swap3A_1248 = vector.shape_cast %swap3A_1247 : vector<1x16xi32> to vector<16xi32>
      %swap3A_1249 = vector.shape_cast %add3A_1243 : vector<16xi32> to vector<1x16xi32>
      tpu.vector_store %arg9[%swap3A_1245, %swap3A_1246], %swap3A_1249 {strides = array<i32>} : memref<8x128xi32, #tpu.memory_space<vmem>>, vector<1x16xi32>,
      %get3A_1250 = arith.constant 7 : i32
      %get3A_1251 = arith.index_cast %get3A_1250 : i32 to index
      %get3A_1252 = arith.constant 64 : index
      %get3A_1253 = tpu.vector_load %arg8[%get3A_1251, %get3A_1252] {strides = array<i32>} : memref<8x128xi32, #tpu.memory_space<vmem>>, vector<1x16xi32>,
      %get3A_1254 = vector.shape_cast %get3A_1253 : vector<1x16xi32> to vector<16xi32>
      %mul3A_1255 = arith.constant 10000 : i32
      %mul3A_1256 = vector.broadcast %mul3A_1255 : i32 to vector<16xi32>
      %mul3A_1257 = arith.muli %get3A_1254, %mul3A_1256 : vector<16xi32>
      %get3A_1258 = arith.constant 7 : i32
      %get3A_1259 = arith.index_cast %get3A_1258 : i32 to index
      %get3A_1260 = arith.constant 64 : index
      %get3A_1261 = tpu.vector_load %arg7[%get3A_1259, %get3A_1260] {strides = array<i32>} : memref<8x128xi32, #tpu.memory_space<vmem>>, vector<1x16xi32>,
      %get3A_1262 = vector.shape_cast %get3A_1261 : vector<1x16xi32> to vector<16xi32>
      %add3A_1263 = arith.addi %mul3A_1257, %get3A_1262 : vector<16xi32>
      %swap3A_1264 = arith.constant 7 : i32
      %swap3A_1265 = arith.index_cast %swap3A_1264 : i32 to index
      %swap3A_1266 = arith.constant 64 : index
      %swap3A_1267 = tpu.vector_load %arg9[%swap3A_1265, %swap3A_1266] {strides = array<i32>} : memref<8x128xi32, #tpu.memory_space<vmem>>, vector<1x16xi32>,
      %swap3A_1268 = vector.shape_cast %swap3A_1267 : vector<1x16xi32> to vector<16xi32>
      %swap3A_1269 = vector.shape_cast %add3A_1263 : vector<16xi32> to vector<1x16xi32>
      tpu.vector_store %arg9[%swap3A_1265, %swap3A_1266], %swap3A_1269 {strides = array<i32>} : memref<8x128xi32, #tpu.memory_space<vmem>>, vector<1x16xi32>,
      %get3A_1270 = arith.constant 7 : i32
      %get3A_1271 = arith.index_cast %get3A_1270 : i32 to index
      %get3A_1272 = arith.constant 80 : index
      %get3A_1273 = tpu.vector_load %arg8[%get3A_1271, %get3A_1272] {strides = array<i32>} : memref<8x128xi32, #tpu.memory_space<vmem>>, vector<1x16xi32>,
      %get3A_1274 = vector.shape_cast %get3A_1273 : vector<1x16xi32> to vector<16xi32>
      %mul3A_1275 = arith.constant 10000 : i32
      %mul3A_1276 = vector.broadcast %mul3A_1275 : i32 to vector<16xi32>
      %mul3A_1277 = arith.muli %get3A_1274, %mul3A_1276 : vector<16xi32>
      %get3A_1278 = arith.constant 7 : i32
      %get3A_1279 = arith.index_cast %get3A_1278 : i32 to index
      %get3A_1280 = arith.constant 80 : index
      %get3A_1281 = tpu.vector_load %arg7[%get3A_1279, %get3A_1280] {strides = array<i32>} : memref<8x128xi32, #tpu.memory_space<vmem>>, vector<1x16xi32>,
      %get3A_1282 = vector.shape_cast %get3A_1281 : vector<1x16xi32> to vector<16xi32>
      %add3A_1283 = arith.addi %mul3A_1277, %get3A_1282 : vector<16xi32>
      %swap3A_1284 = arith.constant 7 : i32
      %swap3A_1285 = arith.index_cast %swap3A_1284 : i32 to index
      %swap3A_1286 = arith.constant 80 : index
      %swap3A_1287 = tpu.vector_load %arg9[%swap3A_1285, %swap3A_1286] {strides = array<i32>} : memref<8x128xi32, #tpu.memory_space<vmem>>, vector<1x16xi32>,
      %swap3A_1288 = vector.shape_cast %swap3A_1287 : vector<1x16xi32> to vector<16xi32>
      %swap3A_1289 = vector.shape_cast %add3A_1283 : vector<16xi32> to vector<1x16xi32>
      tpu.vector_store %arg9[%swap3A_1285, %swap3A_1286], %swap3A_1289 {strides = array<i32>} : memref<8x128xi32, #tpu.memory_space<vmem>>, vector<1x16xi32>,
      %get3A_1290 = arith.constant 7 : i32
      %get3A_1291 = arith.index_cast %get3A_1290 : i32 to index
      %get3A_1292 = arith.constant 96 : index
      %get3A_1293 = tpu.vector_load %arg8[%get3A_1291, %get3A_1292] {strides = array<i32>} : memref<8x128xi32, #tpu.memory_space<vmem>>, vector<1x16xi32>,
      %get3A_1294 = vector.shape_cast %get3A_1293 : vector<1x16xi32> to vector<16xi32>
      %mul3A_1295 = arith.constant 10000 : i32
      %mul3A_1296 = vector.broadcast %mul3A_1295 : i32 to vector<16xi32>
      %mul3A_1297 = arith.muli %get3A_1294, %mul3A_1296 : vector<16xi32>
      %get3A_1298 = arith.constant 7 : i32
      %get3A_1299 = arith.index_cast %get3A_1298 : i32 to index
      %get3A_1300 = arith.constant 96 : index
      %get3A_1301 = tpu.vector_load %arg7[%get3A_1299, %get3A_1300] {strides = array<i32>} : memref<8x128xi32, #tpu.memory_space<vmem>>, vector<1x16xi32>,
      %get3A_1302 = vector.shape_cast %get3A_1301 : vector<1x16xi32> to vector<16xi32>
      %add3A_1303 = arith.addi %mul3A_1297, %get3A_1302 : vector<16xi32>
      %swap3A_1304 = arith.constant 7 : i32
      %swap3A_1305 = arith.index_cast %swap3A_1304 : i32 to index
      %swap3A_1306 = arith.constant 96 : index
      %swap3A_1307 = tpu.vector_load %arg9[%swap3A_1305, %swap3A_1306] {strides = array<i32>} : memref<8x128xi32, #tpu.memory_space<vmem>>, vector<1x16xi32>,
      %swap3A_1308 = vector.shape_cast %swap3A_1307 : vector<1x16xi32> to vector<16xi32>
      %swap3A_1309 = vector.shape_cast %add3A_1303 : vector<16xi32> to vector<1x16xi32>
      tpu.vector_store %arg9[%swap3A_1305, %swap3A_1306], %swap3A_1309 {strides = array<i32>} : memref<8x128xi32, #tpu.memory_space<vmem>>, vector<1x16xi32>,
      %get3A_1310 = arith.constant 7 : i32
      %get3A_1311 = arith.index_cast %get3A_1310 : i32 to index
      %get3A_1312 = arith.constant 112 : index
      %get3A_1313 = tpu.vector_load %arg8[%get3A_1311, %get3A_1312] {strides = array<i32>} : memref<8x128xi32, #tpu.memory_space<vmem>>, vector<1x16xi32>,
      %get3A_1314 = vector.shape_cast %get3A_1313 : vector<1x16xi32> to vector<16xi32>
      %mul3A_1315 = arith.constant 10000 : i32
      %mul3A_1316 = vector.broadcast %mul3A_1315 : i32 to vector<16xi32>
      %mul3A_1317 = arith.muli %get3A_1314, %mul3A_1316 : vector<16xi32>
      %get3A_1318 = arith.constant 7 : i32
      %get3A_1319 = arith.index_cast %get3A_1318 : i32 to index
      %get3A_1320 = arith.constant 112 : index
      %get3A_1321 = tpu.vector_load %arg7[%get3A_1319, %get3A_1320] {strides = array<i32>} : memref<8x128xi32, #tpu.memory_space<vmem>>, vector<1x16xi32>,
      %get3A_1322 = vector.shape_cast %get3A_1321 : vector<1x16xi32> to vector<16xi32>
      %add3A_1323 = arith.addi %mul3A_1317, %get3A_1322 : vector<16xi32>
      %swap3A_1324 = arith.constant 7 : i32
      %swap3A_1325 = arith.index_cast %swap3A_1324 : i32 to index
      %swap3A_1326 = arith.constant 112 : index
      %swap3A_1327 = tpu.vector_load %arg9[%swap3A_1325, %swap3A_1326] {strides = array<i32>} : memref<8x128xi32, #tpu.memory_space<vmem>>, vector<1x16xi32>,
      %swap3A_1328 = vector.shape_cast %swap3A_1327 : vector<1x16xi32> to vector<16xi32>
      %swap3A_1329 = vector.shape_cast %add3A_1323 : vector<16xi32> to vector<1x16xi32>
      tpu.vector_store %arg9[%swap3A_1325, %swap3A_1326], %swap3A_1329 {strides = array<i32>} : memref<8x128xi32, #tpu.memory_space<vmem>>, vector<1x16xi32>,
      %dma_start3A = arith.constant 0 : i32
      %dma_start3A_1330 = arith.constant 0 : i32
      %dma_start3A_1331 = tpu.memref_slice %arg9[%dma_start3A, %dma_start3A_1330] : memref<8x128xi32, #tpu.memory_space<vmem>> -> memref<1x128xi32, #tpu.memory_space<vmem>>
      %dma_start3A_1332 = tpu.memref_squeeze %dma_start3A_1331 : memref<1x128xi32, #tpu.memory_space<vmem>> -> memref<128xi32, #tpu.memory_space<vmem>>
      %dma_start3A_1333 = arith.constant 0 : i32
      %dma_start3A_1334 = arith.constant 0 : i32
      %dma_start3A_1335 = tpu.memref_slice %arg5[%dma_start3A_1333, %dma_start3A_1334] : memref<100000x128xf32, #tpu.memory_space<hbm>> -> memref<100000x128xf32, #tpu.memory_space<hbm>>
      tpu.enqueue_indirect_dma source(%dma_start3A_1335 : memref<100000x128xf32, #tpu.memory_space<hbm>>) target(%arg11 : memref<128x128xf32, #tpu.memory_space<vmem>>) offsets(%dma_start3A_1332 : memref<128xi32, #tpu.memory_space<vmem>>) semaphore(%arg14 : memref<!tpu.dma_semaphore, #tpu.memory_space<semaphore_mem>>)
      %dma_start3A_1336 = arith.constant 1 : i32
      %dma_start3A_1337 = arith.constant 0 : i32
      %dma_start3A_1338 = tpu.memref_slice %arg9[%dma_start3A_1336, %dma_start3A_1337] : memref<8x128xi32, #tpu.memory_space<vmem>> -> memref<1x128xi32, #tpu.memory_space<vmem>>
      %dma_start3A_1339 = tpu.memref_squeeze %dma_start3A_1338 : memref<1x128xi32, #tpu.memory_space<vmem>> -> memref<128xi32, #tpu.memory_space<vmem>>
      %dma_start3A_1340 = arith.constant 0 : i32
      %dma_start3A_1341 = arith.constant 0 : i32
      %dma_start3A_1342 = tpu.memref_slice %arg5[%dma_start3A_1340, %dma_start3A_1341] : memref<100000x128xf32, #tpu.memory_space<hbm>> -> memref<100000x128xf32, #tpu.memory_space<hbm>>
      tpu.enqueue_indirect_dma source(%dma_start3A_1342 : memref<100000x128xf32, #tpu.memory_space<hbm>>) target(%arg12 : memref<128x128xf32, #tpu.memory_space<vmem>>) offsets(%dma_start3A_1339 : memref<128xi32, #tpu.memory_space<vmem>>) semaphore(%arg15 : memref<!tpu.dma_semaphore, #tpu.memory_space<semaphore_mem>>)
      %dma_wait3A = arith.constant 0 : i32
      %dma_wait3A_1343 = arith.constant 0 : i32
      %dma_wait3A_1344 = tpu.memref_slice %arg9[%dma_wait3A, %dma_wait3A_1343] : memref<8x128xi32, #tpu.memory_space<vmem>> -> memref<1x128xi32, #tpu.memory_space<vmem>>
      %dma_wait3A_1345 = tpu.memref_squeeze %dma_wait3A_1344 : memref<1x128xi32, #tpu.memory_space<vmem>> -> memref<128xi32, #tpu.memory_space<vmem>>
      %dma_wait3A_1346 = arith.constant 0 : i32
      %dma_wait3A_1347 = arith.constant 0 : i32
      %dma_wait3A_1348 = tpu.memref_slice %arg5[%dma_wait3A_1346, %dma_wait3A_1347] : memref<100000x128xf32, #tpu.memory_space<hbm>> -> memref<100000x128xf32, #tpu.memory_space<hbm>>
      tpu.wait_indirect_dma semaphore(%arg14 : memref<!tpu.dma_semaphore, #tpu.memory_space<semaphore_mem>>) src(%dma_wait3A_1348 : memref<100000x128xf32, #tpu.memory_space<hbm>>) dst(%arg11 : memref<128x128xf32, #tpu.memory_space<vmem>>)
      %dma_start3A_1349 = arith.constant 0 : i32
      %dma_start3A_1350 = arith.constant 0 : i32
      %dma_start3A_1351 = tpu.memref_slice %arg10[%dma_start3A_1349, %dma_start3A_1350] : memref<8x128xi32, #tpu.memory_space<vmem>> -> memref<1x128xi32, #tpu.memory_space<vmem>>
      %dma_start3A_1352 = tpu.memref_squeeze %dma_start3A_1351 : memref<1x128xi32, #tpu.memory_space<vmem>> -> memref<128xi32, #tpu.memory_space<vmem>>
      %dma_start3A_1353 = arith.constant 0 : i32
      %dma_start3A_1354 = arith.constant 0 : i32
      %dma_start3A_1355 = tpu.memref_slice %arg13[%dma_start3A_1353, %dma_start3A_1354] : memref<10240x128xf32, #tpu.memory_space<vmem_shared>> -> memref<10240x128xf32, #tpu.memory_space<vmem_shared>>
      tpu.enqueue_indirect_dma source(%arg11 : memref<128x128xf32, #tpu.memory_space<vmem>>) target(%dma_start3A_1355 : memref<10240x128xf32, #tpu.memory_space<vmem_shared>>) offsets(%dma_start3A_1352 : memref<128xi32, #tpu.memory_space<vmem>>) semaphore(%arg16 : memref<!tpu.dma_semaphore, #tpu.memory_space<semaphore_mem>>) {add = true}
      %dma_wait3A_1356 = arith.constant 0 : i32
      %dma_wait3A_1357 = arith.constant 0 : i32
      %dma_wait3A_1358 = tpu.memref_slice %arg10[%dma_wait3A_1356, %dma_wait3A_1357] : memref<8x128xi32, #tpu.memory_space<vmem>> -> memref<1x128xi32, #tpu.memory_space<vmem>>
      %dma_wait3A_1359 = tpu.memref_squeeze %dma_wait3A_1358 : memref<1x128xi32, #tpu.memory_space<vmem>> -> memref<128xi32, #tpu.memory_space<vmem>>
      %dma_wait3A_1360 = arith.constant 0 : i32
      %dma_wait3A_1361 = arith.constant 0 : i32
      %dma_wait3A_1362 = tpu.memref_slice %arg13[%dma_wait3A_1360, %dma_wait3A_1361] : memref<10240x128xf32, #tpu.memory_space<vmem_shared>> -> memref<10240x128xf32, #tpu.memory_space<vmem_shared>>
      tpu.wait_indirect_dma semaphore(%arg16 : memref<!tpu.dma_semaphore, #tpu.memory_space<semaphore_mem>>) src(%arg11 : memref<128x128xf32, #tpu.memory_space<vmem>>) dst(%dma_wait3A_1362 : memref<10240x128xf32, #tpu.memory_space<vmem_shared>>)
      %dma_start3A_1363 = arith.constant 2 : i32
      %dma_start3A_1364 = arith.constant 0 : i32
      %dma_start3A_1365 = tpu.memref_slice %arg9[%dma_start3A_1363, %dma_start3A_1364] : memref<8x128xi32, #tpu.memory_space<vmem>> -> memref<1x128xi32, #tpu.memory_space<vmem>>
      %dma_start3A_1366 = tpu.memref_squeeze %dma_start3A_1365 : memref<1x128xi32, #tpu.memory_space<vmem>> -> memref<128xi32, #tpu.memory_space<vmem>>
      %dma_start3A_1367 = arith.constant 0 : i32
      %dma_start3A_1368 = arith.constant 0 : i32
      %dma_start3A_1369 = tpu.memref_slice %arg5[%dma_start3A_1367, %dma_start3A_1368] : memref<100000x128xf32, #tpu.memory_space<hbm>> -> memref<100000x128xf32, #tpu.memory_space<hbm>>
      tpu.enqueue_indirect_dma source(%dma_start3A_1369 : memref<100000x128xf32, #tpu.memory_space<hbm>>) target(%arg11 : memref<128x128xf32, #tpu.memory_space<vmem>>) offsets(%dma_start3A_1366 : memref<128xi32, #tpu.memory_space<vmem>>) semaphore(%arg14 : memref<!tpu.dma_semaphore, #tpu.memory_space<semaphore_mem>>)
      %dma_wait3A_1370 = arith.constant 1 : i32
      %dma_wait3A_1371 = arith.constant 0 : i32
      %dma_wait3A_1372 = tpu.memref_slice %arg9[%dma_wait3A_1370, %dma_wait3A_1371] : memref<8x128xi32, #tpu.memory_space<vmem>> -> memref<1x128xi32, #tpu.memory_space<vmem>>
      %dma_wait3A_1373 = tpu.memref_squeeze %dma_wait3A_1372 : memref<1x128xi32, #tpu.memory_space<vmem>> -> memref<128xi32, #tpu.memory_space<vmem>>
      %dma_wait3A_1374 = arith.constant 0 : i32
      %dma_wait3A_1375 = arith.constant 0 : i32
      %dma_wait3A_1376 = tpu.memref_slice %arg5[%dma_wait3A_1374, %dma_wait3A_1375] : memref<100000x128xf32, #tpu.memory_space<hbm>> -> memref<100000x128xf32, #tpu.memory_space<hbm>>
      tpu.wait_indirect_dma semaphore(%arg15 : memref<!tpu.dma_semaphore, #tpu.memory_space<semaphore_mem>>) src(%dma_wait3A_1376 : memref<100000x128xf32, #tpu.memory_space<hbm>>) dst(%arg12 : memref<128x128xf32, #tpu.memory_space<vmem>>)
      %dma_start3A_1377 = arith.constant 1 : i32
      %dma_start3A_1378 = arith.constant 0 : i32
      %dma_start3A_1379 = tpu.memref_slice %arg10[%dma_start3A_1377, %dma_start3A_1378] : memref<8x128xi32, #tpu.memory_space<vmem>> -> memref<1x128xi32, #tpu.memory_space<vmem>>
      %dma_start3A_1380 = tpu.memref_squeeze %dma_start3A_1379 : memref<1x128xi32, #tpu.memory_space<vmem>> -> memref<128xi32, #tpu.memory_space<vmem>>
      %dma_start3A_1381 = arith.constant 0 : i32
      %dma_start3A_1382 = arith.constant 0 : i32
      %dma_start3A_1383 = tpu.memref_slice %arg13[%dma_start3A_1381, %dma_start3A_1382] : memref<10240x128xf32, #tpu.memory_space<vmem_shared>> -> memref<10240x128xf32, #tpu.memory_space<vmem_shared>>
      tpu.enqueue_indirect_dma source(%arg12 : memref<128x128xf32, #tpu.memory_space<vmem>>) target(%dma_start3A_1383 : memref<10240x128xf32, #tpu.memory_space<vmem_shared>>) offsets(%dma_start3A_1380 : memref<128xi32, #tpu.memory_space<vmem>>) semaphore(%arg17 : memref<!tpu.dma_semaphore, #tpu.memory_space<semaphore_mem>>) {add = true}
      %dma_wait3A_1384 = arith.constant 1 : i32
      %dma_wait3A_1385 = arith.constant 0 : i32
      %dma_wait3A_1386 = tpu.memref_slice %arg10[%dma_wait3A_1384, %dma_wait3A_1385] : memref<8x128xi32, #tpu.memory_space<vmem>> -> memref<1x128xi32, #tpu.memory_space<vmem>>
      %dma_wait3A_1387 = tpu.memref_squeeze %dma_wait3A_1386 : memref<1x128xi32, #tpu.memory_space<vmem>> -> memref<128xi32, #tpu.memory_space<vmem>>
      %dma_wait3A_1388 = arith.constant 0 : i32
      %dma_wait3A_1389 = arith.constant 0 : i32
      %dma_wait3A_1390 = tpu.memref_slice %arg13[%dma_wait3A_1388, %dma_wait3A_1389] : memref<10240x128xf32, #tpu.memory_space<vmem_shared>> -> memref<10240x128xf32, #tpu.memory_space<vmem_shared>>
      tpu.wait_indirect_dma semaphore(%arg17 : memref<!tpu.dma_semaphore, #tpu.memory_space<semaphore_mem>>) src(%arg12 : memref<128x128xf32, #tpu.memory_space<vmem>>) dst(%dma_wait3A_1390 : memref<10240x128xf32, #tpu.memory_space<vmem_shared>>)
      %dma_start3A_1391 = arith.constant 3 : i32
      %dma_start3A_1392 = arith.constant 0 : i32
      %dma_start3A_1393 = tpu.memref_slice %arg9[%dma_start3A_1391, %dma_start3A_1392] : memref<8x128xi32, #tpu.memory_space<vmem>> -> memref<1x128xi32, #tpu.memory_space<vmem>>
      %dma_start3A_1394 = tpu.memref_squeeze %dma_start3A_1393 : memref<1x128xi32, #tpu.memory_space<vmem>> -> memref<128xi32, #tpu.memory_space<vmem>>
      %dma_start3A_1395 = arith.constant 0 : i32
      %dma_start3A_1396 = arith.constant 0 : i32
      %dma_start3A_1397 = tpu.memref_slice %arg5[%dma_start3A_1395, %dma_start3A_1396] : memref<100000x128xf32, #tpu.memory_space<hbm>> -> memref<100000x128xf32, #tpu.memory_space<hbm>>
      tpu.enqueue_indirect_dma source(%dma_start3A_1397 : memref<100000x128xf32, #tpu.memory_space<hbm>>) target(%arg12 : memref<128x128xf32, #tpu.memory_space<vmem>>) offsets(%dma_start3A_1394 : memref<128xi32, #tpu.memory_space<vmem>>) semaphore(%arg15 : memref<!tpu.dma_semaphore, #tpu.memory_space<semaphore_mem>>)
      %dma_wait3A_1398 = arith.constant 2 : i32
      %dma_wait3A_1399 = arith.constant 0 : i32
      %dma_wait3A_1400 = tpu.memref_slice %arg9[%dma_wait3A_1398, %dma_wait3A_1399] : memref<8x128xi32, #tpu.memory_space<vmem>> -> memref<1x128xi32, #tpu.memory_space<vmem>>
      %dma_wait3A_1401 = tpu.memref_squeeze %dma_wait3A_1400 : memref<1x128xi32, #tpu.memory_space<vmem>> -> memref<128xi32, #tpu.memory_space<vmem>>
      %dma_wait3A_1402 = arith.constant 0 : i32
      %dma_wait3A_1403 = arith.constant 0 : i32
      %dma_wait3A_1404 = tpu.memref_slice %arg5[%dma_wait3A_1402, %dma_wait3A_1403] : memref<100000x128xf32, #tpu.memory_space<hbm>> -> memref<100000x128xf32, #tpu.memory_space<hbm>>
      tpu.wait_indirect_dma semaphore(%arg14 : memref<!tpu.dma_semaphore, #tpu.memory_space<semaphore_mem>>) src(%dma_wait3A_1404 : memref<100000x128xf32, #tpu.memory_space<hbm>>) dst(%arg11 : memref<128x128xf32, #tpu.memory_space<vmem>>)
      %dma_start3A_1405 = arith.constant 2 : i32
      %dma_start3A_1406 = arith.constant 0 : i32
      %dma_start3A_1407 = tpu.memref_slice %arg10[%dma_start3A_1405, %dma_start3A_1406] : memref<8x128xi32, #tpu.memory_space<vmem>> -> memref<1x128xi32, #tpu.memory_space<vmem>>
      %dma_start3A_1408 = tpu.memref_squeeze %dma_start3A_1407 : memref<1x128xi32, #tpu.memory_space<vmem>> -> memref<128xi32, #tpu.memory_space<vmem>>
      %dma_start3A_1409 = arith.constant 0 : i32
      %dma_start3A_1410 = arith.constant 0 : i32
      %dma_start3A_1411 = tpu.memref_slice %arg13[%dma_start3A_1409, %dma_start3A_1410] : memref<10240x128xf32, #tpu.memory_space<vmem_shared>> -> memref<10240x128xf32, #tpu.memory_space<vmem_shared>>
      tpu.enqueue_indirect_dma source(%arg11 : memref<128x128xf32, #tpu.memory_space<vmem>>) target(%dma_start3A_1411 : memref<10240x128xf32, #tpu.memory_space<vmem_shared>>) offsets(%dma_start3A_1408 : memref<128xi32, #tpu.memory_space<vmem>>) semaphore(%arg16 : memref<!tpu.dma_semaphore, #tpu.memory_space<semaphore_mem>>) {add = true}
      %dma_wait3A_1412 = arith.constant 2 : i32
      %dma_wait3A_1413 = arith.constant 0 : i32
      %dma_wait3A_1414 = tpu.memref_slice %arg10[%dma_wait3A_1412, %dma_wait3A_1413] : memref<8x128xi32, #tpu.memory_space<vmem>> -> memref<1x128xi32, #tpu.memory_space<vmem>>
      %dma_wait3A_1415 = tpu.memref_squeeze %dma_wait3A_1414 : memref<1x128xi32, #tpu.memory_space<vmem>> -> memref<128xi32, #tpu.memory_space<vmem>>
      %dma_wait3A_1416 = arith.constant 0 : i32
      %dma_wait3A_1417 = arith.constant 0 : i32
      %dma_wait3A_1418 = tpu.memref_slice %arg13[%dma_wait3A_1416, %dma_wait3A_1417] : memref<10240x128xf32, #tpu.memory_space<vmem_shared>> -> memref<10240x128xf32, #tpu.memory_space<vmem_shared>>
      tpu.wait_indirect_dma semaphore(%arg16 : memref<!tpu.dma_semaphore, #tpu.memory_space<semaphore_mem>>) src(%arg11 : memref<128x128xf32, #tpu.memory_space<vmem>>) dst(%dma_wait3A_1418 : memref<10240x128xf32, #tpu.memory_space<vmem_shared>>)
      %dma_start3A_1419 = arith.constant 4 : i32
      %dma_start3A_1420 = arith.constant 0 : i32
      %dma_start3A_1421 = tpu.memref_slice %arg9[%dma_start3A_1419, %dma_start3A_1420] : memref<8x128xi32, #tpu.memory_space<vmem>> -> memref<1x128xi32, #tpu.memory_space<vmem>>
      %dma_start3A_1422 = tpu.memref_squeeze %dma_start3A_1421 : memref<1x128xi32, #tpu.memory_space<vmem>> -> memref<128xi32, #tpu.memory_space<vmem>>
      %dma_start3A_1423 = arith.constant 0 : i32
      %dma_start3A_1424 = arith.constant 0 : i32
      %dma_start3A_1425 = tpu.memref_slice %arg5[%dma_start3A_1423, %dma_start3A_1424] : memref<100000x128xf32, #tpu.memory_space<hbm>> -> memref<100000x128xf32, #tpu.memory_space<hbm>>
      tpu.enqueue_indirect_dma source(%dma_start3A_1425 : memref<100000x128xf32, #tpu.memory_space<hbm>>) target(%arg11 : memref<128x128xf32, #tpu.memory_space<vmem>>) offsets(%dma_start3A_1422 : memref<128xi32, #tpu.memory_space<vmem>>) semaphore(%arg14 : memref<!tpu.dma_semaphore, #tpu.memory_space<semaphore_mem>>)
      %dma_wait3A_1426 = arith.constant 3 : i32
      %dma_wait3A_1427 = arith.constant 0 : i32
      %dma_wait3A_1428 = tpu.memref_slice %arg9[%dma_wait3A_1426, %dma_wait3A_1427] : memref<8x128xi32, #tpu.memory_space<vmem>> -> memref<1x128xi32, #tpu.memory_space<vmem>>
      %dma_wait3A_1429 = tpu.memref_squeeze %dma_wait3A_1428 : memref<1x128xi32, #tpu.memory_space<vmem>> -> memref<128xi32, #tpu.memory_space<vmem>>
      %dma_wait3A_1430 = arith.constant 0 : i32
      %dma_wait3A_1431 = arith.constant 0 : i32
      %dma_wait3A_1432 = tpu.memref_slice %arg5[%dma_wait3A_1430, %dma_wait3A_1431] : memref<100000x128xf32, #tpu.memory_space<hbm>> -> memref<100000x128xf32, #tpu.memory_space<hbm>>
      tpu.wait_indirect_dma semaphore(%arg15 : memref<!tpu.dma_semaphore, #tpu.memory_space<semaphore_mem>>) src(%dma_wait3A_1432 : memref<100000x128xf32, #tpu.memory_space<hbm>>) dst(%arg12 : memref<128x128xf32, #tpu.memory_space<vmem>>)
      %dma_start3A_1433 = arith.constant 3 : i32
      %dma_start3A_1434 = arith.constant 0 : i32
      %dma_start3A_1435 = tpu.memref_slice %arg10[%dma_start3A_1433, %dma_start3A_1434] : memref<8x128xi32, #tpu.memory_space<vmem>> -> memref<1x128xi32, #tpu.memory_space<vmem>>
      %dma_start3A_1436 = tpu.memref_squeeze %dma_start3A_1435 : memref<1x128xi32, #tpu.memory_space<vmem>> -> memref<128xi32, #tpu.memory_space<vmem>>
      %dma_start3A_1437 = arith.constant 0 : i32
      %dma_start3A_1438 = arith.constant 0 : i32
      %dma_start3A_1439 = tpu.memref_slice %arg13[%dma_start3A_1437, %dma_start3A_1438] : memref<10240x128xf32, #tpu.memory_space<vmem_shared>> -> memref<10240x128xf32, #tpu.memory_space<vmem_shared>>
      tpu.enqueue_indirect_dma source(%arg12 : memref<128x128xf32, #tpu.memory_space<vmem>>) target(%dma_start3A_1439 : memref<10240x128xf32, #tpu.memory_space<vmem_shared>>) offsets(%dma_start3A_1436 : memref<128xi32, #tpu.memory_space<vmem>>) semaphore(%arg17 : memref<!tpu.dma_semaphore, #tpu.memory_space<semaphore_mem>>) {add = true}
      %dma_wait3A_1440 = arith.constant 3 : i32
      %dma_wait3A_1441 = arith.constant 0 : i32
      %dma_wait3A_1442 = tpu.memref_slice %arg10[%dma_wait3A_1440, %dma_wait3A_1441] : memref<8x128xi32, #tpu.memory_space<vmem>> -> memref<1x128xi32, #tpu.memory_space<vmem>>
      %dma_wait3A_1443 = tpu.memref_squeeze %dma_wait3A_1442 : memref<1x128xi32, #tpu.memory_space<vmem>> -> memref<128xi32, #tpu.memory_space<vmem>>
      %dma_wait3A_1444 = arith.constant 0 : i32
      %dma_wait3A_1445 = arith.constant 0 : i32
      %dma_wait3A_1446 = tpu.memref_slice %arg13[%dma_wait3A_1444, %dma_wait3A_1445] : memref<10240x128xf32, #tpu.memory_space<vmem_shared>> -> memref<10240x128xf32, #tpu.memory_space<vmem_shared>>
      tpu.wait_indirect_dma semaphore(%arg17 : memref<!tpu.dma_semaphore, #tpu.memory_space<semaphore_mem>>) src(%arg12 : memref<128x128xf32, #tpu.memory_space<vmem>>) dst(%dma_wait3A_1446 : memref<10240x128xf32, #tpu.memory_space<vmem_shared>>)
      %dma_start3A_1447 = arith.constant 5 : i32
      %dma_start3A_1448 = arith.constant 0 : i32
      %dma_start3A_1449 = tpu.memref_slice %arg9[%dma_start3A_1447, %dma_start3A_1448] : memref<8x128xi32, #tpu.memory_space<vmem>> -> memref<1x128xi32, #tpu.memory_space<vmem>>
      %dma_start3A_1450 = tpu.memref_squeeze %dma_start3A_1449 : memref<1x128xi32, #tpu.memory_space<vmem>> -> memref<128xi32, #tpu.memory_space<vmem>>
      %dma_start3A_1451 = arith.constant 0 : i32
      %dma_start3A_1452 = arith.constant 0 : i32
      %dma_start3A_1453 = tpu.memref_slice %arg5[%dma_start3A_1451, %dma_start3A_1452] : memref<100000x128xf32, #tpu.memory_space<hbm>> -> memref<100000x128xf32, #tpu.memory_space<hbm>>
      tpu.enqueue_indirect_dma source(%dma_start3A_1453 : memref<100000x128xf32, #tpu.memory_space<hbm>>) target(%arg12 : memref<128x128xf32, #tpu.memory_space<vmem>>) offsets(%dma_start3A_1450 : memref<128xi32, #tpu.memory_space<vmem>>) semaphore(%arg15 : memref<!tpu.dma_semaphore, #tpu.memory_space<semaphore_mem>>)
      %dma_wait3A_1454 = arith.constant 4 : i32
      %dma_wait3A_1455 = arith.constant 0 : i32
      %dma_wait3A_1456 = tpu.memref_slice %arg9[%dma_wait3A_1454, %dma_wait3A_1455] : memref<8x128xi32, #tpu.memory_space<vmem>> -> memref<1x128xi32, #tpu.memory_space<vmem>>
      %dma_wait3A_1457 = tpu.memref_squeeze %dma_wait3A_1456 : memref<1x128xi32, #tpu.memory_space<vmem>> -> memref<128xi32, #tpu.memory_space<vmem>>
      %dma_wait3A_1458 = arith.constant 0 : i32
      %dma_wait3A_1459 = arith.constant 0 : i32
      %dma_wait3A_1460 = tpu.memref_slice %arg5[%dma_wait3A_1458, %dma_wait3A_1459] : memref<100000x128xf32, #tpu.memory_space<hbm>> -> memref<100000x128xf32, #tpu.memory_space<hbm>>
      tpu.wait_indirect_dma semaphore(%arg14 : memref<!tpu.dma_semaphore, #tpu.memory_space<semaphore_mem>>) src(%dma_wait3A_1460 : memref<100000x128xf32, #tpu.memory_space<hbm>>) dst(%arg11 : memref<128x128xf32, #tpu.memory_space<vmem>>)
      %dma_start3A_1461 = arith.constant 4 : i32
      %dma_start3A_1462 = arith.constant 0 : i32
      %dma_start3A_1463 = tpu.memref_slice %arg10[%dma_start3A_1461, %dma_start3A_1462] : memref<8x128xi32, #tpu.memory_space<vmem>> -> memref<1x128xi32, #tpu.memory_space<vmem>>
      %dma_start3A_1464 = tpu.memref_squeeze %dma_start3A_1463 : memref<1x128xi32, #tpu.memory_space<vmem>> -> memref<128xi32, #tpu.memory_space<vmem>>
      %dma_start3A_1465 = arith.constant 0 : i32
      %dma_start3A_1466 = arith.constant 0 : i32
      %dma_start3A_1467 = tpu.memref_slice %arg13[%dma_start3A_1465, %dma_start3A_1466] : memref<10240x128xf32, #tpu.memory_space<vmem_shared>> -> memref<10240x128xf32, #tpu.memory_space<vmem_shared>>
      tpu.enqueue_indirect_dma source(%arg11 : memref<128x128xf32, #tpu.memory_space<vmem>>) target(%dma_start3A_1467 : memref<10240x128xf32, #tpu.memory_space<vmem_shared>>) offsets(%dma_start3A_1464 : memref<128xi32, #tpu.memory_space<vmem>>) semaphore(%arg16 : memref<!tpu.dma_semaphore, #tpu.memory_space<semaphore_mem>>) {add = true}
      %dma_wait3A_1468 = arith.constant 4 : i32
      %dma_wait3A_1469 = arith.constant 0 : i32
      %dma_wait3A_1470 = tpu.memref_slice %arg10[%dma_wait3A_1468, %dma_wait3A_1469] : memref<8x128xi32, #tpu.memory_space<vmem>> -> memref<1x128xi32, #tpu.memory_space<vmem>>
      %dma_wait3A_1471 = tpu.memref_squeeze %dma_wait3A_1470 : memref<1x128xi32, #tpu.memory_space<vmem>> -> memref<128xi32, #tpu.memory_space<vmem>>
      %dma_wait3A_1472 = arith.constant 0 : i32
      %dma_wait3A_1473 = arith.constant 0 : i32
      %dma_wait3A_1474 = tpu.memref_slice %arg13[%dma_wait3A_1472, %dma_wait3A_1473] : memref<10240x128xf32, #tpu.memory_space<vmem_shared>> -> memref<10240x128xf32, #tpu.memory_space<vmem_shared>>
      tpu.wait_indirect_dma semaphore(%arg16 : memref<!tpu.dma_semaphore, #tpu.memory_space<semaphore_mem>>) src(%arg11 : memref<128x128xf32, #tpu.memory_space<vmem>>) dst(%dma_wait3A_1474 : memref<10240x128xf32, #tpu.memory_space<vmem_shared>>)
      %dma_start3A_1475 = arith.constant 6 : i32
      %dma_start3A_1476 = arith.constant 0 : i32
      %dma_start3A_1477 = tpu.memref_slice %arg9[%dma_start3A_1475, %dma_start3A_1476] : memref<8x128xi32, #tpu.memory_space<vmem>> -> memref<1x128xi32, #tpu.memory_space<vmem>>
      %dma_start3A_1478 = tpu.memref_squeeze %dma_start3A_1477 : memref<1x128xi32, #tpu.memory_space<vmem>> -> memref<128xi32, #tpu.memory_space<vmem>>
      %dma_start3A_1479 = arith.constant 0 : i32
      %dma_start3A_1480 = arith.constant 0 : i32
      %dma_start3A_1481 = tpu.memref_slice %arg5[%dma_start3A_1479, %dma_start3A_1480] : memref<100000x128xf32, #tpu.memory_space<hbm>> -> memref<100000x128xf32, #tpu.memory_space<hbm>>
      tpu.enqueue_indirect_dma source(%dma_start3A_1481 : memref<100000x128xf32, #tpu.memory_space<hbm>>) target(%arg11 : memref<128x128xf32, #tpu.memory_space<vmem>>) offsets(%dma_start3A_1478 : memref<128xi32, #tpu.memory_space<vmem>>) semaphore(%arg14 : memref<!tpu.dma_semaphore, #tpu.memory_space<semaphore_mem>>)
      %dma_wait3A_1482 = arith.constant 5 : i32
      %dma_wait3A_1483 = arith.constant 0 : i32
      %dma_wait3A_1484 = tpu.memref_slice %arg9[%dma_wait3A_1482, %dma_wait3A_1483] : memref<8x128xi32, #tpu.memory_space<vmem>> -> memref<1x128xi32, #tpu.memory_space<vmem>>
      %dma_wait3A_1485 = tpu.memref_squeeze %dma_wait3A_1484 : memref<1x128xi32, #tpu.memory_space<vmem>> -> memref<128xi32, #tpu.memory_space<vmem>>
      %dma_wait3A_1486 = arith.constant 0 : i32
      %dma_wait3A_1487 = arith.constant 0 : i32
      %dma_wait3A_1488 = tpu.memref_slice %arg5[%dma_wait3A_1486, %dma_wait3A_1487] : memref<100000x128xf32, #tpu.memory_space<hbm>> -> memref<100000x128xf32, #tpu.memory_space<hbm>>
      tpu.wait_indirect_dma semaphore(%arg15 : memref<!tpu.dma_semaphore, #tpu.memory_space<semaphore_mem>>) src(%dma_wait3A_1488 : memref<100000x128xf32, #tpu.memory_space<hbm>>) dst(%arg12 : memref<128x128xf32, #tpu.memory_space<vmem>>)
      %dma_start3A_1489 = arith.constant 5 : i32
      %dma_start3A_1490 = arith.constant 0 : i32
      %dma_start3A_1491 = tpu.memref_slice %arg10[%dma_start3A_1489, %dma_start3A_1490] : memref<8x128xi32, #tpu.memory_space<vmem>> -> memref<1x128xi32, #tpu.memory_space<vmem>>
      %dma_start3A_1492 = tpu.memref_squeeze %dma_start3A_1491 : memref<1x128xi32, #tpu.memory_space<vmem>> -> memref<128xi32, #tpu.memory_space<vmem>>
      %dma_start3A_1493 = arith.constant 0 : i32
      %dma_start3A_1494 = arith.constant 0 : i32
      %dma_start3A_1495 = tpu.memref_slice %arg13[%dma_start3A_1493, %dma_start3A_1494] : memref<10240x128xf32, #tpu.memory_space<vmem_shared>> -> memref<10240x128xf32, #tpu.memory_space<vmem_shared>>
      tpu.enqueue_indirect_dma source(%arg12 : memref<128x128xf32, #tpu.memory_space<vmem>>) target(%dma_start3A_1495 : memref<10240x128xf32, #tpu.memory_space<vmem_shared>>) offsets(%dma_start3A_1492 : memref<128xi32, #tpu.memory_space<vmem>>) semaphore(%arg17 : memref<!tpu.dma_semaphore, #tpu.memory_space<semaphore_mem>>) {add = true}
      %dma_wait3A_1496 = arith.constant 5 : i32
      %dma_wait3A_1497 = arith.constant 0 : i32
      %dma_wait3A_1498 = tpu.memref_slice %arg10[%dma_wait3A_1496, %dma_wait3A_1497] : memref<8x128xi32, #tpu.memory_space<vmem>> -> memref<1x128xi32, #tpu.memory_space<vmem>>
      %dma_wait3A_1499 = tpu.memref_squeeze %dma_wait3A_1498 : memref<1x128xi32, #tpu.memory_space<vmem>> -> memref<128xi32, #tpu.memory_space<vmem>>
      %dma_wait3A_1500 = arith.constant 0 : i32
      %dma_wait3A_1501 = arith.constant 0 : i32
      %dma_wait3A_1502 = tpu.memref_slice %arg13[%dma_wait3A_1500, %dma_wait3A_1501] : memref<10240x128xf32, #tpu.memory_space<vmem_shared>> -> memref<10240x128xf32, #tpu.memory_space<vmem_shared>>
      tpu.wait_indirect_dma semaphore(%arg17 : memref<!tpu.dma_semaphore, #tpu.memory_space<semaphore_mem>>) src(%arg12 : memref<128x128xf32, #tpu.memory_space<vmem>>) dst(%dma_wait3A_1502 : memref<10240x128xf32, #tpu.memory_space<vmem_shared>>)
      %dma_start3A_1503 = arith.constant 7 : i32
      %dma_start3A_1504 = arith.constant 0 : i32
      %dma_start3A_1505 = tpu.memref_slice %arg9[%dma_start3A_1503, %dma_start3A_1504] : memref<8x128xi32, #tpu.memory_space<vmem>> -> memref<1x128xi32, #tpu.memory_space<vmem>>
      %dma_start3A_1506 = tpu.memref_squeeze %dma_start3A_1505 : memref<1x128xi32, #tpu.memory_space<vmem>> -> memref<128xi32, #tpu.memory_space<vmem>>
      %dma_start3A_1507 = arith.constant 0 : i32
      %dma_start3A_1508 = arith.constant 0 : i32
      %dma_start3A_1509 = tpu.memref_slice %arg5[%dma_start3A_1507, %dma_start3A_1508] : memref<100000x128xf32, #tpu.memory_space<hbm>> -> memref<100000x128xf32, #tpu.memory_space<hbm>>
      tpu.enqueue_indirect_dma source(%dma_start3A_1509 : memref<100000x128xf32, #tpu.memory_space<hbm>>) target(%arg12 : memref<128x128xf32, #tpu.memory_space<vmem>>) offsets(%dma_start3A_1506 : memref<128xi32, #tpu.memory_space<vmem>>) semaphore(%arg15 : memref<!tpu.dma_semaphore, #tpu.memory_space<semaphore_mem>>)
      %dma_wait3A_1510 = arith.constant 6 : i32
      %dma_wait3A_1511 = arith.constant 0 : i32
      %dma_wait3A_1512 = tpu.memref_slice %arg9[%dma_wait3A_1510, %dma_wait3A_1511] : memref<8x128xi32, #tpu.memory_space<vmem>> -> memref<1x128xi32, #tpu.memory_space<vmem>>
      %dma_wait3A_1513 = tpu.memref_squeeze %dma_wait3A_1512 : memref<1x128xi32, #tpu.memory_space<vmem>> -> memref<128xi32, #tpu.memory_space<vmem>>
      %dma_wait3A_1514 = arith.constant 0 : i32
      %dma_wait3A_1515 = arith.constant 0 : i32
      %dma_wait3A_1516 = tpu.memref_slice %arg5[%dma_wait3A_1514, %dma_wait3A_1515] : memref<100000x128xf32, #tpu.memory_space<hbm>> -> memref<100000x128xf32, #tpu.memory_space<hbm>>
      tpu.wait_indirect_dma semaphore(%arg14 : memref<!tpu.dma_semaphore, #tpu.memory_space<semaphore_mem>>) src(%dma_wait3A_1516 : memref<100000x128xf32, #tpu.memory_space<hbm>>) dst(%arg11 : memref<128x128xf32, #tpu.memory_space<vmem>>)
      %dma_start3A_1517 = arith.constant 6 : i32
      %dma_start3A_1518 = arith.constant 0 : i32
      %dma_start3A_1519 = tpu.memref_slice %arg10[%dma_start3A_1517, %dma_start3A_1518] : memref<8x128xi32, #tpu.memory_space<vmem>> -> memref<1x128xi32, #tpu.memory_space<vmem>>
      %dma_start3A_1520 = tpu.memref_squeeze %dma_start3A_1519 : memref<1x128xi32, #tpu.memory_space<vmem>> -> memref<128xi32, #tpu.memory_space<vmem>>
      %dma_start3A_1521 = arith.constant 0 : i32
      %dma_start3A_1522 = arith.constant 0 : i32
      %dma_start3A_1523 = tpu.memref_slice %arg13[%dma_start3A_1521, %dma_start3A_1522] : memref<10240x128xf32, #tpu.memory_space<vmem_shared>> -> memref<10240x128xf32, #tpu.memory_space<vmem_shared>>
      tpu.enqueue_indirect_dma source(%arg11 : memref<128x128xf32, #tpu.memory_space<vmem>>) target(%dma_start3A_1523 : memref<10240x128xf32, #tpu.memory_space<vmem_shared>>) offsets(%dma_start3A_1520 : memref<128xi32, #tpu.memory_space<vmem>>) semaphore(%arg16 : memref<!tpu.dma_semaphore, #tpu.memory_space<semaphore_mem>>) {add = true}
      %dma_wait3A_1524 = arith.constant 7 : i32
      %dma_wait3A_1525 = arith.constant 0 : i32
      %dma_wait3A_1526 = tpu.memref_slice %arg9[%dma_wait3A_1524, %dma_wait3A_1525] : memref<8x128xi32, #tpu.memory_space<vmem>> -> memref<1x128xi32, #tpu.memory_space<vmem>>
      %dma_wait3A_1527 = tpu.memref_squeeze %dma_wait3A_1526 : memref<1x128xi32, #tpu.memory_space<vmem>> -> memref<128xi32, #tpu.memory_space<vmem>>
      %dma_wait3A_1528 = arith.constant 0 : i32
      %dma_wait3A_1529 = arith.constant 0 : i32
      %dma_wait3A_1530 = tpu.memref_slice %arg5[%dma_wait3A_1528, %dma_wait3A_1529] : memref<100000x128xf32, #tpu.memory_space<hbm>> -> memref<100000x128xf32, #tpu.memory_space<hbm>>
      tpu.wait_indirect_dma semaphore(%arg15 : memref<!tpu.dma_semaphore, #tpu.memory_space<semaphore_mem>>) src(%dma_wait3A_1530 : memref<100000x128xf32, #tpu.memory_space<hbm>>) dst(%arg12 : memref<128x128xf32, #tpu.memory_space<vmem>>)
      %dma_start3A_1531 = arith.constant 7 : i32
      %dma_start3A_1532 = arith.constant 0 : i32
      %dma_start3A_1533 = tpu.memref_slice %arg10[%dma_start3A_1531, %dma_start3A_1532] : memref<8x128xi32, #tpu.memory_space<vmem>> -> memref<1x128xi32, #tpu.memory_space<vmem>>
      %dma_start3A_1534 = tpu.memref_squeeze %dma_start3A_1533 : memref<1x128xi32, #tpu.memory_space<vmem>> -> memref<128xi32, #tpu.memory_space<vmem>>
      %dma_start3A_1535 = arith.constant 0 : i32
      %dma_start3A_1536 = arith.constant 0 : i32
      %dma_start3A_1537 = tpu.memref_slice %arg13[%dma_start3A_1535, %dma_start3A_1536] : memref<10240x128xf32, #tpu.memory_space<vmem_shared>> -> memref<10240x128xf32, #tpu.memory_space<vmem_shared>>
      tpu.enqueue_indirect_dma source(%arg12 : memref<128x128xf32, #tpu.memory_space<vmem>>) target(%dma_start3A_1537 : memref<10240x128xf32, #tpu.memory_space<vmem_shared>>) offsets(%dma_start3A_1534 : memref<128xi32, #tpu.memory_space<vmem>>) semaphore(%arg17 : memref<!tpu.dma_semaphore, #tpu.memory_space<semaphore_mem>>) {add = true}
      %dma_wait3A_1538 = arith.constant 6 : i32
      %dma_wait3A_1539 = arith.constant 0 : i32
      %dma_wait3A_1540 = tpu.memref_slice %arg10[%dma_wait3A_1538, %dma_wait3A_1539] : memref<8x128xi32, #tpu.memory_space<vmem>> -> memref<1x128xi32, #tpu.memory_space<vmem>>
      %dma_wait3A_1541 = tpu.memref_squeeze %dma_wait3A_1540 : memref<1x128xi32, #tpu.memory_space<vmem>> -> memref<128xi32, #tpu.memory_space<vmem>>
      %dma_wait3A_1542 = arith.constant 0 : i32
      %dma_wait3A_1543 = arith.constant 0 : i32
      %dma_wait3A_1544 = tpu.memref_slice %arg13[%dma_wait3A_1542, %dma_wait3A_1543] : memref<10240x128xf32, #tpu.memory_space<vmem_shared>> -> memref<10240x128xf32, #tpu.memory_space<vmem_shared>>
      tpu.wait_indirect_dma semaphore(%arg16 : memref<!tpu.dma_semaphore, #tpu.memory_space<semaphore_mem>>) src(%arg11 : memref<128x128xf32, #tpu.memory_space<vmem>>) dst(%dma_wait3A_1544 : memref<10240x128xf32, #tpu.memory_space<vmem_shared>>)
      %dma_wait3A_1545 = arith.constant 7 : i32
      %dma_wait3A_1546 = arith.constant 0 : i32
      %dma_wait3A_1547 = tpu.memref_slice %arg10[%dma_wait3A_1545, %dma_wait3A_1546] : memref<8x128xi32, #tpu.memory_space<vmem>> -> memref<1x128xi32, #tpu.memory_space<vmem>>
      %dma_wait3A_1548 = tpu.memref_squeeze %dma_wait3A_1547 : memref<1x128xi32, #tpu.memory_space<vmem>> -> memref<128xi32, #tpu.memory_space<vmem>>
      %dma_wait3A_1549 = arith.constant 0 : i32
      %dma_wait3A_1550 = arith.constant 0 : i32
      %dma_wait3A_1551 = tpu.memref_slice %arg13[%dma_wait3A_1549, %dma_wait3A_1550] : memref<10240x128xf32, #tpu.memory_space<vmem_shared>> -> memref<10240x128xf32, #tpu.memory_space<vmem_shared>>
      tpu.wait_indirect_dma semaphore(%arg17 : memref<!tpu.dma_semaphore, #tpu.memory_space<semaphore_mem>>) src(%arg12 : memref<128x128xf32, #tpu.memory_space<vmem>>) dst(%dma_wait3A_1551 : memref<10240x128xf32, #tpu.memory_space<vmem_shared>>)
    }
    %barrier3A_43 = arith.constant 0 : index
    tpu.barrier barrier_id(%barrier3A_43)
    %mul3A_44 = arith.constant 640 : i32
    %mul3A_45 = arith.muli %arg1, %mul3A_44 : i32
    %mul3A_46 = arith.constant 640 : i32
    %mul3A_47 = arith.muli %arg1, %mul3A_46 : i32
    "tpu.region"() ({
      %run_scoped3A = tpu.sem_alloc : memref<!tpu.dma_semaphore, #tpu.memory_space<semaphore_mem>>
      %dma_start3A = arith.constant 0 : i32
      %dma_start3A_48 = tpu.memref_slice %arg6[%arg0, %mul3A_47, %dma_start3A] : memref<2x10240x128xf32, #tpu.memory_space<hbm>> -> memref<1x640x128xf32, #tpu.memory_space<hbm>>
      %dma_start3A_49 = tpu.memref_squeeze %dma_start3A_48 : memref<1x640x128xf32, #tpu.memory_space<hbm>> -> memref<640x128xf32, #tpu.memory_space<hbm>>
      %dma_start3A_50 = arith.constant 0 : i32
      %dma_start3A_51 = tpu.memref_slice %arg13[%mul3A_45, %dma_start3A_50] : memref<10240x128xf32, #tpu.memory_space<vmem_shared>> -> memref<640x128xf32, #tpu.memory_space<vmem_shared>>
      tpu.enqueue_dma source(%dma_start3A_51 : memref<640x128xf32, #tpu.memory_space<vmem_shared>>) target(%dma_start3A_49 : memref<640x128xf32, #tpu.memory_space<hbm>>) target_semaphore(%run_scoped3A : memref<!tpu.dma_semaphore, #tpu.memory_space<semaphore_mem>>)
      %dma_wait3A = arith.constant 0 : i32
      %dma_wait3A_52 = tpu.memref_slice %arg6[%arg0, %mul3A_47, %dma_wait3A] : memref<2x10240x128xf32, #tpu.memory_space<hbm>> -> memref<1x640x128xf32, #tpu.memory_space<hbm>>
      %dma_wait3A_53 = tpu.memref_squeeze %dma_wait3A_52 : memref<1x640x128xf32, #tpu.memory_space<hbm>> -> memref<640x128xf32, #tpu.memory_space<hbm>>
      %dma_wait3A_54 = arith.constant 0 : i32
      %dma_wait3A_55 = tpu.memref_slice %arg13[%mul3A_45, %dma_wait3A_54] : memref<10240x128xf32, #tpu.memory_space<vmem_shared>> -> memref<640x128xf32, #tpu.memory_space<vmem_shared>>
      tpu.wait_dma2 semaphore(%run_scoped3A : memref<!tpu.dma_semaphore, #tpu.memory_space<semaphore_mem>>) src(%dma_wait3A_55 : memref<640x128xf32, #tpu.memory_space<vmem_shared>>) dst(%dma_wait3A_53 : memref<640x128xf32, #tpu.memory_space<hbm>>)
      tpu.yield
    }) : () -> ()
    return
  }
}

module attributes {stable_mosaic.version = 14 : i64} {
  func.func @body(%arg0: i32, %arg1: i32, %arg2: memref<1000x128xf32, #tpu.memory_space<vmem>>, %arg3: memref<1x128x128xf32, #tpu.memory_space<vmem>>, %arg4: memref<1x1x128xf32, #tpu.memory_space<vmem>>, %arg5: memref<1000x128xf32, #tpu.memory_space<vmem>>) attributes {dimension_semantics = [#tpu.dimension_semantics<arbitrary>, #tpu.dimension_semantics<arbitrary>], iteration_bounds = array<i64: 10, 10>, scalar_prefetch = 0 : i64, scratch_operands = 0 : i64, tpu.core_type = #tpu.core_type<tc>, window_params = [{transform_indices = @transform_0, window_bounds = array<i64: 1000, 128>}, {transform_indices = @transform_1, window_bounds = array<i64: 1, 128, 128>}, {transform_indices = @transform_2, window_bounds = array<i64: 1, 1, 128>}, {transform_indices = @transform_3, window_bounds = array<i64: 1000, 128>}]} {
    %get3A = arith.constant 0 : index
    %get3A_0 = arith.constant 0 : index
    %get3A_1 = vector.load %arg2[%get3A, %get3A_0] : memref<1000x128xf32, #tpu.memory_space<vmem>>, vector<1000x128xf32>
    %get3A_2 = arith.constant 0 : index
    %get3A_3 = arith.constant 0 : index
    %get3A_4 = arith.constant 0 : index
    %get3A_5 = vector.load %arg3[%get3A_2, %get3A_3, %get3A_4] : memref<1x128x128xf32, #tpu.memory_space<vmem>>, vector<1x128x128xf32>
    %get3A_6 = vector.shape_cast %get3A_5 : vector<1x128x128xf32> to vector<128x128xf32>
    %dot_general3A = arith.constant dense<0.000000e+00> : vector<1000x128xf32>
    %dot_general3A_7 = tpu.matmul %get3A_1, %get3A_6, %dot_general3A {dimension_numbers = #tpu.dot_dimension_numbers<[1], [0], [0], [1], [0, 0, 1, 1], [], []>, transpose_lhs_hint = false} : vector<1000x128xf32>, vector<128x128xf32>, vector<1000x128xf32> -> vector<1000x128xf32>
    %get3A_8 = arith.constant 0 : index
    %get3A_9 = arith.constant 0 : index
    %get3A_10 = arith.constant 0 : index
    %get3A_11 = vector.load %arg4[%get3A_8, %get3A_9, %get3A_10] : memref<1x1x128xf32, #tpu.memory_space<vmem>>, vector<1x1x128xf32>
    %get3A_12 = vector.shape_cast %get3A_11 : vector<1x1x128xf32> to vector<1x128xf32>
    %add3A = vector.broadcast %get3A_12 : vector<1x128xf32> to vector<1000x128xf32>
    %add3A_13 = arith.addf %dot_general3A_7, %add3A : vector<1000x128xf32>
    %swap3A = arith.constant 0 : index
    %swap3A_14 = arith.constant 0 : index
    %swap3A_15 = vector.load %arg5[%swap3A, %swap3A_14] : memref<1000x128xf32, #tpu.memory_space<vmem>>, vector<1000x128xf32>
    tpu.vector_store %arg5[%swap3A, %swap3A_14], %add3A_13 {strides = array<i32>} : memref<1000x128xf32, #tpu.memory_space<vmem>>, vector<1000x128xf32>,
    return
  }
  func.func @transform_0(%arg0: i32, %arg1: i32) -> (i32, i32) {
    %c0_i32 = arith.constant 0 : i32
    %c0_i32_0 = arith.constant 0 : i32
    return %arg1, %c0_i32 : i32, i32
  }
  func.func @transform_1(%arg0: i32, %arg1: i32) -> (i32, i32, i32) {
    %c0_i32 = arith.constant 0 : i32
    %c0_i32_0 = arith.constant 0 : i32
    %c0_i32_1 = arith.constant 0 : i32
    return %arg0, %c0_i32, %c0_i32_0 : i32, i32, i32
  }
  func.func @transform_2(%arg0: i32, %arg1: i32) -> (i32, i32, i32) {
    %c0_i32 = arith.constant 0 : i32
    %c0_i32_0 = arith.constant 0 : i32
    %c0_i32_1 = arith.constant 0 : i32
    return %arg0, %c0_i32, %c0_i32_0 : i32, i32, i32
  }
  func.func @transform_3(%arg0: i32, %arg1: i32) -> (i32, i32) {
    %mul3A = arith.constant 10 : i32
    %mul3A_0 = arith.muli %arg0, %mul3A : i32
    %add3A = arith.addi %mul3A_0, %arg1 : i32
    %c0_i32 = arith.constant 0 : i32
    %c0_i32_1 = arith.constant 0 : i32
    return %add3A, %c0_i32 : i32, i32
  }
}

module attributes {stable_mosaic.version = 14 : i64} {
  func.func @body(%arg0: i32, %arg1: memref<1000x128xf32, #tpu.memory_space<vmem>>, %arg2: memref<128x128xf32, #tpu.memory_space<vmem>>, %arg3: memref<1x128xf32, #tpu.memory_space<vmem>>, %arg4: memref<1x1000x128xf32, #tpu.memory_space<vmem>>, %arg5: memref<1x1000x128xf32, #tpu.memory_space<vmem>>, %arg6: memref<1x128xf32, #tpu.memory_space<vmem>>, %arg7: memref<1x128xf32, #tpu.memory_space<vmem>>, %arg8: memref<1000x128xf32, #tpu.memory_space<vmem>>) attributes {dimension_semantics = [#tpu.dimension_semantics<arbitrary>], iteration_bounds = array<i64: 10>, scalar_prefetch = 0 : i64, scratch_operands = 0 : i64, tpu.core_type = #tpu.core_type<tc>, window_params = [{transform_indices = @transform_0, window_bounds = array<i64: 1000, 128>}, {pipeline_mode = #tpu.pipeline_mode<synchronous>, transform_indices = @transform_1, window_bounds = array<i64: 128, 128>}, {pipeline_mode = #tpu.pipeline_mode<synchronous>, transform_indices = @transform_2, window_bounds = array<i64: 1, 128>}, {transform_indices = @transform_3, window_bounds = array<i64: 1, 1000, 128>}, {transform_indices = @transform_4, window_bounds = array<i64: 1, 1000, 128>}, {pipeline_mode = #tpu.pipeline_mode<synchronous>, transform_indices = @transform_5, window_bounds = array<i64: 1, 128>}, {pipeline_mode = #tpu.pipeline_mode<synchronous>, transform_indices = @transform_6, window_bounds = array<i64: 1, 128>}, {transform_indices = @transform_7, window_bounds = array<i64: 1000, 128>}]} {
    %get3A = arith.constant 0 : index
    %get3A_0 = arith.constant 0 : index
    %get3A_1 = vector.load %arg1[%get3A, %get3A_0] : memref<1000x128xf32, #tpu.memory_space<vmem>>, vector<1000x128xf32>
    %get3A_2 = arith.constant 0 : index
    %get3A_3 = arith.constant 0 : index
    %get3A_4 = vector.load %arg2[%get3A_2, %get3A_3] : memref<128x128xf32, #tpu.memory_space<vmem>>, vector<128x128xf32>
    %dot_general3A = arith.constant dense<0.000000e+00> : vector<1000x128xf32>
    %dot_general3A_5 = tpu.matmul %get3A_1, %get3A_4, %dot_general3A {dimension_numbers = #tpu.dot_dimension_numbers<[1], [0], [0], [1], [0, 0, 1, 1], [], []>, transpose_lhs_hint = false} : vector<1000x128xf32>, vector<128x128xf32>, vector<1000x128xf32> -> vector<1000x128xf32>
    %get3A_6 = arith.constant 0 : index
    %get3A_7 = arith.constant 0 : index
    %get3A_8 = vector.load %arg3[%get3A_6, %get3A_7] : memref<1x128xf32, #tpu.memory_space<vmem>>, vector<1x128xf32>
    %get3A_9 = vector.shape_cast %get3A_8 : vector<1x128xf32> to vector<128xf32>
    %broadcast_in_dim3A = vector.shape_cast %get3A_9 : vector<128xf32> to vector<1x128xf32>
    %add3A = vector.broadcast %broadcast_in_dim3A : vector<1x128xf32> to vector<1000x128xf32>
    %add3A_10 = arith.addf %dot_general3A_5, %add3A : vector<1000x128xf32>
    %get3A_11 = arith.constant 0 : index
    %get3A_12 = arith.constant 0 : index
    %get3A_13 = arith.constant 0 : index
    %get3A_14 = vector.load %arg4[%get3A_11, %get3A_12, %get3A_13] : memref<1x1000x128xf32, #tpu.memory_space<vmem>>, vector<1x1000x128xf32>
    %get3A_15 = vector.shape_cast %get3A_14 : vector<1x1000x128xf32> to vector<1000x128xf32>
    %add3A_16 = arith.addf %add3A_10, %get3A_15 : vector<1000x128xf32>
    %get3A_17 = arith.constant 0 : index
    %get3A_18 = arith.constant 0 : index
    %get3A_19 = arith.constant 0 : index
    %get3A_20 = vector.load %arg5[%get3A_17, %get3A_18, %get3A_19] : memref<1x1000x128xf32, #tpu.memory_space<vmem>>, vector<1x1000x128xf32>
    %get3A_21 = vector.shape_cast %get3A_20 : vector<1x1000x128xf32> to vector<1000x128xf32>
    %add3A_22 = arith.addf %add3A_16, %get3A_21 : vector<1000x128xf32>
    %reduce_sum3A = arith.constant dense<0.000000e+00> : vector<1000xf32>
    %reduce_sum3A_23 = vector.multi_reduction <add>, %add3A_22, %reduce_sum3A [1] : vector<1000x128xf32> to vector<1000xf32>
    %broadcast_in_dim3A_24 = vector.shape_cast %reduce_sum3A_23 : vector<1000xf32> to vector<1000x1xf32>
    %div3A = arith.constant 1.280000e+02 : f32
    %div3A_25 = vector.broadcast %div3A : f32 to vector<1000x1xf32>
    %div3A_26 = arith.divf %broadcast_in_dim3A_24, %div3A_25 : vector<1000x1xf32>
    %sub3A = vector.broadcast %div3A_26 : vector<1000x1xf32> to vector<1000x128xf32>
    %sub3A_27 = arith.subf %add3A_22, %sub3A : vector<1000x128xf32>
    %mul3A = arith.mulf %sub3A_27, %sub3A_27 : vector<1000x128xf32>
    %reduce_sum3A_28 = arith.constant dense<0.000000e+00> : vector<1000xf32>
    %reduce_sum3A_29 = vector.multi_reduction <add>, %mul3A, %reduce_sum3A_28 [1] : vector<1000x128xf32> to vector<1000xf32>
    %broadcast_in_dim3A_30 = vector.shape_cast %reduce_sum3A_29 : vector<1000xf32> to vector<1000x1xf32>
    %div3A_31 = arith.constant 1.280000e+02 : f32
    %div3A_32 = vector.broadcast %div3A_31 : f32 to vector<1000x1xf32>
    %div3A_33 = arith.divf %broadcast_in_dim3A_30, %div3A_32 : vector<1000x1xf32>
    %add3A_34 = arith.constant 9.99999974E-6 : f32
    %add3A_35 = vector.broadcast %add3A_34 : f32 to vector<1000x1xf32>
    %add3A_36 = arith.addf %div3A_33, %add3A_35 : vector<1000x1xf32>
    %rsqrt3A = math.rsqrt %add3A_36 : vector<1000x1xf32>
    %mul3A_37 = vector.broadcast %rsqrt3A : vector<1000x1xf32> to vector<1000x128xf32>
    %mul3A_38 = arith.mulf %sub3A_27, %mul3A_37 : vector<1000x128xf32>
    %get3A_39 = arith.constant 0 : index
    %get3A_40 = arith.constant 0 : index
    %get3A_41 = vector.load %arg6[%get3A_39, %get3A_40] : memref<1x128xf32, #tpu.memory_space<vmem>>, vector<1x128xf32>
    %get3A_42 = vector.shape_cast %get3A_41 : vector<1x128xf32> to vector<128xf32>
    %broadcast_in_dim3A_43 = vector.shape_cast %get3A_42 : vector<128xf32> to vector<1x128xf32>
    %mul3A_44 = vector.broadcast %broadcast_in_dim3A_43 : vector<1x128xf32> to vector<1000x128xf32>
    %mul3A_45 = arith.mulf %mul3A_38, %mul3A_44 : vector<1000x128xf32>
    %get3A_46 = arith.constant 0 : index
    %get3A_47 = arith.constant 0 : index
    %get3A_48 = vector.load %arg7[%get3A_46, %get3A_47] : memref<1x128xf32, #tpu.memory_space<vmem>>, vector<1x128xf32>
    %get3A_49 = vector.shape_cast %get3A_48 : vector<1x128xf32> to vector<128xf32>
    %broadcast_in_dim3A_50 = vector.shape_cast %get3A_49 : vector<128xf32> to vector<1x128xf32>
    %add3A_51 = vector.broadcast %broadcast_in_dim3A_50 : vector<1x128xf32> to vector<1000x128xf32>
    %add3A_52 = arith.addf %mul3A_45, %add3A_51 : vector<1000x128xf32>
    %swap3A = arith.constant 0 : index
    %swap3A_53 = arith.constant 0 : index
    %swap3A_54 = vector.load %arg8[%swap3A, %swap3A_53] : memref<1000x128xf32, #tpu.memory_space<vmem>>, vector<1000x128xf32>
    tpu.vector_store %arg8[%swap3A, %swap3A_53], %add3A_52 {strides = array<i32>} : memref<1000x128xf32, #tpu.memory_space<vmem>>, vector<1000x128xf32>,
    return
  }
  func.func @transform_0(%arg0: i32) -> (i32, i32) {
    %c0_i32 = arith.constant 0 : i32
    %c0_i32_0 = arith.constant 0 : i32
    return %arg0, %c0_i32 : i32, i32
  }
  func.func @transform_1(%arg0: i32) -> (i32, i32) {
    %c0_i32 = arith.constant 0 : i32
    %c0_i32_0 = arith.constant 0 : i32
    %c0_i32_1 = arith.constant 0 : i32
    return %c0_i32, %c0_i32_0 : i32, i32
  }
  func.func @transform_2(%arg0: i32) -> (i32, i32) {
    %c0_i32 = arith.constant 0 : i32
    %c0_i32_0 = arith.constant 0 : i32
    %c0_i32_1 = arith.constant 0 : i32
    return %c0_i32, %c0_i32_0 : i32, i32
  }
  func.func @transform_3(%arg0: i32) -> (i32, i32, i32) {
    %c0_i32 = arith.constant 0 : i32
    %c0_i32_0 = arith.constant 0 : i32
    %c0_i32_1 = arith.constant 0 : i32
    return %c0_i32, %arg0, %c0_i32_0 : i32, i32, i32
  }
  func.func @transform_4(%arg0: i32) -> (i32, i32, i32) {
    %c1_i32 = arith.constant 1 : i32
    %c0_i32 = arith.constant 0 : i32
    %c0_i32_0 = arith.constant 0 : i32
    return %c1_i32, %arg0, %c0_i32 : i32, i32, i32
  }
  func.func @transform_5(%arg0: i32) -> (i32, i32) {
    %c0_i32 = arith.constant 0 : i32
    %c0_i32_0 = arith.constant 0 : i32
    %c0_i32_1 = arith.constant 0 : i32
    return %c0_i32, %c0_i32_0 : i32, i32
  }
  func.func @transform_6(%arg0: i32) -> (i32, i32) {
    %c0_i32 = arith.constant 0 : i32
    %c0_i32_0 = arith.constant 0 : i32
    %c0_i32_1 = arith.constant 0 : i32
    return %c0_i32, %c0_i32_0 : i32, i32
  }
  func.func @transform_7(%arg0: i32) -> (i32, i32) {
    %c0_i32 = arith.constant 0 : i32
    %c0_i32_0 = arith.constant 0 : i32
    return %arg0, %c0_i32 : i32, i32
  }
}

</mosaic_0001>

<sc_bundles>
// kernel: kernel.5.cloned.1.call-start
scs
__scs_entry_jumppad:
0x0: {  	(pc) =	sbr.rel $0x88, $3  }
0x1: {  	(tag) =	ssettag $0x0;
	lr =	simm.s32 $0x1  }
0x2: {  	[smem:$0x3F98] =	sst lr;
	_ =	strace $0xD0000000  }
0x3: {  	_ = 	snop  }
0x4: {  	_ = 	snop  }
0x5: {  	_ = 	snop  }
0x6: {  	_ = 	snop  }
0x7: {  	_ = 	snop  }
__scs_overlays_trampoline_lowered:
0x8: {  	[smem:$0x3FA7] =	sst s0  }
0x9: {  	[smem:$0x3FA8] =	sst s1  }
0xa: {  	[smem:$0x3FA9] =	sst s2  }
0xb: {  	[smem:$0x3FAA] =	sst s3  }
0xc: {  	[smem:$0x3FAB] =	sst s4  }
0xd: {  	[smem:$0x3FAC] =	sst s5  }
0xe: {  	[smem:$0x3FAD] =	sst s6  }
0xf: {  	[smem:$0x3FAE] =	sst s7  }
0x10: {  	[smem:$0x3FAF] =	sst s8  }
0x11: {  	[smem:$0x3FB0] =	sst s9;
	s0 =	simm.s32 @!p0 $0x0  }
0x12: {  	s1 =	sld [smem:$0x3F96];
	s0 =	simm.s32 @p0 $0x1  }
0x13: {  	[smem:$0x3FB1] =	sst s0;
	s0 =	simm.s32 @!p1 $0x0  }
0x14: {  	s2 =	sld [smem:$0x3F95];
	s0 =	simm.s32 @p1 $0x1  }
0x15: {  	[smem:$0x3FB2] =	sst s0;
	s0 =	simm.s32 @!p2 $0x0  }
0x16: {  	s3 =	sld [smem:$0x3FDB];
	s0 =	simm.s32 @p2 $0x1  }
0x17: {  	s4 =	simm.s32 $0x1BF5;
	[smem:$0x3FB4] =	sst s0  }
0x18: {  	s0 =	sld [smem:$0x3F97];
	_ =	swait.ge [sflag:s4], $0x0  }
0x19: {  	s7 =	sld [smem:$0x3F98]  }
0x1a: {  	s8 =	sadd.s32 $0xFFFFE003, lr  }
0x1b: {  	s9 =	sadd.s32 $0xFFFFFEF7, lr;
	s5 =	simm.s32 $0xFFFFFFFF;
	p2 =	slt.u32 s8, $0xFFFFF086  }
0x1c: {  	p1 =	slt.u32 s9, $0xF7A;
	s5 =	simm.s32 @!p2 $0x0  }
0x1d: {  	s5 =	simm.s32 @p1 $0x1;
	p0 =	seq.s32 s7, s2  }
0x1e: {  	s7 =	smul.u32 @!p0 $0xF7A, s2;
	p2 =	seq.s32 @!p0 s5, $0x0  }
0x1f: {  	s9 =	smul.u32 $0xF7A, s1;
	s8 =	simm.s32 @!p0 $0x1BF5;
	p2 =	por !p2, p0  }
0x20: {  	[sflag:s8] =	ssyncset.s32 @!p0 $0xFFFFF086;
	s6 =	sadd.s32 @!p0 s3, s7;
	s7 =	simm.s32 @!p0 $0x108  }
0x21: {  	s3 =	sadd.s32 s3, s9;
	s6 =	sadd.s32 @!p0 $0x88, s6;
	s7 =	simm.s32 @p2 $0x1082  }
0x22: {  	[simem:s7], [sflag:s8] =	dma.local @!p0 [hbm:s6], $0xF7A  }
0x23: {  	s9 =	sor.u32 $0xD0000000, s2;
	s6 =	simm.s32 $0x108;
	_ =	swait.ge @!p0 [sflag:s8], $0x0  }
0x24: {  	s3 =	sadd.s32 $0x88, s3;
	s6 =	simm.s32 @!p1 $0x1082;
	[sflag:s4] =	ssyncset.s32 $0xFFFFF086  }
0x25: {  	[simem:s6], [sflag:s4] =	dma.local [hbm:s3], $0xF7A  }
0x26: {  	[smem:$0x3F98] =	sst s1;
	(tag) =	ssettag s2;
	_ =	strace s9  }
0x27: {  	s1 =	sld [smem:$0x3FA8]  }
0x28: {  	s2 =	sld [smem:$0x3FA9]  }
0x29: {  	s4 =	sld [smem:$0x3FAB]  }
0x2a: {  	p0 =	seq.s32 s5, $0x0;
	s5 =	sld [smem:$0x3FAC]  }
0x2b: {  	s6 =	sld [smem:$0x3FAD]  }
0x2c: {  	s7 =	sld [smem:$0x3FAE]  }
0x2d: {  	s3 =	simm.s32 $0x108;
	s8 =	sld [smem:$0x3FAF]  }
0x2e: {  	s3 =	simm.s32 @!p0 $0x1082;
	s9 =	sld [smem:$0x3FB0]  }
0x2f: {  	lr =	sadd.s32 s0, s3;
	s0 =	sld [smem:$0x3FA7]  }
0x30: {  	s3 =	sld [smem:$0x3FAA]  }
0x31: {  	[smem:$0x3FB3] =	sst s10  }
0x32: {  	s10 =	sld [smem:$0x3FB1];
	_ =	sdelay $0x3  }
0x33: {  	p0 =	seq.s32 s10, $0x1;
	s10 =	sld [smem:$0x3FB3];
	_ =	sdelay $0x3  }
0x34: {  	[smem:$0x3FB3] =	sst s10  }
0x35: {  	s10 =	sld [smem:$0x3FB2];
	_ =	sdelay $0x3  }
0x36: {  	p1 =	seq.s32 s10, $0x1;
	s10 =	sld [smem:$0x3FB3];
	_ =	sdelay $0x3  }
0x37: {  	[smem:$0x3FB3] =	sst s10  }
0x38: {  	s10 =	sld [smem:$0x3FB4]  }
0x39: {  	_ = 	snop;
	(pc) =	sbr.ind lr, $3  }
0x3a: {  	_ = 	snop  }
0x3b: {  	_ = 	snop  }
0x3c: {  	p2 =	seq.s32 s10, $0x1;
	s10 =	sld [smem:$0x3FB3]  }
0x3d: {  	_ =	shalt  }
0x3e: {  	_ =	shalt  }
0x3f: {  	_ =	shalt  }
0x40: {  	_ =	shalt  }
0x41: {  	_ =	shalt  }
0x42: {  	_ =	shalt  }
0x43: {  	_ =	shalt  }
0x44: {  	_ =	shalt  }
0x45: {  	_ =	shalt  }
0x46: {  	_ =	shalt  }
0x47: {  	_ =	shalt  }
0x48: {  	_ =	shalt  }
0x49: {  	_ =	shalt  }
0x4a: {  	_ =	shalt  }
0x4b: {  	_ =	shalt  }
0x4c: {  	_ =	shalt  }
0x4d: {  	_ =	shalt  }
0x4e: {  	_ =	shalt  }
0x4f: {  	_ =	shalt  }
0x50: {  	_ =	shalt  }
0x51: {  	_ =	shalt  }
0x52: {  	_ =	shalt  }
0x53: {  	_ =	shalt  }
0x54: {  	_ =	shalt  }
0x55: {  	_ =	shalt  }
0x56: {  	_ =	shalt  }
0x57: {  	_ =	shalt  }
0x58: {  	_ =	shalt  }
0x59: {  	_ =	shalt  }
0x5a: {  	_ =	shalt  }
0x5b: {  	_ =	shalt  }
0x5c: {  	_ =	shalt  }
0x5d: {  	_ =	shalt  }
0x5e: {  	_ =	shalt  }
0x5f: {  	_ =	shalt  }
0x60: {  	_ =	shalt  }
0x61: {  	_ =	shalt  }
0x62: {  	_ =	shalt  }
0x63: {  	_ =	shalt  }
0x64: {  	_ =	shalt  }
0x65: {  	_ =	shalt  }
0x66: {  	_ =	shalt  }
0x67: {  	_ =	shalt  }
0x68: {  	_ =	shalt  }
0x69: {  	_ =	shalt  }
0x6a: {  	_ =	shalt  }
0x6b: {  	_ =	shalt  }
0x6c: {  	_ =	shalt  }
0x6d: {  	_ =	shalt  }
0x6e: {  	_ =	shalt  }
0x6f: {  	_ =	shalt  }
0x70: {  	_ =	shalt  }
0x71: {  	_ =	shalt  }
0x72: {  	_ =	shalt  }
0x73: {  	_ =	shalt  }
0x74: {  	_ =	shalt  }
0x75: {  	_ =	shalt  }
0x76: {  	_ =	shalt  }
0x77: {  	_ =	shalt  }
0x78: {  	_ =	shalt  }
0x79: {  	_ =	shalt  }
0x7a: {  	_ =	shalt  }
0x7b: {  	_ =	shalt  }
0x7c: {  	_ =	shalt  }
0x7d: {  	_ =	shalt  }
0x7e: {  	_ =	shalt  }
0x7f: {  	_ =	shalt  }
0x80: {  	_ =	shalt  }
0x81: {  	_ =	shalt  }
0x82: {  	_ =	shalt  }
0x83: {  	_ =	shalt  }
0x84: {  	_ =	shalt  }
0x85: {  	_ =	shalt  }
0x86: {  	_ =	shalt  }
0x87: {  	_ =	shalt  }
.Lfunc_end0:
.L_simem_size_0:
called_computation_lowered:
.L_overlay_start_0:
0x88: {  	s2 =	sld [smem:$0x3FD9]  }
0x89: {  	s3 =	sld [smem:$0x3FFE];
	_ =	sdelay $0x1  }
0x8a: {  	s1 =	srdreg.scid  }
0x8b: {  	s0 =	sand.u32 $0x1, s1  }
0x8c: {  	s17 =	sshll.u32 s0, $0xA;
	s2 =	sadd.s32 s3, s2  }
0x8d: {  	s2 =	sadd.s32 s2, s17  }
0x8e: {  	[smem:$0x3FBF] =	sst s2  }
0x8f: {  	_ = 	snop  }
0x90: {  	s2 =	sld [smem:$0x3FD0];
	(tm) =	ssettm $0x1  }
0x91: {  	s18 =	sld [smem:$0x3FFB];
	_ =	sdelay $0x3  }
0x92: {  	_ =	strace s18  }
0x93: {  	s3 =	sld [smem:$0x3FFC];
	_ =	sdelay $0x3  }
0x94: {  	_ =	strace s3  }
0x95: {  	s3 =	sld [smem:$0x3FFD];
	_ =	sdelay $0x3  }
0x96: {  	_ =	strace s3  }
0x97: {  	_ =	strace $0x8FFFFFFF  }
0x98: {  	s19 =	sld [smem:$0x3FDB];
	_ =	sdelay $0x1  }
0x99: {  	s4 =	simm.s32 $_scs_section_size  }
0x9a: {  	s5 =	simm.s32 $_size__tile_overlayer_lowered;
	s6 =	simm.s32 $_tile_overlayer_lowered  }
0x9b: {  	s22 =	simm.s32 $0x1BFF;
	s21 =	sshll.u32 s6, $0x1;
	s3 =	sadd.s32 s4, s19  }
0x9c: {  	s7 =	simm.s32 $0x0;
	s20 =	sshll.u32 s5, $0x1;
	s5 =	sadd.s32 s21, s3  }
0x9d: {  	[timem:s7], [sflag:s22] =	dma.local [hbm:s5], s20  }
0x9e: {  	_ =	swait.ge [sflag:s22], s20  }
0x9f: {  	s4 =	ssub.s32 $0x0, s20;
	[sflag:s22] =	ssyncset.done $0x0  }
0xa0: {  	[sflag:s22] =	ssyncadd.s32 s4;
	_ =	sdelay $0x1  }
0xa1: {  	s23 =	simm.s32 $0x1B8B  }
0xa2: {  	_ =	swait.ge [sflag:s23], $0x1  }
0xa3: {  	[sflag:s23] =	ssyncset.done $0x0  }
0xa4: {  	s25 =	simm.s32 $0x1B8E;
	s24 =	sld [smem:$0x3FFE];
	[sflag:s23] =	ssyncadd.s32 $0xFFFFFFFF  }
0xa5: {  	s26 =	simm.s32 $execute0_lowered;
	[smem:$0x3FD2] =	sst s25  }
0xa6: {  	s5 =	sshll.u32 s26, $0x1;
	_ =	strace $0x80000046;
	[dreg:$0x1] =	wrdreg $0xFFFFFFFF  }
0xa7: {  	s28 =	simm.s32 $_size_execute0_lowered;
	s3 =	sadd.s32 s3, s5;
	[dreg:$0x0] =	wrdreg $0x0  }
0xa8: {  	s5 =	sshll.u32 s28, $0x1;
	[dreg:$0x2] =	wrdreg s3  }
0xa9: {  	[dreg:$0x3] =	wrdreg s5  }
0xaa: {  	[dreg:$0x4] =	wrdreg $0xC0  }
0xab: {  	_ =	task [dreg:s7], $0x5FFFF  }
0xac: {  	[dreg:$0x1] =	wrdreg $0xFFFFFFFF  }
0xad: {  	[dreg:$0x0] =	wrdreg $0x60  }
0xae: {  	[dreg:$0x2] =	wrdreg s24  }
0xaf: {  	[dreg:$0x3] =	wrdreg s2  }
0xb0: {  	[dreg:$0x4] =	wrdreg $0x90000  }
0xb1: {  	[dreg:$0x5] =	wrdreg $0x9  }
0xb2: {  	_ =	task.clear_ibuf [dreg:s7], $0x6FFFF;
	_ =	strace $0x90000046  }
0xb3: {  	s29 =	simm.s32 $0x9;
	_ =	strace $0x80000048  }
0xb4: {  	_ =	swait.ge [sflag:s29], $0x1  }
0xb5: {  	[sflag:s29] =	ssyncadd.s32 $0xFFFFFFFF  }
0xb6: {  	_ =	strace $0x90000048  }
0xb7: {  	_ =	sfence  }
0xb8: {  	s30 =	sld [smem:$0x0];
	_ =	sdelay $0x2  }
0xb9: {  	s31 =	sshll.u32 s1, $0xD;
	s1 =	sshrl.u32 s1, $0x2  }
0xba: {  	s3 =	sand.u32 $0x4000, s31;
	s1 =	sadd.s32 s1, s30  }
0xbb: {  	s0 =	sor.u32 s3, s0;
	s1 =	sshll.u32 s1, $0x11  }
0xbc: {  	s0 =	sor.u32 s1, s0  }
0xbd: {  	s0 =	sadd.s32 $0x8F2B, s0  }
0xbe: {  	[sflag:s0] =	ssyncadd.remote.s32 $0x1  }
0xbf: {  	_ =	sfence.sel $0xFFFF  }
0xc0: {  	[dreg:$0x0] =	wrdreg $0xFFFFFFFF;
	(pc) =	sbr.abs _section_cstart, $3  }
0xc1: {  	[dreg:$0x1] =	wrdreg $0xFFFFFFFF  }
0xc2: {  	_ =	task.clear_ibuf [dreg:s7], $0x2FFFF;
	_ =	strace $0x9FFFFFFF  }
0xc3: {  	(tm) =	ssettm $0x7FFFFFFF  }
tec
execute0_lowered:
.L_overlay_start_1:
0x0: {  	(tag) =	ssettag $0x1  }
0x1: {  	s0 =	rddreg [dreg:$0x0]  }
0x2: {  	s2 =	rddreg [dreg:$0x1]  }
0x3: {  	s1 =	rddreg [dreg:$0x2];
	s3 =	simm.s32 $0x0;
	s4 =	srdreg.scid  }
0x4: {  	s9 =	stileid.u32;
	s22 =	simm.s32 $0x400;
	s23 =	simm.s32 $0x800  }
0x5: {  	s24 =	simm.s32 $0x880;
	s25 =	simm.s32 $0x900;
	s26 =	simm.s32 $0xC80  }
0x6: {  	s28 =	simm.s32 $0xA00;
	s29 =	simm.s32 $0xD80;
	s30 =	simm.s32 $0xA80  }
0x7: {  	s31 =	simm.s32 $0xE00;
	[smem:$0x7FF] =	sst s3;
	s5 =	sand.u32 $0x1, s4  }
0x8: {  	s8 =	sshll.u32 s9, $0x2;
	s7 =	sshll.u32 s9, $0x4;
	s10 =	smul.u32 $0x50000, s9  }
0x9: {  	p0 =	seq.s32 s5, $0x0;
	_ =	strace $0x80000047;
	[dreg:$0x4] =	wrdreg s22  }
0xa: {  	s6 =	smul.u32 $0x140000, s5;
	s4 =	sor.u32 $0x100, s8;
	[dreg:$0x5] =	wrdreg s23  }
0xb: {  	s8 =	smul.u32 $0x14000, s9;
	s5 =	ssub.s32 $0x2, s5;
	[dreg:$0x6] =	wrdreg s24  }
0xc: {  	s22 =	simm.s32 $0x3;
	[dreg:$0x7] =	wrdreg s25;
	s23 =	simm.s32 $0x2  }
0xd: {  	[dreg:$0x8] =	wrdreg s26;
	s24 =	simm.s32 $0x4;
	s25 =	simm.s32 $0x980  }
0xe: {  	s26 =	simm.s32 $0xD00;
	s9 =	simm.s32 $0xF80;
	s4 =	smov.u32 @p0 s7  }
0xf: {  	s12 =	sshrl.u32 s10, $0x2;
	s13 =	sshrl.u32 s5, $0x1;
	s10 =	simm.s32 $0x10  }
0x10: {  	s7 =	sshll.u32 s4, $0x7;
	s6 =	sadd.s32 s8, s6;
	s4 =	sadd.s32 $0x15400, s0  }
0x11: {  	s5 =	ssub.s32 s5, s13;
	s10 =	simm.s32 @!p0 $0x4;
	s8 =	simm.s32 $0xF00  }
0x12: {  	s11 =	sadd.s32 s7, s0;
	[dreg:$0x9] =	wrdreg s10;
	s18 =	smax.u32 s5, $0x1  }
0x13: {  	s6 =	sshrl.u32 s6, $0x3;
	s19 =	sadd.s32 s7, s2;
	[dreg:$0xf] =	wrdreg s18  }
0x14: {  	s0 =	sadd.s32 s6, s0;
	[dreg:$0x10] =	wrdreg s19;
	s20 =	sadd.s32 $0x1400, s11  }
0x15: {  	s6 =	sadd.s32 s12, s1;
	s21 =	sadd.s32 $0xB400, s11;
	[dreg:$0x11] =	wrdreg s20  }
0x16: {  	s2 =	simm.s32 $0xE80;
	s14 =	sadd.s32 $0x4000, s6;
	[dreg:$0x12] =	wrdreg s21  }
0x17: {  	s7 =	simm.s32 $0xB80;
	s15 =	sadd.s32 $0x8000, s6;
	[dreg:$0xa] =	wrdreg s14  }
0x18: {  	s10 =	simm.s32 $0x0;
	s16 =	sadd.s32 $0xC000, s6;
	[dreg:$0xb] =	wrdreg s15  }
0x19: {  	s18 =	simm.s32 $0xC00;
	s17 =	sadd.s32 $0x10000, s6;
	[dreg:$0xc] =	wrdreg s16  }
0x1a: {  	s19 =	simm.s32 $0x80;
	s0 =	sadd.s32 $0x19BE00, s0;
	[dreg:$0xd] =	wrdreg s17  }
0x1b: {  	s20 =	simm.s32 $0x5000;
	s21 =	simm.s32 $0x1;
	[dreg:$0xe] =	wrdreg s0  }
0x1c: {  	v0 =	vimm.f32 $0.0e+00;
	s16 =	simm.s32 $0x1000;
	s17 =	simm.s32 $0x5;
	s0 =	simm.s32 $0xB00  }
.LBB2_1:
0x1d: {  	s5 =	simm.s32 $0x0;
	s13 =	simm.s32 $0x200  }
.LBB2_2:
0x1e: {  	p0 =	sne.s32 s13, $0xFE00;
	[tilespmem:s5+$0x1070] =	vst v0  }
0x1f: {  	[tilespmem:s5+$0x1000] =	vst v0  }
0x20: {  	[tilespmem:s5+$0x1010] =	vst v0  }
.Ltmp0:
0x21: {  	[tilespmem:s5+$0x1020] =	vst v0;
	(pc) =	sbr.rel @p0 .LBB2_2-.Ltmp0, $4  }
0x22: {  	[tilespmem:s5+$0x1030] =	vst v0  }
0x23: {  	[tilespmem:s5+$0x1040] =	vst v0  }
0x24: {  	[tilespmem:s5+$0x1050] =	vst v0  }
0x25: {  	[tilespmem:s5+$0x1060] =	vst v0;
	s5 =	sshra.s32 s13, $0x2;
	s13 =	sadd.s32 $0x200, s13  }
0x26: {  	[tilespmem:s5+$0x1070] =	vst v0  }
0x27: {  	[tilespmem:s5+$0x1000] =	vst v0  }
0x28: {  	[tilespmem:s5+$0x1010] =	vst v0  }
0x29: {  	[tilespmem:s5+$0x1020] =	vst v0  }
0x2a: {  	[tilespmem:s5+$0x1030] =	vst v0  }
0x2b: {  	[tilespmem:s5+$0x1040] =	vst v0  }
0x2c: {  	[tilespmem:s5+$0x1050] =	vst v0  }
0x2d: {  	[tilespmem:s5+$0x1060] =	vst v0  }
0x2e: {  	[spmem:s6] =	stream.linear.scatter [tilespmem:s16], [sflag:$0x5], $0x4000, $0x38;
	[tilespmem:$0x1D000] =	vst v63  }
0x2f: {  	_ =	swait.ge [sflag:s17], $0x4000  }
0x30: {  	[sflag:s17] =	ssyncset.done $0x0  }
0x31: {  	s12 =	rddreg [dreg:$0xa];
	[sflag:s17] =	ssyncadd.s32 $0xFFFFC000  }
0x32: {  	[spmem:s12] =	stream.linear.scatter [tilespmem:s16], [sflag:$0x5], $0x4000, $0x38;
	[tilespmem:$0x1D000] =	vst v63  }
0x33: {  	_ =	swait.ge [sflag:s17], $0x4000  }
0x34: {  	[sflag:s17] =	ssyncset.done $0x0  }
0x35: {  	s13 =	rddreg [dreg:$0xb];
	[sflag:s17] =	ssyncadd.s32 $0xFFFFC000  }
0x36: {  	[spmem:s13] =	stream.linear.scatter [tilespmem:s16], [sflag:$0x5], $0x4000, $0x38;
	[tilespmem:$0x1D000] =	vst v63  }
0x37: {  	_ =	swait.ge [sflag:s17], $0x4000  }
0x38: {  	[sflag:s17] =	ssyncset.done $0x0  }
0x39: {  	s14 =	rddreg [dreg:$0xc];
	[sflag:s17] =	ssyncadd.s32 $0xFFFFC000  }
0x3a: {  	[spmem:s14] =	stream.linear.scatter [tilespmem:s16], [sflag:$0x5], $0x4000, $0x38;
	[tilespmem:$0x1D000] =	vst v63  }
0x3b: {  	_ =	swait.ge [sflag:s17], $0x4000  }
0x3c: {  	[sflag:s17] =	ssyncset.done $0x0  }
0x3d: {  	s15 =	rddreg [dreg:$0xd];
	[sflag:s17] =	ssyncadd.s32 $0xFFFFC000  }
0x3e: {  	[spmem:s15] =	stream.linear.scatter [tilespmem:s16], [sflag:$0x5], $0x4000, $0x38;
	[tilespmem:$0x1D000] =	vst v63  }
0x3f: {  	_ =	swait.ge [sflag:s17], $0x4000  }
0x40: {  	[sflag:s17] =	ssyncset.done $0x0  }
0x41: {  	[sflag:s17] =	ssyncadd.s32 $0xFFFFC000  }
0x42: {  	[bflag:$0x0] =	sbarrier.arrive $0xFFFF  }
0x43: {  	s15 =	rddreg [dreg:$0x12]  }
0x44: {  	s14 =	rddreg [dreg:$0x11]  }
0x45: {  	s13 =	rddreg [dreg:$0x10]  }
0x46: {  	s5 =	rddreg [dreg:$0x9]  }
.LBB2_4:
0x47: {  	[tilespmem:s3], [sflag:$0x5] =	stream.linear.gather [hbm4b:s15+s3], $0x400, $0x38;
	[tilespmem:$0x1D000] =	vst v63  }
0x48: {  	_ =	swait.ge [sflag:s17], $0x400  }
0x49: {  	[sflag:s17] =	ssyncset.done $0x0  }
0x4a: {  	s11 =	rddreg [dreg:$0x4];
	[sflag:s17] =	ssyncadd.s32 $0xFFFFFC00  }
0x4b: {  	[tilespmem:s11], [sflag:$0x5] =	stream.linear.gather [hbm4b:s14+s3], $0x400, $0x38;
	[tilespmem:$0x1D000] =	vst v63  }
0x4c: {  	_ =	swait.ge [sflag:s17], $0x400  }
0x4d: {  	[sflag:s17] =	ssyncset.done $0x0  }
0x4e: {  	[sflag:s17] =	ssyncadd.s32 $0xFFFFFC00  }
0x4f: {  	[tilespmem:s18], [sflag:$0x5] =	stream.linear.gather [hbm4b:s13+s3], $0x400, $0x38;
	[tilespmem:$0x1D000] =	vst v63  }
0x50: {  	_ =	swait.ge [sflag:s17], $0x400  }
0x51: {  	[sflag:s17] =	ssyncset.done $0x0  }
0x52: {  	[sflag:s17] =	ssyncadd.s32 $0xFFFFFC00  }
0x53: {  	v1 =	vld [tilespmem:$0x400]  }
0x54: {  	v3 =	vld [tilespmem:$0x0]  }
0x55: {  	v7 =	vld [tilespmem:$0x410]  }
0x56: {  	v8 =	vld [tilespmem:$0x10]  }
0x57: {  	v9 =	vld [tilespmem:$0x420]  }
0x58: {  	v10 =	vld [tilespmem:$0x20]  }
0x59: {  	v11 =	vld [tilespmem:$0x430]  }
0x5a: {  	v12 =	vld [tilespmem:$0x30]  }
0x5b: {  	v13 =	vld [tilespmem:$0x440]  }
0x5c: {  	v14 =	vld [tilespmem:$0x40]  }
0x5d: {  	v15 =	vld [tilespmem:$0x450]  }
0x5e: {  	v16 =	vld [tilespmem:$0x50]  }
0x5f: {  	v17 =	vld [tilespmem:$0x460]  }
0x60: {  	v18 =	vld [tilespmem:$0x60]  }
0x61: {  	v19 =	vld [tilespmem:$0x470]  }
0x62: {  	v20 =	vld [tilespmem:$0x70]  }
0x63: {  	v21 =	vld [tilespmem:$0x480]  }
0x64: {  	v22 =	vld [tilespmem:$0x80]  }
0x65: {  	v23 =	vld [tilespmem:$0x490]  }
0x66: {  	v2 =	vld [tilespmem:$0x1D0]  }
0x67: {  	v24 =	vld [tilespmem:$0x90]  }
0x68: {  	v25 =	vld [tilespmem:$0x4A0]  }
0x69: {  	v26 =	vld [tilespmem:$0xA0]  }
0x6a: {  	v27 =	vld [tilespmem:$0x4B0]  }
0x6b: {  	[tilespmem:$0x1FFA0] =	vst v2;
	v2 =	vld [tilespmem:$0x1E0]  }
0x6c: {  	v28 =	vld [tilespmem:$0xB0]  }
0x6d: {  	v29 =	vld [tilespmem:$0x4C0]  }
0x6e: {  	v30 =	vld [tilespmem:$0xC0]  }
0x6f: {  	v31 =	vld [tilespmem:$0x4D0]  }
0x70: {  	[tilespmem:$0x1FFB0] =	vst v2;
	v2 =	vld [tilespmem:$0x1F0]  }
0x71: {  	v32 =	vld [tilespmem:$0xD0]  }
0x72: {  	v33 =	vld [tilespmem:$0x4E0]  }
0x73: {  	v34 =	vld [tilespmem:$0xE0]  }
0x74: {  	v35 =	vld [tilespmem:$0x4F0]  }
0x75: {  	[tilespmem:$0x1FFC0] =	vst v2;
	v2 =	vld [tilespmem:$0x200]  }
0x76: {  	v36 =	vld [tilespmem:$0xF0]  }
0x77: {  	v37 =	vld [tilespmem:$0x500]  }
0x78: {  	v38 =	vld [tilespmem:$0x100]  }
0x79: {  	v39 =	vld [tilespmem:$0x510]  }
0x7a: {  	[tilespmem:$0x1FFE0] =	vst v2;
	v2 =	vld [tilespmem:$0x610]  }
0x7b: {  	v40 =	vld [tilespmem:$0x110]  }
0x7c: {  	v41 =	vld [tilespmem:$0x520]  }
0x7d: {  	v42 =	vld [tilespmem:$0x120]  }
0x7e: {  	v43 =	vld [tilespmem:$0x530]  }
0x7f: {  	[tilespmem:$0x1FFD0] =	vst v2;
	v2 =	vld [tilespmem:$0x210]  }
0x80: {  	v44 =	vld [tilespmem:$0x130]  }
0x81: {  	v45 =	vld [tilespmem:$0x540]  }
0x82: {  	v46 =	vld [tilespmem:$0x140]  }
0x83: {  	v47 =	vld [tilespmem:$0x550];
	v1 =	vmul.u32 $0x2710, v1  }
0x84: {  	v48 =	vld [tilespmem:$0x150];
	[tilespmem:$0x1FFF0] =	vst v2;
	v2 =	vmul.u32 $0x2710, v7  }
0x85: {  	v49 =	vld [tilespmem:$0x560];
	v9 =	vmul.u32 $0x2710, v9;
	v1 =	vadd.s32 v3, v1  }
0x86: {  	v50 =	vld [tilespmem:$0x160];
	[tilespmem:$0x800] =	vst v1;
	v1 =	vadd.s32 v8, v2;
	v2 =	vmul.u32 $0x2710, v11  }
0x87: {  	v51 =	vld [tilespmem:$0x570];
	v13 =	vmul.u32 $0x2710, v13;
	[tilespmem:$0x810] =	vst v1;
	v1 =	vadd.s32 v10, v9  }
0x88: {  	v52 =	vld [tilespmem:$0x170];
	[tilespmem:$0x820] =	vst v1;
	v1 =	vadd.s32 v12, v2;
	v2 =	vmul.u32 $0x2710, v15  }
0x89: {  	v53 =	vld [tilespmem:$0x580];
	v17 =	vmul.u32 $0x2710, v17;
	[tilespmem:$0x830] =	vst v1;
	v1 =	vadd.s32 v14, v13  }
0x8a: {  	v54 =	vld [tilespmem:$0x180];
	[tilespmem:$0x840] =	vst v1;
	v1 =	vadd.s32 v16, v2;
	v2 =	vmul.u32 $0x2710, v19  }
0x8b: {  	v55 =	vld [tilespmem:$0x590];
	v21 =	vmul.u32 $0x2710, v21;
	[tilespmem:$0x850] =	vst v1;
	v1 =	vadd.s32 v18, v17  }
0x8c: {  	v56 =	vld [tilespmem:$0x190];
	[tilespmem:$0x860] =	vst v1;
	v1 =	vadd.s32 v20, v2;
	v2 =	vmul.u32 $0x2710, v23  }
0x8d: {  	v57 =	vld [tilespmem:$0x5A0];
	v25 =	vmul.u32 $0x2710, v25;
	[tilespmem:$0x870] =	vst v1;
	v1 =	vadd.s32 v22, v21  }
0x8e: {  	v58 =	vld [tilespmem:$0x1A0];
	[tilespmem:$0x880] =	vst v1;
	v1 =	vadd.s32 v24, v2;
	v2 =	vmul.u32 $0x2710, v27  }
0x8f: {  	v59 =	vld [tilespmem:$0x5B0];
	v29 =	vmul.u32 $0x2710, v29;
	[tilespmem:$0x890] =	vst v1;
	v1 =	vadd.s32 v26, v25  }
0x90: {  	v60 =	vld [tilespmem:$0x1B0];
	[tilespmem:$0x8A0] =	vst v1;
	v1 =	vadd.s32 v28, v2;
	v2 =	vmul.u32 $0x2710, v31  }
0x91: {  	v61 =	vld [tilespmem:$0x5C0];
	v33 =	vmul.u32 $0x2710, v33;
	[tilespmem:$0x8B0] =	vst v1;
	v1 =	vadd.s32 v30, v29  }
0x92: {  	v62 =	vld [tilespmem:$0x1C0];
	[tilespmem:$0x8C0] =	vst v1;
	v1 =	vadd.s32 v32, v2;
	v2 =	vmul.u32 $0x2710, v35  }
0x93: {  	v63 =	vld [tilespmem:$0x5D0];
	v37 =	vmul.u32 $0x2710, v37;
	[tilespmem:$0x8D0] =	vst v1;
	v1 =	vadd.s32 v34, v33  }
0x94: {  	v4 =	vld [tilespmem:$0x5E0];
	[tilespmem:$0x8E0] =	vst v1;
	v1 =	vadd.s32 v36, v2;
	v2 =	vmul.u32 $0x2710, v39  }
0x95: {  	v5 =	vld [tilespmem:$0x5F0];
	v41 =	vmul.u32 $0x2710, v41;
	[tilespmem:$0x8F0] =	vst v1;
	v1 =	vadd.s32 v38, v37  }
0x96: {  	v6 =	vld [tilespmem:$0x600];
	[tilespmem:$0x900] =	vst v1;
	v1 =	vadd.s32 v40, v2;
	v2 =	vmul.u32 $0x2710, v43  }
0x97: {  	v45 =	vmul.u32 $0x2710, v45;
	v3 =	vld [tilespmem:$0x220];
	[tilespmem:$0x910] =	vst v1;
	v1 =	vadd.s32 v42, v41  }
0x98: {  	v7 =	vld [tilespmem:$0x620];
	[tilespmem:$0x920] =	vst v1;
	v1 =	vadd.s32 v44, v2;
	v2 =	vmul.u32 $0x2710, v47  }
0x99: {  	v11 =	vld [tilespmem:$0x630];
	v47 =	vmul.u32 $0x2710, v49;
	[tilespmem:$0x930] =	vst v1;
	v1 =	vadd.s32 v46, v45  }
0x9a: {  	v8 =	vld [tilespmem:$0x230];
	[tilespmem:$0x940] =	vst v1;
	v1 =	vadd.s32 v48, v2;
	v2 =	vmul.u32 $0x2710, v51  }
0x9b: {  	v10 =	vld [tilespmem:$0x640];
	v49 =	vmul.u32 $0x2710, v53;
	[tilespmem:$0x950] =	vst v1;
	v1 =	vadd.s32 v50, v47  }
0x9c: {  	v12 =	vld [tilespmem:$0x240];
	[tilespmem:$0x960] =	vst v1;
	v1 =	vadd.s32 v52, v2;
	v2 =	vmul.u32 $0x2710, v55  }
0x9d: {  	v15 =	vld [tilespmem:$0x660];
	v52 =	vmul.u32 $0x2710, v57;
	[tilespmem:$0x970] =	vst v1;
	v1 =	vadd.s32 v54, v49  }
0x9e: {  	v13 =	vld [tilespmem:$0x650];
	[tilespmem:$0x980] =	vst v1;
	v1 =	vadd.s32 v56, v2;
	v2 =	vmul.u32 $0x2710, v59  }
0x9f: {  	v14 =	vld [tilespmem:$0x250];
	v55 =	vmul.u32 $0x2710, v61;
	[tilespmem:$0x990] =	vst v1;
	v1 =	vadd.s32 v58, v52  }
0xa0: {  	v16 =	vld [tilespmem:$0x260];
	[tilespmem:$0x9A0] =	vst v1;
	v1 =	vadd.s32 v60, v2  }
0xa1: {  	v19 =	vld [tilespmem:$0x680];
	[tilespmem:$0x9B0] =	vst v1;
	v1 =	vadd.s32 v62, v55  }
0xa2: {  	[tilespmem:$0x9C0] =	vst v1;
	v1 =	vld [tilespmem:$0x1FFA0]  }
0xa3: {  	v17 =	vld [tilespmem:$0x670]  }
0xa4: {  	v18 =	vld [tilespmem:$0x270]  }
0xa5: {  	v20 =	vld [tilespmem:$0x280];
	v2 =	vmul.u32 $0x2710, v63  }
0xa6: {  	v23 =	vld [tilespmem:$0x6A0]  }
0xa7: {  	v21 =	vld [tilespmem:$0x690];
	v1 =	vadd.s32 v1, v2  }
0xa8: {  	[tilespmem:$0x9D0] =	vst v1;
	v1 =	vld [tilespmem:$0x1FFB0]  }
0xa9: {  	v22 =	vld [tilespmem:$0x290]  }
0xaa: {  	v24 =	vld [tilespmem:$0x2A0]  }
0xab: {  	v4 =	vmul.u32 $0x2710, v4;
	v27 =	vld [tilespmem:$0x6C0]  }
0xac: {  	v25 =	vld [tilespmem:$0x6B0]  }
0xad: {  	v26 =	vld [tilespmem:$0x2B0];
	v1 =	vadd.s32 v1, v4  }
0xae: {  	[tilespmem:$0x9E0] =	vst v1;
	v1 =	vld [tilespmem:$0x1FFC0]  }
0xaf: {  	v28 =	vld [tilespmem:$0x2C0]  }
0xb0: {  	v39 =	vld [tilespmem:$0x330]  }
0xb1: {  	v37 =	vld [tilespmem:$0x320];
	v2 =	vmul.u32 $0x2710, v5  }
0xb2: {  	v38 =	vld [tilespmem:$0x730]  }
0xb3: {  	v40 =	vld [tilespmem:$0x740];
	v1 =	vadd.s32 v1, v2  }
0xb4: {  	[tilespmem:$0x9F0] =	vst v1;
	v1 =	vld [tilespmem:$0x1FFE0]  }
0xb5: {  	v43 =	vld [tilespmem:$0x350]  }
0xb6: {  	v41 =	vld [tilespmem:$0x340]  }
0xb7: {  	v42 =	vld [tilespmem:$0x750];
	v60 =	vmul.u32 $0x2710, v6  }
0xb8: {  	v2 =	vld [tilespmem:$0x1FFD0]  }
0xb9: {  	v53 =	vld [tilespmem:$0x2E0];
	v1 =	vadd.s32 v1, v60  }
0xba: {  	[tilespmem:$0xA00] =	vst v1;
	v1 =	vld [tilespmem:$0x1FFF0]  }
0xbb: {  	v44 =	vld [tilespmem:$0x760]  }
0xbc: {  	v45 =	vld [tilespmem:$0x360]  }
0xbd: {  	v46 =	vld [tilespmem:$0x770];
	v2 =	vmul.u32 $0x2710, v2  }
0xbe: {  	v48 =	vld [tilespmem:$0x6D0];
	v63 =	vmul.u32 $0x2710, v7  }
0xbf: {  	v51 =	vld [tilespmem:$0x6E0];
	v1 =	vadd.s32 v1, v2;
	v2 =	vmul.u32 $0x2710, v11  }
0xc0: {  	v50 =	vld [tilespmem:$0x2D0];
	[tilespmem:$0xA10] =	vst v1;
	v1 =	vadd.s32 v3, v63;
	v3 =	vmul.u32 $0x2710, v10  }
0xc1: {  	v47 =	vld [tilespmem:$0x370];
	[tilespmem:$0xA20] =	vst v1;
	v1 =	vadd.s32 v8, v2;
	v2 =	vmul.u32 $0x2710, v13  }
0xc2: {  	v57 =	vld [tilespmem:$0x700];
	[tilespmem:$0xA30] =	vst v1;
	v1 =	vadd.s32 v12, v3;
	v3 =	vmul.u32 $0x2710, v15  }
0xc3: {  	v61 =	vld [tilespmem:$0x310];
	[tilespmem:$0xA40] =	vst v1;
	v1 =	vadd.s32 v14, v2;
	v2 =	vmul.u32 $0x2710, v17  }
0xc4: {  	v54 =	vld [tilespmem:$0x6F0];
	[tilespmem:$0xA50] =	vst v1;
	v1 =	vadd.s32 v16, v3;
	v3 =	vmul.u32 $0x2710, v19  }
0xc5: {  	v49 =	vld [tilespmem:$0x380];
	[tilespmem:$0xA60] =	vst v1;
	v1 =	vadd.s32 v18, v2;
	v2 =	vmul.u32 $0x2710, v21  }
0xc6: {  	v56 =	vld [tilespmem:$0x2F0];
	[tilespmem:$0xA70] =	vst v1;
	v1 =	vadd.s32 v20, v3;
	v3 =	vmul.u32 $0x2710, v23  }
0xc7: {  	v59 =	vld [tilespmem:$0x710];
	[tilespmem:$0xA80] =	vst v1;
	v1 =	vadd.s32 v22, v2;
	v2 =	vmul.u32 $0x2710, v25  }
0xc8: {  	v58 =	vld [tilespmem:$0x300];
	[tilespmem:$0xA90] =	vst v1;
	v1 =	vadd.s32 v24, v3;
	v3 =	vmul.u32 $0x2710, v27  }
0xc9: {  	v62 =	vld [tilespmem:$0x720];
	[tilespmem:$0xAA0] =	vst v1;
	v1 =	vadd.s32 v26, v2;
	v2 =	vmul.u32 $0x2710, v48  }
0xca: {  	v52 =	vld [tilespmem:$0x7A0];
	[tilespmem:$0xAB0] =	vst v1;
	v1 =	vadd.s32 v28, v3;
	v3 =	vmul.u32 $0x2710, v51  }
0xcb: {  	v55 =	vld [tilespmem:$0x3B0];
	[tilespmem:$0xAC0] =	vst v1;
	v1 =	vadd.s32 v50, v2;
	v2 =	vmul.u32 $0x2710, v54  }
0xcc: {  	v60 =	vld [tilespmem:$0x7E0];
	[tilespmem:$0xAD0] =	vst v1;
	v1 =	vadd.s32 v53, v3;
	v3 =	vmul.u32 $0x2710, v57  }
0xcd: {  	v48 =	vld [tilespmem:$0x780];
	[tilespmem:$0xAE0] =	vst v1;
	v1 =	vadd.s32 v56, v2;
	v2 =	vmul.u32 $0x2710, v59  }
0xce: {  	v51 =	vld [tilespmem:$0x390];
	[tilespmem:$0xAF0] =	vst v1;
	v1 =	vadd.s32 v58, v3;
	v3 =	vmul.u32 $0x2710, v62  }
0xcf: {  	v50 =	vld [tilespmem:$0x790];
	[tilespmem:$0xB00] =	vst v1;
	v1 =	vadd.s32 v61, v2;
	v2 =	vmul.u32 $0x2710, v38  }
0xd0: {  	v54 =	vld [tilespmem:$0x7B0];
	[tilespmem:$0xB10] =	vst v1;
	v1 =	vadd.s32 v37, v3;
	v3 =	vmul.u32 $0x2710, v40  }
0xd1: {  	v53 =	vld [tilespmem:$0x3A0];
	[tilespmem:$0xB20] =	vst v1;
	v1 =	vadd.s32 v39, v2;
	v2 =	vmul.u32 $0x2710, v42  }
0xd2: {  	v57 =	vld [tilespmem:$0x3C0];
	[tilespmem:$0xB30] =	vst v1;
	v1 =	vadd.s32 v41, v3;
	v3 =	vmul.u32 $0x2710, v44  }
0xd3: {  	v56 =	vld [tilespmem:$0x7C0];
	[tilespmem:$0xB40] =	vst v1;
	v1 =	vadd.s32 v43, v2;
	v2 =	vmul.u32 $0x2710, v46  }
0xd4: {  	v58 =	vld [tilespmem:$0x7D0];
	[tilespmem:$0xB50] =	vst v1;
	v1 =	vadd.s32 v45, v3;
	v3 =	vmul.u32 $0x2710, v48  }
0xd5: {  	v59 =	vld [tilespmem:$0x3D0];
	[tilespmem:$0xB60] =	vst v1;
	v1 =	vadd.s32 v47, v2;
	v2 =	vmul.u32 $0x2710, v50  }
0xd6: {  	v61 =	vld [tilespmem:$0x7F0];
	[tilespmem:$0xB70] =	vst v1;
	v1 =	vadd.s32 v49, v3;
	v3 =	vmul.u32 $0x2710, v52  }
0xd7: {  	v62 =	vld [tilespmem:$0x3E0];
	[tilespmem:$0xB80] =	vst v1;
	v1 =	vadd.s32 v51, v2;
	v2 =	vmul.u32 $0x2710, v54  }
0xd8: {  	v63 =	vld [tilespmem:$0x3F0];
	[tilespmem:$0xB90] =	vst v1;
	v1 =	vadd.s32 v53, v3;
	v3 =	vmul.u32 $0x2710, v56  }
0xd9: {  	[tilespmem:$0xBA0] =	vst v1;
	v1 =	vadd.s32 v55, v2;
	v2 =	vmul.u32 $0x2710, v58  }
0xda: {  	[tilespmem:$0xBB0] =	vst v1;
	v1 =	vadd.s32 v57, v3;
	v3 =	vmul.u32 $0x2710, v60  }
0xdb: {  	[tilespmem:$0xBC0] =	vst v1;
	v1 =	vadd.s32 v59, v2;
	v2 =	vmul.u32 $0x2710, v61  }
0xdc: {  	[tilespmem:$0xBD0] =	vst v1;
	v1 =	vadd.s32 v62, v3  }
0xdd: {  	[tilespmem:$0xBE0] =	vst v1;
	v1 =	vadd.s32 v63, v2  }
0xde: {  	s11 =	rddreg [dreg:$0x5];
	[tilespmem:$0xBF0] =	vst v1  }
0xdf: {  	[tilespmem:s16], [sflag:$0x1] =	stream.indirect.gather [hbm4b:s4+s19], $0x80, s11, s19, $0xb8;
	[tilespmem:$0x1D000] =	vst v63  }
0xe0: {  	s12 =	rddreg [dreg:$0x6]  }
0xe1: {  	[tilespmem:s20], [sflag:$0x2] =	stream.indirect.gather [hbm4b:s4+s19], $0x80, s12, s19, $0xb8;
	[tilespmem:$0x1D000] =	vst v63  }
0xe2: {  	_ =	swait.ge [sflag:s21], $0x4000  }
0xe3: {  	[sflag:s21] =	ssyncset.done $0x0  }
0xe4: {  	[sflag:s21] =	ssyncadd.s32 $0xFFFFC000  }
0xe5: {  	[spmem:s1] =	stream.indirect.scatter.add.f32 [tilespmem:s16], [sflag:$0x3], $0x80, s18, s19, $0xb8;
	[tilespmem:$0x1D000] =	vst v63  }
0xe6: {  	_ =	swait.ge [sflag:s22], $0x4000  }
0xe7: {  	[sflag:s22] =	ssyncset.done $0x0  }
0xe8: {  	s12 =	rddreg [dreg:$0x7];
	[sflag:s22] =	ssyncadd.s32 $0xFFFFC000  }
0xe9: {  	[tilespmem:s16], [sflag:$0x1] =	stream.indirect.gather [hbm4b:s4+s19], $0x80, s12, s19, $0xb8;
	[tilespmem:$0x1D000] =	vst v63  }
0xea: {  	_ =	swait.ge [sflag:s23], $0x4000  }
0xeb: {  	[sflag:s23] =	ssyncset.done $0x0  }
0xec: {  	s12 =	rddreg [dreg:$0x8];
	[sflag:s23] =	ssyncadd.s32 $0xFFFFC000  }
0xed: {  	[spmem:s1] =	stream.indirect.scatter.add.f32 [tilespmem:s20], [sflag:$0x4], $0x80, s12, s19, $0xb8;
	[tilespmem:$0x1D000] =	vst v63  }
0xee: {  	_ =	swait.ge [sflag:s24], $0x4000  }
0xef: {  	[sflag:s24] =	ssyncset.done $0x0  }
0xf0: {  	[sflag:s24] =	ssyncadd.s32 $0xFFFFC000  }
0xf1: {  	[tilespmem:s20], [sflag:$0x2] =	stream.indirect.gather [hbm4b:s4+s19], $0x80, s25, s19, $0xb8;
	[tilespmem:$0x1D000] =	vst v63  }
0xf2: {  	_ =	swait.ge [sflag:s21], $0x4000  }
0xf3: {  	[sflag:s21] =	ssyncset.done $0x0  }
0xf4: {  	[sflag:s21] =	ssyncadd.s32 $0xFFFFC000  }
0xf5: {  	[spmem:s1] =	stream.indirect.scatter.add.f32 [tilespmem:s16], [sflag:$0x3], $0x80, s26, s19, $0xb8;
	[tilespmem:$0x1D000] =	vst v63  }
0xf6: {  	_ =	swait.ge [sflag:s22], $0x4000  }
0xf7: {  	[sflag:s22] =	ssyncset.done $0x0  }
0xf8: {  	[sflag:s22] =	ssyncadd.s32 $0xFFFFC000  }
0xf9: {  	[tilespmem:s16], [sflag:$0x1] =	stream.indirect.gather [hbm4b:s4+s19], $0x80, s28, s19, $0xb8;
	[tilespmem:$0x1D000] =	vst v63  }
0xfa: {  	_ =	swait.ge [sflag:s23], $0x4000  }
0xfb: {  	[sflag:s23] =	ssyncset.done $0x0  }
0xfc: {  	[sflag:s23] =	ssyncadd.s32 $0xFFFFC000  }
0xfd: {  	[spmem:s1] =	stream.indirect.scatter.add.f32 [tilespmem:s20], [sflag:$0x4], $0x80, s29, s19, $0xb8;
	[tilespmem:$0x1D000] =	vst v63  }
0xfe: {  	_ =	swait.ge [sflag:s24], $0x4000  }
0xff: {  	[sflag:s24] =	ssyncset.done $0x0  }
0x100: {  	[sflag:s24] =	ssyncadd.s32 $0xFFFFC000  }
0x101: {  	[tilespmem:s20], [sflag:$0x2] =	stream.indirect.gather [hbm4b:s4+s19], $0x80, s30, s19, $0xb8;
	[tilespmem:$0x1D000] =	vst v63  }
0x102: {  	_ =	swait.ge [sflag:s21], $0x4000  }
0x103: {  	[sflag:s21] =	ssyncset.done $0x0  }
0x104: {  	[sflag:s21] =	ssyncadd.s32 $0xFFFFC000  }
0x105: {  	[spmem:s1] =	stream.indirect.scatter.add.f32 [tilespmem:s16], [sflag:$0x3], $0x80, s31, s19, $0xb8;
	[tilespmem:$0x1D000] =	vst v63  }
0x106: {  	_ =	swait.ge [sflag:s22], $0x4000  }
0x107: {  	[sflag:s22] =	ssyncset.done $0x0  }
0x108: {  	[sflag:s22] =	ssyncadd.s32 $0xFFFFC000  }
0x109: {  	[tilespmem:s16], [sflag:$0x1] =	stream.indirect.gather [hbm4b:s4+s19], $0x80, s0, s19, $0xb8;
	[tilespmem:$0x1D000] =	vst v63  }
0x10a: {  	_ =	swait.ge [sflag:s23], $0x4000  }
0x10b: {  	[sflag:s23] =	ssyncset.done $0x0  }
0x10c: {  	[sflag:s23] =	ssyncadd.s32 $0xFFFFC000  }
0x10d: {  	[spmem:s1] =	stream.indirect.scatter.add.f32 [tilespmem:s20], [sflag:$0x4], $0x80, s2, s19, $0xb8;
	[tilespmem:$0x1D000] =	vst v63  }
0x10e: {  	_ =	swait.ge [sflag:s24], $0x4000  }
0x10f: {  	[sflag:s24] =	ssyncset.done $0x0  }
0x110: {  	[sflag:s24] =	ssyncadd.s32 $0xFFFFC000  }
0x111: {  	[tilespmem:s20], [sflag:$0x2] =	stream.indirect.gather [hbm4b:s4+s19], $0x80, s7, s19, $0xb8;
	[tilespmem:$0x1D000] =	vst v63  }
0x112: {  	_ =	swait.ge [sflag:s21], $0x4000  }
0x113: {  	[sflag:s21] =	ssyncset.done $0x0  }
0x114: {  	[sflag:s21] =	ssyncadd.s32 $0xFFFFC000  }
0x115: {  	[spmem:s1] =	stream.indirect.scatter.add.f32 [tilespmem:s16], [sflag:$0x3], $0x80, s8, s19, $0xb8;
	[tilespmem:$0x1D000] =	vst v63  }
0x116: {  	_ =	swait.ge [sflag:s23], $0x4000  }
0x117: {  	[sflag:s23] =	ssyncset.done $0x0  }
0x118: {  	[sflag:s23] =	ssyncadd.s32 $0xFFFFC000  }
0x119: {  	[spmem:s1] =	stream.indirect.scatter.add.f32 [tilespmem:s20], [sflag:$0x4], $0x80, s9, s19, $0xb8;
	[tilespmem:$0x1D000] =	vst v63  }
0x11a: {  	p0 =	sne.s32 s5, $0x1;
	_ =	swait.ge [sflag:s22], $0x4000  }
.Ltmp1:
0x11b: {  	[sflag:s22] =	ssyncset.done $0x0;
	(pc) =	sbr.rel @p0 .LBB2_4-.Ltmp1, $4  }
0x11c: {  	[sflag:s22] =	ssyncadd.s32 $0xFFFFC000  }
0x11d: {  	_ =	swait.ge [sflag:s24], $0x4000  }
0x11e: {  	s15 =	sadd.s32 $0x80, s15;
	s5 =	sadd.s32 $0xFFFFFFFF, s5;
	[sflag:s24] =	ssyncset.done $0x0  }
0x11f: {  	s14 =	sadd.s32 $0x80, s14;
	s13 =	sadd.s32 $0x80, s13;
	[sflag:s24] =	ssyncadd.s32 $0xFFFFC000  }
0x120: {  	s5 =	stileid.u32  }
0x121: {  	[bflag:$0x0] =	sbarrier.arrive $0xFFFF;
	s5 =	sshll.u32 s5, $0x6  }
0x122: {  	s11 =	sshrl.u32 s6, $0x3;
	s12 =	rddreg [dreg:$0xe];
	s5 =	sor.u32 $0x1C05, s5  }
0x123: {  	[hbm:s12], [sflag:s5] =	dma.local [spmem:s11], $0x2800  }
0x124: {  	_ =	swait.ge [sflag:s17], $0x2800  }
0x125: {  	s10 =	sadd.s32 $0x1, s10;
	s15 =	rddreg [dreg:$0xf]  }
0x126: {  	p0 =	sne.s32 s10, s15  }
.Ltmp2:
0x127: {  	_ = 	snop;
	(pc) =	sbr.rel @p0 .LBB2_1-.Ltmp2, $3  }
0x128: {  	_ =	sdelay $0x1  }
0x129: {  	[sflag:s17] =	ssyncset.done $0x0  }
0x12a: {  	[sflag:s17] =	ssyncadd.s32 $0xFFFFD800  }
0x12b: {  	_ =	sfence.sel $0x180000  }
0x12c: {  	[bflag:$0x0] =	sbarrier.arrive $0xFFFF  }
0x12d: {  	_ =	strace $0x90000047  }
0x12e: {  	s0 =	stileid.u32;
	[bflag:$0x2] =	sbarrier.arrive $0xFFFF  }
0x12f: {  	p0 =	sne.s32 s0, $0x0;
	s0 =	rddreg [dreg:$0x3]  }
0x130: {  	s0 =	sadd.s32 @!p0 $0x100000, s0  }
0x131: {  	[sflag:s0] =	ssyncadd.tile.s32 @!p0 $0x1;
	_ =	shalt  }
.Lfunc_end2:
_tile_overlayer_lowered:
.L_overlay_start_2:
0x132: {  	(tag) =	ssettag $0x2  }
0x133: {  	s0 =	rddreg [dreg:$0x0];
	s2 =	stileid.u32  }
0x134: {  	s1 =	rddreg [dreg:$0x1];
	p0 =	sne.s32 s2, $0x0  }
0x135: {  	s3 =	rddreg [dreg:$0x2];
	[bflag:$0x3] =	sbarrier.arrive $0xFFFF;
	s2 =	simm.s32 @!p0 $0x1C05  }
0x136: {  	[timem:s3], [sflag:s2] =	dma.local @!p0 [hbm:s0], s1  }
0x137: {  	s0 =	simm.s32 @!p0 $0x5  }
0x138: {  	_ =	swait.ge @!p0 [sflag:s0], s1  }
0x139: {  	s1 =	ssub.s32 @!p0 $0x0, s1;
	[sflag:s0] =	ssyncset.done @!p0 $0x0  }
0x13a: {  	[sflag:s0] =	ssyncadd.s32 @!p0 s1  }
0x13b: {  	[bflag:$0x3] =	sbarrier.arrive $0xFFFF  }
0x13c: {  	_ =	shalt  }

</sc_bundles>
